<compile_context>
chip_gen: v7x
topology: tpu7x:2x2x1
jax: 0.10.2.dev20260603
libtpu: 0.0.44.dev20260713+nightly
codegen_flags: <defaults>
</compile_context>

<pallas_src>
import functools

import numpy as np
import jax
import jax.numpy as jnp
from jax import lax
from jax.experimental import pallas as pl
from jax.experimental.pallas import tpu as pltpu
from jax.experimental.pallas import tpu_sc as plsc

N = 10000
S = 16
N_PAD = 10240
B_PAD = N_PAD * S
NW = 32
ROWS_PER_W = B_PAD // NW
CHUNK = 128
NCHUNK = ROWS_PER_W // CHUNK
NBUF = 5
GAHEAD = 3

def _elu(x):
    return jnp.where(x > 0, x, jnp.exp(jnp.minimum(x, 0.0)) - 1.0)


def _pack(acc):
    n = acc.shape[-1]
    bits = pltpu.bitcast(acc.astype(jnp.bfloat16).astype(jnp.float32),
                         jnp.uint32)
    return (bits[:, : n // 2] >> 16) | ((bits[:, n // 2:] >> 16) << 16)


def _unpack(xu):
    lo = pltpu.bitcast(xu << 16, jnp.float32).astype(jnp.bfloat16)
    hi = pltpu.bitcast(xu & np.uint32(0xFFFF0000), jnp.float32).astype(jnp.bfloat16)
    return lo, hi


def _sc_gather(table, idx, piece, n_pieces, cols):
    mesh = plsc.VectorSubcoreMesh(core_axis_name="c", subcore_axis_name="s")
    dt = table.dtype
    nh = N_PAD // n_pieces
    rows_w = nh // 2
    nch = rows_w // CHUNK

    @functools.partial(
        pl.kernel,
        mesh=mesh,
        out_type=jax.ShapeDtypeStruct((S * nh, cols), dt),
        scratch_types=(
            [pltpu.VMEM((rows_w,), jnp.int32)]
            + [pltpu.VMEM((CHUNK, cols), dt)] * NBUF
            + [pltpu.SemaphoreType.DMA] * (2 * NBUF)
        ),
    )
    def gather_kernel(table_hbm, idx_hbm, out_hbm, idx_v, *rest):
        bufs = rest[:NBUF]
        gsem = rest[NBUF:2 * NBUF]
        ssem = rest[2 * NBUF:]
        s_w = lax.axis_index("s")
        q = lax.axis_index("c")
        idx_base = s_w * N_PAD + piece * nh + q * rows_w
        out_base = s_w * nh + q * rows_w
        pltpu.sync_copy(idx_hbm.at[pl.ds(idx_base, rows_w)], idx_v)

        def fire_gather(i, b):
            pltpu.make_async_copy(
                table_hbm.at[idx_v.at[pl.ds(i * CHUNK, CHUNK)]],
                bufs[b], gsem[b]).start()

        def wait_gather(b):
            pltpu.make_async_copy(
                table_hbm.at[idx_v.at[pl.ds(0, CHUNK)]],
                bufs[b], gsem[b]).wait()

        def fire_store(i, b):
            pltpu.make_async_copy(
                bufs[b], out_hbm.at[pl.ds(out_base + i * CHUNK, CHUNK)],
                ssem[b]).start()

        def wait_store(b):
            pltpu.make_async_copy(
                bufs[b], out_hbm.at[pl.ds(out_base, CHUNK)], ssem[b]).wait()

        for b in range(NBUF):
            fire_gather(b, b)
        for b in range(NBUF - GAHEAD):
            wait_gather(b)
            fire_store(b, b)

        def outer(k, carry):
            for b in range(NBUF):
                i = k * NBUF + b
                wait_store(b)
                fire_gather(i, b)
                bp = (b - GAHEAD) % NBUF
                wait_gather(bp)
                fire_store(i - GAHEAD, bp)
            return carry

        lax.fori_loop(1, nch // NBUF, outer, 0)

        for j in range(nch - GAHEAD, nch):
            wait_gather(j % NBUF)
            fire_store(j, j % NBUF)
        for b in range(NBUF):
            wait_store(b)

    return gather_kernel(table, idx)


def _fc0(x, w, b, bm):
    m, k = x.shape
    n = w.shape[1]

    def body(x_ref, w_ref, b_ref, o_ref):
        acc = jnp.dot(x_ref[...], w_ref[...], preferred_element_type=jnp.float32)
        o_ref[...] = _elu(acc + b_ref[...])

    return pl.pallas_call(
        body,
        grid=(m // bm,),
        in_specs=[
            pl.BlockSpec((bm, k), lambda i: (i, 0)),
            pl.BlockSpec((k, n), lambda i: (0, 0)),
            pl.BlockSpec((1, n), lambda i: (0, 0)),
        ],
        out_specs=pl.BlockSpec((bm, n), lambda i: (i, 0)),
        out_shape=jax.ShapeDtypeStruct((m, n), jnp.float32),
    )(x, w, b.reshape(1, n))


def _conv_f32in(g3, w3, b, bm):
    _, m, k = g3.shape
    n = w3.shape[2]

    def body(g_ref, w_ref, b_ref, o_ref):
        acc = b_ref[...].astype(jnp.float32) * jnp.ones((bm, 1), jnp.float32)
        for s in range(S):
            acc += jnp.dot(g_ref[s].astype(jnp.bfloat16), w_ref[s],
                           preferred_element_type=jnp.float32)
        o_ref[...] = _pack(_elu(acc))

    return pl.pallas_call(
        body,
        grid=(m // bm,),
        in_specs=[
            pl.BlockSpec((S, bm, k), lambda i: (0, i, 0)),
            pl.BlockSpec((S, k, n), lambda i: (0, 0, 0)),
            pl.BlockSpec((1, n), lambda i: (0, 0)),
        ],
        out_specs=pl.BlockSpec((bm, n // 2), lambda i: (i, 0)),
        out_shape=jax.ShapeDtypeStruct((m, n // 2), jnp.uint32),
    )(g3, w3, b.reshape(1, n))


def _conv(g3, wlo3, whi3, b, bm):
    _, m, k = g3.shape
    n = wlo3.shape[2]

    def body(g_ref, wlo_ref, whi_ref, b_ref, o_ref):
        acc = b_ref[...].astype(jnp.float32) * jnp.ones((bm, 1), jnp.float32)
        for s in range(S):
            lo, hi = _unpack(g_ref[s])
            acc += jnp.dot(lo, wlo_ref[s], preferred_element_type=jnp.float32)
            acc += jnp.dot(hi, whi_ref[s], preferred_element_type=jnp.float32)
        o_ref[...] = _pack(_elu(acc))

    return pl.pallas_call(
        body,
        grid=(m // bm,),
        in_specs=[
            pl.BlockSpec((S, bm, k), lambda i: (0, i, 0)),
            pl.BlockSpec((S, k, n), lambda i: (0, 0, 0)),
            pl.BlockSpec((S, k, n), lambda i: (0, 0, 0)),
            pl.BlockSpec((1, n), lambda i: (0, 0)),
        ],
        out_specs=pl.BlockSpec((bm, n // 2), lambda i: (i, 0)),
        out_shape=jax.ShapeDtypeStruct((m, n // 2), jnp.uint32),
    )(g3, wlo3, whi3, b.reshape(1, n))


def _head(hp, mass2d, w1lo, w1hi, fc1_b, fc2_W, fc2_b, bm):
    m, k = hp.shape
    n = w1lo.shape[1]
    nc = fc2_W.shape[1]
    grid = m // bm

    def body(h_ref, mass_ref, w1lo_ref, w1hi_ref, b1_ref, w2_ref, b2_ref,
             o_ref, mz_ref, ms_ref):
        i = pl.program_id(0)

        @pl.when(i == 0)
        def _():
            mz_ref[...] = jnp.zeros_like(mz_ref)
            ms_ref[...] = jnp.zeros_like(ms_ref)

        lo, hi = _unpack(h_ref[...])
        z = jnp.dot(lo, w1lo_ref[...], preferred_element_type=jnp.float32)
        z += jnp.dot(hi, w1hi_ref[...], preferred_element_type=jnp.float32)
        z = _elu(z + b1_ref[...])
        mz_ref[...] += jnp.dot(mass_ref[...], z, preferred_element_type=jnp.float32)
        ms_ref[...] = ms_ref[...] + jnp.sum(mass_ref[...])

        @pl.when(i == grid - 1)
        def _():
            pooled = jnp.dot(mz_ref[...], w2_ref[...],
                             preferred_element_type=jnp.float32) / ms_ref[...]
            pooled = pooled + b2_ref[...]
            mx = jnp.max(pooled, axis=-1, keepdims=True)
            sh = pooled - mx
            o_ref[...] = sh - jnp.log(jnp.sum(jnp.exp(sh), axis=-1, keepdims=True))

    return pl.pallas_call(
        body,
        grid=(grid,),
        in_specs=[
            pl.BlockSpec((bm, k), lambda i: (i, 0)),
            pl.BlockSpec((1, bm), lambda i: (0, i)),
            pl.BlockSpec((k, n), lambda i: (0, 0)),
            pl.BlockSpec((k, n), lambda i: (0, 0)),
            pl.BlockSpec((1, n), lambda i: (0, 0)),
            pl.BlockSpec((n, nc), lambda i: (0, 0)),
            pl.BlockSpec((1, nc), lambda i: (0, 0)),
        ],
        out_specs=pl.BlockSpec((1, nc), lambda i: (0, 0)),
        out_shape=jax.ShapeDtypeStruct((1, nc), jnp.float32),
        scratch_shapes=[
            pltpu.VMEM((1, n), jnp.float32),
            pltpu.VMEM((1, 1), jnp.float32),
        ],
    )(hp, mass2d, w1lo, w1hi, fc1_b.reshape(1, n), fc2_W, fc2_b.reshape(1, nc))


def _conv_w_halves(W):
    c = W.shape[1]
    bf = jnp.bfloat16
    return W[:, : c // 2, :].astype(bf), W[:, c // 2:, :].astype(bf)


def kernel(x, indices, mass, fc0_W, fc0_b, conv1_W, conv1_b, conv2_W, conv2_b,
           conv3_W, conv3_b, fc1_W, fc1_b, fc2_W, fc2_b):
    bf = jnp.bfloat16
    idx_sm = jnp.pad(indices, ((0, N_PAD - N), (0, 0))).T.reshape(-1)
    P = 2
    nh = N_PAD // P

    h1 = _fc0(x, fc0_W, fc0_b, 1000)

    cin = conv1_W.shape[1]
    w13 = conv1_W.astype(bf)
    gs = [_sc_gather(h1, idx_sm, p, P, cin) for p in range(P)]
    hs = [_conv_f32in(g.reshape(S, nh, cin), w13, conv1_b, 1024) for g in gs]
    hp = jnp.concatenate(hs)

    for W, b in ((conv2_W, conv2_b), (conv3_W, conv3_b)):
        cin = W.shape[1]
        wlo, whi = _conv_w_halves(W)
        gs = [_sc_gather(hp, idx_sm, p, P, cin // 2) for p in range(P)]
        hs = [_conv(g.reshape(S, nh, cin // 2), wlo, whi, b, 1024)
              for g in gs]
        hp = jnp.concatenate(hs)

    mass2d = jnp.pad(mass, (0, N_PAD - N)).reshape(1, N_PAD)
    k1 = fc1_W.shape[0]
    w1lo = fc1_W[: k1 // 2, :].astype(bf)
    w1hi = fc1_W[k1 // 2:, :].astype(bf)
    out = _head(hp, mass2d, w1lo, w1hi, fc1_b, fc2_W, fc2_b, 1024)
    return out.reshape(-1)

# --- scband reference (transcript-rebuilt; emitter-appended) ---
"""Pipeline reference for scband-net-66417374265554 (READ-ONLY COPY).

The authoritative reference and input builder live on the scoring server;
editing this copy changes nothing except your own understanding.
"""

import jax, jax.numpy as jnp
import numpy as np

N = 10000
S = 16
IN_CH = 128
NUM_CLASSES = 40

def _xavier(key, shape):
    fan_in, fan_out = shape[-2], shape[-1]
    lim = float(np.sqrt(6.0 / (fan_in + fan_out)))
    return jax.random.uniform(key, shape, jnp.float32, -lim, lim)

def setup_inputs(seed: int = 0):
    key = jax.random.key(seed)
    ks = jax.random.split(key, 12)
    return {
        "x": jax.random.normal(ks[0], (N, IN_CH), dtype=jnp.float32),
        "indices": jax.random.randint(ks[1], (N, S), 0, N, dtype=jnp.int32),
        "mass": jax.random.uniform(ks[2], (N,), dtype=jnp.float32),
        "fc0_W": _xavier(ks[3], (IN_CH, 128)),
        "fc0_b": jnp.zeros((128,), jnp.float32),
        "conv1_W": _xavier(ks[4], (S, 128, 256)),
        "conv1_b": jnp.zeros((256,), jnp.float32),
        "conv2_W": _xavier(ks[5], (S, 256, 256)),
        "conv2_b": jnp.zeros((256,), jnp.float32),
        "conv3_W": _xavier(ks[6], (S, 256, 256)),
        "conv3_b": jnp.zeros((256,), jnp.float32),
        "fc1_W": _xavier(ks[7], (256, 256)),
        "fc1_b": jnp.zeros((256,), jnp.float32),
        "fc2_W": _xavier(ks[8], (256, NUM_CLASSES)),
        "fc2_b": jnp.zeros((NUM_CLASSES,), jnp.float32),
    }

def _fan_conv(h, idx, W, b):
    # gather the fan of S neighbors per node, then apply a per-fan-position linear map
    g = jnp.take(h, idx, axis=0)            # [N, S, C_in]
    return jnp.einsum('nsc,sco->no', g, W) + b  # [N, C_out]

def reference(x, indices, mass, fc0_W, fc0_b, conv1_W, conv1_b, conv2_W, conv2_b, conv3_W, conv3_b, fc1_W, fc1_b, fc2_W, fc2_b):
    h = jax.nn.elu(x @ fc0_W + fc0_b)
    h = jax.nn.elu(_fan_conv(h, indices, conv1_W, conv1_b))
    h = jax.nn.elu(_fan_conv(h, indices, conv2_W, conv2_b))
    h = jax.nn.elu(_fan_conv(h, indices, conv3_W, conv3_b))
    h = jax.nn.elu(h @ fc1_W + fc1_b)
    # dropout is identity at inference (module assumed in eval mode)
    h = h @ fc2_W + fc2_b                    # [N, NUM_CLASSES]
    pooled = jnp.sum(h * mass[:, None], axis=0) / jnp.sum(mass)  # [NUM_CLASSES]
    return jax.nn.log_softmax(pooled, axis=-1)

if __name__ == "__main__":
    import jax
    _d = setup_inputs()
    print(jax.jit(kernel)(*tuple(_d.values())))

</pallas_src>

<mosaic_0001>
#map = affine_map<(d0, d1) -> (0, 0)>
#map1 = affine_map<(d0, d1) -> (0)>
module attributes {stable_mosaic.version = 14 : i64} {
  func.func @gather_kernel(%arg0: i32, %arg1: i32, %arg2: memref<10240x128xi32, #tpu.memory_space<hbm>>, %arg3: memref<163840xi32, #tpu.memory_space<hbm>>, %arg4: memref<81920x128xi32, #tpu.memory_space<hbm>>, %arg5: memref<2560xi32, #tpu.memory_space<vmem>>, %arg6: memref<128x128xi32, #tpu.memory_space<vmem>>, %arg7: memref<128x128xi32, #tpu.memory_space<vmem>>, %arg8: memref<128x128xi32, #tpu.memory_space<vmem>>, %arg9: memref<128x128xi32, #tpu.memory_space<vmem>>, %arg10: memref<128x128xi32, #tpu.memory_space<vmem>>, %arg11: memref<!tpu.dma_semaphore, #tpu.memory_space<semaphore_mem>>, %arg12: memref<!tpu.dma_semaphore, #tpu.memory_space<semaphore_mem>>, %arg13: memref<!tpu.dma_semaphore, #tpu.memory_space<semaphore_mem>>, %arg14: memref<!tpu.dma_semaphore, #tpu.memory_space<semaphore_mem>>, %arg15: memref<!tpu.dma_semaphore, #tpu.memory_space<semaphore_mem>>, %arg16: memref<!tpu.dma_semaphore, #tpu.memory_space<semaphore_mem>>, %arg17: memref<!tpu.dma_semaphore, #tpu.memory_space<semaphore_mem>>, %arg18: memref<!tpu.dma_semaphore, #tpu.memory_space<semaphore_mem>>, %arg19: memref<!tpu.dma_semaphore, #tpu.memory_space<semaphore_mem>>, %arg20: memref<!tpu.dma_semaphore, #tpu.memory_space<semaphore_mem>>) attributes {dimension_semantics = [#tpu.dimension_semantics<core_parallel>, #tpu.dimension_semantics<subcore_parallel>], iteration_bounds = array<i64: 2, 16>, scalar_prefetch = 0 : i64, scratch_operands = 16 : i64, tpu.core_type = #tpu.core_type<sc_vector_subcore>, window_params = [{transform_indices = #map}, {transform_indices = #map1}, {transform_indices = #map}]} {
    %mul3A = arith.constant 10240 : i32
    %mul3A_0 = arith.muli %arg1, %mul3A : i32
    %add3A = arith.constant 5120 : i32
    %add3A_1 = arith.addi %mul3A_0, %add3A : i32
    %mul3A_2 = arith.constant 2560 : i32
    %mul3A_3 = arith.muli %arg0, %mul3A_2 : i32
    %add3A_4 = arith.addi %add3A_1, %mul3A_3 : i32
    %mul3A_5 = arith.constant 5120 : i32
    %mul3A_6 = arith.muli %arg1, %mul3A_5 : i32
    %mul3A_7 = arith.constant 2560 : i32
    %mul3A_8 = arith.muli %arg0, %mul3A_7 : i32
    %add3A_9 = arith.addi %mul3A_6, %mul3A_8 : i32
    "tpu.region"() ({
      %run_scoped3A = tpu.sem_alloc : memref<!tpu.dma_semaphore, #tpu.memory_space<semaphore_mem>>
      %dma_start3A_113 = tpu.memref_slice %arg3[%add3A_4] : memref<163840xi32, #tpu.memory_space<hbm>> -> memref<2560xi32, #tpu.memory_space<hbm>>
      %dma_start3A_114 = tpu.memref_slice %arg3[%add3A_4] : memref<163840xi32, #tpu.memory_space<hbm>> -> memref<2560xi32, #tpu.memory_space<hbm>>
      tpu.enqueue_dma source(%dma_start3A_114 : memref<2560xi32, #tpu.memory_space<hbm>>) target(%arg5 : memref<2560xi32, #tpu.memory_space<vmem>>) target_semaphore(%run_scoped3A : memref<!tpu.dma_semaphore, #tpu.memory_space<semaphore_mem>>)
      %dma_wait3A_115 = tpu.memref_slice %arg3[%add3A_4] : memref<163840xi32, #tpu.memory_space<hbm>> -> memref<2560xi32, #tpu.memory_space<hbm>>
      %dma_wait3A_116 = tpu.memref_slice %arg3[%add3A_4] : memref<163840xi32, #tpu.memory_space<hbm>> -> memref<2560xi32, #tpu.memory_space<hbm>>
      tpu.wait_dma2 semaphore(%run_scoped3A : memref<!tpu.dma_semaphore, #tpu.memory_space<semaphore_mem>>) src(%dma_wait3A_116 : memref<2560xi32, #tpu.memory_space<hbm>>) dst(%arg5 : memref<2560xi32, #tpu.memory_space<vmem>>)
      tpu.yield
    }) : () -> ()
    %dma_start3A = arith.constant 0 : i32
    %dma_start3A_10 = tpu.memref_slice %arg5[%dma_start3A] : memref<2560xi32, #tpu.memory_space<vmem>> -> memref<128xi32, #tpu.memory_space<vmem>>
    %dma_start3A_11 = arith.constant 0 : i32
    %dma_start3A_12 = arith.constant 0 : i32
    %dma_start3A_13 = tpu.memref_slice %arg2[%dma_start3A_11, %dma_start3A_12] : memref<10240x128xi32, #tpu.memory_space<hbm>> -> memref<10240x128xi32, #tpu.memory_space<hbm>>
    tpu.enqueue_indirect_dma source(%dma_start3A_13 : memref<10240x128xi32, #tpu.memory_space<hbm>>) target(%arg6 : memref<128x128xi32, #tpu.memory_space<vmem>>) offsets(%dma_start3A_10 : memref<128xi32, #tpu.memory_space<vmem>>) semaphore(%arg11 : memref<!tpu.dma_semaphore, #tpu.memory_space<semaphore_mem>>)
    %dma_start3A_14 = arith.constant 128 : i32
    %dma_start3A_15 = tpu.memref_slice %arg5[%dma_start3A_14] : memref<2560xi32, #tpu.memory_space<vmem>> -> memref<128xi32, #tpu.memory_space<vmem>>
    %dma_start3A_16 = arith.constant 0 : i32
    %dma_start3A_17 = arith.constant 0 : i32
    %dma_start3A_18 = tpu.memref_slice %arg2[%dma_start3A_16, %dma_start3A_17] : memref<10240x128xi32, #tpu.memory_space<hbm>> -> memref<10240x128xi32, #tpu.memory_space<hbm>>
    tpu.enqueue_indirect_dma source(%dma_start3A_18 : memref<10240x128xi32, #tpu.memory_space<hbm>>) target(%arg7 : memref<128x128xi32, #tpu.memory_space<vmem>>) offsets(%dma_start3A_15 : memref<128xi32, #tpu.memory_space<vmem>>) semaphore(%arg12 : memref<!tpu.dma_semaphore, #tpu.memory_space<semaphore_mem>>)
    %dma_start3A_19 = arith.constant 256 : i32
    %dma_start3A_20 = tpu.memref_slice %arg5[%dma_start3A_19] : memref<2560xi32, #tpu.memory_space<vmem>> -> memref<128xi32, #tpu.memory_space<vmem>>
    %dma_start3A_21 = arith.constant 0 : i32
    %dma_start3A_22 = arith.constant 0 : i32
    %dma_start3A_23 = tpu.memref_slice %arg2[%dma_start3A_21, %dma_start3A_22] : memref<10240x128xi32, #tpu.memory_space<hbm>> -> memref<10240x128xi32, #tpu.memory_space<hbm>>
    tpu.enqueue_indirect_dma source(%dma_start3A_23 : memref<10240x128xi32, #tpu.memory_space<hbm>>) target(%arg8 : memref<128x128xi32, #tpu.memory_space<vmem>>) offsets(%dma_start3A_20 : memref<128xi32, #tpu.memory_space<vmem>>) semaphore(%arg13 : memref<!tpu.dma_semaphore, #tpu.memory_space<semaphore_mem>>)
    %dma_start3A_24 = arith.constant 384 : i32
    %dma_start3A_25 = tpu.memref_slice %arg5[%dma_start3A_24] : memref<2560xi32, #tpu.memory_space<vmem>> -> memref<128xi32, #tpu.memory_space<vmem>>
    %dma_start3A_26 = arith.constant 0 : i32
    %dma_start3A_27 = arith.constant 0 : i32
    %dma_start3A_28 = tpu.memref_slice %arg2[%dma_start3A_26, %dma_start3A_27] : memref<10240x128xi32, #tpu.memory_space<hbm>> -> memref<10240x128xi32, #tpu.memory_space<hbm>>
    tpu.enqueue_indirect_dma source(%dma_start3A_28 : memref<10240x128xi32, #tpu.memory_space<hbm>>) target(%arg9 : memref<128x128xi32, #tpu.memory_space<vmem>>) offsets(%dma_start3A_25 : memref<128xi32, #tpu.memory_space<vmem>>) semaphore(%arg14 : memref<!tpu.dma_semaphore, #tpu.memory_space<semaphore_mem>>)
    %dma_start3A_29 = arith.constant 512 : i32
    %dma_start3A_30 = tpu.memref_slice %arg5[%dma_start3A_29] : memref<2560xi32, #tpu.memory_space<vmem>> -> memref<128xi32, #tpu.memory_space<vmem>>
    %dma_start3A_31 = arith.constant 0 : i32
    %dma_start3A_32 = arith.constant 0 : i32
    %dma_start3A_33 = tpu.memref_slice %arg2[%dma_start3A_31, %dma_start3A_32] : memref<10240x128xi32, #tpu.memory_space<hbm>> -> memref<10240x128xi32, #tpu.memory_space<hbm>>
    tpu.enqueue_indirect_dma source(%dma_start3A_33 : memref<10240x128xi32, #tpu.memory_space<hbm>>) target(%arg10 : memref<128x128xi32, #tpu.memory_space<vmem>>) offsets(%dma_start3A_30 : memref<128xi32, #tpu.memory_space<vmem>>) semaphore(%arg15 : memref<!tpu.dma_semaphore, #tpu.memory_space<semaphore_mem>>)
    %dma_wait3A = arith.constant 0 : i32
    %dma_wait3A_34 = tpu.memref_slice %arg5[%dma_wait3A] : memref<2560xi32, #tpu.memory_space<vmem>> -> memref<128xi32, #tpu.memory_space<vmem>>
    %dma_wait3A_35 = arith.constant 0 : i32
    %dma_wait3A_36 = arith.constant 0 : i32
    %dma_wait3A_37 = tpu.memref_slice %arg2[%dma_wait3A_35, %dma_wait3A_36] : memref<10240x128xi32, #tpu.memory_space<hbm>> -> memref<10240x128xi32, #tpu.memory_space<hbm>>
    tpu.wait_indirect_dma semaphore(%arg11 : memref<!tpu.dma_semaphore, #tpu.memory_space<semaphore_mem>>) src(%dma_wait3A_37 : memref<10240x128xi32, #tpu.memory_space<hbm>>) dst(%arg6 : memref<128x128xi32, #tpu.memory_space<vmem>>)
    %add3A_38 = arith.constant 0 : i32
    %add3A_39 = arith.addi %add3A_9, %add3A_38 : i32
    %dma_start3A_40 = arith.constant 0 : i32
    %dma_start3A_41 = tpu.memref_slice %arg4[%add3A_39, %dma_start3A_40] : memref<81920x128xi32, #tpu.memory_space<hbm>> -> memref<128x128xi32, #tpu.memory_space<hbm>>
    %dma_start3A_42 = arith.constant 0 : i32
    %dma_start3A_43 = tpu.memref_slice %arg4[%add3A_39, %dma_start3A_42] : memref<81920x128xi32, #tpu.memory_space<hbm>> -> memref<128x128xi32, #tpu.memory_space<hbm>>
    tpu.enqueue_dma source(%arg6 : memref<128x128xi32, #tpu.memory_space<vmem>>) target(%dma_start3A_43 : memref<128x128xi32, #tpu.memory_space<hbm>>) target_semaphore(%arg16 : memref<!tpu.dma_semaphore, #tpu.memory_space<semaphore_mem>>)
    %dma_wait3A_44 = arith.constant 0 : i32
    %dma_wait3A_45 = tpu.memref_slice %arg5[%dma_wait3A_44] : memref<2560xi32, #tpu.memory_space<vmem>> -> memref<128xi32, #tpu.memory_space<vmem>>
    %dma_wait3A_46 = arith.constant 0 : i32
    %dma_wait3A_47 = arith.constant 0 : i32
    %dma_wait3A_48 = tpu.memref_slice %arg2[%dma_wait3A_46, %dma_wait3A_47] : memref<10240x128xi32, #tpu.memory_space<hbm>> -> memref<10240x128xi32, #tpu.memory_space<hbm>>
    tpu.wait_indirect_dma semaphore(%arg12 : memref<!tpu.dma_semaphore, #tpu.memory_space<semaphore_mem>>) src(%dma_wait3A_48 : memref<10240x128xi32, #tpu.memory_space<hbm>>) dst(%arg7 : memref<128x128xi32, #tpu.memory_space<vmem>>)
    %add3A_49 = arith.constant 128 : i32
    %add3A_50 = arith.addi %add3A_9, %add3A_49 : i32
    %dma_start3A_51 = arith.constant 0 : i32
    %dma_start3A_52 = tpu.memref_slice %arg4[%add3A_50, %dma_start3A_51] : memref<81920x128xi32, #tpu.memory_space<hbm>> -> memref<128x128xi32, #tpu.memory_space<hbm>>
    %dma_start3A_53 = arith.constant 0 : i32
    %dma_start3A_54 = tpu.memref_slice %arg4[%add3A_50, %dma_start3A_53] : memref<81920x128xi32, #tpu.memory_space<hbm>> -> memref<128x128xi32, #tpu.memory_space<hbm>>
    tpu.enqueue_dma source(%arg7 : memref<128x128xi32, #tpu.memory_space<vmem>>) target(%dma_start3A_54 : memref<128x128xi32, #tpu.memory_space<hbm>>) target_semaphore(%arg17 : memref<!tpu.dma_semaphore, #tpu.memory_space<semaphore_mem>>)
    %scan3A = arith.constant 0 : i32
    %scan3A_55 = arith.constant 1 : i32
    %scan3A_56 = arith.constant 3 : i32
    %scan3A_57 = arith.addi %scan3A_55, %scan3A_56 : i32
    %scan3A_58 = arith.constant 1 : i32
    scf.for %scan3A_113 = %scan3A_55 to %scan3A_57 step %scan3A_58  : i32 {
      %mul3A_114 = arith.constant 5 : i32
      %mul3A_115 = arith.muli %scan3A_113, %mul3A_114 : i32
      %add3A_116 = arith.constant 0 : i32
      %add3A_117 = arith.addi %mul3A_115, %add3A_116 : i32
      %dma_wait3A_118 = arith.constant 0 : i32
      %dma_wait3A_119 = tpu.memref_slice %arg4[%add3A_9, %dma_wait3A_118] : memref<81920x128xi32, #tpu.memory_space<hbm>> -> memref<128x128xi32, #tpu.memory_space<hbm>>
      %dma_wait3A_120 = arith.constant 0 : i32
      %dma_wait3A_121 = tpu.memref_slice %arg4[%add3A_9, %dma_wait3A_120] : memref<81920x128xi32, #tpu.memory_space<hbm>> -> memref<128x128xi32, #tpu.memory_space<hbm>>
      tpu.wait_dma2 semaphore(%arg16 : memref<!tpu.dma_semaphore, #tpu.memory_space<semaphore_mem>>) src(%arg6 : memref<128x128xi32, #tpu.memory_space<vmem>>) dst(%dma_wait3A_121 : memref<128x128xi32, #tpu.memory_space<hbm>>)
      %mul3A_122 = arith.constant 128 : i32
      %mul3A_123 = arith.muli %add3A_117, %mul3A_122 : i32
      %dma_start3A_124 = tpu.memref_slice %arg5[%mul3A_123] : memref<2560xi32, #tpu.memory_space<vmem>> -> memref<128xi32, #tpu.memory_space<vmem>>
      %dma_start3A_125 = arith.constant 0 : i32
      %dma_start3A_126 = arith.constant 0 : i32
      %dma_start3A_127 = tpu.memref_slice %arg2[%dma_start3A_125, %dma_start3A_126] : memref<10240x128xi32, #tpu.memory_space<hbm>> -> memref<10240x128xi32, #tpu.memory_space<hbm>>
      tpu.enqueue_indirect_dma source(%dma_start3A_127 : memref<10240x128xi32, #tpu.memory_space<hbm>>) target(%arg6 : memref<128x128xi32, #tpu.memory_space<vmem>>) offsets(%dma_start3A_124 : memref<128xi32, #tpu.memory_space<vmem>>) semaphore(%arg11 : memref<!tpu.dma_semaphore, #tpu.memory_space<semaphore_mem>>)
      %dma_wait3A_128 = arith.constant 0 : i32
      %dma_wait3A_129 = tpu.memref_slice %arg5[%dma_wait3A_128] : memref<2560xi32, #tpu.memory_space<vmem>> -> memref<128xi32, #tpu.memory_space<vmem>>
      %dma_wait3A_130 = arith.constant 0 : i32
      %dma_wait3A_131 = arith.constant 0 : i32
      %dma_wait3A_132 = tpu.memref_slice %arg2[%dma_wait3A_130, %dma_wait3A_131] : memref<10240x128xi32, #tpu.memory_space<hbm>> -> memref<10240x128xi32, #tpu.memory_space<hbm>>
      tpu.wait_indirect_dma semaphore(%arg13 : memref<!tpu.dma_semaphore, #tpu.memory_space<semaphore_mem>>) src(%dma_wait3A_132 : memref<10240x128xi32, #tpu.memory_space<hbm>>) dst(%arg8 : memref<128x128xi32, #tpu.memory_space<vmem>>)
      %sub3A = arith.constant 3 : i32
      %sub3A_133 = arith.subi %add3A_117, %sub3A : i32
      %mul3A_134 = arith.constant 128 : i32
      %mul3A_135 = arith.muli %sub3A_133, %mul3A_134 : i32
      %add3A_136 = arith.addi %add3A_9, %mul3A_135 : i32
      %dma_start3A_137 = arith.constant 0 : i32
      %dma_start3A_138 = tpu.memref_slice %arg4[%add3A_136, %dma_start3A_137] : memref<81920x128xi32, #tpu.memory_space<hbm>> -> memref<128x128xi32, #tpu.memory_space<hbm>>
      %dma_start3A_139 = arith.constant 0 : i32
      %dma_start3A_140 = tpu.memref_slice %arg4[%add3A_136, %dma_start3A_139] : memref<81920x128xi32, #tpu.memory_space<hbm>> -> memref<128x128xi32, #tpu.memory_space<hbm>>
      tpu.enqueue_dma source(%arg8 : memref<128x128xi32, #tpu.memory_space<vmem>>) target(%dma_start3A_140 : memref<128x128xi32, #tpu.memory_space<hbm>>) target_semaphore(%arg18 : memref<!tpu.dma_semaphore, #tpu.memory_space<semaphore_mem>>)
      %mul3A_141 = arith.constant 5 : i32
      %mul3A_142 = arith.muli %scan3A_113, %mul3A_141 : i32
      %add3A_143 = arith.constant 1 : i32
      %add3A_144 = arith.addi %mul3A_142, %add3A_143 : i32
      %dma_wait3A_145 = arith.constant 0 : i32
      %dma_wait3A_146 = tpu.memref_slice %arg4[%add3A_9, %dma_wait3A_145] : memref<81920x128xi32, #tpu.memory_space<hbm>> -> memref<128x128xi32, #tpu.memory_space<hbm>>
      %dma_wait3A_147 = arith.constant 0 : i32
      %dma_wait3A_148 = tpu.memref_slice %arg4[%add3A_9, %dma_wait3A_147] : memref<81920x128xi32, #tpu.memory_space<hbm>> -> memref<128x128xi32, #tpu.memory_space<hbm>>
      tpu.wait_dma2 semaphore(%arg17 : memref<!tpu.dma_semaphore, #tpu.memory_space<semaphore_mem>>) src(%arg7 : memref<128x128xi32, #tpu.memory_space<vmem>>) dst(%dma_wait3A_148 : memref<128x128xi32, #tpu.memory_space<hbm>>)
      %mul3A_149 = arith.constant 128 : i32
      %mul3A_150 = arith.muli %add3A_144, %mul3A_149 : i32
      %dma_start3A_151 = tpu.memref_slice %arg5[%mul3A_150] : memref<2560xi32, #tpu.memory_space<vmem>> -> memref<128xi32, #tpu.memory_space<vmem>>
      %dma_start3A_152 = arith.constant 0 : i32
      %dma_start3A_153 = arith.constant 0 : i32
      %dma_start3A_154 = tpu.memref_slice %arg2[%dma_start3A_152, %dma_start3A_153] : memref<10240x128xi32, #tpu.memory_space<hbm>> -> memref<10240x128xi32, #tpu.memory_space<hbm>>
      tpu.enqueue_indirect_dma source(%dma_start3A_154 : memref<10240x128xi32, #tpu.memory_space<hbm>>) target(%arg7 : memref<128x128xi32, #tpu.memory_space<vmem>>) offsets(%dma_start3A_151 : memref<128xi32, #tpu.memory_space<vmem>>) semaphore(%arg12 : memref<!tpu.dma_semaphore, #tpu.memory_space<semaphore_mem>>)
      %dma_wait3A_155 = arith.constant 0 : i32
      %dma_wait3A_156 = tpu.memref_slice %arg5[%dma_wait3A_155] : memref<2560xi32, #tpu.memory_space<vmem>> -> memref<128xi32, #tpu.memory_space<vmem>>
      %dma_wait3A_157 = arith.constant 0 : i32
      %dma_wait3A_158 = arith.constant 0 : i32
      %dma_wait3A_159 = tpu.memref_slice %arg2[%dma_wait3A_157, %dma_wait3A_158] : memref<10240x128xi32, #tpu.memory_space<hbm>> -> memref<10240x128xi32, #tpu.memory_space<hbm>>
      tpu.wait_indirect_dma semaphore(%arg14 : memref<!tpu.dma_semaphore, #tpu.memory_space<semaphore_mem>>) src(%dma_wait3A_159 : memref<10240x128xi32, #tpu.memory_space<hbm>>) dst(%arg9 : memref<128x128xi32, #tpu.memory_space<vmem>>)
      %sub3A_160 = arith.constant 3 : i32
      %sub3A_161 = arith.subi %add3A_144, %sub3A_160 : i32
      %mul3A_162 = arith.constant 128 : i32
      %mul3A_163 = arith.muli %sub3A_161, %mul3A_162 : i32
      %add3A_164 = arith.addi %add3A_9, %mul3A_163 : i32
      %dma_start3A_165 = arith.constant 0 : i32
      %dma_start3A_166 = tpu.memref_slice %arg4[%add3A_164, %dma_start3A_165] : memref<81920x128xi32, #tpu.memory_space<hbm>> -> memref<128x128xi32, #tpu.memory_space<hbm>>
      %dma_start3A_167 = arith.constant 0 : i32
      %dma_start3A_168 = tpu.memref_slice %arg4[%add3A_164, %dma_start3A_167] : memref<81920x128xi32, #tpu.memory_space<hbm>> -> memref<128x128xi32, #tpu.memory_space<hbm>>
      tpu.enqueue_dma source(%arg9 : memref<128x128xi32, #tpu.memory_space<vmem>>) target(%dma_start3A_168 : memref<128x128xi32, #tpu.memory_space<hbm>>) target_semaphore(%arg19 : memref<!tpu.dma_semaphore, #tpu.memory_space<semaphore_mem>>)
      %mul3A_169 = arith.constant 5 : i32
      %mul3A_170 = arith.muli %scan3A_113, %mul3A_169 : i32
      %add3A_171 = arith.constant 2 : i32
      %add3A_172 = arith.addi %mul3A_170, %add3A_171 : i32
      %dma_wait3A_173 = arith.constant 0 : i32
      %dma_wait3A_174 = tpu.memref_slice %arg4[%add3A_9, %dma_wait3A_173] : memref<81920x128xi32, #tpu.memory_space<hbm>> -> memref<128x128xi32, #tpu.memory_space<hbm>>
      %dma_wait3A_175 = arith.constant 0 : i32
      %dma_wait3A_176 = tpu.memref_slice %arg4[%add3A_9, %dma_wait3A_175] : memref<81920x128xi32, #tpu.memory_space<hbm>> -> memref<128x128xi32, #tpu.memory_space<hbm>>
      tpu.wait_dma2 semaphore(%arg18 : memref<!tpu.dma_semaphore, #tpu.memory_space<semaphore_mem>>) src(%arg8 : memref<128x128xi32, #tpu.memory_space<vmem>>) dst(%dma_wait3A_176 : memref<128x128xi32, #tpu.memory_space<hbm>>)
      %mul3A_177 = arith.constant 128 : i32
      %mul3A_178 = arith.muli %add3A_172, %mul3A_177 : i32
      %dma_start3A_179 = tpu.memref_slice %arg5[%mul3A_178] : memref<2560xi32, #tpu.memory_space<vmem>> -> memref<128xi32, #tpu.memory_space<vmem>>
      %dma_start3A_180 = arith.constant 0 : i32
      %dma_start3A_181 = arith.constant 0 : i32
      %dma_start3A_182 = tpu.memref_slice %arg2[%dma_start3A_180, %dma_start3A_181] : memref<10240x128xi32, #tpu.memory_space<hbm>> -> memref<10240x128xi32, #tpu.memory_space<hbm>>
      tpu.enqueue_indirect_dma source(%dma_start3A_182 : memref<10240x128xi32, #tpu.memory_space<hbm>>) target(%arg8 : memref<128x128xi32, #tpu.memory_space<vmem>>) offsets(%dma_start3A_179 : memref<128xi32, #tpu.memory_space<vmem>>) semaphore(%arg13 : memref<!tpu.dma_semaphore, #tpu.memory_space<semaphore_mem>>)
      %dma_wait3A_183 = arith.constant 0 : i32
      %dma_wait3A_184 = tpu.memref_slice %arg5[%dma_wait3A_183] : memref<2560xi32, #tpu.memory_space<vmem>> -> memref<128xi32, #tpu.memory_space<vmem>>
      %dma_wait3A_185 = arith.constant 0 : i32
      %dma_wait3A_186 = arith.constant 0 : i32
      %dma_wait3A_187 = tpu.memref_slice %arg2[%dma_wait3A_185, %dma_wait3A_186] : memref<10240x128xi32, #tpu.memory_space<hbm>> -> memref<10240x128xi32, #tpu.memory_space<hbm>>
      tpu.wait_indirect_dma semaphore(%arg15 : memref<!tpu.dma_semaphore, #tpu.memory_space<semaphore_mem>>) src(%dma_wait3A_187 : memref<10240x128xi32, #tpu.memory_space<hbm>>) dst(%arg10 : memref<128x128xi32, #tpu.memory_space<vmem>>)
      %sub3A_188 = arith.constant 3 : i32
      %sub3A_189 = arith.subi %add3A_172, %sub3A_188 : i32
      %mul3A_190 = arith.constant 128 : i32
      %mul3A_191 = arith.muli %sub3A_189, %mul3A_190 : i32
      %add3A_192 = arith.addi %add3A_9, %mul3A_191 : i32
      %dma_start3A_193 = arith.constant 0 : i32
      %dma_start3A_194 = tpu.memref_slice %arg4[%add3A_192, %dma_start3A_193] : memref<81920x128xi32, #tpu.memory_space<hbm>> -> memref<128x128xi32, #tpu.memory_space<hbm>>
      %dma_start3A_195 = arith.constant 0 : i32
      %dma_start3A_196 = tpu.memref_slice %arg4[%add3A_192, %dma_start3A_195] : memref<81920x128xi32, #tpu.memory_space<hbm>> -> memref<128x128xi32, #tpu.memory_space<hbm>>
      tpu.enqueue_dma source(%arg10 : memref<128x128xi32, #tpu.memory_space<vmem>>) target(%dma_start3A_196 : memref<128x128xi32, #tpu.memory_space<hbm>>) target_semaphore(%arg20 : memref<!tpu.dma_semaphore, #tpu.memory_space<semaphore_mem>>)
      %mul3A_197 = arith.constant 5 : i32
      %mul3A_198 = arith.muli %scan3A_113, %mul3A_197 : i32
      %add3A_199 = arith.constant 3 : i32
      %add3A_200 = arith.addi %mul3A_198, %add3A_199 : i32
      %dma_wait3A_201 = arith.constant 0 : i32
      %dma_wait3A_202 = tpu.memref_slice %arg4[%add3A_9, %dma_wait3A_201] : memref<81920x128xi32, #tpu.memory_space<hbm>> -> memref<128x128xi32, #tpu.memory_space<hbm>>
      %dma_wait3A_203 = arith.constant 0 : i32
      %dma_wait3A_204 = tpu.memref_slice %arg4[%add3A_9, %dma_wait3A_203] : memref<81920x128xi32, #tpu.memory_space<hbm>> -> memref<128x128xi32, #tpu.memory_space<hbm>>
      tpu.wait_dma2 semaphore(%arg19 : memref<!tpu.dma_semaphore, #tpu.memory_space<semaphore_mem>>) src(%arg9 : memref<128x128xi32, #tpu.memory_space<vmem>>) dst(%dma_wait3A_204 : memref<128x128xi32, #tpu.memory_space<hbm>>)
      %mul3A_205 = arith.constant 128 : i32
      %mul3A_206 = arith.muli %add3A_200, %mul3A_205 : i32
      %dma_start3A_207 = tpu.memref_slice %arg5[%mul3A_206] : memref<2560xi32, #tpu.memory_space<vmem>> -> memref<128xi32, #tpu.memory_space<vmem>>
      %dma_start3A_208 = arith.constant 0 : i32
      %dma_start3A_209 = arith.constant 0 : i32
      %dma_start3A_210 = tpu.memref_slice %arg2[%dma_start3A_208, %dma_start3A_209] : memref<10240x128xi32, #tpu.memory_space<hbm>> -> memref<10240x128xi32, #tpu.memory_space<hbm>>
      tpu.enqueue_indirect_dma source(%dma_start3A_210 : memref<10240x128xi32, #tpu.memory_space<hbm>>) target(%arg9 : memref<128x128xi32, #tpu.memory_space<vmem>>) offsets(%dma_start3A_207 : memref<128xi32, #tpu.memory_space<vmem>>) semaphore(%arg14 : memref<!tpu.dma_semaphore, #tpu.memory_space<semaphore_mem>>)
      %dma_wait3A_211 = arith.constant 0 : i32
      %dma_wait3A_212 = tpu.memref_slice %arg5[%dma_wait3A_211] : memref<2560xi32, #tpu.memory_space<vmem>> -> memref<128xi32, #tpu.memory_space<vmem>>
      %dma_wait3A_213 = arith.constant 0 : i32
      %dma_wait3A_214 = arith.constant 0 : i32
      %dma_wait3A_215 = tpu.memref_slice %arg2[%dma_wait3A_213, %dma_wait3A_214] : memref<10240x128xi32, #tpu.memory_space<hbm>> -> memref<10240x128xi32, #tpu.memory_space<hbm>>
      tpu.wait_indirect_dma semaphore(%arg11 : memref<!tpu.dma_semaphore, #tpu.memory_space<semaphore_mem>>) src(%dma_wait3A_215 : memref<10240x128xi32, #tpu.memory_space<hbm>>) dst(%arg6 : memref<128x128xi32, #tpu.memory_space<vmem>>)
      %sub3A_216 = arith.constant 3 : i32
      %sub3A_217 = arith.subi %add3A_200, %sub3A_216 : i32
      %mul3A_218 = arith.constant 128 : i32
      %mul3A_219 = arith.muli %sub3A_217, %mul3A_218 : i32
      %add3A_220 = arith.addi %add3A_9, %mul3A_219 : i32
      %dma_start3A_221 = arith.constant 0 : i32
      %dma_start3A_222 = tpu.memref_slice %arg4[%add3A_220, %dma_start3A_221] : memref<81920x128xi32, #tpu.memory_space<hbm>> -> memref<128x128xi32, #tpu.memory_space<hbm>>
      %dma_start3A_223 = arith.constant 0 : i32
      %dma_start3A_224 = tpu.memref_slice %arg4[%add3A_220, %dma_start3A_223] : memref<81920x128xi32, #tpu.memory_space<hbm>> -> memref<128x128xi32, #tpu.memory_space<hbm>>
      tpu.enqueue_dma source(%arg6 : memref<128x128xi32, #tpu.memory_space<vmem>>) target(%dma_start3A_224 : memref<128x128xi32, #tpu.memory_space<hbm>>) target_semaphore(%arg16 : memref<!tpu.dma_semaphore, #tpu.memory_space<semaphore_mem>>)
      %mul3A_225 = arith.constant 5 : i32
      %mul3A_226 = arith.muli %scan3A_113, %mul3A_225 : i32
      %add3A_227 = arith.constant 4 : i32
      %add3A_228 = arith.addi %mul3A_226, %add3A_227 : i32
      %dma_wait3A_229 = arith.constant 0 : i32
      %dma_wait3A_230 = tpu.memref_slice %arg4[%add3A_9, %dma_wait3A_229] : memref<81920x128xi32, #tpu.memory_space<hbm>> -> memref<128x128xi32, #tpu.memory_space<hbm>>
      %dma_wait3A_231 = arith.constant 0 : i32
      %dma_wait3A_232 = tpu.memref_slice %arg4[%add3A_9, %dma_wait3A_231] : memref<81920x128xi32, #tpu.memory_space<hbm>> -> memref<128x128xi32, #tpu.memory_space<hbm>>
      tpu.wait_dma2 semaphore(%arg20 : memref<!tpu.dma_semaphore, #tpu.memory_space<semaphore_mem>>) src(%arg10 : memref<128x128xi32, #tpu.memory_space<vmem>>) dst(%dma_wait3A_232 : memref<128x128xi32, #tpu.memory_space<hbm>>)
      %mul3A_233 = arith.constant 128 : i32
      %mul3A_234 = arith.muli %add3A_228, %mul3A_233 : i32
      %dma_start3A_235 = tpu.memref_slice %arg5[%mul3A_234] : memref<2560xi32, #tpu.memory_space<vmem>> -> memref<128xi32, #tpu.memory_space<vmem>>
      %dma_start3A_236 = arith.constant 0 : i32
      %dma_start3A_237 = arith.constant 0 : i32
      %dma_start3A_238 = tpu.memref_slice %arg2[%dma_start3A_236, %dma_start3A_237] : memref<10240x128xi32, #tpu.memory_space<hbm>> -> memref<10240x128xi32, #tpu.memory_space<hbm>>
      tpu.enqueue_indirect_dma source(%dma_start3A_238 : memref<10240x128xi32, #tpu.memory_space<hbm>>) target(%arg10 : memref<128x128xi32, #tpu.memory_space<vmem>>) offsets(%dma_start3A_235 : memref<128xi32, #tpu.memory_space<vmem>>) semaphore(%arg15 : memref<!tpu.dma_semaphore, #tpu.memory_space<semaphore_mem>>)
      %dma_wait3A_239 = arith.constant 0 : i32
      %dma_wait3A_240 = tpu.memref_slice %arg5[%dma_wait3A_239] : memref<2560xi32, #tpu.memory_space<vmem>> -> memref<128xi32, #tpu.memory_space<vmem>>
      %dma_wait3A_241 = arith.constant 0 : i32
      %dma_wait3A_242 = arith.constant 0 : i32
      %dma_wait3A_243 = tpu.memref_slice %arg2[%dma_wait3A_241, %dma_wait3A_242] : memref<10240x128xi32, #tpu.memory_space<hbm>> -> memref<10240x128xi32, #tpu.memory_space<hbm>>
      tpu.wait_indirect_dma semaphore(%arg12 : memref<!tpu.dma_semaphore, #tpu.memory_space<semaphore_mem>>) src(%dma_wait3A_243 : memref<10240x128xi32, #tpu.memory_space<hbm>>) dst(%arg7 : memref<128x128xi32, #tpu.memory_space<vmem>>)
      %sub3A_244 = arith.constant 3 : i32
      %sub3A_245 = arith.subi %add3A_228, %sub3A_244 : i32
      %mul3A_246 = arith.constant 128 : i32
      %mul3A_247 = arith.muli %sub3A_245, %mul3A_246 : i32
      %add3A_248 = arith.addi %add3A_9, %mul3A_247 : i32
      %dma_start3A_249 = arith.constant 0 : i32
      %dma_start3A_250 = tpu.memref_slice %arg4[%add3A_248, %dma_start3A_249] : memref<81920x128xi32, #tpu.memory_space<hbm>> -> memref<128x128xi32, #tpu.memory_space<hbm>>
      %dma_start3A_251 = arith.constant 0 : i32
      %dma_start3A_252 = tpu.memref_slice %arg4[%add3A_248, %dma_start3A_251] : memref<81920x128xi32, #tpu.memory_space<hbm>> -> memref<128x128xi32, #tpu.memory_space<hbm>>
      tpu.enqueue_dma source(%arg7 : memref<128x128xi32, #tpu.memory_space<vmem>>) target(%dma_start3A_252 : memref<128x128xi32, #tpu.memory_space<hbm>>) target_semaphore(%arg17 : memref<!tpu.dma_semaphore, #tpu.memory_space<semaphore_mem>>)
    }
    %scan3A_59 = arith.constant 3 : i32
    %dma_wait3A_60 = arith.constant 0 : i32
    %dma_wait3A_61 = tpu.memref_slice %arg5[%dma_wait3A_60] : memref<2560xi32, #tpu.memory_space<vmem>> -> memref<128xi32, #tpu.memory_space<vmem>>
    %dma_wait3A_62 = arith.constant 0 : i32
    %dma_wait3A_63 = arith.constant 0 : i32
    %dma_wait3A_64 = tpu.memref_slice %arg2[%dma_wait3A_62, %dma_wait3A_63] : memref<10240x128xi32, #tpu.memory_space<hbm>> -> memref<10240x128xi32, #tpu.memory_space<hbm>>
    tpu.wait_indirect_dma semaphore(%arg13 : memref<!tpu.dma_semaphore, #tpu.memory_space<semaphore_mem>>) src(%dma_wait3A_64 : memref<10240x128xi32, #tpu.memory_space<hbm>>) dst(%arg8 : memref<128x128xi32, #tpu.memory_space<vmem>>)
    %add3A_65 = arith.constant 2176 : i32
    %add3A_66 = arith.addi %add3A_9, %add3A_65 : i32
    %dma_start3A_67 = arith.constant 0 : i32
    %dma_start3A_68 = tpu.memref_slice %arg4[%add3A_66, %dma_start3A_67] : memref<81920x128xi32, #tpu.memory_space<hbm>> -> memref<128x128xi32, #tpu.memory_space<hbm>>
    %dma_start3A_69 = arith.constant 0 : i32
    %dma_start3A_70 = tpu.memref_slice %arg4[%add3A_66, %dma_start3A_69] : memref<81920x128xi32, #tpu.memory_space<hbm>> -> memref<128x128xi32, #tpu.memory_space<hbm>>
    tpu.enqueue_dma source(%arg8 : memref<128x128xi32, #tpu.memory_space<vmem>>) target(%dma_start3A_70 : memref<128x128xi32, #tpu.memory_space<hbm>>) target_semaphore(%arg18 : memref<!tpu.dma_semaphore, #tpu.memory_space<semaphore_mem>>)
    %dma_wait3A_71 = arith.constant 0 : i32
    %dma_wait3A_72 = tpu.memref_slice %arg5[%dma_wait3A_71] : memref<2560xi32, #tpu.memory_space<vmem>> -> memref<128xi32, #tpu.memory_space<vmem>>
    %dma_wait3A_73 = arith.constant 0 : i32
    %dma_wait3A_74 = arith.constant 0 : i32
    %dma_wait3A_75 = tpu.memref_slice %arg2[%dma_wait3A_73, %dma_wait3A_74] : memref<10240x128xi32, #tpu.memory_space<hbm>> -> memref<10240x128xi32, #tpu.memory_space<hbm>>
    tpu.wait_indirect_dma semaphore(%arg14 : memref<!tpu.dma_semaphore, #tpu.memory_space<semaphore_mem>>) src(%dma_wait3A_75 : memref<10240x128xi32, #tpu.memory_space<hbm>>) dst(%arg9 : memref<128x128xi32, #tpu.memory_space<vmem>>)
    %add3A_76 = arith.constant 2304 : i32
    %add3A_77 = arith.addi %add3A_9, %add3A_76 : i32
    %dma_start3A_78 = arith.constant 0 : i32
    %dma_start3A_79 = tpu.memref_slice %arg4[%add3A_77, %dma_start3A_78] : memref<81920x128xi32, #tpu.memory_space<hbm>> -> memref<128x128xi32, #tpu.memory_space<hbm>>
    %dma_start3A_80 = arith.constant 0 : i32
    %dma_start3A_81 = tpu.memref_slice %arg4[%add3A_77, %dma_start3A_80] : memref<81920x128xi32, #tpu.memory_space<hbm>> -> memref<128x128xi32, #tpu.memory_space<hbm>>
    tpu.enqueue_dma source(%arg9 : memref<128x128xi32, #tpu.memory_space<vmem>>) target(%dma_start3A_81 : memref<128x128xi32, #tpu.memory_space<hbm>>) target_semaphore(%arg19 : memref<!tpu.dma_semaphore, #tpu.memory_space<semaphore_mem>>)
    %dma_wait3A_82 = arith.constant 0 : i32
    %dma_wait3A_83 = tpu.memref_slice %arg5[%dma_wait3A_82] : memref<2560xi32, #tpu.memory_space<vmem>> -> memref<128xi32, #tpu.memory_space<vmem>>
    %dma_wait3A_84 = arith.constant 0 : i32
    %dma_wait3A_85 = arith.constant 0 : i32
    %dma_wait3A_86 = tpu.memref_slice %arg2[%dma_wait3A_84, %dma_wait3A_85] : memref<10240x128xi32, #tpu.memory_space<hbm>> -> memref<10240x128xi32, #tpu.memory_space<hbm>>
    tpu.wait_indirect_dma semaphore(%arg15 : memref<!tpu.dma_semaphore, #tpu.memory_space<semaphore_mem>>) src(%dma_wait3A_86 : memref<10240x128xi32, #tpu.memory_space<hbm>>) dst(%arg10 : memref<128x128xi32, #tpu.memory_space<vmem>>)
    %add3A_87 = arith.constant 2432 : i32
    %add3A_88 = arith.addi %add3A_9, %add3A_87 : i32
    %dma_start3A_89 = arith.constant 0 : i32
    %dma_start3A_90 = tpu.memref_slice %arg4[%add3A_88, %dma_start3A_89] : memref<81920x128xi32, #tpu.memory_space<hbm>> -> memref<128x128xi32, #tpu.memory_space<hbm>>
    %dma_start3A_91 = arith.constant 0 : i32
    %dma_start3A_92 = tpu.memref_slice %arg4[%add3A_88, %dma_start3A_91] : memref<81920x128xi32, #tpu.memory_space<hbm>> -> memref<128x128xi32, #tpu.memory_space<hbm>>
    tpu.enqueue_dma source(%arg10 : memref<128x128xi32, #tpu.memory_space<vmem>>) target(%dma_start3A_92 : memref<128x128xi32, #tpu.memory_space<hbm>>) target_semaphore(%arg20 : memref<!tpu.dma_semaphore, #tpu.memory_space<semaphore_mem>>)
    %dma_wait3A_93 = arith.constant 0 : i32
    %dma_wait3A_94 = tpu.memref_slice %arg4[%add3A_9, %dma_wait3A_93] : memref<81920x128xi32, #tpu.memory_space<hbm>> -> memref<128x128xi32, #tpu.memory_space<hbm>>
    %dma_wait3A_95 = arith.constant 0 : i32
    %dma_wait3A_96 = tpu.memref_slice %arg4[%add3A_9, %dma_wait3A_95] : memref<81920x128xi32, #tpu.memory_space<hbm>> -> memref<128x128xi32, #tpu.memory_space<hbm>>
    tpu.wait_dma2 semaphore(%arg16 : memref<!tpu.dma_semaphore, #tpu.memory_space<semaphore_mem>>) src(%arg6 : memref<128x128xi32, #tpu.memory_space<vmem>>) dst(%dma_wait3A_96 : memref<128x128xi32, #tpu.memory_space<hbm>>)
    %dma_wait3A_97 = arith.constant 0 : i32
    %dma_wait3A_98 = tpu.memref_slice %arg4[%add3A_9, %dma_wait3A_97] : memref<81920x128xi32, #tpu.memory_space<hbm>> -> memref<128x128xi32, #tpu.memory_space<hbm>>
    %dma_wait3A_99 = arith.constant 0 : i32
    %dma_wait3A_100 = tpu.memref_slice %arg4[%add3A_9, %dma_wait3A_99] : memref<81920x128xi32, #tpu.memory_space<hbm>> -> memref<128x128xi32, #tpu.memory_space<hbm>>
    tpu.wait_dma2 semaphore(%arg17 : memref<!tpu.dma_semaphore, #tpu.memory_space<semaphore_mem>>) src(%arg7 : memref<128x128xi32, #tpu.memory_space<vmem>>) dst(%dma_wait3A_100 : memref<128x128xi32, #tpu.memory_space<hbm>>)
    %dma_wait3A_101 = arith.constant 0 : i32
    %dma_wait3A_102 = tpu.memref_slice %arg4[%add3A_9, %dma_wait3A_101] : memref<81920x128xi32, #tpu.memory_space<hbm>> -> memref<128x128xi32, #tpu.memory_space<hbm>>
    %dma_wait3A_103 = arith.constant 0 : i32
    %dma_wait3A_104 = tpu.memref_slice %arg4[%add3A_9, %dma_wait3A_103] : memref<81920x128xi32, #tpu.memory_space<hbm>> -> memref<128x128xi32, #tpu.memory_space<hbm>>
    tpu.wait_dma2 semaphore(%arg18 : memref<!tpu.dma_semaphore, #tpu.memory_space<semaphore_mem>>) src(%arg8 : memref<128x128xi32, #tpu.memory_space<vmem>>) dst(%dma_wait3A_104 : memref<128x128xi32, #tpu.memory_space<hbm>>)
    %dma_wait3A_105 = arith.constant 0 : i32
    %dma_wait3A_106 = tpu.memref_slice %arg4[%add3A_9, %dma_wait3A_105] : memref<81920x128xi32, #tpu.memory_space<hbm>> -> memref<128x128xi32, #tpu.memory_space<hbm>>
    %dma_wait3A_107 = arith.constant 0 : i32
    %dma_wait3A_108 = tpu.memref_slice %arg4[%add3A_9, %dma_wait3A_107] : memref<81920x128xi32, #tpu.memory_space<hbm>> -> memref<128x128xi32, #tpu.memory_space<hbm>>
    tpu.wait_dma2 semaphore(%arg19 : memref<!tpu.dma_semaphore, #tpu.memory_space<semaphore_mem>>) src(%arg9 : memref<128x128xi32, #tpu.memory_space<vmem>>) dst(%dma_wait3A_108 : memref<128x128xi32, #tpu.memory_space<hbm>>)
    %dma_wait3A_109 = arith.constant 0 : i32
    %dma_wait3A_110 = tpu.memref_slice %arg4[%add3A_9, %dma_wait3A_109] : memref<81920x128xi32, #tpu.memory_space<hbm>> -> memref<128x128xi32, #tpu.memory_space<hbm>>
    %dma_wait3A_111 = arith.constant 0 : i32
    %dma_wait3A_112 = tpu.memref_slice %arg4[%add3A_9, %dma_wait3A_111] : memref<81920x128xi32, #tpu.memory_space<hbm>> -> memref<128x128xi32, #tpu.memory_space<hbm>>
    tpu.wait_dma2 semaphore(%arg20 : memref<!tpu.dma_semaphore, #tpu.memory_space<semaphore_mem>>) src(%arg10 : memref<128x128xi32, #tpu.memory_space<vmem>>) dst(%dma_wait3A_112 : memref<128x128xi32, #tpu.memory_space<hbm>>)
    return
  }
}

#map = affine_map<(d0, d1) -> (0, 0)>
#map1 = affine_map<(d0, d1) -> (0)>
module attributes {stable_mosaic.version = 14 : i64} {
  func.func @gather_kernel(%arg0: i32, %arg1: i32, %arg2: memref<10000x128xf32, #tpu.memory_space<hbm>>, %arg3: memref<163840xi32, #tpu.memory_space<hbm>>, %arg4: memref<81920x128xf32, #tpu.memory_space<hbm>>, %arg5: memref<2560xi32, #tpu.memory_space<vmem>>, %arg6: memref<128x128xf32, #tpu.memory_space<vmem>>, %arg7: memref<128x128xf32, #tpu.memory_space<vmem>>, %arg8: memref<128x128xf32, #tpu.memory_space<vmem>>, %arg9: memref<128x128xf32, #tpu.memory_space<vmem>>, %arg10: memref<128x128xf32, #tpu.memory_space<vmem>>, %arg11: memref<!tpu.dma_semaphore, #tpu.memory_space<semaphore_mem>>, %arg12: memref<!tpu.dma_semaphore, #tpu.memory_space<semaphore_mem>>, %arg13: memref<!tpu.dma_semaphore, #tpu.memory_space<semaphore_mem>>, %arg14: memref<!tpu.dma_semaphore, #tpu.memory_space<semaphore_mem>>, %arg15: memref<!tpu.dma_semaphore, #tpu.memory_space<semaphore_mem>>, %arg16: memref<!tpu.dma_semaphore, #tpu.memory_space<semaphore_mem>>, %arg17: memref<!tpu.dma_semaphore, #tpu.memory_space<semaphore_mem>>, %arg18: memref<!tpu.dma_semaphore, #tpu.memory_space<semaphore_mem>>, %arg19: memref<!tpu.dma_semaphore, #tpu.memory_space<semaphore_mem>>, %arg20: memref<!tpu.dma_semaphore, #tpu.memory_space<semaphore_mem>>) attributes {dimension_semantics = [#tpu.dimension_semantics<core_parallel>, #tpu.dimension_semantics<subcore_parallel>], iteration_bounds = array<i64: 2, 16>, scalar_prefetch = 0 : i64, scratch_operands = 16 : i64, tpu.core_type = #tpu.core_type<sc_vector_subcore>, window_params = [{transform_indices = #map}, {transform_indices = #map1}, {transform_indices = #map}]} {
    %mul3A = arith.constant 10240 : i32
    %mul3A_0 = arith.muli %arg1, %mul3A : i32
    %add3A = arith.constant 0 : i32
    %add3A_1 = arith.addi %mul3A_0, %add3A : i32
    %mul3A_2 = arith.constant 2560 : i32
    %mul3A_3 = arith.muli %arg0, %mul3A_2 : i32
    %add3A_4 = arith.addi %add3A_1, %mul3A_3 : i32
    %mul3A_5 = arith.constant 5120 : i32
    %mul3A_6 = arith.muli %arg1, %mul3A_5 : i32
    %mul3A_7 = arith.constant 2560 : i32
    %mul3A_8 = arith.muli %arg0, %mul3A_7 : i32
    %add3A_9 = arith.addi %mul3A_6, %mul3A_8 : i32
    "tpu.region"() ({
      %run_scoped3A = tpu.sem_alloc : memref<!tpu.dma_semaphore, #tpu.memory_space<semaphore_mem>>
      %dma_start3A_113 = tpu.memref_slice %arg3[%add3A_4] : memref<163840xi32, #tpu.memory_space<hbm>> -> memref<2560xi32, #tpu.memory_space<hbm>>
      %dma_start3A_114 = tpu.memref_slice %arg3[%add3A_4] : memref<163840xi32, #tpu.memory_space<hbm>> -> memref<2560xi32, #tpu.memory_space<hbm>>
      tpu.enqueue_dma source(%dma_start3A_114 : memref<2560xi32, #tpu.memory_space<hbm>>) target(%arg5 : memref<2560xi32, #tpu.memory_space<vmem>>) target_semaphore(%run_scoped3A : memref<!tpu.dma_semaphore, #tpu.memory_space<semaphore_mem>>)
      %dma_wait3A_115 = tpu.memref_slice %arg3[%add3A_4] : memref<163840xi32, #tpu.memory_space<hbm>> -> memref<2560xi32, #tpu.memory_space<hbm>>
      %dma_wait3A_116 = tpu.memref_slice %arg3[%add3A_4] : memref<163840xi32, #tpu.memory_space<hbm>> -> memref<2560xi32, #tpu.memory_space<hbm>>
      tpu.wait_dma2 semaphore(%run_scoped3A : memref<!tpu.dma_semaphore, #tpu.memory_space<semaphore_mem>>) src(%dma_wait3A_116 : memref<2560xi32, #tpu.memory_space<hbm>>) dst(%arg5 : memref<2560xi32, #tpu.memory_space<vmem>>)
      tpu.yield
    }) : () -> ()
    %dma_start3A = arith.constant 0 : i32
    %dma_start3A_10 = tpu.memref_slice %arg5[%dma_start3A] : memref<2560xi32, #tpu.memory_space<vmem>> -> memref<128xi32, #tpu.memory_space<vmem>>
    %dma_start3A_11 = arith.constant 0 : i32
    %dma_start3A_12 = arith.constant 0 : i32
    %dma_start3A_13 = tpu.memref_slice %arg2[%dma_start3A_11, %dma_start3A_12] : memref<10000x128xf32, #tpu.memory_space<hbm>> -> memref<10000x128xf32, #tpu.memory_space<hbm>>
    tpu.enqueue_indirect_dma source(%dma_start3A_13 : memref<10000x128xf32, #tpu.memory_space<hbm>>) target(%arg6 : memref<128x128xf32, #tpu.memory_space<vmem>>) offsets(%dma_start3A_10 : memref<128xi32, #tpu.memory_space<vmem>>) semaphore(%arg11 : memref<!tpu.dma_semaphore, #tpu.memory_space<semaphore_mem>>)
    %dma_start3A_14 = arith.constant 128 : i32
    %dma_start3A_15 = tpu.memref_slice %arg5[%dma_start3A_14] : memref<2560xi32, #tpu.memory_space<vmem>> -> memref<128xi32, #tpu.memory_space<vmem>>
    %dma_start3A_16 = arith.constant 0 : i32
    %dma_start3A_17 = arith.constant 0 : i32
    %dma_start3A_18 = tpu.memref_slice %arg2[%dma_start3A_16, %dma_start3A_17] : memref<10000x128xf32, #tpu.memory_space<hbm>> -> memref<10000x128xf32, #tpu.memory_space<hbm>>
    tpu.enqueue_indirect_dma source(%dma_start3A_18 : memref<10000x128xf32, #tpu.memory_space<hbm>>) target(%arg7 : memref<128x128xf32, #tpu.memory_space<vmem>>) offsets(%dma_start3A_15 : memref<128xi32, #tpu.memory_space<vmem>>) semaphore(%arg12 : memref<!tpu.dma_semaphore, #tpu.memory_space<semaphore_mem>>)
    %dma_start3A_19 = arith.constant 256 : i32
    %dma_start3A_20 = tpu.memref_slice %arg5[%dma_start3A_19] : memref<2560xi32, #tpu.memory_space<vmem>> -> memref<128xi32, #tpu.memory_space<vmem>>
    %dma_start3A_21 = arith.constant 0 : i32
    %dma_start3A_22 = arith.constant 0 : i32
    %dma_start3A_23 = tpu.memref_slice %arg2[%dma_start3A_21, %dma_start3A_22] : memref<10000x128xf32, #tpu.memory_space<hbm>> -> memref<10000x128xf32, #tpu.memory_space<hbm>>
    tpu.enqueue_indirect_dma source(%dma_start3A_23 : memref<10000x128xf32, #tpu.memory_space<hbm>>) target(%arg8 : memref<128x128xf32, #tpu.memory_space<vmem>>) offsets(%dma_start3A_20 : memref<128xi32, #tpu.memory_space<vmem>>) semaphore(%arg13 : memref<!tpu.dma_semaphore, #tpu.memory_space<semaphore_mem>>)
    %dma_start3A_24 = arith.constant 384 : i32
    %dma_start3A_25 = tpu.memref_slice %arg5[%dma_start3A_24] : memref<2560xi32, #tpu.memory_space<vmem>> -> memref<128xi32, #tpu.memory_space<vmem>>
    %dma_start3A_26 = arith.constant 0 : i32
    %dma_start3A_27 = arith.constant 0 : i32
    %dma_start3A_28 = tpu.memref_slice %arg2[%dma_start3A_26, %dma_start3A_27] : memref<10000x128xf32, #tpu.memory_space<hbm>> -> memref<10000x128xf32, #tpu.memory_space<hbm>>
    tpu.enqueue_indirect_dma source(%dma_start3A_28 : memref<10000x128xf32, #tpu.memory_space<hbm>>) target(%arg9 : memref<128x128xf32, #tpu.memory_space<vmem>>) offsets(%dma_start3A_25 : memref<128xi32, #tpu.memory_space<vmem>>) semaphore(%arg14 : memref<!tpu.dma_semaphore, #tpu.memory_space<semaphore_mem>>)
    %dma_start3A_29 = arith.constant 512 : i32
    %dma_start3A_30 = tpu.memref_slice %arg5[%dma_start3A_29] : memref<2560xi32, #tpu.memory_space<vmem>> -> memref<128xi32, #tpu.memory_space<vmem>>
    %dma_start3A_31 = arith.constant 0 : i32
    %dma_start3A_32 = arith.constant 0 : i32
    %dma_start3A_33 = tpu.memref_slice %arg2[%dma_start3A_31, %dma_start3A_32] : memref<10000x128xf32, #tpu.memory_space<hbm>> -> memref<10000x128xf32, #tpu.memory_space<hbm>>
    tpu.enqueue_indirect_dma source(%dma_start3A_33 : memref<10000x128xf32, #tpu.memory_space<hbm>>) target(%arg10 : memref<128x128xf32, #tpu.memory_space<vmem>>) offsets(%dma_start3A_30 : memref<128xi32, #tpu.memory_space<vmem>>) semaphore(%arg15 : memref<!tpu.dma_semaphore, #tpu.memory_space<semaphore_mem>>)
    %dma_wait3A = arith.constant 0 : i32
    %dma_wait3A_34 = tpu.memref_slice %arg5[%dma_wait3A] : memref<2560xi32, #tpu.memory_space<vmem>> -> memref<128xi32, #tpu.memory_space<vmem>>
    %dma_wait3A_35 = arith.constant 0 : i32
    %dma_wait3A_36 = arith.constant 0 : i32
    %dma_wait3A_37 = tpu.memref_slice %arg2[%dma_wait3A_35, %dma_wait3A_36] : memref<10000x128xf32, #tpu.memory_space<hbm>> -> memref<10000x128xf32, #tpu.memory_space<hbm>>
    tpu.wait_indirect_dma semaphore(%arg11 : memref<!tpu.dma_semaphore, #tpu.memory_space<semaphore_mem>>) src(%dma_wait3A_37 : memref<10000x128xf32, #tpu.memory_space<hbm>>) dst(%arg6 : memref<128x128xf32, #tpu.memory_space<vmem>>)
    %add3A_38 = arith.constant 0 : i32
    %add3A_39 = arith.addi %add3A_9, %add3A_38 : i32
    %dma_start3A_40 = arith.constant 0 : i32
    %dma_start3A_41 = tpu.memref_slice %arg4[%add3A_39, %dma_start3A_40] : memref<81920x128xf32, #tpu.memory_space<hbm>> -> memref<128x128xf32, #tpu.memory_space<hbm>>
    %dma_start3A_42 = arith.constant 0 : i32
    %dma_start3A_43 = tpu.memref_slice %arg4[%add3A_39, %dma_start3A_42] : memref<81920x128xf32, #tpu.memory_space<hbm>> -> memref<128x128xf32, #tpu.memory_space<hbm>>
    tpu.enqueue_dma source(%arg6 : memref<128x128xf32, #tpu.memory_space<vmem>>) target(%dma_start3A_43 : memref<128x128xf32, #tpu.memory_space<hbm>>) target_semaphore(%arg16 : memref<!tpu.dma_semaphore, #tpu.memory_space<semaphore_mem>>)
    %dma_wait3A_44 = arith.constant 0 : i32
    %dma_wait3A_45 = tpu.memref_slice %arg5[%dma_wait3A_44] : memref<2560xi32, #tpu.memory_space<vmem>> -> memref<128xi32, #tpu.memory_space<vmem>>
    %dma_wait3A_46 = arith.constant 0 : i32
    %dma_wait3A_47 = arith.constant 0 : i32
    %dma_wait3A_48 = tpu.memref_slice %arg2[%dma_wait3A_46, %dma_wait3A_47] : memref<10000x128xf32, #tpu.memory_space<hbm>> -> memref<10000x128xf32, #tpu.memory_space<hbm>>
    tpu.wait_indirect_dma semaphore(%arg12 : memref<!tpu.dma_semaphore, #tpu.memory_space<semaphore_mem>>) src(%dma_wait3A_48 : memref<10000x128xf32, #tpu.memory_space<hbm>>) dst(%arg7 : memref<128x128xf32, #tpu.memory_space<vmem>>)
    %add3A_49 = arith.constant 128 : i32
    %add3A_50 = arith.addi %add3A_9, %add3A_49 : i32
    %dma_start3A_51 = arith.constant 0 : i32
    %dma_start3A_52 = tpu.memref_slice %arg4[%add3A_50, %dma_start3A_51] : memref<81920x128xf32, #tpu.memory_space<hbm>> -> memref<128x128xf32, #tpu.memory_space<hbm>>
    %dma_start3A_53 = arith.constant 0 : i32
    %dma_start3A_54 = tpu.memref_slice %arg4[%add3A_50, %dma_start3A_53] : memref<81920x128xf32, #tpu.memory_space<hbm>> -> memref<128x128xf32, #tpu.memory_space<hbm>>
    tpu.enqueue_dma source(%arg7 : memref<128x128xf32, #tpu.memory_space<vmem>>) target(%dma_start3A_54 : memref<128x128xf32, #tpu.memory_space<hbm>>) target_semaphore(%arg17 : memref<!tpu.dma_semaphore, #tpu.memory_space<semaphore_mem>>)
    %scan3A = arith.constant 0 : i32
    %scan3A_55 = arith.constant 1 : i32
    %scan3A_56 = arith.constant 3 : i32
    %scan3A_57 = arith.addi %scan3A_55, %scan3A_56 : i32
    %scan3A_58 = arith.constant 1 : i32
    scf.for %scan3A_113 = %scan3A_55 to %scan3A_57 step %scan3A_58  : i32 {
      %mul3A_114 = arith.constant 5 : i32
      %mul3A_115 = arith.muli %scan3A_113, %mul3A_114 : i32
      %add3A_116 = arith.constant 0 : i32
      %add3A_117 = arith.addi %mul3A_115, %add3A_116 : i32
      %dma_wait3A_118 = arith.constant 0 : i32
      %dma_wait3A_119 = tpu.memref_slice %arg4[%add3A_9, %dma_wait3A_118] : memref<81920x128xf32, #tpu.memory_space<hbm>> -> memref<128x128xf32, #tpu.memory_space<hbm>>
      %dma_wait3A_120 = arith.constant 0 : i32
      %dma_wait3A_121 = tpu.memref_slice %arg4[%add3A_9, %dma_wait3A_120] : memref<81920x128xf32, #tpu.memory_space<hbm>> -> memref<128x128xf32, #tpu.memory_space<hbm>>
      tpu.wait_dma2 semaphore(%arg16 : memref<!tpu.dma_semaphore, #tpu.memory_space<semaphore_mem>>) src(%arg6 : memref<128x128xf32, #tpu.memory_space<vmem>>) dst(%dma_wait3A_121 : memref<128x128xf32, #tpu.memory_space<hbm>>)
      %mul3A_122 = arith.constant 128 : i32
      %mul3A_123 = arith.muli %add3A_117, %mul3A_122 : i32
      %dma_start3A_124 = tpu.memref_slice %arg5[%mul3A_123] : memref<2560xi32, #tpu.memory_space<vmem>> -> memref<128xi32, #tpu.memory_space<vmem>>
      %dma_start3A_125 = arith.constant 0 : i32
      %dma_start3A_126 = arith.constant 0 : i32
      %dma_start3A_127 = tpu.memref_slice %arg2[%dma_start3A_125, %dma_start3A_126] : memref<10000x128xf32, #tpu.memory_space<hbm>> -> memref<10000x128xf32, #tpu.memory_space<hbm>>
      tpu.enqueue_indirect_dma source(%dma_start3A_127 : memref<10000x128xf32, #tpu.memory_space<hbm>>) target(%arg6 : memref<128x128xf32, #tpu.memory_space<vmem>>) offsets(%dma_start3A_124 : memref<128xi32, #tpu.memory_space<vmem>>) semaphore(%arg11 : memref<!tpu.dma_semaphore, #tpu.memory_space<semaphore_mem>>)
      %dma_wait3A_128 = arith.constant 0 : i32
      %dma_wait3A_129 = tpu.memref_slice %arg5[%dma_wait3A_128] : memref<2560xi32, #tpu.memory_space<vmem>> -> memref<128xi32, #tpu.memory_space<vmem>>
      %dma_wait3A_130 = arith.constant 0 : i32
      %dma_wait3A_131 = arith.constant 0 : i32
      %dma_wait3A_132 = tpu.memref_slice %arg2[%dma_wait3A_130, %dma_wait3A_131] : memref<10000x128xf32, #tpu.memory_space<hbm>> -> memref<10000x128xf32, #tpu.memory_space<hbm>>
      tpu.wait_indirect_dma semaphore(%arg13 : memref<!tpu.dma_semaphore, #tpu.memory_space<semaphore_mem>>) src(%dma_wait3A_132 : memref<10000x128xf32, #tpu.memory_space<hbm>>) dst(%arg8 : memref<128x128xf32, #tpu.memory_space<vmem>>)
      %sub3A = arith.constant 3 : i32
      %sub3A_133 = arith.subi %add3A_117, %sub3A : i32
      %mul3A_134 = arith.constant 128 : i32
      %mul3A_135 = arith.muli %sub3A_133, %mul3A_134 : i32
      %add3A_136 = arith.addi %add3A_9, %mul3A_135 : i32
      %dma_start3A_137 = arith.constant 0 : i32
      %dma_start3A_138 = tpu.memref_slice %arg4[%add3A_136, %dma_start3A_137] : memref<81920x128xf32, #tpu.memory_space<hbm>> -> memref<128x128xf32, #tpu.memory_space<hbm>>
      %dma_start3A_139 = arith.constant 0 : i32
      %dma_start3A_140 = tpu.memref_slice %arg4[%add3A_136, %dma_start3A_139] : memref<81920x128xf32, #tpu.memory_space<hbm>> -> memref<128x128xf32, #tpu.memory_space<hbm>>
      tpu.enqueue_dma source(%arg8 : memref<128x128xf32, #tpu.memory_space<vmem>>) target(%dma_start3A_140 : memref<128x128xf32, #tpu.memory_space<hbm>>) target_semaphore(%arg18 : memref<!tpu.dma_semaphore, #tpu.memory_space<semaphore_mem>>)
      %mul3A_141 = arith.constant 5 : i32
      %mul3A_142 = arith.muli %scan3A_113, %mul3A_141 : i32
      %add3A_143 = arith.constant 1 : i32
      %add3A_144 = arith.addi %mul3A_142, %add3A_143 : i32
      %dma_wait3A_145 = arith.constant 0 : i32
      %dma_wait3A_146 = tpu.memref_slice %arg4[%add3A_9, %dma_wait3A_145] : memref<81920x128xf32, #tpu.memory_space<hbm>> -> memref<128x128xf32, #tpu.memory_space<hbm>>
      %dma_wait3A_147 = arith.constant 0 : i32
      %dma_wait3A_148 = tpu.memref_slice %arg4[%add3A_9, %dma_wait3A_147] : memref<81920x128xf32, #tpu.memory_space<hbm>> -> memref<128x128xf32, #tpu.memory_space<hbm>>
      tpu.wait_dma2 semaphore(%arg17 : memref<!tpu.dma_semaphore, #tpu.memory_space<semaphore_mem>>) src(%arg7 : memref<128x128xf32, #tpu.memory_space<vmem>>) dst(%dma_wait3A_148 : memref<128x128xf32, #tpu.memory_space<hbm>>)
      %mul3A_149 = arith.constant 128 : i32
      %mul3A_150 = arith.muli %add3A_144, %mul3A_149 : i32
      %dma_start3A_151 = tpu.memref_slice %arg5[%mul3A_150] : memref<2560xi32, #tpu.memory_space<vmem>> -> memref<128xi32, #tpu.memory_space<vmem>>
      %dma_start3A_152 = arith.constant 0 : i32
      %dma_start3A_153 = arith.constant 0 : i32
      %dma_start3A_154 = tpu.memref_slice %arg2[%dma_start3A_152, %dma_start3A_153] : memref<10000x128xf32, #tpu.memory_space<hbm>> -> memref<10000x128xf32, #tpu.memory_space<hbm>>
      tpu.enqueue_indirect_dma source(%dma_start3A_154 : memref<10000x128xf32, #tpu.memory_space<hbm>>) target(%arg7 : memref<128x128xf32, #tpu.memory_space<vmem>>) offsets(%dma_start3A_151 : memref<128xi32, #tpu.memory_space<vmem>>) semaphore(%arg12 : memref<!tpu.dma_semaphore, #tpu.memory_space<semaphore_mem>>)
      %dma_wait3A_155 = arith.constant 0 : i32
      %dma_wait3A_156 = tpu.memref_slice %arg5[%dma_wait3A_155] : memref<2560xi32, #tpu.memory_space<vmem>> -> memref<128xi32, #tpu.memory_space<vmem>>
      %dma_wait3A_157 = arith.constant 0 : i32
      %dma_wait3A_158 = arith.constant 0 : i32
      %dma_wait3A_159 = tpu.memref_slice %arg2[%dma_wait3A_157, %dma_wait3A_158] : memref<10000x128xf32, #tpu.memory_space<hbm>> -> memref<10000x128xf32, #tpu.memory_space<hbm>>
      tpu.wait_indirect_dma semaphore(%arg14 : memref<!tpu.dma_semaphore, #tpu.memory_space<semaphore_mem>>) src(%dma_wait3A_159 : memref<10000x128xf32, #tpu.memory_space<hbm>>) dst(%arg9 : memref<128x128xf32, #tpu.memory_space<vmem>>)
      %sub3A_160 = arith.constant 3 : i32
      %sub3A_161 = arith.subi %add3A_144, %sub3A_160 : i32
      %mul3A_162 = arith.constant 128 : i32
      %mul3A_163 = arith.muli %sub3A_161, %mul3A_162 : i32
      %add3A_164 = arith.addi %add3A_9, %mul3A_163 : i32
      %dma_start3A_165 = arith.constant 0 : i32
      %dma_start3A_166 = tpu.memref_slice %arg4[%add3A_164, %dma_start3A_165] : memref<81920x128xf32, #tpu.memory_space<hbm>> -> memref<128x128xf32, #tpu.memory_space<hbm>>
      %dma_start3A_167 = arith.constant 0 : i32
      %dma_start3A_168 = tpu.memref_slice %arg4[%add3A_164, %dma_start3A_167] : memref<81920x128xf32, #tpu.memory_space<hbm>> -> memref<128x128xf32, #tpu.memory_space<hbm>>
      tpu.enqueue_dma source(%arg9 : memref<128x128xf32, #tpu.memory_space<vmem>>) target(%dma_start3A_168 : memref<128x128xf32, #tpu.memory_space<hbm>>) target_semaphore(%arg19 : memref<!tpu.dma_semaphore, #tpu.memory_space<semaphore_mem>>)
      %mul3A_169 = arith.constant 5 : i32
      %mul3A_170 = arith.muli %scan3A_113, %mul3A_169 : i32
      %add3A_171 = arith.constant 2 : i32
      %add3A_172 = arith.addi %mul3A_170, %add3A_171 : i32
      %dma_wait3A_173 = arith.constant 0 : i32
      %dma_wait3A_174 = tpu.memref_slice %arg4[%add3A_9, %dma_wait3A_173] : memref<81920x128xf32, #tpu.memory_space<hbm>> -> memref<128x128xf32, #tpu.memory_space<hbm>>
      %dma_wait3A_175 = arith.constant 0 : i32
      %dma_wait3A_176 = tpu.memref_slice %arg4[%add3A_9, %dma_wait3A_175] : memref<81920x128xf32, #tpu.memory_space<hbm>> -> memref<128x128xf32, #tpu.memory_space<hbm>>
      tpu.wait_dma2 semaphore(%arg18 : memref<!tpu.dma_semaphore, #tpu.memory_space<semaphore_mem>>) src(%arg8 : memref<128x128xf32, #tpu.memory_space<vmem>>) dst(%dma_wait3A_176 : memref<128x128xf32, #tpu.memory_space<hbm>>)
      %mul3A_177 = arith.constant 128 : i32
      %mul3A_178 = arith.muli %add3A_172, %mul3A_177 : i32
      %dma_start3A_179 = tpu.memref_slice %arg5[%mul3A_178] : memref<2560xi32, #tpu.memory_space<vmem>> -> memref<128xi32, #tpu.memory_space<vmem>>
      %dma_start3A_180 = arith.constant 0 : i32
      %dma_start3A_181 = arith.constant 0 : i32
      %dma_start3A_182 = tpu.memref_slice %arg2[%dma_start3A_180, %dma_start3A_181] : memref<10000x128xf32, #tpu.memory_space<hbm>> -> memref<10000x128xf32, #tpu.memory_space<hbm>>
      tpu.enqueue_indirect_dma source(%dma_start3A_182 : memref<10000x128xf32, #tpu.memory_space<hbm>>) target(%arg8 : memref<128x128xf32, #tpu.memory_space<vmem>>) offsets(%dma_start3A_179 : memref<128xi32, #tpu.memory_space<vmem>>) semaphore(%arg13 : memref<!tpu.dma_semaphore, #tpu.memory_space<semaphore_mem>>)
      %dma_wait3A_183 = arith.constant 0 : i32
      %dma_wait3A_184 = tpu.memref_slice %arg5[%dma_wait3A_183] : memref<2560xi32, #tpu.memory_space<vmem>> -> memref<128xi32, #tpu.memory_space<vmem>>
      %dma_wait3A_185 = arith.constant 0 : i32
      %dma_wait3A_186 = arith.constant 0 : i32
      %dma_wait3A_187 = tpu.memref_slice %arg2[%dma_wait3A_185, %dma_wait3A_186] : memref<10000x128xf32, #tpu.memory_space<hbm>> -> memref<10000x128xf32, #tpu.memory_space<hbm>>
      tpu.wait_indirect_dma semaphore(%arg15 : memref<!tpu.dma_semaphore, #tpu.memory_space<semaphore_mem>>) src(%dma_wait3A_187 : memref<10000x128xf32, #tpu.memory_space<hbm>>) dst(%arg10 : memref<128x128xf32, #tpu.memory_space<vmem>>)
      %sub3A_188 = arith.constant 3 : i32
      %sub3A_189 = arith.subi %add3A_172, %sub3A_188 : i32
      %mul3A_190 = arith.constant 128 : i32
      %mul3A_191 = arith.muli %sub3A_189, %mul3A_190 : i32
      %add3A_192 = arith.addi %add3A_9, %mul3A_191 : i32
      %dma_start3A_193 = arith.constant 0 : i32
      %dma_start3A_194 = tpu.memref_slice %arg4[%add3A_192, %dma_start3A_193] : memref<81920x128xf32, #tpu.memory_space<hbm>> -> memref<128x128xf32, #tpu.memory_space<hbm>>
      %dma_start3A_195 = arith.constant 0 : i32
      %dma_start3A_196 = tpu.memref_slice %arg4[%add3A_192, %dma_start3A_195] : memref<81920x128xf32, #tpu.memory_space<hbm>> -> memref<128x128xf32, #tpu.memory_space<hbm>>
      tpu.enqueue_dma source(%arg10 : memref<128x128xf32, #tpu.memory_space<vmem>>) target(%dma_start3A_196 : memref<128x128xf32, #tpu.memory_space<hbm>>) target_semaphore(%arg20 : memref<!tpu.dma_semaphore, #tpu.memory_space<semaphore_mem>>)
      %mul3A_197 = arith.constant 5 : i32
      %mul3A_198 = arith.muli %scan3A_113, %mul3A_197 : i32
      %add3A_199 = arith.constant 3 : i32
      %add3A_200 = arith.addi %mul3A_198, %add3A_199 : i32
      %dma_wait3A_201 = arith.constant 0 : i32
      %dma_wait3A_202 = tpu.memref_slice %arg4[%add3A_9, %dma_wait3A_201] : memref<81920x128xf32, #tpu.memory_space<hbm>> -> memref<128x128xf32, #tpu.memory_space<hbm>>
      %dma_wait3A_203 = arith.constant 0 : i32
      %dma_wait3A_204 = tpu.memref_slice %arg4[%add3A_9, %dma_wait3A_203] : memref<81920x128xf32, #tpu.memory_space<hbm>> -> memref<128x128xf32, #tpu.memory_space<hbm>>
      tpu.wait_dma2 semaphore(%arg19 : memref<!tpu.dma_semaphore, #tpu.memory_space<semaphore_mem>>) src(%arg9 : memref<128x128xf32, #tpu.memory_space<vmem>>) dst(%dma_wait3A_204 : memref<128x128xf32, #tpu.memory_space<hbm>>)
      %mul3A_205 = arith.constant 128 : i32
      %mul3A_206 = arith.muli %add3A_200, %mul3A_205 : i32
      %dma_start3A_207 = tpu.memref_slice %arg5[%mul3A_206] : memref<2560xi32, #tpu.memory_space<vmem>> -> memref<128xi32, #tpu.memory_space<vmem>>
      %dma_start3A_208 = arith.constant 0 : i32
      %dma_start3A_209 = arith.constant 0 : i32
      %dma_start3A_210 = tpu.memref_slice %arg2[%dma_start3A_208, %dma_start3A_209] : memref<10000x128xf32, #tpu.memory_space<hbm>> -> memref<10000x128xf32, #tpu.memory_space<hbm>>
      tpu.enqueue_indirect_dma source(%dma_start3A_210 : memref<10000x128xf32, #tpu.memory_space<hbm>>) target(%arg9 : memref<128x128xf32, #tpu.memory_space<vmem>>) offsets(%dma_start3A_207 : memref<128xi32, #tpu.memory_space<vmem>>) semaphore(%arg14 : memref<!tpu.dma_semaphore, #tpu.memory_space<semaphore_mem>>)
      %dma_wait3A_211 = arith.constant 0 : i32
      %dma_wait3A_212 = tpu.memref_slice %arg5[%dma_wait3A_211] : memref<2560xi32, #tpu.memory_space<vmem>> -> memref<128xi32, #tpu.memory_space<vmem>>
      %dma_wait3A_213 = arith.constant 0 : i32
      %dma_wait3A_214 = arith.constant 0 : i32
      %dma_wait3A_215 = tpu.memref_slice %arg2[%dma_wait3A_213, %dma_wait3A_214] : memref<10000x128xf32, #tpu.memory_space<hbm>> -> memref<10000x128xf32, #tpu.memory_space<hbm>>
      tpu.wait_indirect_dma semaphore(%arg11 : memref<!tpu.dma_semaphore, #tpu.memory_space<semaphore_mem>>) src(%dma_wait3A_215 : memref<10000x128xf32, #tpu.memory_space<hbm>>) dst(%arg6 : memref<128x128xf32, #tpu.memory_space<vmem>>)
      %sub3A_216 = arith.constant 3 : i32
      %sub3A_217 = arith.subi %add3A_200, %sub3A_216 : i32
      %mul3A_218 = arith.constant 128 : i32
      %mul3A_219 = arith.muli %sub3A_217, %mul3A_218 : i32
      %add3A_220 = arith.addi %add3A_9, %mul3A_219 : i32
      %dma_start3A_221 = arith.constant 0 : i32
      %dma_start3A_222 = tpu.memref_slice %arg4[%add3A_220, %dma_start3A_221] : memref<81920x128xf32, #tpu.memory_space<hbm>> -> memref<128x128xf32, #tpu.memory_space<hbm>>
      %dma_start3A_223 = arith.constant 0 : i32
      %dma_start3A_224 = tpu.memref_slice %arg4[%add3A_220, %dma_start3A_223] : memref<81920x128xf32, #tpu.memory_space<hbm>> -> memref<128x128xf32, #tpu.memory_space<hbm>>
      tpu.enqueue_dma source(%arg6 : memref<128x128xf32, #tpu.memory_space<vmem>>) target(%dma_start3A_224 : memref<128x128xf32, #tpu.memory_space<hbm>>) target_semaphore(%arg16 : memref<!tpu.dma_semaphore, #tpu.memory_space<semaphore_mem>>)
      %mul3A_225 = arith.constant 5 : i32
      %mul3A_226 = arith.muli %scan3A_113, %mul3A_225 : i32
      %add3A_227 = arith.constant 4 : i32
      %add3A_228 = arith.addi %mul3A_226, %add3A_227 : i32
      %dma_wait3A_229 = arith.constant 0 : i32
      %dma_wait3A_230 = tpu.memref_slice %arg4[%add3A_9, %dma_wait3A_229] : memref<81920x128xf32, #tpu.memory_space<hbm>> -> memref<128x128xf32, #tpu.memory_space<hbm>>
      %dma_wait3A_231 = arith.constant 0 : i32
      %dma_wait3A_232 = tpu.memref_slice %arg4[%add3A_9, %dma_wait3A_231] : memref<81920x128xf32, #tpu.memory_space<hbm>> -> memref<128x128xf32, #tpu.memory_space<hbm>>
      tpu.wait_dma2 semaphore(%arg20 : memref<!tpu.dma_semaphore, #tpu.memory_space<semaphore_mem>>) src(%arg10 : memref<128x128xf32, #tpu.memory_space<vmem>>) dst(%dma_wait3A_232 : memref<128x128xf32, #tpu.memory_space<hbm>>)
      %mul3A_233 = arith.constant 128 : i32
      %mul3A_234 = arith.muli %add3A_228, %mul3A_233 : i32
      %dma_start3A_235 = tpu.memref_slice %arg5[%mul3A_234] : memref<2560xi32, #tpu.memory_space<vmem>> -> memref<128xi32, #tpu.memory_space<vmem>>
      %dma_start3A_236 = arith.constant 0 : i32
      %dma_start3A_237 = arith.constant 0 : i32
      %dma_start3A_238 = tpu.memref_slice %arg2[%dma_start3A_236, %dma_start3A_237] : memref<10000x128xf32, #tpu.memory_space<hbm>> -> memref<10000x128xf32, #tpu.memory_space<hbm>>
      tpu.enqueue_indirect_dma source(%dma_start3A_238 : memref<10000x128xf32, #tpu.memory_space<hbm>>) target(%arg10 : memref<128x128xf32, #tpu.memory_space<vmem>>) offsets(%dma_start3A_235 : memref<128xi32, #tpu.memory_space<vmem>>) semaphore(%arg15 : memref<!tpu.dma_semaphore, #tpu.memory_space<semaphore_mem>>)
      %dma_wait3A_239 = arith.constant 0 : i32
      %dma_wait3A_240 = tpu.memref_slice %arg5[%dma_wait3A_239] : memref<2560xi32, #tpu.memory_space<vmem>> -> memref<128xi32, #tpu.memory_space<vmem>>
      %dma_wait3A_241 = arith.constant 0 : i32
      %dma_wait3A_242 = arith.constant 0 : i32
      %dma_wait3A_243 = tpu.memref_slice %arg2[%dma_wait3A_241, %dma_wait3A_242] : memref<10000x128xf32, #tpu.memory_space<hbm>> -> memref<10000x128xf32, #tpu.memory_space<hbm>>
      tpu.wait_indirect_dma semaphore(%arg12 : memref<!tpu.dma_semaphore, #tpu.memory_space<semaphore_mem>>) src(%dma_wait3A_243 : memref<10000x128xf32, #tpu.memory_space<hbm>>) dst(%arg7 : memref<128x128xf32, #tpu.memory_space<vmem>>)
      %sub3A_244 = arith.constant 3 : i32
      %sub3A_245 = arith.subi %add3A_228, %sub3A_244 : i32
      %mul3A_246 = arith.constant 128 : i32
      %mul3A_247 = arith.muli %sub3A_245, %mul3A_246 : i32
      %add3A_248 = arith.addi %add3A_9, %mul3A_247 : i32
      %dma_start3A_249 = arith.constant 0 : i32
      %dma_start3A_250 = tpu.memref_slice %arg4[%add3A_248, %dma_start3A_249] : memref<81920x128xf32, #tpu.memory_space<hbm>> -> memref<128x128xf32, #tpu.memory_space<hbm>>
      %dma_start3A_251 = arith.constant 0 : i32
      %dma_start3A_252 = tpu.memref_slice %arg4[%add3A_248, %dma_start3A_251] : memref<81920x128xf32, #tpu.memory_space<hbm>> -> memref<128x128xf32, #tpu.memory_space<hbm>>
      tpu.enqueue_dma source(%arg7 : memref<128x128xf32, #tpu.memory_space<vmem>>) target(%dma_start3A_252 : memref<128x128xf32, #tpu.memory_space<hbm>>) target_semaphore(%arg17 : memref<!tpu.dma_semaphore, #tpu.memory_space<semaphore_mem>>)
    }
    %scan3A_59 = arith.constant 3 : i32
    %dma_wait3A_60 = arith.constant 0 : i32
    %dma_wait3A_61 = tpu.memref_slice %arg5[%dma_wait3A_60] : memref<2560xi32, #tpu.memory_space<vmem>> -> memref<128xi32, #tpu.memory_space<vmem>>
    %dma_wait3A_62 = arith.constant 0 : i32
    %dma_wait3A_63 = arith.constant 0 : i32
    %dma_wait3A_64 = tpu.memref_slice %arg2[%dma_wait3A_62, %dma_wait3A_63] : memref<10000x128xf32, #tpu.memory_space<hbm>> -> memref<10000x128xf32, #tpu.memory_space<hbm>>
    tpu.wait_indirect_dma semaphore(%arg13 : memref<!tpu.dma_semaphore, #tpu.memory_space<semaphore_mem>>) src(%dma_wait3A_64 : memref<10000x128xf32, #tpu.memory_space<hbm>>) dst(%arg8 : memref<128x128xf32, #tpu.memory_space<vmem>>)
    %add3A_65 = arith.constant 2176 : i32
    %add3A_66 = arith.addi %add3A_9, %add3A_65 : i32
    %dma_start3A_67 = arith.constant 0 : i32
    %dma_start3A_68 = tpu.memref_slice %arg4[%add3A_66, %dma_start3A_67] : memref<81920x128xf32, #tpu.memory_space<hbm>> -> memref<128x128xf32, #tpu.memory_space<hbm>>
    %dma_start3A_69 = arith.constant 0 : i32
    %dma_start3A_70 = tpu.memref_slice %arg4[%add3A_66, %dma_start3A_69] : memref<81920x128xf32, #tpu.memory_space<hbm>> -> memref<128x128xf32, #tpu.memory_space<hbm>>
    tpu.enqueue_dma source(%arg8 : memref<128x128xf32, #tpu.memory_space<vmem>>) target(%dma_start3A_70 : memref<128x128xf32, #tpu.memory_space<hbm>>) target_semaphore(%arg18 : memref<!tpu.dma_semaphore, #tpu.memory_space<semaphore_mem>>)
    %dma_wait3A_71 = arith.constant 0 : i32
    %dma_wait3A_72 = tpu.memref_slice %arg5[%dma_wait3A_71] : memref<2560xi32, #tpu.memory_space<vmem>> -> memref<128xi32, #tpu.memory_space<vmem>>
    %dma_wait3A_73 = arith.constant 0 : i32
    %dma_wait3A_74 = arith.constant 0 : i32
    %dma_wait3A_75 = tpu.memref_slice %arg2[%dma_wait3A_73, %dma_wait3A_74] : memref<10000x128xf32, #tpu.memory_space<hbm>> -> memref<10000x128xf32, #tpu.memory_space<hbm>>
    tpu.wait_indirect_dma semaphore(%arg14 : memref<!tpu.dma_semaphore, #tpu.memory_space<semaphore_mem>>) src(%dma_wait3A_75 : memref<10000x128xf32, #tpu.memory_space<hbm>>) dst(%arg9 : memref<128x128xf32, #tpu.memory_space<vmem>>)
    %add3A_76 = arith.constant 2304 : i32
    %add3A_77 = arith.addi %add3A_9, %add3A_76 : i32
    %dma_start3A_78 = arith.constant 0 : i32
    %dma_start3A_79 = tpu.memref_slice %arg4[%add3A_77, %dma_start3A_78] : memref<81920x128xf32, #tpu.memory_space<hbm>> -> memref<128x128xf32, #tpu.memory_space<hbm>>
    %dma_start3A_80 = arith.constant 0 : i32
    %dma_start3A_81 = tpu.memref_slice %arg4[%add3A_77, %dma_start3A_80] : memref<81920x128xf32, #tpu.memory_space<hbm>> -> memref<128x128xf32, #tpu.memory_space<hbm>>
    tpu.enqueue_dma source(%arg9 : memref<128x128xf32, #tpu.memory_space<vmem>>) target(%dma_start3A_81 : memref<128x128xf32, #tpu.memory_space<hbm>>) target_semaphore(%arg19 : memref<!tpu.dma_semaphore, #tpu.memory_space<semaphore_mem>>)
    %dma_wait3A_82 = arith.constant 0 : i32
    %dma_wait3A_83 = tpu.memref_slice %arg5[%dma_wait3A_82] : memref<2560xi32, #tpu.memory_space<vmem>> -> memref<128xi32, #tpu.memory_space<vmem>>
    %dma_wait3A_84 = arith.constant 0 : i32
    %dma_wait3A_85 = arith.constant 0 : i32
    %dma_wait3A_86 = tpu.memref_slice %arg2[%dma_wait3A_84, %dma_wait3A_85] : memref<10000x128xf32, #tpu.memory_space<hbm>> -> memref<10000x128xf32, #tpu.memory_space<hbm>>
    tpu.wait_indirect_dma semaphore(%arg15 : memref<!tpu.dma_semaphore, #tpu.memory_space<semaphore_mem>>) src(%dma_wait3A_86 : memref<10000x128xf32, #tpu.memory_space<hbm>>) dst(%arg10 : memref<128x128xf32, #tpu.memory_space<vmem>>)
    %add3A_87 = arith.constant 2432 : i32
    %add3A_88 = arith.addi %add3A_9, %add3A_87 : i32
    %dma_start3A_89 = arith.constant 0 : i32
    %dma_start3A_90 = tpu.memref_slice %arg4[%add3A_88, %dma_start3A_89] : memref<81920x128xf32, #tpu.memory_space<hbm>> -> memref<128x128xf32, #tpu.memory_space<hbm>>
    %dma_start3A_91 = arith.constant 0 : i32
    %dma_start3A_92 = tpu.memref_slice %arg4[%add3A_88, %dma_start3A_91] : memref<81920x128xf32, #tpu.memory_space<hbm>> -> memref<128x128xf32, #tpu.memory_space<hbm>>
    tpu.enqueue_dma source(%arg10 : memref<128x128xf32, #tpu.memory_space<vmem>>) target(%dma_start3A_92 : memref<128x128xf32, #tpu.memory_space<hbm>>) target_semaphore(%arg20 : memref<!tpu.dma_semaphore, #tpu.memory_space<semaphore_mem>>)
    %dma_wait3A_93 = arith.constant 0 : i32
    %dma_wait3A_94 = tpu.memref_slice %arg4[%add3A_9, %dma_wait3A_93] : memref<81920x128xf32, #tpu.memory_space<hbm>> -> memref<128x128xf32, #tpu.memory_space<hbm>>
    %dma_wait3A_95 = arith.constant 0 : i32
    %dma_wait3A_96 = tpu.memref_slice %arg4[%add3A_9, %dma_wait3A_95] : memref<81920x128xf32, #tpu.memory_space<hbm>> -> memref<128x128xf32, #tpu.memory_space<hbm>>
    tpu.wait_dma2 semaphore(%arg16 : memref<!tpu.dma_semaphore, #tpu.memory_space<semaphore_mem>>) src(%arg6 : memref<128x128xf32, #tpu.memory_space<vmem>>) dst(%dma_wait3A_96 : memref<128x128xf32, #tpu.memory_space<hbm>>)
    %dma_wait3A_97 = arith.constant 0 : i32
    %dma_wait3A_98 = tpu.memref_slice %arg4[%add3A_9, %dma_wait3A_97] : memref<81920x128xf32, #tpu.memory_space<hbm>> -> memref<128x128xf32, #tpu.memory_space<hbm>>
    %dma_wait3A_99 = arith.constant 0 : i32
    %dma_wait3A_100 = tpu.memref_slice %arg4[%add3A_9, %dma_wait3A_99] : memref<81920x128xf32, #tpu.memory_space<hbm>> -> memref<128x128xf32, #tpu.memory_space<hbm>>
    tpu.wait_dma2 semaphore(%arg17 : memref<!tpu.dma_semaphore, #tpu.memory_space<semaphore_mem>>) src(%arg7 : memref<128x128xf32, #tpu.memory_space<vmem>>) dst(%dma_wait3A_100 : memref<128x128xf32, #tpu.memory_space<hbm>>)
    %dma_wait3A_101 = arith.constant 0 : i32
    %dma_wait3A_102 = tpu.memref_slice %arg4[%add3A_9, %dma_wait3A_101] : memref<81920x128xf32, #tpu.memory_space<hbm>> -> memref<128x128xf32, #tpu.memory_space<hbm>>
    %dma_wait3A_103 = arith.constant 0 : i32
    %dma_wait3A_104 = tpu.memref_slice %arg4[%add3A_9, %dma_wait3A_103] : memref<81920x128xf32, #tpu.memory_space<hbm>> -> memref<128x128xf32, #tpu.memory_space<hbm>>
    tpu.wait_dma2 semaphore(%arg18 : memref<!tpu.dma_semaphore, #tpu.memory_space<semaphore_mem>>) src(%arg8 : memref<128x128xf32, #tpu.memory_space<vmem>>) dst(%dma_wait3A_104 : memref<128x128xf32, #tpu.memory_space<hbm>>)
    %dma_wait3A_105 = arith.constant 0 : i32
    %dma_wait3A_106 = tpu.memref_slice %arg4[%add3A_9, %dma_wait3A_105] : memref<81920x128xf32, #tpu.memory_space<hbm>> -> memref<128x128xf32, #tpu.memory_space<hbm>>
    %dma_wait3A_107 = arith.constant 0 : i32
    %dma_wait3A_108 = tpu.memref_slice %arg4[%add3A_9, %dma_wait3A_107] : memref<81920x128xf32, #tpu.memory_space<hbm>> -> memref<128x128xf32, #tpu.memory_space<hbm>>
    tpu.wait_dma2 semaphore(%arg19 : memref<!tpu.dma_semaphore, #tpu.memory_space<semaphore_mem>>) src(%arg9 : memref<128x128xf32, #tpu.memory_space<vmem>>) dst(%dma_wait3A_108 : memref<128x128xf32, #tpu.memory_space<hbm>>)
    %dma_wait3A_109 = arith.constant 0 : i32
    %dma_wait3A_110 = tpu.memref_slice %arg4[%add3A_9, %dma_wait3A_109] : memref<81920x128xf32, #tpu.memory_space<hbm>> -> memref<128x128xf32, #tpu.memory_space<hbm>>
    %dma_wait3A_111 = arith.constant 0 : i32
    %dma_wait3A_112 = tpu.memref_slice %arg4[%add3A_9, %dma_wait3A_111] : memref<81920x128xf32, #tpu.memory_space<hbm>> -> memref<128x128xf32, #tpu.memory_space<hbm>>
    tpu.wait_dma2 semaphore(%arg20 : memref<!tpu.dma_semaphore, #tpu.memory_space<semaphore_mem>>) src(%arg10 : memref<128x128xf32, #tpu.memory_space<vmem>>) dst(%dma_wait3A_112 : memref<128x128xf32, #tpu.memory_space<hbm>>)
    return
  }
}

#map = affine_map<(d0, d1) -> (0, 0)>
#map1 = affine_map<(d0, d1) -> (0)>
module attributes {stable_mosaic.version = 14 : i64} {
  func.func @gather_kernel(%arg0: i32, %arg1: i32, %arg2: memref<10240x128xi32, #tpu.memory_space<hbm>>, %arg3: memref<163840xi32, #tpu.memory_space<hbm>>, %arg4: memref<81920x128xi32, #tpu.memory_space<hbm>>, %arg5: memref<2560xi32, #tpu.memory_space<vmem>>, %arg6: memref<128x128xi32, #tpu.memory_space<vmem>>, %arg7: memref<128x128xi32, #tpu.memory_space<vmem>>, %arg8: memref<128x128xi32, #tpu.memory_space<vmem>>, %arg9: memref<128x128xi32, #tpu.memory_space<vmem>>, %arg10: memref<128x128xi32, #tpu.memory_space<vmem>>, %arg11: memref<!tpu.dma_semaphore, #tpu.memory_space<semaphore_mem>>, %arg12: memref<!tpu.dma_semaphore, #tpu.memory_space<semaphore_mem>>, %arg13: memref<!tpu.dma_semaphore, #tpu.memory_space<semaphore_mem>>, %arg14: memref<!tpu.dma_semaphore, #tpu.memory_space<semaphore_mem>>, %arg15: memref<!tpu.dma_semaphore, #tpu.memory_space<semaphore_mem>>, %arg16: memref<!tpu.dma_semaphore, #tpu.memory_space<semaphore_mem>>, %arg17: memref<!tpu.dma_semaphore, #tpu.memory_space<semaphore_mem>>, %arg18: memref<!tpu.dma_semaphore, #tpu.memory_space<semaphore_mem>>, %arg19: memref<!tpu.dma_semaphore, #tpu.memory_space<semaphore_mem>>, %arg20: memref<!tpu.dma_semaphore, #tpu.memory_space<semaphore_mem>>) attributes {dimension_semantics = [#tpu.dimension_semantics<core_parallel>, #tpu.dimension_semantics<subcore_parallel>], iteration_bounds = array<i64: 2, 16>, scalar_prefetch = 0 : i64, scratch_operands = 16 : i64, tpu.core_type = #tpu.core_type<sc_vector_subcore>, window_params = [{transform_indices = #map}, {transform_indices = #map1}, {transform_indices = #map}]} {
    %mul3A = arith.constant 10240 : i32
    %mul3A_0 = arith.muli %arg1, %mul3A : i32
    %add3A = arith.constant 0 : i32
    %add3A_1 = arith.addi %mul3A_0, %add3A : i32
    %mul3A_2 = arith.constant 2560 : i32
    %mul3A_3 = arith.muli %arg0, %mul3A_2 : i32
    %add3A_4 = arith.addi %add3A_1, %mul3A_3 : i32
    %mul3A_5 = arith.constant 5120 : i32
    %mul3A_6 = arith.muli %arg1, %mul3A_5 : i32
    %mul3A_7 = arith.constant 2560 : i32
    %mul3A_8 = arith.muli %arg0, %mul3A_7 : i32
    %add3A_9 = arith.addi %mul3A_6, %mul3A_8 : i32
    "tpu.region"() ({
      %run_scoped3A = tpu.sem_alloc : memref<!tpu.dma_semaphore, #tpu.memory_space<semaphore_mem>>
      %dma_start3A_113 = tpu.memref_slice %arg3[%add3A_4] : memref<163840xi32, #tpu.memory_space<hbm>> -> memref<2560xi32, #tpu.memory_space<hbm>>
      %dma_start3A_114 = tpu.memref_slice %arg3[%add3A_4] : memref<163840xi32, #tpu.memory_space<hbm>> -> memref<2560xi32, #tpu.memory_space<hbm>>
      tpu.enqueue_dma source(%dma_start3A_114 : memref<2560xi32, #tpu.memory_space<hbm>>) target(%arg5 : memref<2560xi32, #tpu.memory_space<vmem>>) target_semaphore(%run_scoped3A : memref<!tpu.dma_semaphore, #tpu.memory_space<semaphore_mem>>)
      %dma_wait3A_115 = tpu.memref_slice %arg3[%add3A_4] : memref<163840xi32, #tpu.memory_space<hbm>> -> memref<2560xi32, #tpu.memory_space<hbm>>
      %dma_wait3A_116 = tpu.memref_slice %arg3[%add3A_4] : memref<163840xi32, #tpu.memory_space<hbm>> -> memref<2560xi32, #tpu.memory_space<hbm>>
      tpu.wait_dma2 semaphore(%run_scoped3A : memref<!tpu.dma_semaphore, #tpu.memory_space<semaphore_mem>>) src(%dma_wait3A_116 : memref<2560xi32, #tpu.memory_space<hbm>>) dst(%arg5 : memref<2560xi32, #tpu.memory_space<vmem>>)
      tpu.yield
    }) : () -> ()
    %dma_start3A = arith.constant 0 : i32
    %dma_start3A_10 = tpu.memref_slice %arg5[%dma_start3A] : memref<2560xi32, #tpu.memory_space<vmem>> -> memref<128xi32, #tpu.memory_space<vmem>>
    %dma_start3A_11 = arith.constant 0 : i32
    %dma_start3A_12 = arith.constant 0 : i32
    %dma_start3A_13 = tpu.memref_slice %arg2[%dma_start3A_11, %dma_start3A_12] : memref<10240x128xi32, #tpu.memory_space<hbm>> -> memref<10240x128xi32, #tpu.memory_space<hbm>>
    tpu.enqueue_indirect_dma source(%dma_start3A_13 : memref<10240x128xi32, #tpu.memory_space<hbm>>) target(%arg6 : memref<128x128xi32, #tpu.memory_space<vmem>>) offsets(%dma_start3A_10 : memref<128xi32, #tpu.memory_space<vmem>>) semaphore(%arg11 : memref<!tpu.dma_semaphore, #tpu.memory_space<semaphore_mem>>)
    %dma_start3A_14 = arith.constant 128 : i32
    %dma_start3A_15 = tpu.memref_slice %arg5[%dma_start3A_14] : memref<2560xi32, #tpu.memory_space<vmem>> -> memref<128xi32, #tpu.memory_space<vmem>>
    %dma_start3A_16 = arith.constant 0 : i32
    %dma_start3A_17 = arith.constant 0 : i32
    %dma_start3A_18 = tpu.memref_slice %arg2[%dma_start3A_16, %dma_start3A_17] : memref<10240x128xi32, #tpu.memory_space<hbm>> -> memref<10240x128xi32, #tpu.memory_space<hbm>>
    tpu.enqueue_indirect_dma source(%dma_start3A_18 : memref<10240x128xi32, #tpu.memory_space<hbm>>) target(%arg7 : memref<128x128xi32, #tpu.memory_space<vmem>>) offsets(%dma_start3A_15 : memref<128xi32, #tpu.memory_space<vmem>>) semaphore(%arg12 : memref<!tpu.dma_semaphore, #tpu.memory_space<semaphore_mem>>)
    %dma_start3A_19 = arith.constant 256 : i32
    %dma_start3A_20 = tpu.memref_slice %arg5[%dma_start3A_19] : memref<2560xi32, #tpu.memory_space<vmem>> -> memref<128xi32, #tpu.memory_space<vmem>>
    %dma_start3A_21 = arith.constant 0 : i32
    %dma_start3A_22 = arith.constant 0 : i32
    %dma_start3A_23 = tpu.memref_slice %arg2[%dma_start3A_21, %dma_start3A_22] : memref<10240x128xi32, #tpu.memory_space<hbm>> -> memref<10240x128xi32, #tpu.memory_space<hbm>>
    tpu.enqueue_indirect_dma source(%dma_start3A_23 : memref<10240x128xi32, #tpu.memory_space<hbm>>) target(%arg8 : memref<128x128xi32, #tpu.memory_space<vmem>>) offsets(%dma_start3A_20 : memref<128xi32, #tpu.memory_space<vmem>>) semaphore(%arg13 : memref<!tpu.dma_semaphore, #tpu.memory_space<semaphore_mem>>)
    %dma_start3A_24 = arith.constant 384 : i32
    %dma_start3A_25 = tpu.memref_slice %arg5[%dma_start3A_24] : memref<2560xi32, #tpu.memory_space<vmem>> -> memref<128xi32, #tpu.memory_space<vmem>>
    %dma_start3A_26 = arith.constant 0 : i32
    %dma_start3A_27 = arith.constant 0 : i32
    %dma_start3A_28 = tpu.memref_slice %arg2[%dma_start3A_26, %dma_start3A_27] : memref<10240x128xi32, #tpu.memory_space<hbm>> -> memref<10240x128xi32, #tpu.memory_space<hbm>>
    tpu.enqueue_indirect_dma source(%dma_start3A_28 : memref<10240x128xi32, #tpu.memory_space<hbm>>) target(%arg9 : memref<128x128xi32, #tpu.memory_space<vmem>>) offsets(%dma_start3A_25 : memref<128xi32, #tpu.memory_space<vmem>>) semaphore(%arg14 : memref<!tpu.dma_semaphore, #tpu.memory_space<semaphore_mem>>)
    %dma_start3A_29 = arith.constant 512 : i32
    %dma_start3A_30 = tpu.memref_slice %arg5[%dma_start3A_29] : memref<2560xi32, #tpu.memory_space<vmem>> -> memref<128xi32, #tpu.memory_space<vmem>>
    %dma_start3A_31 = arith.constant 0 : i32
    %dma_start3A_32 = arith.constant 0 : i32
    %dma_start3A_33 = tpu.memref_slice %arg2[%dma_start3A_31, %dma_start3A_32] : memref<10240x128xi32, #tpu.memory_space<hbm>> -> memref<10240x128xi32, #tpu.memory_space<hbm>>
    tpu.enqueue_indirect_dma source(%dma_start3A_33 : memref<10240x128xi32, #tpu.memory_space<hbm>>) target(%arg10 : memref<128x128xi32, #tpu.memory_space<vmem>>) offsets(%dma_start3A_30 : memref<128xi32, #tpu.memory_space<vmem>>) semaphore(%arg15 : memref<!tpu.dma_semaphore, #tpu.memory_space<semaphore_mem>>)
    %dma_wait3A = arith.constant 0 : i32
    %dma_wait3A_34 = tpu.memref_slice %arg5[%dma_wait3A] : memref<2560xi32, #tpu.memory_space<vmem>> -> memref<128xi32, #tpu.memory_space<vmem>>
    %dma_wait3A_35 = arith.constant 0 : i32
    %dma_wait3A_36 = arith.constant 0 : i32
    %dma_wait3A_37 = tpu.memref_slice %arg2[%dma_wait3A_35, %dma_wait3A_36] : memref<10240x128xi32, #tpu.memory_space<hbm>> -> memref<10240x128xi32, #tpu.memory_space<hbm>>
    tpu.wait_indirect_dma semaphore(%arg11 : memref<!tpu.dma_semaphore, #tpu.memory_space<semaphore_mem>>) src(%dma_wait3A_37 : memref<10240x128xi32, #tpu.memory_space<hbm>>) dst(%arg6 : memref<128x128xi32, #tpu.memory_space<vmem>>)
    %add3A_38 = arith.constant 0 : i32
    %add3A_39 = arith.addi %add3A_9, %add3A_38 : i32
    %dma_start3A_40 = arith.constant 0 : i32
    %dma_start3A_41 = tpu.memref_slice %arg4[%add3A_39, %dma_start3A_40] : memref<81920x128xi32, #tpu.memory_space<hbm>> -> memref<128x128xi32, #tpu.memory_space<hbm>>
    %dma_start3A_42 = arith.constant 0 : i32
    %dma_start3A_43 = tpu.memref_slice %arg4[%add3A_39, %dma_start3A_42] : memref<81920x128xi32, #tpu.memory_space<hbm>> -> memref<128x128xi32, #tpu.memory_space<hbm>>
    tpu.enqueue_dma source(%arg6 : memref<128x128xi32, #tpu.memory_space<vmem>>) target(%dma_start3A_43 : memref<128x128xi32, #tpu.memory_space<hbm>>) target_semaphore(%arg16 : memref<!tpu.dma_semaphore, #tpu.memory_space<semaphore_mem>>)
    %dma_wait3A_44 = arith.constant 0 : i32
    %dma_wait3A_45 = tpu.memref_slice %arg5[%dma_wait3A_44] : memref<2560xi32, #tpu.memory_space<vmem>> -> memref<128xi32, #tpu.memory_space<vmem>>
    %dma_wait3A_46 = arith.constant 0 : i32
    %dma_wait3A_47 = arith.constant 0 : i32
    %dma_wait3A_48 = tpu.memref_slice %arg2[%dma_wait3A_46, %dma_wait3A_47] : memref<10240x128xi32, #tpu.memory_space<hbm>> -> memref<10240x128xi32, #tpu.memory_space<hbm>>
    tpu.wait_indirect_dma semaphore(%arg12 : memref<!tpu.dma_semaphore, #tpu.memory_space<semaphore_mem>>) src(%dma_wait3A_48 : memref<10240x128xi32, #tpu.memory_space<hbm>>) dst(%arg7 : memref<128x128xi32, #tpu.memory_space<vmem>>)
    %add3A_49 = arith.constant 128 : i32
    %add3A_50 = arith.addi %add3A_9, %add3A_49 : i32
    %dma_start3A_51 = arith.constant 0 : i32
    %dma_start3A_52 = tpu.memref_slice %arg4[%add3A_50, %dma_start3A_51] : memref<81920x128xi32, #tpu.memory_space<hbm>> -> memref<128x128xi32, #tpu.memory_space<hbm>>
    %dma_start3A_53 = arith.constant 0 : i32
    %dma_start3A_54 = tpu.memref_slice %arg4[%add3A_50, %dma_start3A_53] : memref<81920x128xi32, #tpu.memory_space<hbm>> -> memref<128x128xi32, #tpu.memory_space<hbm>>
    tpu.enqueue_dma source(%arg7 : memref<128x128xi32, #tpu.memory_space<vmem>>) target(%dma_start3A_54 : memref<128x128xi32, #tpu.memory_space<hbm>>) target_semaphore(%arg17 : memref<!tpu.dma_semaphore, #tpu.memory_space<semaphore_mem>>)
    %scan3A = arith.constant 0 : i32
    %scan3A_55 = arith.constant 1 : i32
    %scan3A_56 = arith.constant 3 : i32
    %scan3A_57 = arith.addi %scan3A_55, %scan3A_56 : i32
    %scan3A_58 = arith.constant 1 : i32
    scf.for %scan3A_113 = %scan3A_55 to %scan3A_57 step %scan3A_58  : i32 {
      %mul3A_114 = arith.constant 5 : i32
      %mul3A_115 = arith.muli %scan3A_113, %mul3A_114 : i32
      %add3A_116 = arith.constant 0 : i32
      %add3A_117 = arith.addi %mul3A_115, %add3A_116 : i32
      %dma_wait3A_118 = arith.constant 0 : i32
      %dma_wait3A_119 = tpu.memref_slice %arg4[%add3A_9, %dma_wait3A_118] : memref<81920x128xi32, #tpu.memory_space<hbm>> -> memref<128x128xi32, #tpu.memory_space<hbm>>
      %dma_wait3A_120 = arith.constant 0 : i32
      %dma_wait3A_121 = tpu.memref_slice %arg4[%add3A_9, %dma_wait3A_120] : memref<81920x128xi32, #tpu.memory_space<hbm>> -> memref<128x128xi32, #tpu.memory_space<hbm>>
      tpu.wait_dma2 semaphore(%arg16 : memref<!tpu.dma_semaphore, #tpu.memory_space<semaphore_mem>>) src(%arg6 : memref<128x128xi32, #tpu.memory_space<vmem>>) dst(%dma_wait3A_121 : memref<128x128xi32, #tpu.memory_space<hbm>>)
      %mul3A_122 = arith.constant 128 : i32
      %mul3A_123 = arith.muli %add3A_117, %mul3A_122 : i32
      %dma_start3A_124 = tpu.memref_slice %arg5[%mul3A_123] : memref<2560xi32, #tpu.memory_space<vmem>> -> memref<128xi32, #tpu.memory_space<vmem>>
      %dma_start3A_125 = arith.constant 0 : i32
      %dma_start3A_126 = arith.constant 0 : i32
      %dma_start3A_127 = tpu.memref_slice %arg2[%dma_start3A_125, %dma_start3A_126] : memref<10240x128xi32, #tpu.memory_space<hbm>> -> memref<10240x128xi32, #tpu.memory_space<hbm>>
      tpu.enqueue_indirect_dma source(%dma_start3A_127 : memref<10240x128xi32, #tpu.memory_space<hbm>>) target(%arg6 : memref<128x128xi32, #tpu.memory_space<vmem>>) offsets(%dma_start3A_124 : memref<128xi32, #tpu.memory_space<vmem>>) semaphore(%arg11 : memref<!tpu.dma_semaphore, #tpu.memory_space<semaphore_mem>>)
      %dma_wait3A_128 = arith.constant 0 : i32
      %dma_wait3A_129 = tpu.memref_slice %arg5[%dma_wait3A_128] : memref<2560xi32, #tpu.memory_space<vmem>> -> memref<128xi32, #tpu.memory_space<vmem>>
      %dma_wait3A_130 = arith.constant 0 : i32
      %dma_wait3A_131 = arith.constant 0 : i32
      %dma_wait3A_132 = tpu.memref_slice %arg2[%dma_wait3A_130, %dma_wait3A_131] : memref<10240x128xi32, #tpu.memory_space<hbm>> -> memref<10240x128xi32, #tpu.memory_space<hbm>>
      tpu.wait_indirect_dma semaphore(%arg13 : memref<!tpu.dma_semaphore, #tpu.memory_space<semaphore_mem>>) src(%dma_wait3A_132 : memref<10240x128xi32, #tpu.memory_space<hbm>>) dst(%arg8 : memref<128x128xi32, #tpu.memory_space<vmem>>)
      %sub3A = arith.constant 3 : i32
      %sub3A_133 = arith.subi %add3A_117, %sub3A : i32
      %mul3A_134 = arith.constant 128 : i32
      %mul3A_135 = arith.muli %sub3A_133, %mul3A_134 : i32
      %add3A_136 = arith.addi %add3A_9, %mul3A_135 : i32
      %dma_start3A_137 = arith.constant 0 : i32
      %dma_start3A_138 = tpu.memref_slice %arg4[%add3A_136, %dma_start3A_137] : memref<81920x128xi32, #tpu.memory_space<hbm>> -> memref<128x128xi32, #tpu.memory_space<hbm>>
      %dma_start3A_139 = arith.constant 0 : i32
      %dma_start3A_140 = tpu.memref_slice %arg4[%add3A_136, %dma_start3A_139] : memref<81920x128xi32, #tpu.memory_space<hbm>> -> memref<128x128xi32, #tpu.memory_space<hbm>>
      tpu.enqueue_dma source(%arg8 : memref<128x128xi32, #tpu.memory_space<vmem>>) target(%dma_start3A_140 : memref<128x128xi32, #tpu.memory_space<hbm>>) target_semaphore(%arg18 : memref<!tpu.dma_semaphore, #tpu.memory_space<semaphore_mem>>)
      %mul3A_141 = arith.constant 5 : i32
      %mul3A_142 = arith.muli %scan3A_113, %mul3A_141 : i32
      %add3A_143 = arith.constant 1 : i32
      %add3A_144 = arith.addi %mul3A_142, %add3A_143 : i32
      %dma_wait3A_145 = arith.constant 0 : i32
      %dma_wait3A_146 = tpu.memref_slice %arg4[%add3A_9, %dma_wait3A_145] : memref<81920x128xi32, #tpu.memory_space<hbm>> -> memref<128x128xi32, #tpu.memory_space<hbm>>
      %dma_wait3A_147 = arith.constant 0 : i32
      %dma_wait3A_148 = tpu.memref_slice %arg4[%add3A_9, %dma_wait3A_147] : memref<81920x128xi32, #tpu.memory_space<hbm>> -> memref<128x128xi32, #tpu.memory_space<hbm>>
      tpu.wait_dma2 semaphore(%arg17 : memref<!tpu.dma_semaphore, #tpu.memory_space<semaphore_mem>>) src(%arg7 : memref<128x128xi32, #tpu.memory_space<vmem>>) dst(%dma_wait3A_148 : memref<128x128xi32, #tpu.memory_space<hbm>>)
      %mul3A_149 = arith.constant 128 : i32
      %mul3A_150 = arith.muli %add3A_144, %mul3A_149 : i32
      %dma_start3A_151 = tpu.memref_slice %arg5[%mul3A_150] : memref<2560xi32, #tpu.memory_space<vmem>> -> memref<128xi32, #tpu.memory_space<vmem>>
      %dma_start3A_152 = arith.constant 0 : i32
      %dma_start3A_153 = arith.constant 0 : i32
      %dma_start3A_154 = tpu.memref_slice %arg2[%dma_start3A_152, %dma_start3A_153] : memref<10240x128xi32, #tpu.memory_space<hbm>> -> memref<10240x128xi32, #tpu.memory_space<hbm>>
      tpu.enqueue_indirect_dma source(%dma_start3A_154 : memref<10240x128xi32, #tpu.memory_space<hbm>>) target(%arg7 : memref<128x128xi32, #tpu.memory_space<vmem>>) offsets(%dma_start3A_151 : memref<128xi32, #tpu.memory_space<vmem>>) semaphore(%arg12 : memref<!tpu.dma_semaphore, #tpu.memory_space<semaphore_mem>>)
      %dma_wait3A_155 = arith.constant 0 : i32
      %dma_wait3A_156 = tpu.memref_slice %arg5[%dma_wait3A_155] : memref<2560xi32, #tpu.memory_space<vmem>> -> memref<128xi32, #tpu.memory_space<vmem>>
      %dma_wait3A_157 = arith.constant 0 : i32
      %dma_wait3A_158 = arith.constant 0 : i32
      %dma_wait3A_159 = tpu.memref_slice %arg2[%dma_wait3A_157, %dma_wait3A_158] : memref<10240x128xi32, #tpu.memory_space<hbm>> -> memref<10240x128xi32, #tpu.memory_space<hbm>>
      tpu.wait_indirect_dma semaphore(%arg14 : memref<!tpu.dma_semaphore, #tpu.memory_space<semaphore_mem>>) src(%dma_wait3A_159 : memref<10240x128xi32, #tpu.memory_space<hbm>>) dst(%arg9 : memref<128x128xi32, #tpu.memory_space<vmem>>)
      %sub3A_160 = arith.constant 3 : i32
      %sub3A_161 = arith.subi %add3A_144, %sub3A_160 : i32
      %mul3A_162 = arith.constant 128 : i32
      %mul3A_163 = arith.muli %sub3A_161, %mul3A_162 : i32
      %add3A_164 = arith.addi %add3A_9, %mul3A_163 : i32
      %dma_start3A_165 = arith.constant 0 : i32
      %dma_start3A_166 = tpu.memref_slice %arg4[%add3A_164, %dma_start3A_165] : memref<81920x128xi32, #tpu.memory_space<hbm>> -> memref<128x128xi32, #tpu.memory_space<hbm>>
      %dma_start3A_167 = arith.constant 0 : i32
      %dma_start3A_168 = tpu.memref_slice %arg4[%add3A_164, %dma_start3A_167] : memref<81920x128xi32, #tpu.memory_space<hbm>> -> memref<128x128xi32, #tpu.memory_space<hbm>>
      tpu.enqueue_dma source(%arg9 : memref<128x128xi32, #tpu.memory_space<vmem>>) target(%dma_start3A_168 : memref<128x128xi32, #tpu.memory_space<hbm>>) target_semaphore(%arg19 : memref<!tpu.dma_semaphore, #tpu.memory_space<semaphore_mem>>)
      %mul3A_169 = arith.constant 5 : i32
      %mul3A_170 = arith.muli %scan3A_113, %mul3A_169 : i32
      %add3A_171 = arith.constant 2 : i32
      %add3A_172 = arith.addi %mul3A_170, %add3A_171 : i32
      %dma_wait3A_173 = arith.constant 0 : i32
      %dma_wait3A_174 = tpu.memref_slice %arg4[%add3A_9, %dma_wait3A_173] : memref<81920x128xi32, #tpu.memory_space<hbm>> -> memref<128x128xi32, #tpu.memory_space<hbm>>
      %dma_wait3A_175 = arith.constant 0 : i32
      %dma_wait3A_176 = tpu.memref_slice %arg4[%add3A_9, %dma_wait3A_175] : memref<81920x128xi32, #tpu.memory_space<hbm>> -> memref<128x128xi32, #tpu.memory_space<hbm>>
      tpu.wait_dma2 semaphore(%arg18 : memref<!tpu.dma_semaphore, #tpu.memory_space<semaphore_mem>>) src(%arg8 : memref<128x128xi32, #tpu.memory_space<vmem>>) dst(%dma_wait3A_176 : memref<128x128xi32, #tpu.memory_space<hbm>>)
      %mul3A_177 = arith.constant 128 : i32
      %mul3A_178 = arith.muli %add3A_172, %mul3A_177 : i32
      %dma_start3A_179 = tpu.memref_slice %arg5[%mul3A_178] : memref<2560xi32, #tpu.memory_space<vmem>> -> memref<128xi32, #tpu.memory_space<vmem>>
      %dma_start3A_180 = arith.constant 0 : i32
      %dma_start3A_181 = arith.constant 0 : i32
      %dma_start3A_182 = tpu.memref_slice %arg2[%dma_start3A_180, %dma_start3A_181] : memref<10240x128xi32, #tpu.memory_space<hbm>> -> memref<10240x128xi32, #tpu.memory_space<hbm>>
      tpu.enqueue_indirect_dma source(%dma_start3A_182 : memref<10240x128xi32, #tpu.memory_space<hbm>>) target(%arg8 : memref<128x128xi32, #tpu.memory_space<vmem>>) offsets(%dma_start3A_179 : memref<128xi32, #tpu.memory_space<vmem>>) semaphore(%arg13 : memref<!tpu.dma_semaphore, #tpu.memory_space<semaphore_mem>>)
      %dma_wait3A_183 = arith.constant 0 : i32
      %dma_wait3A_184 = tpu.memref_slice %arg5[%dma_wait3A_183] : memref<2560xi32, #tpu.memory_space<vmem>> -> memref<128xi32, #tpu.memory_space<vmem>>
      %dma_wait3A_185 = arith.constant 0 : i32
      %dma_wait3A_186 = arith.constant 0 : i32
      %dma_wait3A_187 = tpu.memref_slice %arg2[%dma_wait3A_185, %dma_wait3A_186] : memref<10240x128xi32, #tpu.memory_space<hbm>> -> memref<10240x128xi32, #tpu.memory_space<hbm>>
      tpu.wait_indirect_dma semaphore(%arg15 : memref<!tpu.dma_semaphore, #tpu.memory_space<semaphore_mem>>) src(%dma_wait3A_187 : memref<10240x128xi32, #tpu.memory_space<hbm>>) dst(%arg10 : memref<128x128xi32, #tpu.memory_space<vmem>>)
      %sub3A_188 = arith.constant 3 : i32
      %sub3A_189 = arith.subi %add3A_172, %sub3A_188 : i32
      %mul3A_190 = arith.constant 128 : i32
      %mul3A_191 = arith.muli %sub3A_189, %mul3A_190 : i32
      %add3A_192 = arith.addi %add3A_9, %mul3A_191 : i32
      %dma_start3A_193 = arith.constant 0 : i32
      %dma_start3A_194 = tpu.memref_slice %arg4[%add3A_192, %dma_start3A_193] : memref<81920x128xi32, #tpu.memory_space<hbm>> -> memref<128x128xi32, #tpu.memory_space<hbm>>
      %dma_start3A_195 = arith.constant 0 : i32
      %dma_start3A_196 = tpu.memref_slice %arg4[%add3A_192, %dma_start3A_195] : memref<81920x128xi32, #tpu.memory_space<hbm>> -> memref<128x128xi32, #tpu.memory_space<hbm>>
      tpu.enqueue_dma source(%arg10 : memref<128x128xi32, #tpu.memory_space<vmem>>) target(%dma_start3A_196 : memref<128x128xi32, #tpu.memory_space<hbm>>) target_semaphore(%arg20 : memref<!tpu.dma_semaphore, #tpu.memory_space<semaphore_mem>>)
      %mul3A_197 = arith.constant 5 : i32
      %mul3A_198 = arith.muli %scan3A_113, %mul3A_197 : i32
      %add3A_199 = arith.constant 3 : i32
      %add3A_200 = arith.addi %mul3A_198, %add3A_199 : i32
      %dma_wait3A_201 = arith.constant 0 : i32
      %dma_wait3A_202 = tpu.memref_slice %arg4[%add3A_9, %dma_wait3A_201] : memref<81920x128xi32, #tpu.memory_space<hbm>> -> memref<128x128xi32, #tpu.memory_space<hbm>>
      %dma_wait3A_203 = arith.constant 0 : i32
      %dma_wait3A_204 = tpu.memref_slice %arg4[%add3A_9, %dma_wait3A_203] : memref<81920x128xi32, #tpu.memory_space<hbm>> -> memref<128x128xi32, #tpu.memory_space<hbm>>
      tpu.wait_dma2 semaphore(%arg19 : memref<!tpu.dma_semaphore, #tpu.memory_space<semaphore_mem>>) src(%arg9 : memref<128x128xi32, #tpu.memory_space<vmem>>) dst(%dma_wait3A_204 : memref<128x128xi32, #tpu.memory_space<hbm>>)
      %mul3A_205 = arith.constant 128 : i32
      %mul3A_206 = arith.muli %add3A_200, %mul3A_205 : i32
      %dma_start3A_207 = tpu.memref_slice %arg5[%mul3A_206] : memref<2560xi32, #tpu.memory_space<vmem>> -> memref<128xi32, #tpu.memory_space<vmem>>
      %dma_start3A_208 = arith.constant 0 : i32
      %dma_start3A_209 = arith.constant 0 : i32
      %dma_start3A_210 = tpu.memref_slice %arg2[%dma_start3A_208, %dma_start3A_209] : memref<10240x128xi32, #tpu.memory_space<hbm>> -> memref<10240x128xi32, #tpu.memory_space<hbm>>
      tpu.enqueue_indirect_dma source(%dma_start3A_210 : memref<10240x128xi32, #tpu.memory_space<hbm>>) target(%arg9 : memref<128x128xi32, #tpu.memory_space<vmem>>) offsets(%dma_start3A_207 : memref<128xi32, #tpu.memory_space<vmem>>) semaphore(%arg14 : memref<!tpu.dma_semaphore, #tpu.memory_space<semaphore_mem>>)
      %dma_wait3A_211 = arith.constant 0 : i32
      %dma_wait3A_212 = tpu.memref_slice %arg5[%dma_wait3A_211] : memref<2560xi32, #tpu.memory_space<vmem>> -> memref<128xi32, #tpu.memory_space<vmem>>
      %dma_wait3A_213 = arith.constant 0 : i32
      %dma_wait3A_214 = arith.constant 0 : i32
      %dma_wait3A_215 = tpu.memref_slice %arg2[%dma_wait3A_213, %dma_wait3A_214] : memref<10240x128xi32, #tpu.memory_space<hbm>> -> memref<10240x128xi32, #tpu.memory_space<hbm>>
      tpu.wait_indirect_dma semaphore(%arg11 : memref<!tpu.dma_semaphore, #tpu.memory_space<semaphore_mem>>) src(%dma_wait3A_215 : memref<10240x128xi32, #tpu.memory_space<hbm>>) dst(%arg6 : memref<128x128xi32, #tpu.memory_space<vmem>>)
      %sub3A_216 = arith.constant 3 : i32
      %sub3A_217 = arith.subi %add3A_200, %sub3A_216 : i32
      %mul3A_218 = arith.constant 128 : i32
      %mul3A_219 = arith.muli %sub3A_217, %mul3A_218 : i32
      %add3A_220 = arith.addi %add3A_9, %mul3A_219 : i32
      %dma_start3A_221 = arith.constant 0 : i32
      %dma_start3A_222 = tpu.memref_slice %arg4[%add3A_220, %dma_start3A_221] : memref<81920x128xi32, #tpu.memory_space<hbm>> -> memref<128x128xi32, #tpu.memory_space<hbm>>
      %dma_start3A_223 = arith.constant 0 : i32
      %dma_start3A_224 = tpu.memref_slice %arg4[%add3A_220, %dma_start3A_223] : memref<81920x128xi32, #tpu.memory_space<hbm>> -> memref<128x128xi32, #tpu.memory_space<hbm>>
      tpu.enqueue_dma source(%arg6 : memref<128x128xi32, #tpu.memory_space<vmem>>) target(%dma_start3A_224 : memref<128x128xi32, #tpu.memory_space<hbm>>) target_semaphore(%arg16 : memref<!tpu.dma_semaphore, #tpu.memory_space<semaphore_mem>>)
      %mul3A_225 = arith.constant 5 : i32
      %mul3A_226 = arith.muli %scan3A_113, %mul3A_225 : i32
      %add3A_227 = arith.constant 4 : i32
      %add3A_228 = arith.addi %mul3A_226, %add3A_227 : i32
      %dma_wait3A_229 = arith.constant 0 : i32
      %dma_wait3A_230 = tpu.memref_slice %arg4[%add3A_9, %dma_wait3A_229] : memref<81920x128xi32, #tpu.memory_space<hbm>> -> memref<128x128xi32, #tpu.memory_space<hbm>>
      %dma_wait3A_231 = arith.constant 0 : i32
      %dma_wait3A_232 = tpu.memref_slice %arg4[%add3A_9, %dma_wait3A_231] : memref<81920x128xi32, #tpu.memory_space<hbm>> -> memref<128x128xi32, #tpu.memory_space<hbm>>
      tpu.wait_dma2 semaphore(%arg20 : memref<!tpu.dma_semaphore, #tpu.memory_space<semaphore_mem>>) src(%arg10 : memref<128x128xi32, #tpu.memory_space<vmem>>) dst(%dma_wait3A_232 : memref<128x128xi32, #tpu.memory_space<hbm>>)
      %mul3A_233 = arith.constant 128 : i32
      %mul3A_234 = arith.muli %add3A_228, %mul3A_233 : i32
      %dma_start3A_235 = tpu.memref_slice %arg5[%mul3A_234] : memref<2560xi32, #tpu.memory_space<vmem>> -> memref<128xi32, #tpu.memory_space<vmem>>
      %dma_start3A_236 = arith.constant 0 : i32
      %dma_start3A_237 = arith.constant 0 : i32
      %dma_start3A_238 = tpu.memref_slice %arg2[%dma_start3A_236, %dma_start3A_237] : memref<10240x128xi32, #tpu.memory_space<hbm>> -> memref<10240x128xi32, #tpu.memory_space<hbm>>
      tpu.enqueue_indirect_dma source(%dma_start3A_238 : memref<10240x128xi32, #tpu.memory_space<hbm>>) target(%arg10 : memref<128x128xi32, #tpu.memory_space<vmem>>) offsets(%dma_start3A_235 : memref<128xi32, #tpu.memory_space<vmem>>) semaphore(%arg15 : memref<!tpu.dma_semaphore, #tpu.memory_space<semaphore_mem>>)
      %dma_wait3A_239 = arith.constant 0 : i32
      %dma_wait3A_240 = tpu.memref_slice %arg5[%dma_wait3A_239] : memref<2560xi32, #tpu.memory_space<vmem>> -> memref<128xi32, #tpu.memory_space<vmem>>
      %dma_wait3A_241 = arith.constant 0 : i32
      %dma_wait3A_242 = arith.constant 0 : i32
      %dma_wait3A_243 = tpu.memref_slice %arg2[%dma_wait3A_241, %dma_wait3A_242] : memref<10240x128xi32, #tpu.memory_space<hbm>> -> memref<10240x128xi32, #tpu.memory_space<hbm>>
      tpu.wait_indirect_dma semaphore(%arg12 : memref<!tpu.dma_semaphore, #tpu.memory_space<semaphore_mem>>) src(%dma_wait3A_243 : memref<10240x128xi32, #tpu.memory_space<hbm>>) dst(%arg7 : memref<128x128xi32, #tpu.memory_space<vmem>>)
      %sub3A_244 = arith.constant 3 : i32
      %sub3A_245 = arith.subi %add3A_228, %sub3A_244 : i32
      %mul3A_246 = arith.constant 128 : i32
      %mul3A_247 = arith.muli %sub3A_245, %mul3A_246 : i32
      %add3A_248 = arith.addi %add3A_9, %mul3A_247 : i32
      %dma_start3A_249 = arith.constant 0 : i32
      %dma_start3A_250 = tpu.memref_slice %arg4[%add3A_248, %dma_start3A_249] : memref<81920x128xi32, #tpu.memory_space<hbm>> -> memref<128x128xi32, #tpu.memory_space<hbm>>
      %dma_start3A_251 = arith.constant 0 : i32
      %dma_start3A_252 = tpu.memref_slice %arg4[%add3A_248, %dma_start3A_251] : memref<81920x128xi32, #tpu.memory_space<hbm>> -> memref<128x128xi32, #tpu.memory_space<hbm>>
      tpu.enqueue_dma source(%arg7 : memref<128x128xi32, #tpu.memory_space<vmem>>) target(%dma_start3A_252 : memref<128x128xi32, #tpu.memory_space<hbm>>) target_semaphore(%arg17 : memref<!tpu.dma_semaphore, #tpu.memory_space<semaphore_mem>>)
    }
    %scan3A_59 = arith.constant 3 : i32
    %dma_wait3A_60 = arith.constant 0 : i32
    %dma_wait3A_61 = tpu.memref_slice %arg5[%dma_wait3A_60] : memref<2560xi32, #tpu.memory_space<vmem>> -> memref<128xi32, #tpu.memory_space<vmem>>
    %dma_wait3A_62 = arith.constant 0 : i32
    %dma_wait3A_63 = arith.constant 0 : i32
    %dma_wait3A_64 = tpu.memref_slice %arg2[%dma_wait3A_62, %dma_wait3A_63] : memref<10240x128xi32, #tpu.memory_space<hbm>> -> memref<10240x128xi32, #tpu.memory_space<hbm>>
    tpu.wait_indirect_dma semaphore(%arg13 : memref<!tpu.dma_semaphore, #tpu.memory_space<semaphore_mem>>) src(%dma_wait3A_64 : memref<10240x128xi32, #tpu.memory_space<hbm>>) dst(%arg8 : memref<128x128xi32, #tpu.memory_space<vmem>>)
    %add3A_65 = arith.constant 2176 : i32
    %add3A_66 = arith.addi %add3A_9, %add3A_65 : i32
    %dma_start3A_67 = arith.constant 0 : i32
    %dma_start3A_68 = tpu.memref_slice %arg4[%add3A_66, %dma_start3A_67] : memref<81920x128xi32, #tpu.memory_space<hbm>> -> memref<128x128xi32, #tpu.memory_space<hbm>>
    %dma_start3A_69 = arith.constant 0 : i32
    %dma_start3A_70 = tpu.memref_slice %arg4[%add3A_66, %dma_start3A_69] : memref<81920x128xi32, #tpu.memory_space<hbm>> -> memref<128x128xi32, #tpu.memory_space<hbm>>
    tpu.enqueue_dma source(%arg8 : memref<128x128xi32, #tpu.memory_space<vmem>>) target(%dma_start3A_70 : memref<128x128xi32, #tpu.memory_space<hbm>>) target_semaphore(%arg18 : memref<!tpu.dma_semaphore, #tpu.memory_space<semaphore_mem>>)
    %dma_wait3A_71 = arith.constant 0 : i32
    %dma_wait3A_72 = tpu.memref_slice %arg5[%dma_wait3A_71] : memref<2560xi32, #tpu.memory_space<vmem>> -> memref<128xi32, #tpu.memory_space<vmem>>
    %dma_wait3A_73 = arith.constant 0 : i32
    %dma_wait3A_74 = arith.constant 0 : i32
    %dma_wait3A_75 = tpu.memref_slice %arg2[%dma_wait3A_73, %dma_wait3A_74] : memref<10240x128xi32, #tpu.memory_space<hbm>> -> memref<10240x128xi32, #tpu.memory_space<hbm>>
    tpu.wait_indirect_dma semaphore(%arg14 : memref<!tpu.dma_semaphore, #tpu.memory_space<semaphore_mem>>) src(%dma_wait3A_75 : memref<10240x128xi32, #tpu.memory_space<hbm>>) dst(%arg9 : memref<128x128xi32, #tpu.memory_space<vmem>>)
    %add3A_76 = arith.constant 2304 : i32
    %add3A_77 = arith.addi %add3A_9, %add3A_76 : i32
    %dma_start3A_78 = arith.constant 0 : i32
    %dma_start3A_79 = tpu.memref_slice %arg4[%add3A_77, %dma_start3A_78] : memref<81920x128xi32, #tpu.memory_space<hbm>> -> memref<128x128xi32, #tpu.memory_space<hbm>>
    %dma_start3A_80 = arith.constant 0 : i32
    %dma_start3A_81 = tpu.memref_slice %arg4[%add3A_77, %dma_start3A_80] : memref<81920x128xi32, #tpu.memory_space<hbm>> -> memref<128x128xi32, #tpu.memory_space<hbm>>
    tpu.enqueue_dma source(%arg9 : memref<128x128xi32, #tpu.memory_space<vmem>>) target(%dma_start3A_81 : memref<128x128xi32, #tpu.memory_space<hbm>>) target_semaphore(%arg19 : memref<!tpu.dma_semaphore, #tpu.memory_space<semaphore_mem>>)
    %dma_wait3A_82 = arith.constant 0 : i32
    %dma_wait3A_83 = tpu.memref_slice %arg5[%dma_wait3A_82] : memref<2560xi32, #tpu.memory_space<vmem>> -> memref<128xi32, #tpu.memory_space<vmem>>
    %dma_wait3A_84 = arith.constant 0 : i32
    %dma_wait3A_85 = arith.constant 0 : i32
    %dma_wait3A_86 = tpu.memref_slice %arg2[%dma_wait3A_84, %dma_wait3A_85] : memref<10240x128xi32, #tpu.memory_space<hbm>> -> memref<10240x128xi32, #tpu.memory_space<hbm>>
    tpu.wait_indirect_dma semaphore(%arg15 : memref<!tpu.dma_semaphore, #tpu.memory_space<semaphore_mem>>) src(%dma_wait3A_86 : memref<10240x128xi32, #tpu.memory_space<hbm>>) dst(%arg10 : memref<128x128xi32, #tpu.memory_space<vmem>>)
    %add3A_87 = arith.constant 2432 : i32
    %add3A_88 = arith.addi %add3A_9, %add3A_87 : i32
    %dma_start3A_89 = arith.constant 0 : i32
    %dma_start3A_90 = tpu.memref_slice %arg4[%add3A_88, %dma_start3A_89] : memref<81920x128xi32, #tpu.memory_space<hbm>> -> memref<128x128xi32, #tpu.memory_space<hbm>>
    %dma_start3A_91 = arith.constant 0 : i32
    %dma_start3A_92 = tpu.memref_slice %arg4[%add3A_88, %dma_start3A_91] : memref<81920x128xi32, #tpu.memory_space<hbm>> -> memref<128x128xi32, #tpu.memory_space<hbm>>
    tpu.enqueue_dma source(%arg10 : memref<128x128xi32, #tpu.memory_space<vmem>>) target(%dma_start3A_92 : memref<128x128xi32, #tpu.memory_space<hbm>>) target_semaphore(%arg20 : memref<!tpu.dma_semaphore, #tpu.memory_space<semaphore_mem>>)
    %dma_wait3A_93 = arith.constant 0 : i32
    %dma_wait3A_94 = tpu.memref_slice %arg4[%add3A_9, %dma_wait3A_93] : memref<81920x128xi32, #tpu.memory_space<hbm>> -> memref<128x128xi32, #tpu.memory_space<hbm>>
    %dma_wait3A_95 = arith.constant 0 : i32
    %dma_wait3A_96 = tpu.memref_slice %arg4[%add3A_9, %dma_wait3A_95] : memref<81920x128xi32, #tpu.memory_space<hbm>> -> memref<128x128xi32, #tpu.memory_space<hbm>>
    tpu.wait_dma2 semaphore(%arg16 : memref<!tpu.dma_semaphore, #tpu.memory_space<semaphore_mem>>) src(%arg6 : memref<128x128xi32, #tpu.memory_space<vmem>>) dst(%dma_wait3A_96 : memref<128x128xi32, #tpu.memory_space<hbm>>)
    %dma_wait3A_97 = arith.constant 0 : i32
    %dma_wait3A_98 = tpu.memref_slice %arg4[%add3A_9, %dma_wait3A_97] : memref<81920x128xi32, #tpu.memory_space<hbm>> -> memref<128x128xi32, #tpu.memory_space<hbm>>
    %dma_wait3A_99 = arith.constant 0 : i32
    %dma_wait3A_100 = tpu.memref_slice %arg4[%add3A_9, %dma_wait3A_99] : memref<81920x128xi32, #tpu.memory_space<hbm>> -> memref<128x128xi32, #tpu.memory_space<hbm>>
    tpu.wait_dma2 semaphore(%arg17 : memref<!tpu.dma_semaphore, #tpu.memory_space<semaphore_mem>>) src(%arg7 : memref<128x128xi32, #tpu.memory_space<vmem>>) dst(%dma_wait3A_100 : memref<128x128xi32, #tpu.memory_space<hbm>>)
    %dma_wait3A_101 = arith.constant 0 : i32
    %dma_wait3A_102 = tpu.memref_slice %arg4[%add3A_9, %dma_wait3A_101] : memref<81920x128xi32, #tpu.memory_space<hbm>> -> memref<128x128xi32, #tpu.memory_space<hbm>>
    %dma_wait3A_103 = arith.constant 0 : i32
    %dma_wait3A_104 = tpu.memref_slice %arg4[%add3A_9, %dma_wait3A_103] : memref<81920x128xi32, #tpu.memory_space<hbm>> -> memref<128x128xi32, #tpu.memory_space<hbm>>
    tpu.wait_dma2 semaphore(%arg18 : memref<!tpu.dma_semaphore, #tpu.memory_space<semaphore_mem>>) src(%arg8 : memref<128x128xi32, #tpu.memory_space<vmem>>) dst(%dma_wait3A_104 : memref<128x128xi32, #tpu.memory_space<hbm>>)
    %dma_wait3A_105 = arith.constant 0 : i32
    %dma_wait3A_106 = tpu.memref_slice %arg4[%add3A_9, %dma_wait3A_105] : memref<81920x128xi32, #tpu.memory_space<hbm>> -> memref<128x128xi32, #tpu.memory_space<hbm>>
    %dma_wait3A_107 = arith.constant 0 : i32
    %dma_wait3A_108 = tpu.memref_slice %arg4[%add3A_9, %dma_wait3A_107] : memref<81920x128xi32, #tpu.memory_space<hbm>> -> memref<128x128xi32, #tpu.memory_space<hbm>>
    tpu.wait_dma2 semaphore(%arg19 : memref<!tpu.dma_semaphore, #tpu.memory_space<semaphore_mem>>) src(%arg9 : memref<128x128xi32, #tpu.memory_space<vmem>>) dst(%dma_wait3A_108 : memref<128x128xi32, #tpu.memory_space<hbm>>)
    %dma_wait3A_109 = arith.constant 0 : i32
    %dma_wait3A_110 = tpu.memref_slice %arg4[%add3A_9, %dma_wait3A_109] : memref<81920x128xi32, #tpu.memory_space<hbm>> -> memref<128x128xi32, #tpu.memory_space<hbm>>
    %dma_wait3A_111 = arith.constant 0 : i32
    %dma_wait3A_112 = tpu.memref_slice %arg4[%add3A_9, %dma_wait3A_111] : memref<81920x128xi32, #tpu.memory_space<hbm>> -> memref<128x128xi32, #tpu.memory_space<hbm>>
    tpu.wait_dma2 semaphore(%arg20 : memref<!tpu.dma_semaphore, #tpu.memory_space<semaphore_mem>>) src(%arg10 : memref<128x128xi32, #tpu.memory_space<vmem>>) dst(%dma_wait3A_112 : memref<128x128xi32, #tpu.memory_space<hbm>>)
    return
  }
}

#map = affine_map<(d0, d1) -> (0, 0)>
#map1 = affine_map<(d0, d1) -> (0)>
module attributes {stable_mosaic.version = 14 : i64} {
  func.func @gather_kernel(%arg0: i32, %arg1: i32, %arg2: memref<10000x128xf32, #tpu.memory_space<hbm>>, %arg3: memref<163840xi32, #tpu.memory_space<hbm>>, %arg4: memref<81920x128xf32, #tpu.memory_space<hbm>>, %arg5: memref<2560xi32, #tpu.memory_space<vmem>>, %arg6: memref<128x128xf32, #tpu.memory_space<vmem>>, %arg7: memref<128x128xf32, #tpu.memory_space<vmem>>, %arg8: memref<128x128xf32, #tpu.memory_space<vmem>>, %arg9: memref<128x128xf32, #tpu.memory_space<vmem>>, %arg10: memref<128x128xf32, #tpu.memory_space<vmem>>, %arg11: memref<!tpu.dma_semaphore, #tpu.memory_space<semaphore_mem>>, %arg12: memref<!tpu.dma_semaphore, #tpu.memory_space<semaphore_mem>>, %arg13: memref<!tpu.dma_semaphore, #tpu.memory_space<semaphore_mem>>, %arg14: memref<!tpu.dma_semaphore, #tpu.memory_space<semaphore_mem>>, %arg15: memref<!tpu.dma_semaphore, #tpu.memory_space<semaphore_mem>>, %arg16: memref<!tpu.dma_semaphore, #tpu.memory_space<semaphore_mem>>, %arg17: memref<!tpu.dma_semaphore, #tpu.memory_space<semaphore_mem>>, %arg18: memref<!tpu.dma_semaphore, #tpu.memory_space<semaphore_mem>>, %arg19: memref<!tpu.dma_semaphore, #tpu.memory_space<semaphore_mem>>, %arg20: memref<!tpu.dma_semaphore, #tpu.memory_space<semaphore_mem>>) attributes {dimension_semantics = [#tpu.dimension_semantics<core_parallel>, #tpu.dimension_semantics<subcore_parallel>], iteration_bounds = array<i64: 2, 16>, scalar_prefetch = 0 : i64, scratch_operands = 16 : i64, tpu.core_type = #tpu.core_type<sc_vector_subcore>, window_params = [{transform_indices = #map}, {transform_indices = #map1}, {transform_indices = #map}]} {
    %mul3A = arith.constant 10240 : i32
    %mul3A_0 = arith.muli %arg1, %mul3A : i32
    %add3A = arith.constant 5120 : i32
    %add3A_1 = arith.addi %mul3A_0, %add3A : i32
    %mul3A_2 = arith.constant 2560 : i32
    %mul3A_3 = arith.muli %arg0, %mul3A_2 : i32
    %add3A_4 = arith.addi %add3A_1, %mul3A_3 : i32
    %mul3A_5 = arith.constant 5120 : i32
    %mul3A_6 = arith.muli %arg1, %mul3A_5 : i32
    %mul3A_7 = arith.constant 2560 : i32
    %mul3A_8 = arith.muli %arg0, %mul3A_7 : i32
    %add3A_9 = arith.addi %mul3A_6, %mul3A_8 : i32
    "tpu.region"() ({
      %run_scoped3A = tpu.sem_alloc : memref<!tpu.dma_semaphore, #tpu.memory_space<semaphore_mem>>
      %dma_start3A_113 = tpu.memref_slice %arg3[%add3A_4] : memref<163840xi32, #tpu.memory_space<hbm>> -> memref<2560xi32, #tpu.memory_space<hbm>>
      %dma_start3A_114 = tpu.memref_slice %arg3[%add3A_4] : memref<163840xi32, #tpu.memory_space<hbm>> -> memref<2560xi32, #tpu.memory_space<hbm>>
      tpu.enqueue_dma source(%dma_start3A_114 : memref<2560xi32, #tpu.memory_space<hbm>>) target(%arg5 : memref<2560xi32, #tpu.memory_space<vmem>>) target_semaphore(%run_scoped3A : memref<!tpu.dma_semaphore, #tpu.memory_space<semaphore_mem>>)
      %dma_wait3A_115 = tpu.memref_slice %arg3[%add3A_4] : memref<163840xi32, #tpu.memory_space<hbm>> -> memref<2560xi32, #tpu.memory_space<hbm>>
      %dma_wait3A_116 = tpu.memref_slice %arg3[%add3A_4] : memref<163840xi32, #tpu.memory_space<hbm>> -> memref<2560xi32, #tpu.memory_space<hbm>>
      tpu.wait_dma2 semaphore(%run_scoped3A : memref<!tpu.dma_semaphore, #tpu.memory_space<semaphore_mem>>) src(%dma_wait3A_116 : memref<2560xi32, #tpu.memory_space<hbm>>) dst(%arg5 : memref<2560xi32, #tpu.memory_space<vmem>>)
      tpu.yield
    }) : () -> ()
    %dma_start3A = arith.constant 0 : i32
    %dma_start3A_10 = tpu.memref_slice %arg5[%dma_start3A] : memref<2560xi32, #tpu.memory_space<vmem>> -> memref<128xi32, #tpu.memory_space<vmem>>
    %dma_start3A_11 = arith.constant 0 : i32
    %dma_start3A_12 = arith.constant 0 : i32
    %dma_start3A_13 = tpu.memref_slice %arg2[%dma_start3A_11, %dma_start3A_12] : memref<10000x128xf32, #tpu.memory_space<hbm>> -> memref<10000x128xf32, #tpu.memory_space<hbm>>
    tpu.enqueue_indirect_dma source(%dma_start3A_13 : memref<10000x128xf32, #tpu.memory_space<hbm>>) target(%arg6 : memref<128x128xf32, #tpu.memory_space<vmem>>) offsets(%dma_start3A_10 : memref<128xi32, #tpu.memory_space<vmem>>) semaphore(%arg11 : memref<!tpu.dma_semaphore, #tpu.memory_space<semaphore_mem>>)
    %dma_start3A_14 = arith.constant 128 : i32
    %dma_start3A_15 = tpu.memref_slice %arg5[%dma_start3A_14] : memref<2560xi32, #tpu.memory_space<vmem>> -> memref<128xi32, #tpu.memory_space<vmem>>
    %dma_start3A_16 = arith.constant 0 : i32
    %dma_start3A_17 = arith.constant 0 : i32
    %dma_start3A_18 = tpu.memref_slice %arg2[%dma_start3A_16, %dma_start3A_17] : memref<10000x128xf32, #tpu.memory_space<hbm>> -> memref<10000x128xf32, #tpu.memory_space<hbm>>
    tpu.enqueue_indirect_dma source(%dma_start3A_18 : memref<10000x128xf32, #tpu.memory_space<hbm>>) target(%arg7 : memref<128x128xf32, #tpu.memory_space<vmem>>) offsets(%dma_start3A_15 : memref<128xi32, #tpu.memory_space<vmem>>) semaphore(%arg12 : memref<!tpu.dma_semaphore, #tpu.memory_space<semaphore_mem>>)
    %dma_start3A_19 = arith.constant 256 : i32
    %dma_start3A_20 = tpu.memref_slice %arg5[%dma_start3A_19] : memref<2560xi32, #tpu.memory_space<vmem>> -> memref<128xi32, #tpu.memory_space<vmem>>
    %dma_start3A_21 = arith.constant 0 : i32
    %dma_start3A_22 = arith.constant 0 : i32
    %dma_start3A_23 = tpu.memref_slice %arg2[%dma_start3A_21, %dma_start3A_22] : memref<10000x128xf32, #tpu.memory_space<hbm>> -> memref<10000x128xf32, #tpu.memory_space<hbm>>
    tpu.enqueue_indirect_dma source(%dma_start3A_23 : memref<10000x128xf32, #tpu.memory_space<hbm>>) target(%arg8 : memref<128x128xf32, #tpu.memory_space<vmem>>) offsets(%dma_start3A_20 : memref<128xi32, #tpu.memory_space<vmem>>) semaphore(%arg13 : memref<!tpu.dma_semaphore, #tpu.memory_space<semaphore_mem>>)
    %dma_start3A_24 = arith.constant 384 : i32
    %dma_start3A_25 = tpu.memref_slice %arg5[%dma_start3A_24] : memref<2560xi32, #tpu.memory_space<vmem>> -> memref<128xi32, #tpu.memory_space<vmem>>
    %dma_start3A_26 = arith.constant 0 : i32
    %dma_start3A_27 = arith.constant 0 : i32
    %dma_start3A_28 = tpu.memref_slice %arg2[%dma_start3A_26, %dma_start3A_27] : memref<10000x128xf32, #tpu.memory_space<hbm>> -> memref<10000x128xf32, #tpu.memory_space<hbm>>
    tpu.enqueue_indirect_dma source(%dma_start3A_28 : memref<10000x128xf32, #tpu.memory_space<hbm>>) target(%arg9 : memref<128x128xf32, #tpu.memory_space<vmem>>) offsets(%dma_start3A_25 : memref<128xi32, #tpu.memory_space<vmem>>) semaphore(%arg14 : memref<!tpu.dma_semaphore, #tpu.memory_space<semaphore_mem>>)
    %dma_start3A_29 = arith.constant 512 : i32
    %dma_start3A_30 = tpu.memref_slice %arg5[%dma_start3A_29] : memref<2560xi32, #tpu.memory_space<vmem>> -> memref<128xi32, #tpu.memory_space<vmem>>
    %dma_start3A_31 = arith.constant 0 : i32
    %dma_start3A_32 = arith.constant 0 : i32
    %dma_start3A_33 = tpu.memref_slice %arg2[%dma_start3A_31, %dma_start3A_32] : memref<10000x128xf32, #tpu.memory_space<hbm>> -> memref<10000x128xf32, #tpu.memory_space<hbm>>
    tpu.enqueue_indirect_dma source(%dma_start3A_33 : memref<10000x128xf32, #tpu.memory_space<hbm>>) target(%arg10 : memref<128x128xf32, #tpu.memory_space<vmem>>) offsets(%dma_start3A_30 : memref<128xi32, #tpu.memory_space<vmem>>) semaphore(%arg15 : memref<!tpu.dma_semaphore, #tpu.memory_space<semaphore_mem>>)
    %dma_wait3A = arith.constant 0 : i32
    %dma_wait3A_34 = tpu.memref_slice %arg5[%dma_wait3A] : memref<2560xi32, #tpu.memory_space<vmem>> -> memref<128xi32, #tpu.memory_space<vmem>>
    %dma_wait3A_35 = arith.constant 0 : i32
    %dma_wait3A_36 = arith.constant 0 : i32
    %dma_wait3A_37 = tpu.memref_slice %arg2[%dma_wait3A_35, %dma_wait3A_36] : memref<10000x128xf32, #tpu.memory_space<hbm>> -> memref<10000x128xf32, #tpu.memory_space<hbm>>
    tpu.wait_indirect_dma semaphore(%arg11 : memref<!tpu.dma_semaphore, #tpu.memory_space<semaphore_mem>>) src(%dma_wait3A_37 : memref<10000x128xf32, #tpu.memory_space<hbm>>) dst(%arg6 : memref<128x128xf32, #tpu.memory_space<vmem>>)
    %add3A_38 = arith.constant 0 : i32
    %add3A_39 = arith.addi %add3A_9, %add3A_38 : i32
    %dma_start3A_40 = arith.constant 0 : i32
    %dma_start3A_41 = tpu.memref_slice %arg4[%add3A_39, %dma_start3A_40] : memref<81920x128xf32, #tpu.memory_space<hbm>> -> memref<128x128xf32, #tpu.memory_space<hbm>>
    %dma_start3A_42 = arith.constant 0 : i32
    %dma_start3A_43 = tpu.memref_slice %arg4[%add3A_39, %dma_start3A_42] : memref<81920x128xf32, #tpu.memory_space<hbm>> -> memref<128x128xf32, #tpu.memory_space<hbm>>
    tpu.enqueue_dma source(%arg6 : memref<128x128xf32, #tpu.memory_space<vmem>>) target(%dma_start3A_43 : memref<128x128xf32, #tpu.memory_space<hbm>>) target_semaphore(%arg16 : memref<!tpu.dma_semaphore, #tpu.memory_space<semaphore_mem>>)
    %dma_wait3A_44 = arith.constant 0 : i32
    %dma_wait3A_45 = tpu.memref_slice %arg5[%dma_wait3A_44] : memref<2560xi32, #tpu.memory_space<vmem>> -> memref<128xi32, #tpu.memory_space<vmem>>
    %dma_wait3A_46 = arith.constant 0 : i32
    %dma_wait3A_47 = arith.constant 0 : i32
    %dma_wait3A_48 = tpu.memref_slice %arg2[%dma_wait3A_46, %dma_wait3A_47] : memref<10000x128xf32, #tpu.memory_space<hbm>> -> memref<10000x128xf32, #tpu.memory_space<hbm>>
    tpu.wait_indirect_dma semaphore(%arg12 : memref<!tpu.dma_semaphore, #tpu.memory_space<semaphore_mem>>) src(%dma_wait3A_48 : memref<10000x128xf32, #tpu.memory_space<hbm>>) dst(%arg7 : memref<128x128xf32, #tpu.memory_space<vmem>>)
    %add3A_49 = arith.constant 128 : i32
    %add3A_50 = arith.addi %add3A_9, %add3A_49 : i32
    %dma_start3A_51 = arith.constant 0 : i32
    %dma_start3A_52 = tpu.memref_slice %arg4[%add3A_50, %dma_start3A_51] : memref<81920x128xf32, #tpu.memory_space<hbm>> -> memref<128x128xf32, #tpu.memory_space<hbm>>
    %dma_start3A_53 = arith.constant 0 : i32
    %dma_start3A_54 = tpu.memref_slice %arg4[%add3A_50, %dma_start3A_53] : memref<81920x128xf32, #tpu.memory_space<hbm>> -> memref<128x128xf32, #tpu.memory_space<hbm>>
    tpu.enqueue_dma source(%arg7 : memref<128x128xf32, #tpu.memory_space<vmem>>) target(%dma_start3A_54 : memref<128x128xf32, #tpu.memory_space<hbm>>) target_semaphore(%arg17 : memref<!tpu.dma_semaphore, #tpu.memory_space<semaphore_mem>>)
    %scan3A = arith.constant 0 : i32
    %scan3A_55 = arith.constant 1 : i32
    %scan3A_56 = arith.constant 3 : i32
    %scan3A_57 = arith.addi %scan3A_55, %scan3A_56 : i32
    %scan3A_58 = arith.constant 1 : i32
    scf.for %scan3A_113 = %scan3A_55 to %scan3A_57 step %scan3A_58  : i32 {
      %mul3A_114 = arith.constant 5 : i32
      %mul3A_115 = arith.muli %scan3A_113, %mul3A_114 : i32
      %add3A_116 = arith.constant 0 : i32
      %add3A_117 = arith.addi %mul3A_115, %add3A_116 : i32
      %dma_wait3A_118 = arith.constant 0 : i32
      %dma_wait3A_119 = tpu.memref_slice %arg4[%add3A_9, %dma_wait3A_118] : memref<81920x128xf32, #tpu.memory_space<hbm>> -> memref<128x128xf32, #tpu.memory_space<hbm>>
      %dma_wait3A_120 = arith.constant 0 : i32
      %dma_wait3A_121 = tpu.memref_slice %arg4[%add3A_9, %dma_wait3A_120] : memref<81920x128xf32, #tpu.memory_space<hbm>> -> memref<128x128xf32, #tpu.memory_space<hbm>>
      tpu.wait_dma2 semaphore(%arg16 : memref<!tpu.dma_semaphore, #tpu.memory_space<semaphore_mem>>) src(%arg6 : memref<128x128xf32, #tpu.memory_space<vmem>>) dst(%dma_wait3A_121 : memref<128x128xf32, #tpu.memory_space<hbm>>)
      %mul3A_122 = arith.constant 128 : i32
      %mul3A_123 = arith.muli %add3A_117, %mul3A_122 : i32
      %dma_start3A_124 = tpu.memref_slice %arg5[%mul3A_123] : memref<2560xi32, #tpu.memory_space<vmem>> -> memref<128xi32, #tpu.memory_space<vmem>>
      %dma_start3A_125 = arith.constant 0 : i32
      %dma_start3A_126 = arith.constant 0 : i32
      %dma_start3A_127 = tpu.memref_slice %arg2[%dma_start3A_125, %dma_start3A_126] : memref<10000x128xf32, #tpu.memory_space<hbm>> -> memref<10000x128xf32, #tpu.memory_space<hbm>>
      tpu.enqueue_indirect_dma source(%dma_start3A_127 : memref<10000x128xf32, #tpu.memory_space<hbm>>) target(%arg6 : memref<128x128xf32, #tpu.memory_space<vmem>>) offsets(%dma_start3A_124 : memref<128xi32, #tpu.memory_space<vmem>>) semaphore(%arg11 : memref<!tpu.dma_semaphore, #tpu.memory_space<semaphore_mem>>)
      %dma_wait3A_128 = arith.constant 0 : i32
      %dma_wait3A_129 = tpu.memref_slice %arg5[%dma_wait3A_128] : memref<2560xi32, #tpu.memory_space<vmem>> -> memref<128xi32, #tpu.memory_space<vmem>>
      %dma_wait3A_130 = arith.constant 0 : i32
      %dma_wait3A_131 = arith.constant 0 : i32
      %dma_wait3A_132 = tpu.memref_slice %arg2[%dma_wait3A_130, %dma_wait3A_131] : memref<10000x128xf32, #tpu.memory_space<hbm>> -> memref<10000x128xf32, #tpu.memory_space<hbm>>
      tpu.wait_indirect_dma semaphore(%arg13 : memref<!tpu.dma_semaphore, #tpu.memory_space<semaphore_mem>>) src(%dma_wait3A_132 : memref<10000x128xf32, #tpu.memory_space<hbm>>) dst(%arg8 : memref<128x128xf32, #tpu.memory_space<vmem>>)
      %sub3A = arith.constant 3 : i32
      %sub3A_133 = arith.subi %add3A_117, %sub3A : i32
      %mul3A_134 = arith.constant 128 : i32
      %mul3A_135 = arith.muli %sub3A_133, %mul3A_134 : i32
      %add3A_136 = arith.addi %add3A_9, %mul3A_135 : i32
      %dma_start3A_137 = arith.constant 0 : i32
      %dma_start3A_138 = tpu.memref_slice %arg4[%add3A_136, %dma_start3A_137] : memref<81920x128xf32, #tpu.memory_space<hbm>> -> memref<128x128xf32, #tpu.memory_space<hbm>>
      %dma_start3A_139 = arith.constant 0 : i32
      %dma_start3A_140 = tpu.memref_slice %arg4[%add3A_136, %dma_start3A_139] : memref<81920x128xf32, #tpu.memory_space<hbm>> -> memref<128x128xf32, #tpu.memory_space<hbm>>
      tpu.enqueue_dma source(%arg8 : memref<128x128xf32, #tpu.memory_space<vmem>>) target(%dma_start3A_140 : memref<128x128xf32, #tpu.memory_space<hbm>>) target_semaphore(%arg18 : memref<!tpu.dma_semaphore, #tpu.memory_space<semaphore_mem>>)
      %mul3A_141 = arith.constant 5 : i32
      %mul3A_142 = arith.muli %scan3A_113, %mul3A_141 : i32
      %add3A_143 = arith.constant 1 : i32
      %add3A_144 = arith.addi %mul3A_142, %add3A_143 : i32
      %dma_wait3A_145 = arith.constant 0 : i32
      %dma_wait3A_146 = tpu.memref_slice %arg4[%add3A_9, %dma_wait3A_145] : memref<81920x128xf32, #tpu.memory_space<hbm>> -> memref<128x128xf32, #tpu.memory_space<hbm>>
      %dma_wait3A_147 = arith.constant 0 : i32
      %dma_wait3A_148 = tpu.memref_slice %arg4[%add3A_9, %dma_wait3A_147] : memref<81920x128xf32, #tpu.memory_space<hbm>> -> memref<128x128xf32, #tpu.memory_space<hbm>>
      tpu.wait_dma2 semaphore(%arg17 : memref<!tpu.dma_semaphore, #tpu.memory_space<semaphore_mem>>) src(%arg7 : memref<128x128xf32, #tpu.memory_space<vmem>>) dst(%dma_wait3A_148 : memref<128x128xf32, #tpu.memory_space<hbm>>)
      %mul3A_149 = arith.constant 128 : i32
      %mul3A_150 = arith.muli %add3A_144, %mul3A_149 : i32
      %dma_start3A_151 = tpu.memref_slice %arg5[%mul3A_150] : memref<2560xi32, #tpu.memory_space<vmem>> -> memref<128xi32, #tpu.memory_space<vmem>>
      %dma_start3A_152 = arith.constant 0 : i32
      %dma_start3A_153 = arith.constant 0 : i32
      %dma_start3A_154 = tpu.memref_slice %arg2[%dma_start3A_152, %dma_start3A_153] : memref<10000x128xf32, #tpu.memory_space<hbm>> -> memref<10000x128xf32, #tpu.memory_space<hbm>>
      tpu.enqueue_indirect_dma source(%dma_start3A_154 : memref<10000x128xf32, #tpu.memory_space<hbm>>) target(%arg7 : memref<128x128xf32, #tpu.memory_space<vmem>>) offsets(%dma_start3A_151 : memref<128xi32, #tpu.memory_space<vmem>>) semaphore(%arg12 : memref<!tpu.dma_semaphore, #tpu.memory_space<semaphore_mem>>)
      %dma_wait3A_155 = arith.constant 0 : i32
      %dma_wait3A_156 = tpu.memref_slice %arg5[%dma_wait3A_155] : memref<2560xi32, #tpu.memory_space<vmem>> -> memref<128xi32, #tpu.memory_space<vmem>>
      %dma_wait3A_157 = arith.constant 0 : i32
      %dma_wait3A_158 = arith.constant 0 : i32
      %dma_wait3A_159 = tpu.memref_slice %arg2[%dma_wait3A_157, %dma_wait3A_158] : memref<10000x128xf32, #tpu.memory_space<hbm>> -> memref<10000x128xf32, #tpu.memory_space<hbm>>
      tpu.wait_indirect_dma semaphore(%arg14 : memref<!tpu.dma_semaphore, #tpu.memory_space<semaphore_mem>>) src(%dma_wait3A_159 : memref<10000x128xf32, #tpu.memory_space<hbm>>) dst(%arg9 : memref<128x128xf32, #tpu.memory_space<vmem>>)
      %sub3A_160 = arith.constant 3 : i32
      %sub3A_161 = arith.subi %add3A_144, %sub3A_160 : i32
      %mul3A_162 = arith.constant 128 : i32
      %mul3A_163 = arith.muli %sub3A_161, %mul3A_162 : i32
      %add3A_164 = arith.addi %add3A_9, %mul3A_163 : i32
      %dma_start3A_165 = arith.constant 0 : i32
      %dma_start3A_166 = tpu.memref_slice %arg4[%add3A_164, %dma_start3A_165] : memref<81920x128xf32, #tpu.memory_space<hbm>> -> memref<128x128xf32, #tpu.memory_space<hbm>>
      %dma_start3A_167 = arith.constant 0 : i32
      %dma_start3A_168 = tpu.memref_slice %arg4[%add3A_164, %dma_start3A_167] : memref<81920x128xf32, #tpu.memory_space<hbm>> -> memref<128x128xf32, #tpu.memory_space<hbm>>
      tpu.enqueue_dma source(%arg9 : memref<128x128xf32, #tpu.memory_space<vmem>>) target(%dma_start3A_168 : memref<128x128xf32, #tpu.memory_space<hbm>>) target_semaphore(%arg19 : memref<!tpu.dma_semaphore, #tpu.memory_space<semaphore_mem>>)
      %mul3A_169 = arith.constant 5 : i32
      %mul3A_170 = arith.muli %scan3A_113, %mul3A_169 : i32
      %add3A_171 = arith.constant 2 : i32
      %add3A_172 = arith.addi %mul3A_170, %add3A_171 : i32
      %dma_wait3A_173 = arith.constant 0 : i32
      %dma_wait3A_174 = tpu.memref_slice %arg4[%add3A_9, %dma_wait3A_173] : memref<81920x128xf32, #tpu.memory_space<hbm>> -> memref<128x128xf32, #tpu.memory_space<hbm>>
      %dma_wait3A_175 = arith.constant 0 : i32
      %dma_wait3A_176 = tpu.memref_slice %arg4[%add3A_9, %dma_wait3A_175] : memref<81920x128xf32, #tpu.memory_space<hbm>> -> memref<128x128xf32, #tpu.memory_space<hbm>>
      tpu.wait_dma2 semaphore(%arg18 : memref<!tpu.dma_semaphore, #tpu.memory_space<semaphore_mem>>) src(%arg8 : memref<128x128xf32, #tpu.memory_space<vmem>>) dst(%dma_wait3A_176 : memref<128x128xf32, #tpu.memory_space<hbm>>)
      %mul3A_177 = arith.constant 128 : i32
      %mul3A_178 = arith.muli %add3A_172, %mul3A_177 : i32
      %dma_start3A_179 = tpu.memref_slice %arg5[%mul3A_178] : memref<2560xi32, #tpu.memory_space<vmem>> -> memref<128xi32, #tpu.memory_space<vmem>>
      %dma_start3A_180 = arith.constant 0 : i32
      %dma_start3A_181 = arith.constant 0 : i32
      %dma_start3A_182 = tpu.memref_slice %arg2[%dma_start3A_180, %dma_start3A_181] : memref<10000x128xf32, #tpu.memory_space<hbm>> -> memref<10000x128xf32, #tpu.memory_space<hbm>>
      tpu.enqueue_indirect_dma source(%dma_start3A_182 : memref<10000x128xf32, #tpu.memory_space<hbm>>) target(%arg8 : memref<128x128xf32, #tpu.memory_space<vmem>>) offsets(%dma_start3A_179 : memref<128xi32, #tpu.memory_space<vmem>>) semaphore(%arg13 : memref<!tpu.dma_semaphore, #tpu.memory_space<semaphore_mem>>)
      %dma_wait3A_183 = arith.constant 0 : i32
      %dma_wait3A_184 = tpu.memref_slice %arg5[%dma_wait3A_183] : memref<2560xi32, #tpu.memory_space<vmem>> -> memref<128xi32, #tpu.memory_space<vmem>>
      %dma_wait3A_185 = arith.constant 0 : i32
      %dma_wait3A_186 = arith.constant 0 : i32
      %dma_wait3A_187 = tpu.memref_slice %arg2[%dma_wait3A_185, %dma_wait3A_186] : memref<10000x128xf32, #tpu.memory_space<hbm>> -> memref<10000x128xf32, #tpu.memory_space<hbm>>
      tpu.wait_indirect_dma semaphore(%arg15 : memref<!tpu.dma_semaphore, #tpu.memory_space<semaphore_mem>>) src(%dma_wait3A_187 : memref<10000x128xf32, #tpu.memory_space<hbm>>) dst(%arg10 : memref<128x128xf32, #tpu.memory_space<vmem>>)
      %sub3A_188 = arith.constant 3 : i32
      %sub3A_189 = arith.subi %add3A_172, %sub3A_188 : i32
      %mul3A_190 = arith.constant 128 : i32
      %mul3A_191 = arith.muli %sub3A_189, %mul3A_190 : i32
      %add3A_192 = arith.addi %add3A_9, %mul3A_191 : i32
      %dma_start3A_193 = arith.constant 0 : i32
      %dma_start3A_194 = tpu.memref_slice %arg4[%add3A_192, %dma_start3A_193] : memref<81920x128xf32, #tpu.memory_space<hbm>> -> memref<128x128xf32, #tpu.memory_space<hbm>>
      %dma_start3A_195 = arith.constant 0 : i32
      %dma_start3A_196 = tpu.memref_slice %arg4[%add3A_192, %dma_start3A_195] : memref<81920x128xf32, #tpu.memory_space<hbm>> -> memref<128x128xf32, #tpu.memory_space<hbm>>
      tpu.enqueue_dma source(%arg10 : memref<128x128xf32, #tpu.memory_space<vmem>>) target(%dma_start3A_196 : memref<128x128xf32, #tpu.memory_space<hbm>>) target_semaphore(%arg20 : memref<!tpu.dma_semaphore, #tpu.memory_space<semaphore_mem>>)
      %mul3A_197 = arith.constant 5 : i32
      %mul3A_198 = arith.muli %scan3A_113, %mul3A_197 : i32
      %add3A_199 = arith.constant 3 : i32
      %add3A_200 = arith.addi %mul3A_198, %add3A_199 : i32
      %dma_wait3A_201 = arith.constant 0 : i32
      %dma_wait3A_202 = tpu.memref_slice %arg4[%add3A_9, %dma_wait3A_201] : memref<81920x128xf32, #tpu.memory_space<hbm>> -> memref<128x128xf32, #tpu.memory_space<hbm>>
      %dma_wait3A_203 = arith.constant 0 : i32
      %dma_wait3A_204 = tpu.memref_slice %arg4[%add3A_9, %dma_wait3A_203] : memref<81920x128xf32, #tpu.memory_space<hbm>> -> memref<128x128xf32, #tpu.memory_space<hbm>>
      tpu.wait_dma2 semaphore(%arg19 : memref<!tpu.dma_semaphore, #tpu.memory_space<semaphore_mem>>) src(%arg9 : memref<128x128xf32, #tpu.memory_space<vmem>>) dst(%dma_wait3A_204 : memref<128x128xf32, #tpu.memory_space<hbm>>)
      %mul3A_205 = arith.constant 128 : i32
      %mul3A_206 = arith.muli %add3A_200, %mul3A_205 : i32
      %dma_start3A_207 = tpu.memref_slice %arg5[%mul3A_206] : memref<2560xi32, #tpu.memory_space<vmem>> -> memref<128xi32, #tpu.memory_space<vmem>>
      %dma_start3A_208 = arith.constant 0 : i32
      %dma_start3A_209 = arith.constant 0 : i32
      %dma_start3A_210 = tpu.memref_slice %arg2[%dma_start3A_208, %dma_start3A_209] : memref<10000x128xf32, #tpu.memory_space<hbm>> -> memref<10000x128xf32, #tpu.memory_space<hbm>>
      tpu.enqueue_indirect_dma source(%dma_start3A_210 : memref<10000x128xf32, #tpu.memory_space<hbm>>) target(%arg9 : memref<128x128xf32, #tpu.memory_space<vmem>>) offsets(%dma_start3A_207 : memref<128xi32, #tpu.memory_space<vmem>>) semaphore(%arg14 : memref<!tpu.dma_semaphore, #tpu.memory_space<semaphore_mem>>)
      %dma_wait3A_211 = arith.constant 0 : i32
      %dma_wait3A_212 = tpu.memref_slice %arg5[%dma_wait3A_211] : memref<2560xi32, #tpu.memory_space<vmem>> -> memref<128xi32, #tpu.memory_space<vmem>>
      %dma_wait3A_213 = arith.constant 0 : i32
      %dma_wait3A_214 = arith.constant 0 : i32
      %dma_wait3A_215 = tpu.memref_slice %arg2[%dma_wait3A_213, %dma_wait3A_214] : memref<10000x128xf32, #tpu.memory_space<hbm>> -> memref<10000x128xf32, #tpu.memory_space<hbm>>
      tpu.wait_indirect_dma semaphore(%arg11 : memref<!tpu.dma_semaphore, #tpu.memory_space<semaphore_mem>>) src(%dma_wait3A_215 : memref<10000x128xf32, #tpu.memory_space<hbm>>) dst(%arg6 : memref<128x128xf32, #tpu.memory_space<vmem>>)
      %sub3A_216 = arith.constant 3 : i32
      %sub3A_217 = arith.subi %add3A_200, %sub3A_216 : i32
      %mul3A_218 = arith.constant 128 : i32
      %mul3A_219 = arith.muli %sub3A_217, %mul3A_218 : i32
      %add3A_220 = arith.addi %add3A_9, %mul3A_219 : i32
      %dma_start3A_221 = arith.constant 0 : i32
      %dma_start3A_222 = tpu.memref_slice %arg4[%add3A_220, %dma_start3A_221] : memref<81920x128xf32, #tpu.memory_space<hbm>> -> memref<128x128xf32, #tpu.memory_space<hbm>>
      %dma_start3A_223 = arith.constant 0 : i32
      %dma_start3A_224 = tpu.memref_slice %arg4[%add3A_220, %dma_start3A_223] : memref<81920x128xf32, #tpu.memory_space<hbm>> -> memref<128x128xf32, #tpu.memory_space<hbm>>
      tpu.enqueue_dma source(%arg6 : memref<128x128xf32, #tpu.memory_space<vmem>>) target(%dma_start3A_224 : memref<128x128xf32, #tpu.memory_space<hbm>>) target_semaphore(%arg16 : memref<!tpu.dma_semaphore, #tpu.memory_space<semaphore_mem>>)
      %mul3A_225 = arith.constant 5 : i32
      %mul3A_226 = arith.muli %scan3A_113, %mul3A_225 : i32
      %add3A_227 = arith.constant 4 : i32
      %add3A_228 = arith.addi %mul3A_226, %add3A_227 : i32
      %dma_wait3A_229 = arith.constant 0 : i32
      %dma_wait3A_230 = tpu.memref_slice %arg4[%add3A_9, %dma_wait3A_229] : memref<81920x128xf32, #tpu.memory_space<hbm>> -> memref<128x128xf32, #tpu.memory_space<hbm>>
      %dma_wait3A_231 = arith.constant 0 : i32
      %dma_wait3A_232 = tpu.memref_slice %arg4[%add3A_9, %dma_wait3A_231] : memref<81920x128xf32, #tpu.memory_space<hbm>> -> memref<128x128xf32, #tpu.memory_space<hbm>>
      tpu.wait_dma2 semaphore(%arg20 : memref<!tpu.dma_semaphore, #tpu.memory_space<semaphore_mem>>) src(%arg10 : memref<128x128xf32, #tpu.memory_space<vmem>>) dst(%dma_wait3A_232 : memref<128x128xf32, #tpu.memory_space<hbm>>)
      %mul3A_233 = arith.constant 128 : i32
      %mul3A_234 = arith.muli %add3A_228, %mul3A_233 : i32
      %dma_start3A_235 = tpu.memref_slice %arg5[%mul3A_234] : memref<2560xi32, #tpu.memory_space<vmem>> -> memref<128xi32, #tpu.memory_space<vmem>>
      %dma_start3A_236 = arith.constant 0 : i32
      %dma_start3A_237 = arith.constant 0 : i32
      %dma_start3A_238 = tpu.memref_slice %arg2[%dma_start3A_236, %dma_start3A_237] : memref<10000x128xf32, #tpu.memory_space<hbm>> -> memref<10000x128xf32, #tpu.memory_space<hbm>>
      tpu.enqueue_indirect_dma source(%dma_start3A_238 : memref<10000x128xf32, #tpu.memory_space<hbm>>) target(%arg10 : memref<128x128xf32, #tpu.memory_space<vmem>>) offsets(%dma_start3A_235 : memref<128xi32, #tpu.memory_space<vmem>>) semaphore(%arg15 : memref<!tpu.dma_semaphore, #tpu.memory_space<semaphore_mem>>)
      %dma_wait3A_239 = arith.constant 0 : i32
      %dma_wait3A_240 = tpu.memref_slice %arg5[%dma_wait3A_239] : memref<2560xi32, #tpu.memory_space<vmem>> -> memref<128xi32, #tpu.memory_space<vmem>>
      %dma_wait3A_241 = arith.constant 0 : i32
      %dma_wait3A_242 = arith.constant 0 : i32
      %dma_wait3A_243 = tpu.memref_slice %arg2[%dma_wait3A_241, %dma_wait3A_242] : memref<10000x128xf32, #tpu.memory_space<hbm>> -> memref<10000x128xf32, #tpu.memory_space<hbm>>
      tpu.wait_indirect_dma semaphore(%arg12 : memref<!tpu.dma_semaphore, #tpu.memory_space<semaphore_mem>>) src(%dma_wait3A_243 : memref<10000x128xf32, #tpu.memory_space<hbm>>) dst(%arg7 : memref<128x128xf32, #tpu.memory_space<vmem>>)
      %sub3A_244 = arith.constant 3 : i32
      %sub3A_245 = arith.subi %add3A_228, %sub3A_244 : i32
      %mul3A_246 = arith.constant 128 : i32
      %mul3A_247 = arith.muli %sub3A_245, %mul3A_246 : i32
      %add3A_248 = arith.addi %add3A_9, %mul3A_247 : i32
      %dma_start3A_249 = arith.constant 0 : i32
      %dma_start3A_250 = tpu.memref_slice %arg4[%add3A_248, %dma_start3A_249] : memref<81920x128xf32, #tpu.memory_space<hbm>> -> memref<128x128xf32, #tpu.memory_space<hbm>>
      %dma_start3A_251 = arith.constant 0 : i32
      %dma_start3A_252 = tpu.memref_slice %arg4[%add3A_248, %dma_start3A_251] : memref<81920x128xf32, #tpu.memory_space<hbm>> -> memref<128x128xf32, #tpu.memory_space<hbm>>
      tpu.enqueue_dma source(%arg7 : memref<128x128xf32, #tpu.memory_space<vmem>>) target(%dma_start3A_252 : memref<128x128xf32, #tpu.memory_space<hbm>>) target_semaphore(%arg17 : memref<!tpu.dma_semaphore, #tpu.memory_space<semaphore_mem>>)
    }
    %scan3A_59 = arith.constant 3 : i32
    %dma_wait3A_60 = arith.constant 0 : i32
    %dma_wait3A_61 = tpu.memref_slice %arg5[%dma_wait3A_60] : memref<2560xi32, #tpu.memory_space<vmem>> -> memref<128xi32, #tpu.memory_space<vmem>>
    %dma_wait3A_62 = arith.constant 0 : i32
    %dma_wait3A_63 = arith.constant 0 : i32
    %dma_wait3A_64 = tpu.memref_slice %arg2[%dma_wait3A_62, %dma_wait3A_63] : memref<10000x128xf32, #tpu.memory_space<hbm>> -> memref<10000x128xf32, #tpu.memory_space<hbm>>
    tpu.wait_indirect_dma semaphore(%arg13 : memref<!tpu.dma_semaphore, #tpu.memory_space<semaphore_mem>>) src(%dma_wait3A_64 : memref<10000x128xf32, #tpu.memory_space<hbm>>) dst(%arg8 : memref<128x128xf32, #tpu.memory_space<vmem>>)
    %add3A_65 = arith.constant 2176 : i32
    %add3A_66 = arith.addi %add3A_9, %add3A_65 : i32
    %dma_start3A_67 = arith.constant 0 : i32
    %dma_start3A_68 = tpu.memref_slice %arg4[%add3A_66, %dma_start3A_67] : memref<81920x128xf32, #tpu.memory_space<hbm>> -> memref<128x128xf32, #tpu.memory_space<hbm>>
    %dma_start3A_69 = arith.constant 0 : i32
    %dma_start3A_70 = tpu.memref_slice %arg4[%add3A_66, %dma_start3A_69] : memref<81920x128xf32, #tpu.memory_space<hbm>> -> memref<128x128xf32, #tpu.memory_space<hbm>>
    tpu.enqueue_dma source(%arg8 : memref<128x128xf32, #tpu.memory_space<vmem>>) target(%dma_start3A_70 : memref<128x128xf32, #tpu.memory_space<hbm>>) target_semaphore(%arg18 : memref<!tpu.dma_semaphore, #tpu.memory_space<semaphore_mem>>)
    %dma_wait3A_71 = arith.constant 0 : i32
    %dma_wait3A_72 = tpu.memref_slice %arg5[%dma_wait3A_71] : memref<2560xi32, #tpu.memory_space<vmem>> -> memref<128xi32, #tpu.memory_space<vmem>>
    %dma_wait3A_73 = arith.constant 0 : i32
    %dma_wait3A_74 = arith.constant 0 : i32
    %dma_wait3A_75 = tpu.memref_slice %arg2[%dma_wait3A_73, %dma_wait3A_74] : memref<10000x128xf32, #tpu.memory_space<hbm>> -> memref<10000x128xf32, #tpu.memory_space<hbm>>
    tpu.wait_indirect_dma semaphore(%arg14 : memref<!tpu.dma_semaphore, #tpu.memory_space<semaphore_mem>>) src(%dma_wait3A_75 : memref<10000x128xf32, #tpu.memory_space<hbm>>) dst(%arg9 : memref<128x128xf32, #tpu.memory_space<vmem>>)
    %add3A_76 = arith.constant 2304 : i32
    %add3A_77 = arith.addi %add3A_9, %add3A_76 : i32
    %dma_start3A_78 = arith.constant 0 : i32
    %dma_start3A_79 = tpu.memref_slice %arg4[%add3A_77, %dma_start3A_78] : memref<81920x128xf32, #tpu.memory_space<hbm>> -> memref<128x128xf32, #tpu.memory_space<hbm>>
    %dma_start3A_80 = arith.constant 0 : i32
    %dma_start3A_81 = tpu.memref_slice %arg4[%add3A_77, %dma_start3A_80] : memref<81920x128xf32, #tpu.memory_space<hbm>> -> memref<128x128xf32, #tpu.memory_space<hbm>>
    tpu.enqueue_dma source(%arg9 : memref<128x128xf32, #tpu.memory_space<vmem>>) target(%dma_start3A_81 : memref<128x128xf32, #tpu.memory_space<hbm>>) target_semaphore(%arg19 : memref<!tpu.dma_semaphore, #tpu.memory_space<semaphore_mem>>)
    %dma_wait3A_82 = arith.constant 0 : i32
    %dma_wait3A_83 = tpu.memref_slice %arg5[%dma_wait3A_82] : memref<2560xi32, #tpu.memory_space<vmem>> -> memref<128xi32, #tpu.memory_space<vmem>>
    %dma_wait3A_84 = arith.constant 0 : i32
    %dma_wait3A_85 = arith.constant 0 : i32
    %dma_wait3A_86 = tpu.memref_slice %arg2[%dma_wait3A_84, %dma_wait3A_85] : memref<10000x128xf32, #tpu.memory_space<hbm>> -> memref<10000x128xf32, #tpu.memory_space<hbm>>
    tpu.wait_indirect_dma semaphore(%arg15 : memref<!tpu.dma_semaphore, #tpu.memory_space<semaphore_mem>>) src(%dma_wait3A_86 : memref<10000x128xf32, #tpu.memory_space<hbm>>) dst(%arg10 : memref<128x128xf32, #tpu.memory_space<vmem>>)
    %add3A_87 = arith.constant 2432 : i32
    %add3A_88 = arith.addi %add3A_9, %add3A_87 : i32
    %dma_start3A_89 = arith.constant 0 : i32
    %dma_start3A_90 = tpu.memref_slice %arg4[%add3A_88, %dma_start3A_89] : memref<81920x128xf32, #tpu.memory_space<hbm>> -> memref<128x128xf32, #tpu.memory_space<hbm>>
    %dma_start3A_91 = arith.constant 0 : i32
    %dma_start3A_92 = tpu.memref_slice %arg4[%add3A_88, %dma_start3A_91] : memref<81920x128xf32, #tpu.memory_space<hbm>> -> memref<128x128xf32, #tpu.memory_space<hbm>>
    tpu.enqueue_dma source(%arg10 : memref<128x128xf32, #tpu.memory_space<vmem>>) target(%dma_start3A_92 : memref<128x128xf32, #tpu.memory_space<hbm>>) target_semaphore(%arg20 : memref<!tpu.dma_semaphore, #tpu.memory_space<semaphore_mem>>)
    %dma_wait3A_93 = arith.constant 0 : i32
    %dma_wait3A_94 = tpu.memref_slice %arg4[%add3A_9, %dma_wait3A_93] : memref<81920x128xf32, #tpu.memory_space<hbm>> -> memref<128x128xf32, #tpu.memory_space<hbm>>
    %dma_wait3A_95 = arith.constant 0 : i32
    %dma_wait3A_96 = tpu.memref_slice %arg4[%add3A_9, %dma_wait3A_95] : memref<81920x128xf32, #tpu.memory_space<hbm>> -> memref<128x128xf32, #tpu.memory_space<hbm>>
    tpu.wait_dma2 semaphore(%arg16 : memref<!tpu.dma_semaphore, #tpu.memory_space<semaphore_mem>>) src(%arg6 : memref<128x128xf32, #tpu.memory_space<vmem>>) dst(%dma_wait3A_96 : memref<128x128xf32, #tpu.memory_space<hbm>>)
    %dma_wait3A_97 = arith.constant 0 : i32
    %dma_wait3A_98 = tpu.memref_slice %arg4[%add3A_9, %dma_wait3A_97] : memref<81920x128xf32, #tpu.memory_space<hbm>> -> memref<128x128xf32, #tpu.memory_space<hbm>>
    %dma_wait3A_99 = arith.constant 0 : i32
    %dma_wait3A_100 = tpu.memref_slice %arg4[%add3A_9, %dma_wait3A_99] : memref<81920x128xf32, #tpu.memory_space<hbm>> -> memref<128x128xf32, #tpu.memory_space<hbm>>
    tpu.wait_dma2 semaphore(%arg17 : memref<!tpu.dma_semaphore, #tpu.memory_space<semaphore_mem>>) src(%arg7 : memref<128x128xf32, #tpu.memory_space<vmem>>) dst(%dma_wait3A_100 : memref<128x128xf32, #tpu.memory_space<hbm>>)
    %dma_wait3A_101 = arith.constant 0 : i32
    %dma_wait3A_102 = tpu.memref_slice %arg4[%add3A_9, %dma_wait3A_101] : memref<81920x128xf32, #tpu.memory_space<hbm>> -> memref<128x128xf32, #tpu.memory_space<hbm>>
    %dma_wait3A_103 = arith.constant 0 : i32
    %dma_wait3A_104 = tpu.memref_slice %arg4[%add3A_9, %dma_wait3A_103] : memref<81920x128xf32, #tpu.memory_space<hbm>> -> memref<128x128xf32, #tpu.memory_space<hbm>>
    tpu.wait_dma2 semaphore(%arg18 : memref<!tpu.dma_semaphore, #tpu.memory_space<semaphore_mem>>) src(%arg8 : memref<128x128xf32, #tpu.memory_space<vmem>>) dst(%dma_wait3A_104 : memref<128x128xf32, #tpu.memory_space<hbm>>)
    %dma_wait3A_105 = arith.constant 0 : i32
    %dma_wait3A_106 = tpu.memref_slice %arg4[%add3A_9, %dma_wait3A_105] : memref<81920x128xf32, #tpu.memory_space<hbm>> -> memref<128x128xf32, #tpu.memory_space<hbm>>
    %dma_wait3A_107 = arith.constant 0 : i32
    %dma_wait3A_108 = tpu.memref_slice %arg4[%add3A_9, %dma_wait3A_107] : memref<81920x128xf32, #tpu.memory_space<hbm>> -> memref<128x128xf32, #tpu.memory_space<hbm>>
    tpu.wait_dma2 semaphore(%arg19 : memref<!tpu.dma_semaphore, #tpu.memory_space<semaphore_mem>>) src(%arg9 : memref<128x128xf32, #tpu.memory_space<vmem>>) dst(%dma_wait3A_108 : memref<128x128xf32, #tpu.memory_space<hbm>>)
    %dma_wait3A_109 = arith.constant 0 : i32
    %dma_wait3A_110 = tpu.memref_slice %arg4[%add3A_9, %dma_wait3A_109] : memref<81920x128xf32, #tpu.memory_space<hbm>> -> memref<128x128xf32, #tpu.memory_space<hbm>>
    %dma_wait3A_111 = arith.constant 0 : i32
    %dma_wait3A_112 = tpu.memref_slice %arg4[%add3A_9, %dma_wait3A_111] : memref<81920x128xf32, #tpu.memory_space<hbm>> -> memref<128x128xf32, #tpu.memory_space<hbm>>
    tpu.wait_dma2 semaphore(%arg20 : memref<!tpu.dma_semaphore, #tpu.memory_space<semaphore_mem>>) src(%arg10 : memref<128x128xf32, #tpu.memory_space<vmem>>) dst(%dma_wait3A_112 : memref<128x128xf32, #tpu.memory_space<hbm>>)
    return
  }
}

#map = affine_map<(d0, d1) -> (0, 0)>
#map1 = affine_map<(d0, d1) -> (0)>
module attributes {stable_mosaic.version = 14 : i64} {
  func.func @gather_kernel(%arg0: i32, %arg1: i32, %arg2: memref<10240x128xi32, #tpu.memory_space<hbm>>, %arg3: memref<163840xi32, #tpu.memory_space<hbm>>, %arg4: memref<81920x128xi32, #tpu.memory_space<hbm>>, %arg5: memref<2560xi32, #tpu.memory_space<vmem>>, %arg6: memref<128x128xi32, #tpu.memory_space<vmem>>, %arg7: memref<128x128xi32, #tpu.memory_space<vmem>>, %arg8: memref<128x128xi32, #tpu.memory_space<vmem>>, %arg9: memref<128x128xi32, #tpu.memory_space<vmem>>, %arg10: memref<128x128xi32, #tpu.memory_space<vmem>>, %arg11: memref<!tpu.dma_semaphore, #tpu.memory_space<semaphore_mem>>, %arg12: memref<!tpu.dma_semaphore, #tpu.memory_space<semaphore_mem>>, %arg13: memref<!tpu.dma_semaphore, #tpu.memory_space<semaphore_mem>>, %arg14: memref<!tpu.dma_semaphore, #tpu.memory_space<semaphore_mem>>, %arg15: memref<!tpu.dma_semaphore, #tpu.memory_space<semaphore_mem>>, %arg16: memref<!tpu.dma_semaphore, #tpu.memory_space<semaphore_mem>>, %arg17: memref<!tpu.dma_semaphore, #tpu.memory_space<semaphore_mem>>, %arg18: memref<!tpu.dma_semaphore, #tpu.memory_space<semaphore_mem>>, %arg19: memref<!tpu.dma_semaphore, #tpu.memory_space<semaphore_mem>>, %arg20: memref<!tpu.dma_semaphore, #tpu.memory_space<semaphore_mem>>) attributes {dimension_semantics = [#tpu.dimension_semantics<core_parallel>, #tpu.dimension_semantics<subcore_parallel>], iteration_bounds = array<i64: 2, 16>, scalar_prefetch = 0 : i64, scratch_operands = 16 : i64, tpu.core_type = #tpu.core_type<sc_vector_subcore>, window_params = [{transform_indices = #map}, {transform_indices = #map1}, {transform_indices = #map}]} {
    %mul3A = arith.constant 10240 : i32
    %mul3A_0 = arith.muli %arg1, %mul3A : i32
    %add3A = arith.constant 0 : i32
    %add3A_1 = arith.addi %mul3A_0, %add3A : i32
    %mul3A_2 = arith.constant 2560 : i32
    %mul3A_3 = arith.muli %arg0, %mul3A_2 : i32
    %add3A_4 = arith.addi %add3A_1, %mul3A_3 : i32
    %mul3A_5 = arith.constant 5120 : i32
    %mul3A_6 = arith.muli %arg1, %mul3A_5 : i32
    %mul3A_7 = arith.constant 2560 : i32
    %mul3A_8 = arith.muli %arg0, %mul3A_7 : i32
    %add3A_9 = arith.addi %mul3A_6, %mul3A_8 : i32
    "tpu.region"() ({
      %run_scoped3A = tpu.sem_alloc : memref<!tpu.dma_semaphore, #tpu.memory_space<semaphore_mem>>
      %dma_start3A_113 = tpu.memref_slice %arg3[%add3A_4] : memref<163840xi32, #tpu.memory_space<hbm>> -> memref<2560xi32, #tpu.memory_space<hbm>>
      %dma_start3A_114 = tpu.memref_slice %arg3[%add3A_4] : memref<163840xi32, #tpu.memory_space<hbm>> -> memref<2560xi32, #tpu.memory_space<hbm>>
      tpu.enqueue_dma source(%dma_start3A_114 : memref<2560xi32, #tpu.memory_space<hbm>>) target(%arg5 : memref<2560xi32, #tpu.memory_space<vmem>>) target_semaphore(%run_scoped3A : memref<!tpu.dma_semaphore, #tpu.memory_space<semaphore_mem>>)
      %dma_wait3A_115 = tpu.memref_slice %arg3[%add3A_4] : memref<163840xi32, #tpu.memory_space<hbm>> -> memref<2560xi32, #tpu.memory_space<hbm>>
      %dma_wait3A_116 = tpu.memref_slice %arg3[%add3A_4] : memref<163840xi32, #tpu.memory_space<hbm>> -> memref<2560xi32, #tpu.memory_space<hbm>>
      tpu.wait_dma2 semaphore(%run_scoped3A : memref<!tpu.dma_semaphore, #tpu.memory_space<semaphore_mem>>) src(%dma_wait3A_116 : memref<2560xi32, #tpu.memory_space<hbm>>) dst(%arg5 : memref<2560xi32, #tpu.memory_space<vmem>>)
      tpu.yield
    }) : () -> ()
    %dma_start3A = arith.constant 0 : i32
    %dma_start3A_10 = tpu.memref_slice %arg5[%dma_start3A] : memref<2560xi32, #tpu.memory_space<vmem>> -> memref<128xi32, #tpu.memory_space<vmem>>
    %dma_start3A_11 = arith.constant 0 : i32
    %dma_start3A_12 = arith.constant 0 : i32
    %dma_start3A_13 = tpu.memref_slice %arg2[%dma_start3A_11, %dma_start3A_12] : memref<10240x128xi32, #tpu.memory_space<hbm>> -> memref<10240x128xi32, #tpu.memory_space<hbm>>
    tpu.enqueue_indirect_dma source(%dma_start3A_13 : memref<10240x128xi32, #tpu.memory_space<hbm>>) target(%arg6 : memref<128x128xi32, #tpu.memory_space<vmem>>) offsets(%dma_start3A_10 : memref<128xi32, #tpu.memory_space<vmem>>) semaphore(%arg11 : memref<!tpu.dma_semaphore, #tpu.memory_space<semaphore_mem>>)
    %dma_start3A_14 = arith.constant 128 : i32
    %dma_start3A_15 = tpu.memref_slice %arg5[%dma_start3A_14] : memref<2560xi32, #tpu.memory_space<vmem>> -> memref<128xi32, #tpu.memory_space<vmem>>
    %dma_start3A_16 = arith.constant 0 : i32
    %dma_start3A_17 = arith.constant 0 : i32
    %dma_start3A_18 = tpu.memref_slice %arg2[%dma_start3A_16, %dma_start3A_17] : memref<10240x128xi32, #tpu.memory_space<hbm>> -> memref<10240x128xi32, #tpu.memory_space<hbm>>
    tpu.enqueue_indirect_dma source(%dma_start3A_18 : memref<10240x128xi32, #tpu.memory_space<hbm>>) target(%arg7 : memref<128x128xi32, #tpu.memory_space<vmem>>) offsets(%dma_start3A_15 : memref<128xi32, #tpu.memory_space<vmem>>) semaphore(%arg12 : memref<!tpu.dma_semaphore, #tpu.memory_space<semaphore_mem>>)
    %dma_start3A_19 = arith.constant 256 : i32
    %dma_start3A_20 = tpu.memref_slice %arg5[%dma_start3A_19] : memref<2560xi32, #tpu.memory_space<vmem>> -> memref<128xi32, #tpu.memory_space<vmem>>
    %dma_start3A_21 = arith.constant 0 : i32
    %dma_start3A_22 = arith.constant 0 : i32
    %dma_start3A_23 = tpu.memref_slice %arg2[%dma_start3A_21, %dma_start3A_22] : memref<10240x128xi32, #tpu.memory_space<hbm>> -> memref<10240x128xi32, #tpu.memory_space<hbm>>
    tpu.enqueue_indirect_dma source(%dma_start3A_23 : memref<10240x128xi32, #tpu.memory_space<hbm>>) target(%arg8 : memref<128x128xi32, #tpu.memory_space<vmem>>) offsets(%dma_start3A_20 : memref<128xi32, #tpu.memory_space<vmem>>) semaphore(%arg13 : memref<!tpu.dma_semaphore, #tpu.memory_space<semaphore_mem>>)
    %dma_start3A_24 = arith.constant 384 : i32
    %dma_start3A_25 = tpu.memref_slice %arg5[%dma_start3A_24] : memref<2560xi32, #tpu.memory_space<vmem>> -> memref<128xi32, #tpu.memory_space<vmem>>
    %dma_start3A_26 = arith.constant 0 : i32
    %dma_start3A_27 = arith.constant 0 : i32
    %dma_start3A_28 = tpu.memref_slice %arg2[%dma_start3A_26, %dma_start3A_27] : memref<10240x128xi32, #tpu.memory_space<hbm>> -> memref<10240x128xi32, #tpu.memory_space<hbm>>
    tpu.enqueue_indirect_dma source(%dma_start3A_28 : memref<10240x128xi32, #tpu.memory_space<hbm>>) target(%arg9 : memref<128x128xi32, #tpu.memory_space<vmem>>) offsets(%dma_start3A_25 : memref<128xi32, #tpu.memory_space<vmem>>) semaphore(%arg14 : memref<!tpu.dma_semaphore, #tpu.memory_space<semaphore_mem>>)
    %dma_start3A_29 = arith.constant 512 : i32
    %dma_start3A_30 = tpu.memref_slice %arg5[%dma_start3A_29] : memref<2560xi32, #tpu.memory_space<vmem>> -> memref<128xi32, #tpu.memory_space<vmem>>
    %dma_start3A_31 = arith.constant 0 : i32
    %dma_start3A_32 = arith.constant 0 : i32
    %dma_start3A_33 = tpu.memref_slice %arg2[%dma_start3A_31, %dma_start3A_32] : memref<10240x128xi32, #tpu.memory_space<hbm>> -> memref<10240x128xi32, #tpu.memory_space<hbm>>
    tpu.enqueue_indirect_dma source(%dma_start3A_33 : memref<10240x128xi32, #tpu.memory_space<hbm>>) target(%arg10 : memref<128x128xi32, #tpu.memory_space<vmem>>) offsets(%dma_start3A_30 : memref<128xi32, #tpu.memory_space<vmem>>) semaphore(%arg15 : memref<!tpu.dma_semaphore, #tpu.memory_space<semaphore_mem>>)
    %dma_wait3A = arith.constant 0 : i32
    %dma_wait3A_34 = tpu.memref_slice %arg5[%dma_wait3A] : memref<2560xi32, #tpu.memory_space<vmem>> -> memref<128xi32, #tpu.memory_space<vmem>>
    %dma_wait3A_35 = arith.constant 0 : i32
    %dma_wait3A_36 = arith.constant 0 : i32
    %dma_wait3A_37 = tpu.memref_slice %arg2[%dma_wait3A_35, %dma_wait3A_36] : memref<10240x128xi32, #tpu.memory_space<hbm>> -> memref<10240x128xi32, #tpu.memory_space<hbm>>
    tpu.wait_indirect_dma semaphore(%arg11 : memref<!tpu.dma_semaphore, #tpu.memory_space<semaphore_mem>>) src(%dma_wait3A_37 : memref<10240x128xi32, #tpu.memory_space<hbm>>) dst(%arg6 : memref<128x128xi32, #tpu.memory_space<vmem>>)
    %add3A_38 = arith.constant 0 : i32
    %add3A_39 = arith.addi %add3A_9, %add3A_38 : i32
    %dma_start3A_40 = arith.constant 0 : i32
    %dma_start3A_41 = tpu.memref_slice %arg4[%add3A_39, %dma_start3A_40] : memref<81920x128xi32, #tpu.memory_space<hbm>> -> memref<128x128xi32, #tpu.memory_space<hbm>>
    %dma_start3A_42 = arith.constant 0 : i32
    %dma_start3A_43 = tpu.memref_slice %arg4[%add3A_39, %dma_start3A_42] : memref<81920x128xi32, #tpu.memory_space<hbm>> -> memref<128x128xi32, #tpu.memory_space<hbm>>
    tpu.enqueue_dma source(%arg6 : memref<128x128xi32, #tpu.memory_space<vmem>>) target(%dma_start3A_43 : memref<128x128xi32, #tpu.memory_space<hbm>>) target_semaphore(%arg16 : memref<!tpu.dma_semaphore, #tpu.memory_space<semaphore_mem>>)
    %dma_wait3A_44 = arith.constant 0 : i32
    %dma_wait3A_45 = tpu.memref_slice %arg5[%dma_wait3A_44] : memref<2560xi32, #tpu.memory_space<vmem>> -> memref<128xi32, #tpu.memory_space<vmem>>
    %dma_wait3A_46 = arith.constant 0 : i32
    %dma_wait3A_47 = arith.constant 0 : i32
    %dma_wait3A_48 = tpu.memref_slice %arg2[%dma_wait3A_46, %dma_wait3A_47] : memref<10240x128xi32, #tpu.memory_space<hbm>> -> memref<10240x128xi32, #tpu.memory_space<hbm>>
    tpu.wait_indirect_dma semaphore(%arg12 : memref<!tpu.dma_semaphore, #tpu.memory_space<semaphore_mem>>) src(%dma_wait3A_48 : memref<10240x128xi32, #tpu.memory_space<hbm>>) dst(%arg7 : memref<128x128xi32, #tpu.memory_space<vmem>>)
    %add3A_49 = arith.constant 128 : i32
    %add3A_50 = arith.addi %add3A_9, %add3A_49 : i32
    %dma_start3A_51 = arith.constant 0 : i32
    %dma_start3A_52 = tpu.memref_slice %arg4[%add3A_50, %dma_start3A_51] : memref<81920x128xi32, #tpu.memory_space<hbm>> -> memref<128x128xi32, #tpu.memory_space<hbm>>
    %dma_start3A_53 = arith.constant 0 : i32
    %dma_start3A_54 = tpu.memref_slice %arg4[%add3A_50, %dma_start3A_53] : memref<81920x128xi32, #tpu.memory_space<hbm>> -> memref<128x128xi32, #tpu.memory_space<hbm>>
    tpu.enqueue_dma source(%arg7 : memref<128x128xi32, #tpu.memory_space<vmem>>) target(%dma_start3A_54 : memref<128x128xi32, #tpu.memory_space<hbm>>) target_semaphore(%arg17 : memref<!tpu.dma_semaphore, #tpu.memory_space<semaphore_mem>>)
    %scan3A = arith.constant 0 : i32
    %scan3A_55 = arith.constant 1 : i32
    %scan3A_56 = arith.constant 3 : i32
    %scan3A_57 = arith.addi %scan3A_55, %scan3A_56 : i32
    %scan3A_58 = arith.constant 1 : i32
    scf.for %scan3A_113 = %scan3A_55 to %scan3A_57 step %scan3A_58  : i32 {
      %mul3A_114 = arith.constant 5 : i32
      %mul3A_115 = arith.muli %scan3A_113, %mul3A_114 : i32
      %add3A_116 = arith.constant 0 : i32
      %add3A_117 = arith.addi %mul3A_115, %add3A_116 : i32
      %dma_wait3A_118 = arith.constant 0 : i32
      %dma_wait3A_119 = tpu.memref_slice %arg4[%add3A_9, %dma_wait3A_118] : memref<81920x128xi32, #tpu.memory_space<hbm>> -> memref<128x128xi32, #tpu.memory_space<hbm>>
      %dma_wait3A_120 = arith.constant 0 : i32
      %dma_wait3A_121 = tpu.memref_slice %arg4[%add3A_9, %dma_wait3A_120] : memref<81920x128xi32, #tpu.memory_space<hbm>> -> memref<128x128xi32, #tpu.memory_space<hbm>>
      tpu.wait_dma2 semaphore(%arg16 : memref<!tpu.dma_semaphore, #tpu.memory_space<semaphore_mem>>) src(%arg6 : memref<128x128xi32, #tpu.memory_space<vmem>>) dst(%dma_wait3A_121 : memref<128x128xi32, #tpu.memory_space<hbm>>)
      %mul3A_122 = arith.constant 128 : i32
      %mul3A_123 = arith.muli %add3A_117, %mul3A_122 : i32
      %dma_start3A_124 = tpu.memref_slice %arg5[%mul3A_123] : memref<2560xi32, #tpu.memory_space<vmem>> -> memref<128xi32, #tpu.memory_space<vmem>>
      %dma_start3A_125 = arith.constant 0 : i32
      %dma_start3A_126 = arith.constant 0 : i32
      %dma_start3A_127 = tpu.memref_slice %arg2[%dma_start3A_125, %dma_start3A_126] : memref<10240x128xi32, #tpu.memory_space<hbm>> -> memref<10240x128xi32, #tpu.memory_space<hbm>>
      tpu.enqueue_indirect_dma source(%dma_start3A_127 : memref<10240x128xi32, #tpu.memory_space<hbm>>) target(%arg6 : memref<128x128xi32, #tpu.memory_space<vmem>>) offsets(%dma_start3A_124 : memref<128xi32, #tpu.memory_space<vmem>>) semaphore(%arg11 : memref<!tpu.dma_semaphore, #tpu.memory_space<semaphore_mem>>)
      %dma_wait3A_128 = arith.constant 0 : i32
      %dma_wait3A_129 = tpu.memref_slice %arg5[%dma_wait3A_128] : memref<2560xi32, #tpu.memory_space<vmem>> -> memref<128xi32, #tpu.memory_space<vmem>>
      %dma_wait3A_130 = arith.constant 0 : i32
      %dma_wait3A_131 = arith.constant 0 : i32
      %dma_wait3A_132 = tpu.memref_slice %arg2[%dma_wait3A_130, %dma_wait3A_131] : memref<10240x128xi32, #tpu.memory_space<hbm>> -> memref<10240x128xi32, #tpu.memory_space<hbm>>
      tpu.wait_indirect_dma semaphore(%arg13 : memref<!tpu.dma_semaphore, #tpu.memory_space<semaphore_mem>>) src(%dma_wait3A_132 : memref<10240x128xi32, #tpu.memory_space<hbm>>) dst(%arg8 : memref<128x128xi32, #tpu.memory_space<vmem>>)
      %sub3A = arith.constant 3 : i32
      %sub3A_133 = arith.subi %add3A_117, %sub3A : i32
      %mul3A_134 = arith.constant 128 : i32
      %mul3A_135 = arith.muli %sub3A_133, %mul3A_134 : i32
      %add3A_136 = arith.addi %add3A_9, %mul3A_135 : i32
      %dma_start3A_137 = arith.constant 0 : i32
      %dma_start3A_138 = tpu.memref_slice %arg4[%add3A_136, %dma_start3A_137] : memref<81920x128xi32, #tpu.memory_space<hbm>> -> memref<128x128xi32, #tpu.memory_space<hbm>>
      %dma_start3A_139 = arith.constant 0 : i32
      %dma_start3A_140 = tpu.memref_slice %arg4[%add3A_136, %dma_start3A_139] : memref<81920x128xi32, #tpu.memory_space<hbm>> -> memref<128x128xi32, #tpu.memory_space<hbm>>
      tpu.enqueue_dma source(%arg8 : memref<128x128xi32, #tpu.memory_space<vmem>>) target(%dma_start3A_140 : memref<128x128xi32, #tpu.memory_space<hbm>>) target_semaphore(%arg18 : memref<!tpu.dma_semaphore, #tpu.memory_space<semaphore_mem>>)
      %mul3A_141 = arith.constant 5 : i32
      %mul3A_142 = arith.muli %scan3A_113, %mul3A_141 : i32
      %add3A_143 = arith.constant 1 : i32
      %add3A_144 = arith.addi %mul3A_142, %add3A_143 : i32
      %dma_wait3A_145 = arith.constant 0 : i32
      %dma_wait3A_146 = tpu.memref_slice %arg4[%add3A_9, %dma_wait3A_145] : memref<81920x128xi32, #tpu.memory_space<hbm>> -> memref<128x128xi32, #tpu.memory_space<hbm>>
      %dma_wait3A_147 = arith.constant 0 : i32
      %dma_wait3A_148 = tpu.memref_slice %arg4[%add3A_9, %dma_wait3A_147] : memref<81920x128xi32, #tpu.memory_space<hbm>> -> memref<128x128xi32, #tpu.memory_space<hbm>>
      tpu.wait_dma2 semaphore(%arg17 : memref<!tpu.dma_semaphore, #tpu.memory_space<semaphore_mem>>) src(%arg7 : memref<128x128xi32, #tpu.memory_space<vmem>>) dst(%dma_wait3A_148 : memref<128x128xi32, #tpu.memory_space<hbm>>)
      %mul3A_149 = arith.constant 128 : i32
      %mul3A_150 = arith.muli %add3A_144, %mul3A_149 : i32
      %dma_start3A_151 = tpu.memref_slice %arg5[%mul3A_150] : memref<2560xi32, #tpu.memory_space<vmem>> -> memref<128xi32, #tpu.memory_space<vmem>>
      %dma_start3A_152 = arith.constant 0 : i32
      %dma_start3A_153 = arith.constant 0 : i32
      %dma_start3A_154 = tpu.memref_slice %arg2[%dma_start3A_152, %dma_start3A_153] : memref<10240x128xi32, #tpu.memory_space<hbm>> -> memref<10240x128xi32, #tpu.memory_space<hbm>>
      tpu.enqueue_indirect_dma source(%dma_start3A_154 : memref<10240x128xi32, #tpu.memory_space<hbm>>) target(%arg7 : memref<128x128xi32, #tpu.memory_space<vmem>>) offsets(%dma_start3A_151 : memref<128xi32, #tpu.memory_space<vmem>>) semaphore(%arg12 : memref<!tpu.dma_semaphore, #tpu.memory_space<semaphore_mem>>)
      %dma_wait3A_155 = arith.constant 0 : i32
      %dma_wait3A_156 = tpu.memref_slice %arg5[%dma_wait3A_155] : memref<2560xi32, #tpu.memory_space<vmem>> -> memref<128xi32, #tpu.memory_space<vmem>>
      %dma_wait3A_157 = arith.constant 0 : i32
      %dma_wait3A_158 = arith.constant 0 : i32
      %dma_wait3A_159 = tpu.memref_slice %arg2[%dma_wait3A_157, %dma_wait3A_158] : memref<10240x128xi32, #tpu.memory_space<hbm>> -> memref<10240x128xi32, #tpu.memory_space<hbm>>
      tpu.wait_indirect_dma semaphore(%arg14 : memref<!tpu.dma_semaphore, #tpu.memory_space<semaphore_mem>>) src(%dma_wait3A_159 : memref<10240x128xi32, #tpu.memory_space<hbm>>) dst(%arg9 : memref<128x128xi32, #tpu.memory_space<vmem>>)
      %sub3A_160 = arith.constant 3 : i32
      %sub3A_161 = arith.subi %add3A_144, %sub3A_160 : i32
      %mul3A_162 = arith.constant 128 : i32
      %mul3A_163 = arith.muli %sub3A_161, %mul3A_162 : i32
      %add3A_164 = arith.addi %add3A_9, %mul3A_163 : i32
      %dma_start3A_165 = arith.constant 0 : i32
      %dma_start3A_166 = tpu.memref_slice %arg4[%add3A_164, %dma_start3A_165] : memref<81920x128xi32, #tpu.memory_space<hbm>> -> memref<128x128xi32, #tpu.memory_space<hbm>>
      %dma_start3A_167 = arith.constant 0 : i32
      %dma_start3A_168 = tpu.memref_slice %arg4[%add3A_164, %dma_start3A_167] : memref<81920x128xi32, #tpu.memory_space<hbm>> -> memref<128x128xi32, #tpu.memory_space<hbm>>
      tpu.enqueue_dma source(%arg9 : memref<128x128xi32, #tpu.memory_space<vmem>>) target(%dma_start3A_168 : memref<128x128xi32, #tpu.memory_space<hbm>>) target_semaphore(%arg19 : memref<!tpu.dma_semaphore, #tpu.memory_space<semaphore_mem>>)
      %mul3A_169 = arith.constant 5 : i32
      %mul3A_170 = arith.muli %scan3A_113, %mul3A_169 : i32
      %add3A_171 = arith.constant 2 : i32
      %add3A_172 = arith.addi %mul3A_170, %add3A_171 : i32
      %dma_wait3A_173 = arith.constant 0 : i32
      %dma_wait3A_174 = tpu.memref_slice %arg4[%add3A_9, %dma_wait3A_173] : memref<81920x128xi32, #tpu.memory_space<hbm>> -> memref<128x128xi32, #tpu.memory_space<hbm>>
      %dma_wait3A_175 = arith.constant 0 : i32
      %dma_wait3A_176 = tpu.memref_slice %arg4[%add3A_9, %dma_wait3A_175] : memref<81920x128xi32, #tpu.memory_space<hbm>> -> memref<128x128xi32, #tpu.memory_space<hbm>>
      tpu.wait_dma2 semaphore(%arg18 : memref<!tpu.dma_semaphore, #tpu.memory_space<semaphore_mem>>) src(%arg8 : memref<128x128xi32, #tpu.memory_space<vmem>>) dst(%dma_wait3A_176 : memref<128x128xi32, #tpu.memory_space<hbm>>)
      %mul3A_177 = arith.constant 128 : i32
      %mul3A_178 = arith.muli %add3A_172, %mul3A_177 : i32
      %dma_start3A_179 = tpu.memref_slice %arg5[%mul3A_178] : memref<2560xi32, #tpu.memory_space<vmem>> -> memref<128xi32, #tpu.memory_space<vmem>>
      %dma_start3A_180 = arith.constant 0 : i32
      %dma_start3A_181 = arith.constant 0 : i32
      %dma_start3A_182 = tpu.memref_slice %arg2[%dma_start3A_180, %dma_start3A_181] : memref<10240x128xi32, #tpu.memory_space<hbm>> -> memref<10240x128xi32, #tpu.memory_space<hbm>>
      tpu.enqueue_indirect_dma source(%dma_start3A_182 : memref<10240x128xi32, #tpu.memory_space<hbm>>) target(%arg8 : memref<128x128xi32, #tpu.memory_space<vmem>>) offsets(%dma_start3A_179 : memref<128xi32, #tpu.memory_space<vmem>>) semaphore(%arg13 : memref<!tpu.dma_semaphore, #tpu.memory_space<semaphore_mem>>)
      %dma_wait3A_183 = arith.constant 0 : i32
      %dma_wait3A_184 = tpu.memref_slice %arg5[%dma_wait3A_183] : memref<2560xi32, #tpu.memory_space<vmem>> -> memref<128xi32, #tpu.memory_space<vmem>>
      %dma_wait3A_185 = arith.constant 0 : i32
      %dma_wait3A_186 = arith.constant 0 : i32
      %dma_wait3A_187 = tpu.memref_slice %arg2[%dma_wait3A_185, %dma_wait3A_186] : memref<10240x128xi32, #tpu.memory_space<hbm>> -> memref<10240x128xi32, #tpu.memory_space<hbm>>
      tpu.wait_indirect_dma semaphore(%arg15 : memref<!tpu.dma_semaphore, #tpu.memory_space<semaphore_mem>>) src(%dma_wait3A_187 : memref<10240x128xi32, #tpu.memory_space<hbm>>) dst(%arg10 : memref<128x128xi32, #tpu.memory_space<vmem>>)
      %sub3A_188 = arith.constant 3 : i32
      %sub3A_189 = arith.subi %add3A_172, %sub3A_188 : i32
      %mul3A_190 = arith.constant 128 : i32
      %mul3A_191 = arith.muli %sub3A_189, %mul3A_190 : i32
      %add3A_192 = arith.addi %add3A_9, %mul3A_191 : i32
      %dma_start3A_193 = arith.constant 0 : i32
      %dma_start3A_194 = tpu.memref_slice %arg4[%add3A_192, %dma_start3A_193] : memref<81920x128xi32, #tpu.memory_space<hbm>> -> memref<128x128xi32, #tpu.memory_space<hbm>>
      %dma_start3A_195 = arith.constant 0 : i32
      %dma_start3A_196 = tpu.memref_slice %arg4[%add3A_192, %dma_start3A_195] : memref<81920x128xi32, #tpu.memory_space<hbm>> -> memref<128x128xi32, #tpu.memory_space<hbm>>
      tpu.enqueue_dma source(%arg10 : memref<128x128xi32, #tpu.memory_space<vmem>>) target(%dma_start3A_196 : memref<128x128xi32, #tpu.memory_space<hbm>>) target_semaphore(%arg20 : memref<!tpu.dma_semaphore, #tpu.memory_space<semaphore_mem>>)
      %mul3A_197 = arith.constant 5 : i32
      %mul3A_198 = arith.muli %scan3A_113, %mul3A_197 : i32
      %add3A_199 = arith.constant 3 : i32
      %add3A_200 = arith.addi %mul3A_198, %add3A_199 : i32
      %dma_wait3A_201 = arith.constant 0 : i32
      %dma_wait3A_202 = tpu.memref_slice %arg4[%add3A_9, %dma_wait3A_201] : memref<81920x128xi32, #tpu.memory_space<hbm>> -> memref<128x128xi32, #tpu.memory_space<hbm>>
      %dma_wait3A_203 = arith.constant 0 : i32
      %dma_wait3A_204 = tpu.memref_slice %arg4[%add3A_9, %dma_wait3A_203] : memref<81920x128xi32, #tpu.memory_space<hbm>> -> memref<128x128xi32, #tpu.memory_space<hbm>>
      tpu.wait_dma2 semaphore(%arg19 : memref<!tpu.dma_semaphore, #tpu.memory_space<semaphore_mem>>) src(%arg9 : memref<128x128xi32, #tpu.memory_space<vmem>>) dst(%dma_wait3A_204 : memref<128x128xi32, #tpu.memory_space<hbm>>)
      %mul3A_205 = arith.constant 128 : i32
      %mul3A_206 = arith.muli %add3A_200, %mul3A_205 : i32
      %dma_start3A_207 = tpu.memref_slice %arg5[%mul3A_206] : memref<2560xi32, #tpu.memory_space<vmem>> -> memref<128xi32, #tpu.memory_space<vmem>>
      %dma_start3A_208 = arith.constant 0 : i32
      %dma_start3A_209 = arith.constant 0 : i32
      %dma_start3A_210 = tpu.memref_slice %arg2[%dma_start3A_208, %dma_start3A_209] : memref<10240x128xi32, #tpu.memory_space<hbm>> -> memref<10240x128xi32, #tpu.memory_space<hbm>>
      tpu.enqueue_indirect_dma source(%dma_start3A_210 : memref<10240x128xi32, #tpu.memory_space<hbm>>) target(%arg9 : memref<128x128xi32, #tpu.memory_space<vmem>>) offsets(%dma_start3A_207 : memref<128xi32, #tpu.memory_space<vmem>>) semaphore(%arg14 : memref<!tpu.dma_semaphore, #tpu.memory_space<semaphore_mem>>)
      %dma_wait3A_211 = arith.constant 0 : i32
      %dma_wait3A_212 = tpu.memref_slice %arg5[%dma_wait3A_211] : memref<2560xi32, #tpu.memory_space<vmem>> -> memref<128xi32, #tpu.memory_space<vmem>>
      %dma_wait3A_213 = arith.constant 0 : i32
      %dma_wait3A_214 = arith.constant 0 : i32
      %dma_wait3A_215 = tpu.memref_slice %arg2[%dma_wait3A_213, %dma_wait3A_214] : memref<10240x128xi32, #tpu.memory_space<hbm>> -> memref<10240x128xi32, #tpu.memory_space<hbm>>
      tpu.wait_indirect_dma semaphore(%arg11 : memref<!tpu.dma_semaphore, #tpu.memory_space<semaphore_mem>>) src(%dma_wait3A_215 : memref<10240x128xi32, #tpu.memory_space<hbm>>) dst(%arg6 : memref<128x128xi32, #tpu.memory_space<vmem>>)
      %sub3A_216 = arith.constant 3 : i32
      %sub3A_217 = arith.subi %add3A_200, %sub3A_216 : i32
      %mul3A_218 = arith.constant 128 : i32
      %mul3A_219 = arith.muli %sub3A_217, %mul3A_218 : i32
      %add3A_220 = arith.addi %add3A_9, %mul3A_219 : i32
      %dma_start3A_221 = arith.constant 0 : i32
      %dma_start3A_222 = tpu.memref_slice %arg4[%add3A_220, %dma_start3A_221] : memref<81920x128xi32, #tpu.memory_space<hbm>> -> memref<128x128xi32, #tpu.memory_space<hbm>>
      %dma_start3A_223 = arith.constant 0 : i32
      %dma_start3A_224 = tpu.memref_slice %arg4[%add3A_220, %dma_start3A_223] : memref<81920x128xi32, #tpu.memory_space<hbm>> -> memref<128x128xi32, #tpu.memory_space<hbm>>
      tpu.enqueue_dma source(%arg6 : memref<128x128xi32, #tpu.memory_space<vmem>>) target(%dma_start3A_224 : memref<128x128xi32, #tpu.memory_space<hbm>>) target_semaphore(%arg16 : memref<!tpu.dma_semaphore, #tpu.memory_space<semaphore_mem>>)
      %mul3A_225 = arith.constant 5 : i32
      %mul3A_226 = arith.muli %scan3A_113, %mul3A_225 : i32
      %add3A_227 = arith.constant 4 : i32
      %add3A_228 = arith.addi %mul3A_226, %add3A_227 : i32
      %dma_wait3A_229 = arith.constant 0 : i32
      %dma_wait3A_230 = tpu.memref_slice %arg4[%add3A_9, %dma_wait3A_229] : memref<81920x128xi32, #tpu.memory_space<hbm>> -> memref<128x128xi32, #tpu.memory_space<hbm>>
      %dma_wait3A_231 = arith.constant 0 : i32
      %dma_wait3A_232 = tpu.memref_slice %arg4[%add3A_9, %dma_wait3A_231] : memref<81920x128xi32, #tpu.memory_space<hbm>> -> memref<128x128xi32, #tpu.memory_space<hbm>>
      tpu.wait_dma2 semaphore(%arg20 : memref<!tpu.dma_semaphore, #tpu.memory_space<semaphore_mem>>) src(%arg10 : memref<128x128xi32, #tpu.memory_space<vmem>>) dst(%dma_wait3A_232 : memref<128x128xi32, #tpu.memory_space<hbm>>)
      %mul3A_233 = arith.constant 128 : i32
      %mul3A_234 = arith.muli %add3A_228, %mul3A_233 : i32
      %dma_start3A_235 = tpu.memref_slice %arg5[%mul3A_234] : memref<2560xi32, #tpu.memory_space<vmem>> -> memref<128xi32, #tpu.memory_space<vmem>>
      %dma_start3A_236 = arith.constant 0 : i32
      %dma_start3A_237 = arith.constant 0 : i32
      %dma_start3A_238 = tpu.memref_slice %arg2[%dma_start3A_236, %dma_start3A_237] : memref<10240x128xi32, #tpu.memory_space<hbm>> -> memref<10240x128xi32, #tpu.memory_space<hbm>>
      tpu.enqueue_indirect_dma source(%dma_start3A_238 : memref<10240x128xi32, #tpu.memory_space<hbm>>) target(%arg10 : memref<128x128xi32, #tpu.memory_space<vmem>>) offsets(%dma_start3A_235 : memref<128xi32, #tpu.memory_space<vmem>>) semaphore(%arg15 : memref<!tpu.dma_semaphore, #tpu.memory_space<semaphore_mem>>)
      %dma_wait3A_239 = arith.constant 0 : i32
      %dma_wait3A_240 = tpu.memref_slice %arg5[%dma_wait3A_239] : memref<2560xi32, #tpu.memory_space<vmem>> -> memref<128xi32, #tpu.memory_space<vmem>>
      %dma_wait3A_241 = arith.constant 0 : i32
      %dma_wait3A_242 = arith.constant 0 : i32
      %dma_wait3A_243 = tpu.memref_slice %arg2[%dma_wait3A_241, %dma_wait3A_242] : memref<10240x128xi32, #tpu.memory_space<hbm>> -> memref<10240x128xi32, #tpu.memory_space<hbm>>
      tpu.wait_indirect_dma semaphore(%arg12 : memref<!tpu.dma_semaphore, #tpu.memory_space<semaphore_mem>>) src(%dma_wait3A_243 : memref<10240x128xi32, #tpu.memory_space<hbm>>) dst(%arg7 : memref<128x128xi32, #tpu.memory_space<vmem>>)
      %sub3A_244 = arith.constant 3 : i32
      %sub3A_245 = arith.subi %add3A_228, %sub3A_244 : i32
      %mul3A_246 = arith.constant 128 : i32
      %mul3A_247 = arith.muli %sub3A_245, %mul3A_246 : i32
      %add3A_248 = arith.addi %add3A_9, %mul3A_247 : i32
      %dma_start3A_249 = arith.constant 0 : i32
      %dma_start3A_250 = tpu.memref_slice %arg4[%add3A_248, %dma_start3A_249] : memref<81920x128xi32, #tpu.memory_space<hbm>> -> memref<128x128xi32, #tpu.memory_space<hbm>>
      %dma_start3A_251 = arith.constant 0 : i32
      %dma_start3A_252 = tpu.memref_slice %arg4[%add3A_248, %dma_start3A_251] : memref<81920x128xi32, #tpu.memory_space<hbm>> -> memref<128x128xi32, #tpu.memory_space<hbm>>
      tpu.enqueue_dma source(%arg7 : memref<128x128xi32, #tpu.memory_space<vmem>>) target(%dma_start3A_252 : memref<128x128xi32, #tpu.memory_space<hbm>>) target_semaphore(%arg17 : memref<!tpu.dma_semaphore, #tpu.memory_space<semaphore_mem>>)
    }
    %scan3A_59 = arith.constant 3 : i32
    %dma_wait3A_60 = arith.constant 0 : i32
    %dma_wait3A_61 = tpu.memref_slice %arg5[%dma_wait3A_60] : memref<2560xi32, #tpu.memory_space<vmem>> -> memref<128xi32, #tpu.memory_space<vmem>>
    %dma_wait3A_62 = arith.constant 0 : i32
    %dma_wait3A_63 = arith.constant 0 : i32
    %dma_wait3A_64 = tpu.memref_slice %arg2[%dma_wait3A_62, %dma_wait3A_63] : memref<10240x128xi32, #tpu.memory_space<hbm>> -> memref<10240x128xi32, #tpu.memory_space<hbm>>
    tpu.wait_indirect_dma semaphore(%arg13 : memref<!tpu.dma_semaphore, #tpu.memory_space<semaphore_mem>>) src(%dma_wait3A_64 : memref<10240x128xi32, #tpu.memory_space<hbm>>) dst(%arg8 : memref<128x128xi32, #tpu.memory_space<vmem>>)
    %add3A_65 = arith.constant 2176 : i32
    %add3A_66 = arith.addi %add3A_9, %add3A_65 : i32
    %dma_start3A_67 = arith.constant 0 : i32
    %dma_start3A_68 = tpu.memref_slice %arg4[%add3A_66, %dma_start3A_67] : memref<81920x128xi32, #tpu.memory_space<hbm>> -> memref<128x128xi32, #tpu.memory_space<hbm>>
    %dma_start3A_69 = arith.constant 0 : i32
    %dma_start3A_70 = tpu.memref_slice %arg4[%add3A_66, %dma_start3A_69] : memref<81920x128xi32, #tpu.memory_space<hbm>> -> memref<128x128xi32, #tpu.memory_space<hbm>>
    tpu.enqueue_dma source(%arg8 : memref<128x128xi32, #tpu.memory_space<vmem>>) target(%dma_start3A_70 : memref<128x128xi32, #tpu.memory_space<hbm>>) target_semaphore(%arg18 : memref<!tpu.dma_semaphore, #tpu.memory_space<semaphore_mem>>)
    %dma_wait3A_71 = arith.constant 0 : i32
    %dma_wait3A_72 = tpu.memref_slice %arg5[%dma_wait3A_71] : memref<2560xi32, #tpu.memory_space<vmem>> -> memref<128xi32, #tpu.memory_space<vmem>>
    %dma_wait3A_73 = arith.constant 0 : i32
    %dma_wait3A_74 = arith.constant 0 : i32
    %dma_wait3A_75 = tpu.memref_slice %arg2[%dma_wait3A_73, %dma_wait3A_74] : memref<10240x128xi32, #tpu.memory_space<hbm>> -> memref<10240x128xi32, #tpu.memory_space<hbm>>
    tpu.wait_indirect_dma semaphore(%arg14 : memref<!tpu.dma_semaphore, #tpu.memory_space<semaphore_mem>>) src(%dma_wait3A_75 : memref<10240x128xi32, #tpu.memory_space<hbm>>) dst(%arg9 : memref<128x128xi32, #tpu.memory_space<vmem>>)
    %add3A_76 = arith.constant 2304 : i32
    %add3A_77 = arith.addi %add3A_9, %add3A_76 : i32
    %dma_start3A_78 = arith.constant 0 : i32
    %dma_start3A_79 = tpu.memref_slice %arg4[%add3A_77, %dma_start3A_78] : memref<81920x128xi32, #tpu.memory_space<hbm>> -> memref<128x128xi32, #tpu.memory_space<hbm>>
    %dma_start3A_80 = arith.constant 0 : i32
    %dma_start3A_81 = tpu.memref_slice %arg4[%add3A_77, %dma_start3A_80] : memref<81920x128xi32, #tpu.memory_space<hbm>> -> memref<128x128xi32, #tpu.memory_space<hbm>>
    tpu.enqueue_dma source(%arg9 : memref<128x128xi32, #tpu.memory_space<vmem>>) target(%dma_start3A_81 : memref<128x128xi32, #tpu.memory_space<hbm>>) target_semaphore(%arg19 : memref<!tpu.dma_semaphore, #tpu.memory_space<semaphore_mem>>)
    %dma_wait3A_82 = arith.constant 0 : i32
    %dma_wait3A_83 = tpu.memref_slice %arg5[%dma_wait3A_82] : memref<2560xi32, #tpu.memory_space<vmem>> -> memref<128xi32, #tpu.memory_space<vmem>>
    %dma_wait3A_84 = arith.constant 0 : i32
    %dma_wait3A_85 = arith.constant 0 : i32
    %dma_wait3A_86 = tpu.memref_slice %arg2[%dma_wait3A_84, %dma_wait3A_85] : memref<10240x128xi32, #tpu.memory_space<hbm>> -> memref<10240x128xi32, #tpu.memory_space<hbm>>
    tpu.wait_indirect_dma semaphore(%arg15 : memref<!tpu.dma_semaphore, #tpu.memory_space<semaphore_mem>>) src(%dma_wait3A_86 : memref<10240x128xi32, #tpu.memory_space<hbm>>) dst(%arg10 : memref<128x128xi32, #tpu.memory_space<vmem>>)
    %add3A_87 = arith.constant 2432 : i32
    %add3A_88 = arith.addi %add3A_9, %add3A_87 : i32
    %dma_start3A_89 = arith.constant 0 : i32
    %dma_start3A_90 = tpu.memref_slice %arg4[%add3A_88, %dma_start3A_89] : memref<81920x128xi32, #tpu.memory_space<hbm>> -> memref<128x128xi32, #tpu.memory_space<hbm>>
    %dma_start3A_91 = arith.constant 0 : i32
    %dma_start3A_92 = tpu.memref_slice %arg4[%add3A_88, %dma_start3A_91] : memref<81920x128xi32, #tpu.memory_space<hbm>> -> memref<128x128xi32, #tpu.memory_space<hbm>>
    tpu.enqueue_dma source(%arg10 : memref<128x128xi32, #tpu.memory_space<vmem>>) target(%dma_start3A_92 : memref<128x128xi32, #tpu.memory_space<hbm>>) target_semaphore(%arg20 : memref<!tpu.dma_semaphore, #tpu.memory_space<semaphore_mem>>)
    %dma_wait3A_93 = arith.constant 0 : i32
    %dma_wait3A_94 = tpu.memref_slice %arg4[%add3A_9, %dma_wait3A_93] : memref<81920x128xi32, #tpu.memory_space<hbm>> -> memref<128x128xi32, #tpu.memory_space<hbm>>
    %dma_wait3A_95 = arith.constant 0 : i32
    %dma_wait3A_96 = tpu.memref_slice %arg4[%add3A_9, %dma_wait3A_95] : memref<81920x128xi32, #tpu.memory_space<hbm>> -> memref<128x128xi32, #tpu.memory_space<hbm>>
    tpu.wait_dma2 semaphore(%arg16 : memref<!tpu.dma_semaphore, #tpu.memory_space<semaphore_mem>>) src(%arg6 : memref<128x128xi32, #tpu.memory_space<vmem>>) dst(%dma_wait3A_96 : memref<128x128xi32, #tpu.memory_space<hbm>>)
    %dma_wait3A_97 = arith.constant 0 : i32
    %dma_wait3A_98 = tpu.memref_slice %arg4[%add3A_9, %dma_wait3A_97] : memref<81920x128xi32, #tpu.memory_space<hbm>> -> memref<128x128xi32, #tpu.memory_space<hbm>>
    %dma_wait3A_99 = arith.constant 0 : i32
    %dma_wait3A_100 = tpu.memref_slice %arg4[%add3A_9, %dma_wait3A_99] : memref<81920x128xi32, #tpu.memory_space<hbm>> -> memref<128x128xi32, #tpu.memory_space<hbm>>
    tpu.wait_dma2 semaphore(%arg17 : memref<!tpu.dma_semaphore, #tpu.memory_space<semaphore_mem>>) src(%arg7 : memref<128x128xi32, #tpu.memory_space<vmem>>) dst(%dma_wait3A_100 : memref<128x128xi32, #tpu.memory_space<hbm>>)
    %dma_wait3A_101 = arith.constant 0 : i32
    %dma_wait3A_102 = tpu.memref_slice %arg4[%add3A_9, %dma_wait3A_101] : memref<81920x128xi32, #tpu.memory_space<hbm>> -> memref<128x128xi32, #tpu.memory_space<hbm>>
    %dma_wait3A_103 = arith.constant 0 : i32
    %dma_wait3A_104 = tpu.memref_slice %arg4[%add3A_9, %dma_wait3A_103] : memref<81920x128xi32, #tpu.memory_space<hbm>> -> memref<128x128xi32, #tpu.memory_space<hbm>>
    tpu.wait_dma2 semaphore(%arg18 : memref<!tpu.dma_semaphore, #tpu.memory_space<semaphore_mem>>) src(%arg8 : memref<128x128xi32, #tpu.memory_space<vmem>>) dst(%dma_wait3A_104 : memref<128x128xi32, #tpu.memory_space<hbm>>)
    %dma_wait3A_105 = arith.constant 0 : i32
    %dma_wait3A_106 = tpu.memref_slice %arg4[%add3A_9, %dma_wait3A_105] : memref<81920x128xi32, #tpu.memory_space<hbm>> -> memref<128x128xi32, #tpu.memory_space<hbm>>
    %dma_wait3A_107 = arith.constant 0 : i32
    %dma_wait3A_108 = tpu.memref_slice %arg4[%add3A_9, %dma_wait3A_107] : memref<81920x128xi32, #tpu.memory_space<hbm>> -> memref<128x128xi32, #tpu.memory_space<hbm>>
    tpu.wait_dma2 semaphore(%arg19 : memref<!tpu.dma_semaphore, #tpu.memory_space<semaphore_mem>>) src(%arg9 : memref<128x128xi32, #tpu.memory_space<vmem>>) dst(%dma_wait3A_108 : memref<128x128xi32, #tpu.memory_space<hbm>>)
    %dma_wait3A_109 = arith.constant 0 : i32
    %dma_wait3A_110 = tpu.memref_slice %arg4[%add3A_9, %dma_wait3A_109] : memref<81920x128xi32, #tpu.memory_space<hbm>> -> memref<128x128xi32, #tpu.memory_space<hbm>>
    %dma_wait3A_111 = arith.constant 0 : i32
    %dma_wait3A_112 = tpu.memref_slice %arg4[%add3A_9, %dma_wait3A_111] : memref<81920x128xi32, #tpu.memory_space<hbm>> -> memref<128x128xi32, #tpu.memory_space<hbm>>
    tpu.wait_dma2 semaphore(%arg20 : memref<!tpu.dma_semaphore, #tpu.memory_space<semaphore_mem>>) src(%arg10 : memref<128x128xi32, #tpu.memory_space<vmem>>) dst(%dma_wait3A_112 : memref<128x128xi32, #tpu.memory_space<hbm>>)
    return
  }
}

#map = affine_map<(d0, d1) -> (0, 0)>
#map1 = affine_map<(d0, d1) -> (0)>
module attributes {stable_mosaic.version = 14 : i64} {
  func.func @gather_kernel(%arg0: i32, %arg1: i32, %arg2: memref<10240x128xi32, #tpu.memory_space<hbm>>, %arg3: memref<163840xi32, #tpu.memory_space<hbm>>, %arg4: memref<81920x128xi32, #tpu.memory_space<hbm>>, %arg5: memref<2560xi32, #tpu.memory_space<vmem>>, %arg6: memref<128x128xi32, #tpu.memory_space<vmem>>, %arg7: memref<128x128xi32, #tpu.memory_space<vmem>>, %arg8: memref<128x128xi32, #tpu.memory_space<vmem>>, %arg9: memref<128x128xi32, #tpu.memory_space<vmem>>, %arg10: memref<128x128xi32, #tpu.memory_space<vmem>>, %arg11: memref<!tpu.dma_semaphore, #tpu.memory_space<semaphore_mem>>, %arg12: memref<!tpu.dma_semaphore, #tpu.memory_space<semaphore_mem>>, %arg13: memref<!tpu.dma_semaphore, #tpu.memory_space<semaphore_mem>>, %arg14: memref<!tpu.dma_semaphore, #tpu.memory_space<semaphore_mem>>, %arg15: memref<!tpu.dma_semaphore, #tpu.memory_space<semaphore_mem>>, %arg16: memref<!tpu.dma_semaphore, #tpu.memory_space<semaphore_mem>>, %arg17: memref<!tpu.dma_semaphore, #tpu.memory_space<semaphore_mem>>, %arg18: memref<!tpu.dma_semaphore, #tpu.memory_space<semaphore_mem>>, %arg19: memref<!tpu.dma_semaphore, #tpu.memory_space<semaphore_mem>>, %arg20: memref<!tpu.dma_semaphore, #tpu.memory_space<semaphore_mem>>) attributes {dimension_semantics = [#tpu.dimension_semantics<core_parallel>, #tpu.dimension_semantics<subcore_parallel>], iteration_bounds = array<i64: 2, 16>, scalar_prefetch = 0 : i64, scratch_operands = 16 : i64, tpu.core_type = #tpu.core_type<sc_vector_subcore>, window_params = [{transform_indices = #map}, {transform_indices = #map1}, {transform_indices = #map}]} {
    %mul3A = arith.constant 10240 : i32
    %mul3A_0 = arith.muli %arg1, %mul3A : i32
    %add3A = arith.constant 5120 : i32
    %add3A_1 = arith.addi %mul3A_0, %add3A : i32
    %mul3A_2 = arith.constant 2560 : i32
    %mul3A_3 = arith.muli %arg0, %mul3A_2 : i32
    %add3A_4 = arith.addi %add3A_1, %mul3A_3 : i32
    %mul3A_5 = arith.constant 5120 : i32
    %mul3A_6 = arith.muli %arg1, %mul3A_5 : i32
    %mul3A_7 = arith.constant 2560 : i32
    %mul3A_8 = arith.muli %arg0, %mul3A_7 : i32
    %add3A_9 = arith.addi %mul3A_6, %mul3A_8 : i32
    "tpu.region"() ({
      %run_scoped3A = tpu.sem_alloc : memref<!tpu.dma_semaphore, #tpu.memory_space<semaphore_mem>>
      %dma_start3A_113 = tpu.memref_slice %arg3[%add3A_4] : memref<163840xi32, #tpu.memory_space<hbm>> -> memref<2560xi32, #tpu.memory_space<hbm>>
      %dma_start3A_114 = tpu.memref_slice %arg3[%add3A_4] : memref<163840xi32, #tpu.memory_space<hbm>> -> memref<2560xi32, #tpu.memory_space<hbm>>
      tpu.enqueue_dma source(%dma_start3A_114 : memref<2560xi32, #tpu.memory_space<hbm>>) target(%arg5 : memref<2560xi32, #tpu.memory_space<vmem>>) target_semaphore(%run_scoped3A : memref<!tpu.dma_semaphore, #tpu.memory_space<semaphore_mem>>)
      %dma_wait3A_115 = tpu.memref_slice %arg3[%add3A_4] : memref<163840xi32, #tpu.memory_space<hbm>> -> memref<2560xi32, #tpu.memory_space<hbm>>
      %dma_wait3A_116 = tpu.memref_slice %arg3[%add3A_4] : memref<163840xi32, #tpu.memory_space<hbm>> -> memref<2560xi32, #tpu.memory_space<hbm>>
      tpu.wait_dma2 semaphore(%run_scoped3A : memref<!tpu.dma_semaphore, #tpu.memory_space<semaphore_mem>>) src(%dma_wait3A_116 : memref<2560xi32, #tpu.memory_space<hbm>>) dst(%arg5 : memref<2560xi32, #tpu.memory_space<vmem>>)
      tpu.yield
    }) : () -> ()
    %dma_start3A = arith.constant 0 : i32
    %dma_start3A_10 = tpu.memref_slice %arg5[%dma_start3A] : memref<2560xi32, #tpu.memory_space<vmem>> -> memref<128xi32, #tpu.memory_space<vmem>>
    %dma_start3A_11 = arith.constant 0 : i32
    %dma_start3A_12 = arith.constant 0 : i32
    %dma_start3A_13 = tpu.memref_slice %arg2[%dma_start3A_11, %dma_start3A_12] : memref<10240x128xi32, #tpu.memory_space<hbm>> -> memref<10240x128xi32, #tpu.memory_space<hbm>>
    tpu.enqueue_indirect_dma source(%dma_start3A_13 : memref<10240x128xi32, #tpu.memory_space<hbm>>) target(%arg6 : memref<128x128xi32, #tpu.memory_space<vmem>>) offsets(%dma_start3A_10 : memref<128xi32, #tpu.memory_space<vmem>>) semaphore(%arg11 : memref<!tpu.dma_semaphore, #tpu.memory_space<semaphore_mem>>)
    %dma_start3A_14 = arith.constant 128 : i32
    %dma_start3A_15 = tpu.memref_slice %arg5[%dma_start3A_14] : memref<2560xi32, #tpu.memory_space<vmem>> -> memref<128xi32, #tpu.memory_space<vmem>>
    %dma_start3A_16 = arith.constant 0 : i32
    %dma_start3A_17 = arith.constant 0 : i32
    %dma_start3A_18 = tpu.memref_slice %arg2[%dma_start3A_16, %dma_start3A_17] : memref<10240x128xi32, #tpu.memory_space<hbm>> -> memref<10240x128xi32, #tpu.memory_space<hbm>>
    tpu.enqueue_indirect_dma source(%dma_start3A_18 : memref<10240x128xi32, #tpu.memory_space<hbm>>) target(%arg7 : memref<128x128xi32, #tpu.memory_space<vmem>>) offsets(%dma_start3A_15 : memref<128xi32, #tpu.memory_space<vmem>>) semaphore(%arg12 : memref<!tpu.dma_semaphore, #tpu.memory_space<semaphore_mem>>)
    %dma_start3A_19 = arith.constant 256 : i32
    %dma_start3A_20 = tpu.memref_slice %arg5[%dma_start3A_19] : memref<2560xi32, #tpu.memory_space<vmem>> -> memref<128xi32, #tpu.memory_space<vmem>>
    %dma_start3A_21 = arith.constant 0 : i32
    %dma_start3A_22 = arith.constant 0 : i32
    %dma_start3A_23 = tpu.memref_slice %arg2[%dma_start3A_21, %dma_start3A_22] : memref<10240x128xi32, #tpu.memory_space<hbm>> -> memref<10240x128xi32, #tpu.memory_space<hbm>>
    tpu.enqueue_indirect_dma source(%dma_start3A_23 : memref<10240x128xi32, #tpu.memory_space<hbm>>) target(%arg8 : memref<128x128xi32, #tpu.memory_space<vmem>>) offsets(%dma_start3A_20 : memref<128xi32, #tpu.memory_space<vmem>>) semaphore(%arg13 : memref<!tpu.dma_semaphore, #tpu.memory_space<semaphore_mem>>)
    %dma_start3A_24 = arith.constant 384 : i32
    %dma_start3A_25 = tpu.memref_slice %arg5[%dma_start3A_24] : memref<2560xi32, #tpu.memory_space<vmem>> -> memref<128xi32, #tpu.memory_space<vmem>>
    %dma_start3A_26 = arith.constant 0 : i32
    %dma_start3A_27 = arith.constant 0 : i32
    %dma_start3A_28 = tpu.memref_slice %arg2[%dma_start3A_26, %dma_start3A_27] : memref<10240x128xi32, #tpu.memory_space<hbm>> -> memref<10240x128xi32, #tpu.memory_space<hbm>>
    tpu.enqueue_indirect_dma source(%dma_start3A_28 : memref<10240x128xi32, #tpu.memory_space<hbm>>) target(%arg9 : memref<128x128xi32, #tpu.memory_space<vmem>>) offsets(%dma_start3A_25 : memref<128xi32, #tpu.memory_space<vmem>>) semaphore(%arg14 : memref<!tpu.dma_semaphore, #tpu.memory_space<semaphore_mem>>)
    %dma_start3A_29 = arith.constant 512 : i32
    %dma_start3A_30 = tpu.memref_slice %arg5[%dma_start3A_29] : memref<2560xi32, #tpu.memory_space<vmem>> -> memref<128xi32, #tpu.memory_space<vmem>>
    %dma_start3A_31 = arith.constant 0 : i32
    %dma_start3A_32 = arith.constant 0 : i32
    %dma_start3A_33 = tpu.memref_slice %arg2[%dma_start3A_31, %dma_start3A_32] : memref<10240x128xi32, #tpu.memory_space<hbm>> -> memref<10240x128xi32, #tpu.memory_space<hbm>>
    tpu.enqueue_indirect_dma source(%dma_start3A_33 : memref<10240x128xi32, #tpu.memory_space<hbm>>) target(%arg10 : memref<128x128xi32, #tpu.memory_space<vmem>>) offsets(%dma_start3A_30 : memref<128xi32, #tpu.memory_space<vmem>>) semaphore(%arg15 : memref<!tpu.dma_semaphore, #tpu.memory_space<semaphore_mem>>)
    %dma_wait3A = arith.constant 0 : i32
    %dma_wait3A_34 = tpu.memref_slice %arg5[%dma_wait3A] : memref<2560xi32, #tpu.memory_space<vmem>> -> memref<128xi32, #tpu.memory_space<vmem>>
    %dma_wait3A_35 = arith.constant 0 : i32
    %dma_wait3A_36 = arith.constant 0 : i32
    %dma_wait3A_37 = tpu.memref_slice %arg2[%dma_wait3A_35, %dma_wait3A_36] : memref<10240x128xi32, #tpu.memory_space<hbm>> -> memref<10240x128xi32, #tpu.memory_space<hbm>>
    tpu.wait_indirect_dma semaphore(%arg11 : memref<!tpu.dma_semaphore, #tpu.memory_space<semaphore_mem>>) src(%dma_wait3A_37 : memref<10240x128xi32, #tpu.memory_space<hbm>>) dst(%arg6 : memref<128x128xi32, #tpu.memory_space<vmem>>)
    %add3A_38 = arith.constant 0 : i32
    %add3A_39 = arith.addi %add3A_9, %add3A_38 : i32
    %dma_start3A_40 = arith.constant 0 : i32
    %dma_start3A_41 = tpu.memref_slice %arg4[%add3A_39, %dma_start3A_40] : memref<81920x128xi32, #tpu.memory_space<hbm>> -> memref<128x128xi32, #tpu.memory_space<hbm>>
    %dma_start3A_42 = arith.constant 0 : i32
    %dma_start3A_43 = tpu.memref_slice %arg4[%add3A_39, %dma_start3A_42] : memref<81920x128xi32, #tpu.memory_space<hbm>> -> memref<128x128xi32, #tpu.memory_space<hbm>>
    tpu.enqueue_dma source(%arg6 : memref<128x128xi32, #tpu.memory_space<vmem>>) target(%dma_start3A_43 : memref<128x128xi32, #tpu.memory_space<hbm>>) target_semaphore(%arg16 : memref<!tpu.dma_semaphore, #tpu.memory_space<semaphore_mem>>)
    %dma_wait3A_44 = arith.constant 0 : i32
    %dma_wait3A_45 = tpu.memref_slice %arg5[%dma_wait3A_44] : memref<2560xi32, #tpu.memory_space<vmem>> -> memref<128xi32, #tpu.memory_space<vmem>>
    %dma_wait3A_46 = arith.constant 0 : i32
    %dma_wait3A_47 = arith.constant 0 : i32
    %dma_wait3A_48 = tpu.memref_slice %arg2[%dma_wait3A_46, %dma_wait3A_47] : memref<10240x128xi32, #tpu.memory_space<hbm>> -> memref<10240x128xi32, #tpu.memory_space<hbm>>
    tpu.wait_indirect_dma semaphore(%arg12 : memref<!tpu.dma_semaphore, #tpu.memory_space<semaphore_mem>>) src(%dma_wait3A_48 : memref<10240x128xi32, #tpu.memory_space<hbm>>) dst(%arg7 : memref<128x128xi32, #tpu.memory_space<vmem>>)
    %add3A_49 = arith.constant 128 : i32
    %add3A_50 = arith.addi %add3A_9, %add3A_49 : i32
    %dma_start3A_51 = arith.constant 0 : i32
    %dma_start3A_52 = tpu.memref_slice %arg4[%add3A_50, %dma_start3A_51] : memref<81920x128xi32, #tpu.memory_space<hbm>> -> memref<128x128xi32, #tpu.memory_space<hbm>>
    %dma_start3A_53 = arith.constant 0 : i32
    %dma_start3A_54 = tpu.memref_slice %arg4[%add3A_50, %dma_start3A_53] : memref<81920x128xi32, #tpu.memory_space<hbm>> -> memref<128x128xi32, #tpu.memory_space<hbm>>
    tpu.enqueue_dma source(%arg7 : memref<128x128xi32, #tpu.memory_space<vmem>>) target(%dma_start3A_54 : memref<128x128xi32, #tpu.memory_space<hbm>>) target_semaphore(%arg17 : memref<!tpu.dma_semaphore, #tpu.memory_space<semaphore_mem>>)
    %scan3A = arith.constant 0 : i32
    %scan3A_55 = arith.constant 1 : i32
    %scan3A_56 = arith.constant 3 : i32
    %scan3A_57 = arith.addi %scan3A_55, %scan3A_56 : i32
    %scan3A_58 = arith.constant 1 : i32
    scf.for %scan3A_113 = %scan3A_55 to %scan3A_57 step %scan3A_58  : i32 {
      %mul3A_114 = arith.constant 5 : i32
      %mul3A_115 = arith.muli %scan3A_113, %mul3A_114 : i32
      %add3A_116 = arith.constant 0 : i32
      %add3A_117 = arith.addi %mul3A_115, %add3A_116 : i32
      %dma_wait3A_118 = arith.constant 0 : i32
      %dma_wait3A_119 = tpu.memref_slice %arg4[%add3A_9, %dma_wait3A_118] : memref<81920x128xi32, #tpu.memory_space<hbm>> -> memref<128x128xi32, #tpu.memory_space<hbm>>
      %dma_wait3A_120 = arith.constant 0 : i32
      %dma_wait3A_121 = tpu.memref_slice %arg4[%add3A_9, %dma_wait3A_120] : memref<81920x128xi32, #tpu.memory_space<hbm>> -> memref<128x128xi32, #tpu.memory_space<hbm>>
      tpu.wait_dma2 semaphore(%arg16 : memref<!tpu.dma_semaphore, #tpu.memory_space<semaphore_mem>>) src(%arg6 : memref<128x128xi32, #tpu.memory_space<vmem>>) dst(%dma_wait3A_121 : memref<128x128xi32, #tpu.memory_space<hbm>>)
      %mul3A_122 = arith.constant 128 : i32
      %mul3A_123 = arith.muli %add3A_117, %mul3A_122 : i32
      %dma_start3A_124 = tpu.memref_slice %arg5[%mul3A_123] : memref<2560xi32, #tpu.memory_space<vmem>> -> memref<128xi32, #tpu.memory_space<vmem>>
      %dma_start3A_125 = arith.constant 0 : i32
      %dma_start3A_126 = arith.constant 0 : i32
      %dma_start3A_127 = tpu.memref_slice %arg2[%dma_start3A_125, %dma_start3A_126] : memref<10240x128xi32, #tpu.memory_space<hbm>> -> memref<10240x128xi32, #tpu.memory_space<hbm>>
      tpu.enqueue_indirect_dma source(%dma_start3A_127 : memref<10240x128xi32, #tpu.memory_space<hbm>>) target(%arg6 : memref<128x128xi32, #tpu.memory_space<vmem>>) offsets(%dma_start3A_124 : memref<128xi32, #tpu.memory_space<vmem>>) semaphore(%arg11 : memref<!tpu.dma_semaphore, #tpu.memory_space<semaphore_mem>>)
      %dma_wait3A_128 = arith.constant 0 : i32
      %dma_wait3A_129 = tpu.memref_slice %arg5[%dma_wait3A_128] : memref<2560xi32, #tpu.memory_space<vmem>> -> memref<128xi32, #tpu.memory_space<vmem>>
      %dma_wait3A_130 = arith.constant 0 : i32
      %dma_wait3A_131 = arith.constant 0 : i32
      %dma_wait3A_132 = tpu.memref_slice %arg2[%dma_wait3A_130, %dma_wait3A_131] : memref<10240x128xi32, #tpu.memory_space<hbm>> -> memref<10240x128xi32, #tpu.memory_space<hbm>>
      tpu.wait_indirect_dma semaphore(%arg13 : memref<!tpu.dma_semaphore, #tpu.memory_space<semaphore_mem>>) src(%dma_wait3A_132 : memref<10240x128xi32, #tpu.memory_space<hbm>>) dst(%arg8 : memref<128x128xi32, #tpu.memory_space<vmem>>)
      %sub3A = arith.constant 3 : i32
      %sub3A_133 = arith.subi %add3A_117, %sub3A : i32
      %mul3A_134 = arith.constant 128 : i32
      %mul3A_135 = arith.muli %sub3A_133, %mul3A_134 : i32
      %add3A_136 = arith.addi %add3A_9, %mul3A_135 : i32
      %dma_start3A_137 = arith.constant 0 : i32
      %dma_start3A_138 = tpu.memref_slice %arg4[%add3A_136, %dma_start3A_137] : memref<81920x128xi32, #tpu.memory_space<hbm>> -> memref<128x128xi32, #tpu.memory_space<hbm>>
      %dma_start3A_139 = arith.constant 0 : i32
      %dma_start3A_140 = tpu.memref_slice %arg4[%add3A_136, %dma_start3A_139] : memref<81920x128xi32, #tpu.memory_space<hbm>> -> memref<128x128xi32, #tpu.memory_space<hbm>>
      tpu.enqueue_dma source(%arg8 : memref<128x128xi32, #tpu.memory_space<vmem>>) target(%dma_start3A_140 : memref<128x128xi32, #tpu.memory_space<hbm>>) target_semaphore(%arg18 : memref<!tpu.dma_semaphore, #tpu.memory_space<semaphore_mem>>)
      %mul3A_141 = arith.constant 5 : i32
      %mul3A_142 = arith.muli %scan3A_113, %mul3A_141 : i32
      %add3A_143 = arith.constant 1 : i32
      %add3A_144 = arith.addi %mul3A_142, %add3A_143 : i32
      %dma_wait3A_145 = arith.constant 0 : i32
      %dma_wait3A_146 = tpu.memref_slice %arg4[%add3A_9, %dma_wait3A_145] : memref<81920x128xi32, #tpu.memory_space<hbm>> -> memref<128x128xi32, #tpu.memory_space<hbm>>
      %dma_wait3A_147 = arith.constant 0 : i32
      %dma_wait3A_148 = tpu.memref_slice %arg4[%add3A_9, %dma_wait3A_147] : memref<81920x128xi32, #tpu.memory_space<hbm>> -> memref<128x128xi32, #tpu.memory_space<hbm>>
      tpu.wait_dma2 semaphore(%arg17 : memref<!tpu.dma_semaphore, #tpu.memory_space<semaphore_mem>>) src(%arg7 : memref<128x128xi32, #tpu.memory_space<vmem>>) dst(%dma_wait3A_148 : memref<128x128xi32, #tpu.memory_space<hbm>>)
      %mul3A_149 = arith.constant 128 : i32
      %mul3A_150 = arith.muli %add3A_144, %mul3A_149 : i32
      %dma_start3A_151 = tpu.memref_slice %arg5[%mul3A_150] : memref<2560xi32, #tpu.memory_space<vmem>> -> memref<128xi32, #tpu.memory_space<vmem>>
      %dma_start3A_152 = arith.constant 0 : i32
      %dma_start3A_153 = arith.constant 0 : i32
      %dma_start3A_154 = tpu.memref_slice %arg2[%dma_start3A_152, %dma_start3A_153] : memref<10240x128xi32, #tpu.memory_space<hbm>> -> memref<10240x128xi32, #tpu.memory_space<hbm>>
      tpu.enqueue_indirect_dma source(%dma_start3A_154 : memref<10240x128xi32, #tpu.memory_space<hbm>>) target(%arg7 : memref<128x128xi32, #tpu.memory_space<vmem>>) offsets(%dma_start3A_151 : memref<128xi32, #tpu.memory_space<vmem>>) semaphore(%arg12 : memref<!tpu.dma_semaphore, #tpu.memory_space<semaphore_mem>>)
      %dma_wait3A_155 = arith.constant 0 : i32
      %dma_wait3A_156 = tpu.memref_slice %arg5[%dma_wait3A_155] : memref<2560xi32, #tpu.memory_space<vmem>> -> memref<128xi32, #tpu.memory_space<vmem>>
      %dma_wait3A_157 = arith.constant 0 : i32
      %dma_wait3A_158 = arith.constant 0 : i32
      %dma_wait3A_159 = tpu.memref_slice %arg2[%dma_wait3A_157, %dma_wait3A_158] : memref<10240x128xi32, #tpu.memory_space<hbm>> -> memref<10240x128xi32, #tpu.memory_space<hbm>>
      tpu.wait_indirect_dma semaphore(%arg14 : memref<!tpu.dma_semaphore, #tpu.memory_space<semaphore_mem>>) src(%dma_wait3A_159 : memref<10240x128xi32, #tpu.memory_space<hbm>>) dst(%arg9 : memref<128x128xi32, #tpu.memory_space<vmem>>)
      %sub3A_160 = arith.constant 3 : i32
      %sub3A_161 = arith.subi %add3A_144, %sub3A_160 : i32
      %mul3A_162 = arith.constant 128 : i32
      %mul3A_163 = arith.muli %sub3A_161, %mul3A_162 : i32
      %add3A_164 = arith.addi %add3A_9, %mul3A_163 : i32
      %dma_start3A_165 = arith.constant 0 : i32
      %dma_start3A_166 = tpu.memref_slice %arg4[%add3A_164, %dma_start3A_165] : memref<81920x128xi32, #tpu.memory_space<hbm>> -> memref<128x128xi32, #tpu.memory_space<hbm>>
      %dma_start3A_167 = arith.constant 0 : i32
      %dma_start3A_168 = tpu.memref_slice %arg4[%add3A_164, %dma_start3A_167] : memref<81920x128xi32, #tpu.memory_space<hbm>> -> memref<128x128xi32, #tpu.memory_space<hbm>>
      tpu.enqueue_dma source(%arg9 : memref<128x128xi32, #tpu.memory_space<vmem>>) target(%dma_start3A_168 : memref<128x128xi32, #tpu.memory_space<hbm>>) target_semaphore(%arg19 : memref<!tpu.dma_semaphore, #tpu.memory_space<semaphore_mem>>)
      %mul3A_169 = arith.constant 5 : i32
      %mul3A_170 = arith.muli %scan3A_113, %mul3A_169 : i32
      %add3A_171 = arith.constant 2 : i32
      %add3A_172 = arith.addi %mul3A_170, %add3A_171 : i32
      %dma_wait3A_173 = arith.constant 0 : i32
      %dma_wait3A_174 = tpu.memref_slice %arg4[%add3A_9, %dma_wait3A_173] : memref<81920x128xi32, #tpu.memory_space<hbm>> -> memref<128x128xi32, #tpu.memory_space<hbm>>
      %dma_wait3A_175 = arith.constant 0 : i32
      %dma_wait3A_176 = tpu.memref_slice %arg4[%add3A_9, %dma_wait3A_175] : memref<81920x128xi32, #tpu.memory_space<hbm>> -> memref<128x128xi32, #tpu.memory_space<hbm>>
      tpu.wait_dma2 semaphore(%arg18 : memref<!tpu.dma_semaphore, #tpu.memory_space<semaphore_mem>>) src(%arg8 : memref<128x128xi32, #tpu.memory_space<vmem>>) dst(%dma_wait3A_176 : memref<128x128xi32, #tpu.memory_space<hbm>>)
      %mul3A_177 = arith.constant 128 : i32
      %mul3A_178 = arith.muli %add3A_172, %mul3A_177 : i32
      %dma_start3A_179 = tpu.memref_slice %arg5[%mul3A_178] : memref<2560xi32, #tpu.memory_space<vmem>> -> memref<128xi32, #tpu.memory_space<vmem>>
      %dma_start3A_180 = arith.constant 0 : i32
      %dma_start3A_181 = arith.constant 0 : i32
      %dma_start3A_182 = tpu.memref_slice %arg2[%dma_start3A_180, %dma_start3A_181] : memref<10240x128xi32, #tpu.memory_space<hbm>> -> memref<10240x128xi32, #tpu.memory_space<hbm>>
      tpu.enqueue_indirect_dma source(%dma_start3A_182 : memref<10240x128xi32, #tpu.memory_space<hbm>>) target(%arg8 : memref<128x128xi32, #tpu.memory_space<vmem>>) offsets(%dma_start3A_179 : memref<128xi32, #tpu.memory_space<vmem>>) semaphore(%arg13 : memref<!tpu.dma_semaphore, #tpu.memory_space<semaphore_mem>>)
      %dma_wait3A_183 = arith.constant 0 : i32
      %dma_wait3A_184 = tpu.memref_slice %arg5[%dma_wait3A_183] : memref<2560xi32, #tpu.memory_space<vmem>> -> memref<128xi32, #tpu.memory_space<vmem>>
      %dma_wait3A_185 = arith.constant 0 : i32
      %dma_wait3A_186 = arith.constant 0 : i32
      %dma_wait3A_187 = tpu.memref_slice %arg2[%dma_wait3A_185, %dma_wait3A_186] : memref<10240x128xi32, #tpu.memory_space<hbm>> -> memref<10240x128xi32, #tpu.memory_space<hbm>>
      tpu.wait_indirect_dma semaphore(%arg15 : memref<!tpu.dma_semaphore, #tpu.memory_space<semaphore_mem>>) src(%dma_wait3A_187 : memref<10240x128xi32, #tpu.memory_space<hbm>>) dst(%arg10 : memref<128x128xi32, #tpu.memory_space<vmem>>)
      %sub3A_188 = arith.constant 3 : i32
      %sub3A_189 = arith.subi %add3A_172, %sub3A_188 : i32
      %mul3A_190 = arith.constant 128 : i32
      %mul3A_191 = arith.muli %sub3A_189, %mul3A_190 : i32
      %add3A_192 = arith.addi %add3A_9, %mul3A_191 : i32
      %dma_start3A_193 = arith.constant 0 : i32
      %dma_start3A_194 = tpu.memref_slice %arg4[%add3A_192, %dma_start3A_193] : memref<81920x128xi32, #tpu.memory_space<hbm>> -> memref<128x128xi32, #tpu.memory_space<hbm>>
      %dma_start3A_195 = arith.constant 0 : i32
      %dma_start3A_196 = tpu.memref_slice %arg4[%add3A_192, %dma_start3A_195] : memref<81920x128xi32, #tpu.memory_space<hbm>> -> memref<128x128xi32, #tpu.memory_space<hbm>>
      tpu.enqueue_dma source(%arg10 : memref<128x128xi32, #tpu.memory_space<vmem>>) target(%dma_start3A_196 : memref<128x128xi32, #tpu.memory_space<hbm>>) target_semaphore(%arg20 : memref<!tpu.dma_semaphore, #tpu.memory_space<semaphore_mem>>)
      %mul3A_197 = arith.constant 5 : i32
      %mul3A_198 = arith.muli %scan3A_113, %mul3A_197 : i32
      %add3A_199 = arith.constant 3 : i32
      %add3A_200 = arith.addi %mul3A_198, %add3A_199 : i32
      %dma_wait3A_201 = arith.constant 0 : i32
      %dma_wait3A_202 = tpu.memref_slice %arg4[%add3A_9, %dma_wait3A_201] : memref<81920x128xi32, #tpu.memory_space<hbm>> -> memref<128x128xi32, #tpu.memory_space<hbm>>
      %dma_wait3A_203 = arith.constant 0 : i32
      %dma_wait3A_204 = tpu.memref_slice %arg4[%add3A_9, %dma_wait3A_203] : memref<81920x128xi32, #tpu.memory_space<hbm>> -> memref<128x128xi32, #tpu.memory_space<hbm>>
      tpu.wait_dma2 semaphore(%arg19 : memref<!tpu.dma_semaphore, #tpu.memory_space<semaphore_mem>>) src(%arg9 : memref<128x128xi32, #tpu.memory_space<vmem>>) dst(%dma_wait3A_204 : memref<128x128xi32, #tpu.memory_space<hbm>>)
      %mul3A_205 = arith.constant 128 : i32
      %mul3A_206 = arith.muli %add3A_200, %mul3A_205 : i32
      %dma_start3A_207 = tpu.memref_slice %arg5[%mul3A_206] : memref<2560xi32, #tpu.memory_space<vmem>> -> memref<128xi32, #tpu.memory_space<vmem>>
      %dma_start3A_208 = arith.constant 0 : i32
      %dma_start3A_209 = arith.constant 0 : i32
      %dma_start3A_210 = tpu.memref_slice %arg2[%dma_start3A_208, %dma_start3A_209] : memref<10240x128xi32, #tpu.memory_space<hbm>> -> memref<10240x128xi32, #tpu.memory_space<hbm>>
      tpu.enqueue_indirect_dma source(%dma_start3A_210 : memref<10240x128xi32, #tpu.memory_space<hbm>>) target(%arg9 : memref<128x128xi32, #tpu.memory_space<vmem>>) offsets(%dma_start3A_207 : memref<128xi32, #tpu.memory_space<vmem>>) semaphore(%arg14 : memref<!tpu.dma_semaphore, #tpu.memory_space<semaphore_mem>>)
      %dma_wait3A_211 = arith.constant 0 : i32
      %dma_wait3A_212 = tpu.memref_slice %arg5[%dma_wait3A_211] : memref<2560xi32, #tpu.memory_space<vmem>> -> memref<128xi32, #tpu.memory_space<vmem>>
      %dma_wait3A_213 = arith.constant 0 : i32
      %dma_wait3A_214 = arith.constant 0 : i32
      %dma_wait3A_215 = tpu.memref_slice %arg2[%dma_wait3A_213, %dma_wait3A_214] : memref<10240x128xi32, #tpu.memory_space<hbm>> -> memref<10240x128xi32, #tpu.memory_space<hbm>>
      tpu.wait_indirect_dma semaphore(%arg11 : memref<!tpu.dma_semaphore, #tpu.memory_space<semaphore_mem>>) src(%dma_wait3A_215 : memref<10240x128xi32, #tpu.memory_space<hbm>>) dst(%arg6 : memref<128x128xi32, #tpu.memory_space<vmem>>)
      %sub3A_216 = arith.constant 3 : i32
      %sub3A_217 = arith.subi %add3A_200, %sub3A_216 : i32
      %mul3A_218 = arith.constant 128 : i32
      %mul3A_219 = arith.muli %sub3A_217, %mul3A_218 : i32
      %add3A_220 = arith.addi %add3A_9, %mul3A_219 : i32
      %dma_start3A_221 = arith.constant 0 : i32
      %dma_start3A_222 = tpu.memref_slice %arg4[%add3A_220, %dma_start3A_221] : memref<81920x128xi32, #tpu.memory_space<hbm>> -> memref<128x128xi32, #tpu.memory_space<hbm>>
      %dma_start3A_223 = arith.constant 0 : i32
      %dma_start3A_224 = tpu.memref_slice %arg4[%add3A_220, %dma_start3A_223] : memref<81920x128xi32, #tpu.memory_space<hbm>> -> memref<128x128xi32, #tpu.memory_space<hbm>>
      tpu.enqueue_dma source(%arg6 : memref<128x128xi32, #tpu.memory_space<vmem>>) target(%dma_start3A_224 : memref<128x128xi32, #tpu.memory_space<hbm>>) target_semaphore(%arg16 : memref<!tpu.dma_semaphore, #tpu.memory_space<semaphore_mem>>)
      %mul3A_225 = arith.constant 5 : i32
      %mul3A_226 = arith.muli %scan3A_113, %mul3A_225 : i32
      %add3A_227 = arith.constant 4 : i32
      %add3A_228 = arith.addi %mul3A_226, %add3A_227 : i32
      %dma_wait3A_229 = arith.constant 0 : i32
      %dma_wait3A_230 = tpu.memref_slice %arg4[%add3A_9, %dma_wait3A_229] : memref<81920x128xi32, #tpu.memory_space<hbm>> -> memref<128x128xi32, #tpu.memory_space<hbm>>
      %dma_wait3A_231 = arith.constant 0 : i32
      %dma_wait3A_232 = tpu.memref_slice %arg4[%add3A_9, %dma_wait3A_231] : memref<81920x128xi32, #tpu.memory_space<hbm>> -> memref<128x128xi32, #tpu.memory_space<hbm>>
      tpu.wait_dma2 semaphore(%arg20 : memref<!tpu.dma_semaphore, #tpu.memory_space<semaphore_mem>>) src(%arg10 : memref<128x128xi32, #tpu.memory_space<vmem>>) dst(%dma_wait3A_232 : memref<128x128xi32, #tpu.memory_space<hbm>>)
      %mul3A_233 = arith.constant 128 : i32
      %mul3A_234 = arith.muli %add3A_228, %mul3A_233 : i32
      %dma_start3A_235 = tpu.memref_slice %arg5[%mul3A_234] : memref<2560xi32, #tpu.memory_space<vmem>> -> memref<128xi32, #tpu.memory_space<vmem>>
      %dma_start3A_236 = arith.constant 0 : i32
      %dma_start3A_237 = arith.constant 0 : i32
      %dma_start3A_238 = tpu.memref_slice %arg2[%dma_start3A_236, %dma_start3A_237] : memref<10240x128xi32, #tpu.memory_space<hbm>> -> memref<10240x128xi32, #tpu.memory_space<hbm>>
      tpu.enqueue_indirect_dma source(%dma_start3A_238 : memref<10240x128xi32, #tpu.memory_space<hbm>>) target(%arg10 : memref<128x128xi32, #tpu.memory_space<vmem>>) offsets(%dma_start3A_235 : memref<128xi32, #tpu.memory_space<vmem>>) semaphore(%arg15 : memref<!tpu.dma_semaphore, #tpu.memory_space<semaphore_mem>>)
      %dma_wait3A_239 = arith.constant 0 : i32
      %dma_wait3A_240 = tpu.memref_slice %arg5[%dma_wait3A_239] : memref<2560xi32, #tpu.memory_space<vmem>> -> memref<128xi32, #tpu.memory_space<vmem>>
      %dma_wait3A_241 = arith.constant 0 : i32
      %dma_wait3A_242 = arith.constant 0 : i32
      %dma_wait3A_243 = tpu.memref_slice %arg2[%dma_wait3A_241, %dma_wait3A_242] : memref<10240x128xi32, #tpu.memory_space<hbm>> -> memref<10240x128xi32, #tpu.memory_space<hbm>>
      tpu.wait_indirect_dma semaphore(%arg12 : memref<!tpu.dma_semaphore, #tpu.memory_space<semaphore_mem>>) src(%dma_wait3A_243 : memref<10240x128xi32, #tpu.memory_space<hbm>>) dst(%arg7 : memref<128x128xi32, #tpu.memory_space<vmem>>)
      %sub3A_244 = arith.constant 3 : i32
      %sub3A_245 = arith.subi %add3A_228, %sub3A_244 : i32
      %mul3A_246 = arith.constant 128 : i32
      %mul3A_247 = arith.muli %sub3A_245, %mul3A_246 : i32
      %add3A_248 = arith.addi %add3A_9, %mul3A_247 : i32
      %dma_start3A_249 = arith.constant 0 : i32
      %dma_start3A_250 = tpu.memref_slice %arg4[%add3A_248, %dma_start3A_249] : memref<81920x128xi32, #tpu.memory_space<hbm>> -> memref<128x128xi32, #tpu.memory_space<hbm>>
      %dma_start3A_251 = arith.constant 0 : i32
      %dma_start3A_252 = tpu.memref_slice %arg4[%add3A_248, %dma_start3A_251] : memref<81920x128xi32, #tpu.memory_space<hbm>> -> memref<128x128xi32, #tpu.memory_space<hbm>>
      tpu.enqueue_dma source(%arg7 : memref<128x128xi32, #tpu.memory_space<vmem>>) target(%dma_start3A_252 : memref<128x128xi32, #tpu.memory_space<hbm>>) target_semaphore(%arg17 : memref<!tpu.dma_semaphore, #tpu.memory_space<semaphore_mem>>)
    }
    %scan3A_59 = arith.constant 3 : i32
    %dma_wait3A_60 = arith.constant 0 : i32
    %dma_wait3A_61 = tpu.memref_slice %arg5[%dma_wait3A_60] : memref<2560xi32, #tpu.memory_space<vmem>> -> memref<128xi32, #tpu.memory_space<vmem>>
    %dma_wait3A_62 = arith.constant 0 : i32
    %dma_wait3A_63 = arith.constant 0 : i32
    %dma_wait3A_64 = tpu.memref_slice %arg2[%dma_wait3A_62, %dma_wait3A_63] : memref<10240x128xi32, #tpu.memory_space<hbm>> -> memref<10240x128xi32, #tpu.memory_space<hbm>>
    tpu.wait_indirect_dma semaphore(%arg13 : memref<!tpu.dma_semaphore, #tpu.memory_space<semaphore_mem>>) src(%dma_wait3A_64 : memref<10240x128xi32, #tpu.memory_space<hbm>>) dst(%arg8 : memref<128x128xi32, #tpu.memory_space<vmem>>)
    %add3A_65 = arith.constant 2176 : i32
    %add3A_66 = arith.addi %add3A_9, %add3A_65 : i32
    %dma_start3A_67 = arith.constant 0 : i32
    %dma_start3A_68 = tpu.memref_slice %arg4[%add3A_66, %dma_start3A_67] : memref<81920x128xi32, #tpu.memory_space<hbm>> -> memref<128x128xi32, #tpu.memory_space<hbm>>
    %dma_start3A_69 = arith.constant 0 : i32
    %dma_start3A_70 = tpu.memref_slice %arg4[%add3A_66, %dma_start3A_69] : memref<81920x128xi32, #tpu.memory_space<hbm>> -> memref<128x128xi32, #tpu.memory_space<hbm>>
    tpu.enqueue_dma source(%arg8 : memref<128x128xi32, #tpu.memory_space<vmem>>) target(%dma_start3A_70 : memref<128x128xi32, #tpu.memory_space<hbm>>) target_semaphore(%arg18 : memref<!tpu.dma_semaphore, #tpu.memory_space<semaphore_mem>>)
    %dma_wait3A_71 = arith.constant 0 : i32
    %dma_wait3A_72 = tpu.memref_slice %arg5[%dma_wait3A_71] : memref<2560xi32, #tpu.memory_space<vmem>> -> memref<128xi32, #tpu.memory_space<vmem>>
    %dma_wait3A_73 = arith.constant 0 : i32
    %dma_wait3A_74 = arith.constant 0 : i32
    %dma_wait3A_75 = tpu.memref_slice %arg2[%dma_wait3A_73, %dma_wait3A_74] : memref<10240x128xi32, #tpu.memory_space<hbm>> -> memref<10240x128xi32, #tpu.memory_space<hbm>>
    tpu.wait_indirect_dma semaphore(%arg14 : memref<!tpu.dma_semaphore, #tpu.memory_space<semaphore_mem>>) src(%dma_wait3A_75 : memref<10240x128xi32, #tpu.memory_space<hbm>>) dst(%arg9 : memref<128x128xi32, #tpu.memory_space<vmem>>)
    %add3A_76 = arith.constant 2304 : i32
    %add3A_77 = arith.addi %add3A_9, %add3A_76 : i32
    %dma_start3A_78 = arith.constant 0 : i32
    %dma_start3A_79 = tpu.memref_slice %arg4[%add3A_77, %dma_start3A_78] : memref<81920x128xi32, #tpu.memory_space<hbm>> -> memref<128x128xi32, #tpu.memory_space<hbm>>
    %dma_start3A_80 = arith.constant 0 : i32
    %dma_start3A_81 = tpu.memref_slice %arg4[%add3A_77, %dma_start3A_80] : memref<81920x128xi32, #tpu.memory_space<hbm>> -> memref<128x128xi32, #tpu.memory_space<hbm>>
    tpu.enqueue_dma source(%arg9 : memref<128x128xi32, #tpu.memory_space<vmem>>) target(%dma_start3A_81 : memref<128x128xi32, #tpu.memory_space<hbm>>) target_semaphore(%arg19 : memref<!tpu.dma_semaphore, #tpu.memory_space<semaphore_mem>>)
    %dma_wait3A_82 = arith.constant 0 : i32
    %dma_wait3A_83 = tpu.memref_slice %arg5[%dma_wait3A_82] : memref<2560xi32, #tpu.memory_space<vmem>> -> memref<128xi32, #tpu.memory_space<vmem>>
    %dma_wait3A_84 = arith.constant 0 : i32
    %dma_wait3A_85 = arith.constant 0 : i32
    %dma_wait3A_86 = tpu.memref_slice %arg2[%dma_wait3A_84, %dma_wait3A_85] : memref<10240x128xi32, #tpu.memory_space<hbm>> -> memref<10240x128xi32, #tpu.memory_space<hbm>>
    tpu.wait_indirect_dma semaphore(%arg15 : memref<!tpu.dma_semaphore, #tpu.memory_space<semaphore_mem>>) src(%dma_wait3A_86 : memref<10240x128xi32, #tpu.memory_space<hbm>>) dst(%arg10 : memref<128x128xi32, #tpu.memory_space<vmem>>)
    %add3A_87 = arith.constant 2432 : i32
    %add3A_88 = arith.addi %add3A_9, %add3A_87 : i32
    %dma_start3A_89 = arith.constant 0 : i32
    %dma_start3A_90 = tpu.memref_slice %arg4[%add3A_88, %dma_start3A_89] : memref<81920x128xi32, #tpu.memory_space<hbm>> -> memref<128x128xi32, #tpu.memory_space<hbm>>
    %dma_start3A_91 = arith.constant 0 : i32
    %dma_start3A_92 = tpu.memref_slice %arg4[%add3A_88, %dma_start3A_91] : memref<81920x128xi32, #tpu.memory_space<hbm>> -> memref<128x128xi32, #tpu.memory_space<hbm>>
    tpu.enqueue_dma source(%arg10 : memref<128x128xi32, #tpu.memory_space<vmem>>) target(%dma_start3A_92 : memref<128x128xi32, #tpu.memory_space<hbm>>) target_semaphore(%arg20 : memref<!tpu.dma_semaphore, #tpu.memory_space<semaphore_mem>>)
    %dma_wait3A_93 = arith.constant 0 : i32
    %dma_wait3A_94 = tpu.memref_slice %arg4[%add3A_9, %dma_wait3A_93] : memref<81920x128xi32, #tpu.memory_space<hbm>> -> memref<128x128xi32, #tpu.memory_space<hbm>>
    %dma_wait3A_95 = arith.constant 0 : i32
    %dma_wait3A_96 = tpu.memref_slice %arg4[%add3A_9, %dma_wait3A_95] : memref<81920x128xi32, #tpu.memory_space<hbm>> -> memref<128x128xi32, #tpu.memory_space<hbm>>
    tpu.wait_dma2 semaphore(%arg16 : memref<!tpu.dma_semaphore, #tpu.memory_space<semaphore_mem>>) src(%arg6 : memref<128x128xi32, #tpu.memory_space<vmem>>) dst(%dma_wait3A_96 : memref<128x128xi32, #tpu.memory_space<hbm>>)
    %dma_wait3A_97 = arith.constant 0 : i32
    %dma_wait3A_98 = tpu.memref_slice %arg4[%add3A_9, %dma_wait3A_97] : memref<81920x128xi32, #tpu.memory_space<hbm>> -> memref<128x128xi32, #tpu.memory_space<hbm>>
    %dma_wait3A_99 = arith.constant 0 : i32
    %dma_wait3A_100 = tpu.memref_slice %arg4[%add3A_9, %dma_wait3A_99] : memref<81920x128xi32, #tpu.memory_space<hbm>> -> memref<128x128xi32, #tpu.memory_space<hbm>>
    tpu.wait_dma2 semaphore(%arg17 : memref<!tpu.dma_semaphore, #tpu.memory_space<semaphore_mem>>) src(%arg7 : memref<128x128xi32, #tpu.memory_space<vmem>>) dst(%dma_wait3A_100 : memref<128x128xi32, #tpu.memory_space<hbm>>)
    %dma_wait3A_101 = arith.constant 0 : i32
    %dma_wait3A_102 = tpu.memref_slice %arg4[%add3A_9, %dma_wait3A_101] : memref<81920x128xi32, #tpu.memory_space<hbm>> -> memref<128x128xi32, #tpu.memory_space<hbm>>
    %dma_wait3A_103 = arith.constant 0 : i32
    %dma_wait3A_104 = tpu.memref_slice %arg4[%add3A_9, %dma_wait3A_103] : memref<81920x128xi32, #tpu.memory_space<hbm>> -> memref<128x128xi32, #tpu.memory_space<hbm>>
    tpu.wait_dma2 semaphore(%arg18 : memref<!tpu.dma_semaphore, #tpu.memory_space<semaphore_mem>>) src(%arg8 : memref<128x128xi32, #tpu.memory_space<vmem>>) dst(%dma_wait3A_104 : memref<128x128xi32, #tpu.memory_space<hbm>>)
    %dma_wait3A_105 = arith.constant 0 : i32
    %dma_wait3A_106 = tpu.memref_slice %arg4[%add3A_9, %dma_wait3A_105] : memref<81920x128xi32, #tpu.memory_space<hbm>> -> memref<128x128xi32, #tpu.memory_space<hbm>>
    %dma_wait3A_107 = arith.constant 0 : i32
    %dma_wait3A_108 = tpu.memref_slice %arg4[%add3A_9, %dma_wait3A_107] : memref<81920x128xi32, #tpu.memory_space<hbm>> -> memref<128x128xi32, #tpu.memory_space<hbm>>
    tpu.wait_dma2 semaphore(%arg19 : memref<!tpu.dma_semaphore, #tpu.memory_space<semaphore_mem>>) src(%arg9 : memref<128x128xi32, #tpu.memory_space<vmem>>) dst(%dma_wait3A_108 : memref<128x128xi32, #tpu.memory_space<hbm>>)
    %dma_wait3A_109 = arith.constant 0 : i32
    %dma_wait3A_110 = tpu.memref_slice %arg4[%add3A_9, %dma_wait3A_109] : memref<81920x128xi32, #tpu.memory_space<hbm>> -> memref<128x128xi32, #tpu.memory_space<hbm>>
    %dma_wait3A_111 = arith.constant 0 : i32
    %dma_wait3A_112 = tpu.memref_slice %arg4[%add3A_9, %dma_wait3A_111] : memref<81920x128xi32, #tpu.memory_space<hbm>> -> memref<128x128xi32, #tpu.memory_space<hbm>>
    tpu.wait_dma2 semaphore(%arg20 : memref<!tpu.dma_semaphore, #tpu.memory_space<semaphore_mem>>) src(%arg10 : memref<128x128xi32, #tpu.memory_space<vmem>>) dst(%dma_wait3A_112 : memref<128x128xi32, #tpu.memory_space<hbm>>)
    return
  }
}

module attributes {stable_mosaic.version = 14 : i64} {
  func.func @body(%arg0: i32, %arg1: memref<1000x128xf32, #tpu.memory_space<vmem>>, %arg2: memref<128x128xf32, #tpu.memory_space<vmem>>, %arg3: memref<1x128xf32, #tpu.memory_space<vmem>>, %arg4: memref<1000x128xf32, #tpu.memory_space<vmem>>) attributes {dimension_semantics = [#tpu.dimension_semantics<arbitrary>], iteration_bounds = array<i64: 10>, scalar_prefetch = 0 : i64, scratch_operands = 0 : i64, tpu.core_type = #tpu.core_type<tc>, window_params = [{transform_indices = @transform_0, window_bounds = array<i64: 1000, 128>}, {pipeline_mode = #tpu.pipeline_mode<synchronous>, transform_indices = @transform_1, window_bounds = array<i64: 128, 128>}, {pipeline_mode = #tpu.pipeline_mode<synchronous>, transform_indices = @transform_2, window_bounds = array<i64: 1, 128>}, {transform_indices = @transform_3, window_bounds = array<i64: 1000, 128>}]} {
    %get3A = arith.constant 0 : index
    %get3A_0 = arith.constant 0 : index
    %get3A_1 = vector.load %arg1[%get3A, %get3A_0] : memref<1000x128xf32, #tpu.memory_space<vmem>>, vector<1000x128xf32>
    %get3A_2 = arith.constant 0 : index
    %get3A_3 = arith.constant 0 : index
    %get3A_4 = vector.load %arg2[%get3A_2, %get3A_3] : memref<128x128xf32, #tpu.memory_space<vmem>>, vector<128x128xf32>
    %dot_general3A = arith.constant dense<0.000000e+00> : vector<1000x128xf32>
    %dot_general3A_5 = tpu.matmul %get3A_1, %get3A_4, %dot_general3A {dimension_numbers = #tpu.dot_dimension_numbers<[1], [0], [0], [1], [0, 0, 1, 1], [], []>, transpose_lhs_hint = false} : vector<1000x128xf32>, vector<128x128xf32>, vector<1000x128xf32> -> vector<1000x128xf32>
    %get3A_6 = arith.constant 0 : index
    %get3A_7 = arith.constant 0 : index
    %get3A_8 = vector.load %arg3[%get3A_6, %get3A_7] : memref<1x128xf32, #tpu.memory_space<vmem>>, vector<1x128xf32>
    %add3A = vector.broadcast %get3A_8 : vector<1x128xf32> to vector<1000x128xf32>
    %add3A_9 = arith.addf %dot_general3A_5, %add3A : vector<1000x128xf32>
    %gt3A = arith.constant 0.000000e+00 : f32
    %gt3A_10 = vector.broadcast %gt3A : f32 to vector<1000x128xf32>
    %gt3A_11 = arith.cmpf ogt, %add3A_9, %gt3A_10 : vector<1000x128xf32>
    %min3A = arith.constant 0.000000e+00 : f32
    %min3A_12 = vector.broadcast %min3A : f32 to vector<1000x128xf32>
    %min3A_13 = arith.minimumf %add3A_9, %min3A_12 : vector<1000x128xf32>
    %exp3A = math.exp %min3A_13 : vector<1000x128xf32>
    %sub3A = arith.constant 1.000000e+00 : f32
    %sub3A_14 = vector.broadcast %sub3A : f32 to vector<1000x128xf32>
    %sub3A_15 = arith.subf %exp3A, %sub3A_14 : vector<1000x128xf32>
    %select_n3A = arith.select %gt3A_11, %add3A_9, %sub3A_15 : vector<1000x128xi1>, vector<1000x128xf32>
    %swap3A = arith.constant 0 : index
    %swap3A_16 = arith.constant 0 : index
    %swap3A_17 = vector.load %arg4[%swap3A, %swap3A_16] : memref<1000x128xf32, #tpu.memory_space<vmem>>, vector<1000x128xf32>
    tpu.vector_store %arg4[%swap3A, %swap3A_16], %select_n3A {strides = array<i32>} : memref<1000x128xf32, #tpu.memory_space<vmem>>, vector<1000x128xf32>,
    return
  }
  func.func @transform_0(%arg0: i32) -> (i32, i32) {
    %c0_i32 = arith.constant 0 : i32
    %c0_i32_0 = arith.constant 0 : i32
    return %arg0, %c0_i32 : i32, i32
  }
  func.func @transform_1(%arg0: i32) -> (i32, i32) {
    %c0_i32 = arith.constant 0 : i32
    %c0_i32_0 = arith.constant 0 : i32
    %c0_i32_1 = arith.constant 0 : i32
    return %c0_i32, %c0_i32_0 : i32, i32
  }
  func.func @transform_2(%arg0: i32) -> (i32, i32) {
    %c0_i32 = arith.constant 0 : i32
    %c0_i32_0 = arith.constant 0 : i32
    %c0_i32_1 = arith.constant 0 : i32
    return %c0_i32, %c0_i32_0 : i32, i32
  }
  func.func @transform_3(%arg0: i32) -> (i32, i32) {
    %c0_i32 = arith.constant 0 : i32
    %c0_i32_0 = arith.constant 0 : i32
    return %arg0, %c0_i32 : i32, i32
  }
}

module attributes {stable_mosaic.version = 14 : i64} {
  func.func @body(%arg0: i32, %arg1: memref<16x1024x128xf32, #tpu.memory_space<vmem>>, %arg2: memref<16x128x256xbf16, #tpu.memory_space<vmem>>, %arg3: memref<1x256xf32, #tpu.memory_space<vmem>>, %arg4: memref<1024x128xi32, #tpu.memory_space<vmem>>) attributes {dimension_semantics = [#tpu.dimension_semantics<arbitrary>], iteration_bounds = array<i64: 5>, scalar_prefetch = 0 : i64, scratch_operands = 0 : i64, tpu.core_type = #tpu.core_type<tc>, window_params = [{transform_indices = @transform_0, window_bounds = array<i64: 16, 1024, 128>}, {pipeline_mode = #tpu.pipeline_mode<synchronous>, transform_indices = @transform_1, window_bounds = array<i64: 16, 128, 256>}, {pipeline_mode = #tpu.pipeline_mode<synchronous>, transform_indices = @transform_2, window_bounds = array<i64: 1, 256>}, {transform_indices = @transform_3, window_bounds = array<i64: 1024, 128>}]} {
    %get3A = arith.constant 0 : index
    %get3A_0 = arith.constant 0 : index
    %get3A_1 = vector.load %arg3[%get3A, %get3A_0] : memref<1x256xf32, #tpu.memory_space<vmem>>, vector<1x256xf32>
    %broadcast_in_dim3A = arith.constant 1.000000e+00 : f32
    %broadcast_in_dim3A_2 = vector.broadcast %broadcast_in_dim3A : f32 to vector<1024x1xf32>
    %mul3A = vector.broadcast %get3A_1 : vector<1x256xf32> to vector<1024x256xf32>
    %mul3A_3 = vector.broadcast %broadcast_in_dim3A_2 : vector<1024x1xf32> to vector<1024x256xf32>
    %mul3A_4 = arith.mulf %mul3A, %mul3A_3 : vector<1024x256xf32>
    %get3A_5 = arith.constant 0 : index
    %get3A_6 = arith.constant 0 : index
    %get3A_7 = arith.constant 0 : index
    %get3A_8 = vector.load %arg1[%get3A_5, %get3A_6, %get3A_7] : memref<16x1024x128xf32, #tpu.memory_space<vmem>>, vector<1x1024x128xf32>
    %get3A_9 = vector.shape_cast %get3A_8 : vector<1x1024x128xf32> to vector<1024x128xf32>
    %convert_element_type3A = arith.truncf %get3A_9 : vector<1024x128xf32> to vector<1024x128xbf16>
    %get3A_10 = arith.constant 0 : index
    %get3A_11 = arith.constant 0 : index
    %get3A_12 = arith.constant 0 : index
    %get3A_13 = vector.load %arg2[%get3A_10, %get3A_11, %get3A_12] : memref<16x128x256xbf16, #tpu.memory_space<vmem>>, vector<1x128x256xbf16>
    %get3A_14 = vector.shape_cast %get3A_13 : vector<1x128x256xbf16> to vector<128x256xbf16>
    %dot_general3A = arith.constant dense<0.000000e+00> : vector<1024x256xf32>
    %dot_general3A_15 = tpu.matmul %convert_element_type3A, %get3A_14, %dot_general3A {dimension_numbers = #tpu.dot_dimension_numbers<[1], [0], [0], [1], [0, 0, 1, 1], [], []>, transpose_lhs_hint = false} : vector<1024x128xbf16>, vector<128x256xbf16>, vector<1024x256xf32> -> vector<1024x256xf32>
    %add3A = arith.addf %mul3A_4, %dot_general3A_15 : vector<1024x256xf32>
    %get3A_16 = arith.constant 1 : index
    %get3A_17 = arith.constant 0 : index
    %get3A_18 = arith.constant 0 : index
    %get3A_19 = vector.load %arg1[%get3A_16, %get3A_17, %get3A_18] : memref<16x1024x128xf32, #tpu.memory_space<vmem>>, vector<1x1024x128xf32>
    %get3A_20 = vector.shape_cast %get3A_19 : vector<1x1024x128xf32> to vector<1024x128xf32>
    %convert_element_type3A_21 = arith.truncf %get3A_20 : vector<1024x128xf32> to vector<1024x128xbf16>
    %get3A_22 = arith.constant 1 : index
    %get3A_23 = arith.constant 0 : index
    %get3A_24 = arith.constant 0 : index
    %get3A_25 = vector.load %arg2[%get3A_22, %get3A_23, %get3A_24] : memref<16x128x256xbf16, #tpu.memory_space<vmem>>, vector<1x128x256xbf16>
    %get3A_26 = vector.shape_cast %get3A_25 : vector<1x128x256xbf16> to vector<128x256xbf16>
    %dot_general3A_27 = arith.constant dense<0.000000e+00> : vector<1024x256xf32>
    %dot_general3A_28 = tpu.matmul %convert_element_type3A_21, %get3A_26, %dot_general3A_27 {dimension_numbers = #tpu.dot_dimension_numbers<[1], [0], [0], [1], [0, 0, 1, 1], [], []>, transpose_lhs_hint = false} : vector<1024x128xbf16>, vector<128x256xbf16>, vector<1024x256xf32> -> vector<1024x256xf32>
    %add3A_29 = arith.addf %add3A, %dot_general3A_28 : vector<1024x256xf32>
    %get3A_30 = arith.constant 2 : index
    %get3A_31 = arith.constant 0 : index
    %get3A_32 = arith.constant 0 : index
    %get3A_33 = vector.load %arg1[%get3A_30, %get3A_31, %get3A_32] : memref<16x1024x128xf32, #tpu.memory_space<vmem>>, vector<1x1024x128xf32>
    %get3A_34 = vector.shape_cast %get3A_33 : vector<1x1024x128xf32> to vector<1024x128xf32>
    %convert_element_type3A_35 = arith.truncf %get3A_34 : vector<1024x128xf32> to vector<1024x128xbf16>
    %get3A_36 = arith.constant 2 : index
    %get3A_37 = arith.constant 0 : index
    %get3A_38 = arith.constant 0 : index
    %get3A_39 = vector.load %arg2[%get3A_36, %get3A_37, %get3A_38] : memref<16x128x256xbf16, #tpu.memory_space<vmem>>, vector<1x128x256xbf16>
    %get3A_40 = vector.shape_cast %get3A_39 : vector<1x128x256xbf16> to vector<128x256xbf16>
    %dot_general3A_41 = arith.constant dense<0.000000e+00> : vector<1024x256xf32>
    %dot_general3A_42 = tpu.matmul %convert_element_type3A_35, %get3A_40, %dot_general3A_41 {dimension_numbers = #tpu.dot_dimension_numbers<[1], [0], [0], [1], [0, 0, 1, 1], [], []>, transpose_lhs_hint = false} : vector<1024x128xbf16>, vector<128x256xbf16>, vector<1024x256xf32> -> vector<1024x256xf32>
    %add3A_43 = arith.addf %add3A_29, %dot_general3A_42 : vector<1024x256xf32>
    %get3A_44 = arith.constant 3 : index
    %get3A_45 = arith.constant 0 : index
    %get3A_46 = arith.constant 0 : index
    %get3A_47 = vector.load %arg1[%get3A_44, %get3A_45, %get3A_46] : memref<16x1024x128xf32, #tpu.memory_space<vmem>>, vector<1x1024x128xf32>
    %get3A_48 = vector.shape_cast %get3A_47 : vector<1x1024x128xf32> to vector<1024x128xf32>
    %convert_element_type3A_49 = arith.truncf %get3A_48 : vector<1024x128xf32> to vector<1024x128xbf16>
    %get3A_50 = arith.constant 3 : index
    %get3A_51 = arith.constant 0 : index
    %get3A_52 = arith.constant 0 : index
    %get3A_53 = vector.load %arg2[%get3A_50, %get3A_51, %get3A_52] : memref<16x128x256xbf16, #tpu.memory_space<vmem>>, vector<1x128x256xbf16>
    %get3A_54 = vector.shape_cast %get3A_53 : vector<1x128x256xbf16> to vector<128x256xbf16>
    %dot_general3A_55 = arith.constant dense<0.000000e+00> : vector<1024x256xf32>
    %dot_general3A_56 = tpu.matmul %convert_element_type3A_49, %get3A_54, %dot_general3A_55 {dimension_numbers = #tpu.dot_dimension_numbers<[1], [0], [0], [1], [0, 0, 1, 1], [], []>, transpose_lhs_hint = false} : vector<1024x128xbf16>, vector<128x256xbf16>, vector<1024x256xf32> -> vector<1024x256xf32>
    %add3A_57 = arith.addf %add3A_43, %dot_general3A_56 : vector<1024x256xf32>
    %get3A_58 = arith.constant 4 : index
    %get3A_59 = arith.constant 0 : index
    %get3A_60 = arith.constant 0 : index
    %get3A_61 = vector.load %arg1[%get3A_58, %get3A_59, %get3A_60] : memref<16x1024x128xf32, #tpu.memory_space<vmem>>, vector<1x1024x128xf32>
    %get3A_62 = vector.shape_cast %get3A_61 : vector<1x1024x128xf32> to vector<1024x128xf32>
    %convert_element_type3A_63 = arith.truncf %get3A_62 : vector<1024x128xf32> to vector<1024x128xbf16>
    %get3A_64 = arith.constant 4 : index
    %get3A_65 = arith.constant 0 : index
    %get3A_66 = arith.constant 0 : index
    %get3A_67 = vector.load %arg2[%get3A_64, %get3A_65, %get3A_66] : memref<16x128x256xbf16, #tpu.memory_space<vmem>>, vector<1x128x256xbf16>
    %get3A_68 = vector.shape_cast %get3A_67 : vector<1x128x256xbf16> to vector<128x256xbf16>
    %dot_general3A_69 = arith.constant dense<0.000000e+00> : vector<1024x256xf32>
    %dot_general3A_70 = tpu.matmul %convert_element_type3A_63, %get3A_68, %dot_general3A_69 {dimension_numbers = #tpu.dot_dimension_numbers<[1], [0], [0], [1], [0, 0, 1, 1], [], []>, transpose_lhs_hint = false} : vector<1024x128xbf16>, vector<128x256xbf16>, vector<1024x256xf32> -> vector<1024x256xf32>
    %add3A_71 = arith.addf %add3A_57, %dot_general3A_70 : vector<1024x256xf32>
    %get3A_72 = arith.constant 5 : index
    %get3A_73 = arith.constant 0 : index
    %get3A_74 = arith.constant 0 : index
    %get3A_75 = vector.load %arg1[%get3A_72, %get3A_73, %get3A_74] : memref<16x1024x128xf32, #tpu.memory_space<vmem>>, vector<1x1024x128xf32>
    %get3A_76 = vector.shape_cast %get3A_75 : vector<1x1024x128xf32> to vector<1024x128xf32>
    %convert_element_type3A_77 = arith.truncf %get3A_76 : vector<1024x128xf32> to vector<1024x128xbf16>
    %get3A_78 = arith.constant 5 : index
    %get3A_79 = arith.constant 0 : index
    %get3A_80 = arith.constant 0 : index
    %get3A_81 = vector.load %arg2[%get3A_78, %get3A_79, %get3A_80] : memref<16x128x256xbf16, #tpu.memory_space<vmem>>, vector<1x128x256xbf16>
    %get3A_82 = vector.shape_cast %get3A_81 : vector<1x128x256xbf16> to vector<128x256xbf16>
    %dot_general3A_83 = arith.constant dense<0.000000e+00> : vector<1024x256xf32>
    %dot_general3A_84 = tpu.matmul %convert_element_type3A_77, %get3A_82, %dot_general3A_83 {dimension_numbers = #tpu.dot_dimension_numbers<[1], [0], [0], [1], [0, 0, 1, 1], [], []>, transpose_lhs_hint = false} : vector<1024x128xbf16>, vector<128x256xbf16>, vector<1024x256xf32> -> vector<1024x256xf32>
    %add3A_85 = arith.addf %add3A_71, %dot_general3A_84 : vector<1024x256xf32>
    %get3A_86 = arith.constant 6 : index
    %get3A_87 = arith.constant 0 : index
    %get3A_88 = arith.constant 0 : index
    %get3A_89 = vector.load %arg1[%get3A_86, %get3A_87, %get3A_88] : memref<16x1024x128xf32, #tpu.memory_space<vmem>>, vector<1x1024x128xf32>
    %get3A_90 = vector.shape_cast %get3A_89 : vector<1x1024x128xf32> to vector<1024x128xf32>
    %convert_element_type3A_91 = arith.truncf %get3A_90 : vector<1024x128xf32> to vector<1024x128xbf16>
    %get3A_92 = arith.constant 6 : index
    %get3A_93 = arith.constant 0 : index
    %get3A_94 = arith.constant 0 : index
    %get3A_95 = vector.load %arg2[%get3A_92, %get3A_93, %get3A_94] : memref<16x128x256xbf16, #tpu.memory_space<vmem>>, vector<1x128x256xbf16>
    %get3A_96 = vector.shape_cast %get3A_95 : vector<1x128x256xbf16> to vector<128x256xbf16>
    %dot_general3A_97 = arith.constant dense<0.000000e+00> : vector<1024x256xf32>
    %dot_general3A_98 = tpu.matmul %convert_element_type3A_91, %get3A_96, %dot_general3A_97 {dimension_numbers = #tpu.dot_dimension_numbers<[1], [0], [0], [1], [0, 0, 1, 1], [], []>, transpose_lhs_hint = false} : vector<1024x128xbf16>, vector<128x256xbf16>, vector<1024x256xf32> -> vector<1024x256xf32>
    %add3A_99 = arith.addf %add3A_85, %dot_general3A_98 : vector<1024x256xf32>
    %get3A_100 = arith.constant 7 : index
    %get3A_101 = arith.constant 0 : index
    %get3A_102 = arith.constant 0 : index
    %get3A_103 = vector.load %arg1[%get3A_100, %get3A_101, %get3A_102] : memref<16x1024x128xf32, #tpu.memory_space<vmem>>, vector<1x1024x128xf32>
    %get3A_104 = vector.shape_cast %get3A_103 : vector<1x1024x128xf32> to vector<1024x128xf32>
    %convert_element_type3A_105 = arith.truncf %get3A_104 : vector<1024x128xf32> to vector<1024x128xbf16>
    %get3A_106 = arith.constant 7 : index
    %get3A_107 = arith.constant 0 : index
    %get3A_108 = arith.constant 0 : index
    %get3A_109 = vector.load %arg2[%get3A_106, %get3A_107, %get3A_108] : memref<16x128x256xbf16, #tpu.memory_space<vmem>>, vector<1x128x256xbf16>
    %get3A_110 = vector.shape_cast %get3A_109 : vector<1x128x256xbf16> to vector<128x256xbf16>
    %dot_general3A_111 = arith.constant dense<0.000000e+00> : vector<1024x256xf32>
    %dot_general3A_112 = tpu.matmul %convert_element_type3A_105, %get3A_110, %dot_general3A_111 {dimension_numbers = #tpu.dot_dimension_numbers<[1], [0], [0], [1], [0, 0, 1, 1], [], []>, transpose_lhs_hint = false} : vector<1024x128xbf16>, vector<128x256xbf16>, vector<1024x256xf32> -> vector<1024x256xf32>
    %add3A_113 = arith.addf %add3A_99, %dot_general3A_112 : vector<1024x256xf32>
    %get3A_114 = arith.constant 8 : index
    %get3A_115 = arith.constant 0 : index
    %get3A_116 = arith.constant 0 : index
    %get3A_117 = vector.load %arg1[%get3A_114, %get3A_115, %get3A_116] : memref<16x1024x128xf32, #tpu.memory_space<vmem>>, vector<1x1024x128xf32>
    %get3A_118 = vector.shape_cast %get3A_117 : vector<1x1024x128xf32> to vector<1024x128xf32>
    %convert_element_type3A_119 = arith.truncf %get3A_118 : vector<1024x128xf32> to vector<1024x128xbf16>
    %get3A_120 = arith.constant 8 : index
    %get3A_121 = arith.constant 0 : index
    %get3A_122 = arith.constant 0 : index
    %get3A_123 = vector.load %arg2[%get3A_120, %get3A_121, %get3A_122] : memref<16x128x256xbf16, #tpu.memory_space<vmem>>, vector<1x128x256xbf16>
    %get3A_124 = vector.shape_cast %get3A_123 : vector<1x128x256xbf16> to vector<128x256xbf16>
    %dot_general3A_125 = arith.constant dense<0.000000e+00> : vector<1024x256xf32>
    %dot_general3A_126 = tpu.matmul %convert_element_type3A_119, %get3A_124, %dot_general3A_125 {dimension_numbers = #tpu.dot_dimension_numbers<[1], [0], [0], [1], [0, 0, 1, 1], [], []>, transpose_lhs_hint = false} : vector<1024x128xbf16>, vector<128x256xbf16>, vector<1024x256xf32> -> vector<1024x256xf32>
    %add3A_127 = arith.addf %add3A_113, %dot_general3A_126 : vector<1024x256xf32>
    %get3A_128 = arith.constant 9 : index
    %get3A_129 = arith.constant 0 : index
    %get3A_130 = arith.constant 0 : index
    %get3A_131 = vector.load %arg1[%get3A_128, %get3A_129, %get3A_130] : memref<16x1024x128xf32, #tpu.memory_space<vmem>>, vector<1x1024x128xf32>
    %get3A_132 = vector.shape_cast %get3A_131 : vector<1x1024x128xf32> to vector<1024x128xf32>
    %convert_element_type3A_133 = arith.truncf %get3A_132 : vector<1024x128xf32> to vector<1024x128xbf16>
    %get3A_134 = arith.constant 9 : index
    %get3A_135 = arith.constant 0 : index
    %get3A_136 = arith.constant 0 : index
    %get3A_137 = vector.load %arg2[%get3A_134, %get3A_135, %get3A_136] : memref<16x128x256xbf16, #tpu.memory_space<vmem>>, vector<1x128x256xbf16>
    %get3A_138 = vector.shape_cast %get3A_137 : vector<1x128x256xbf16> to vector<128x256xbf16>
    %dot_general3A_139 = arith.constant dense<0.000000e+00> : vector<1024x256xf32>
    %dot_general3A_140 = tpu.matmul %convert_element_type3A_133, %get3A_138, %dot_general3A_139 {dimension_numbers = #tpu.dot_dimension_numbers<[1], [0], [0], [1], [0, 0, 1, 1], [], []>, transpose_lhs_hint = false} : vector<1024x128xbf16>, vector<128x256xbf16>, vector<1024x256xf32> -> vector<1024x256xf32>
    %add3A_141 = arith.addf %add3A_127, %dot_general3A_140 : vector<1024x256xf32>
    %get3A_142 = arith.constant 10 : index
    %get3A_143 = arith.constant 0 : index
    %get3A_144 = arith.constant 0 : index
    %get3A_145 = vector.load %arg1[%get3A_142, %get3A_143, %get3A_144] : memref<16x1024x128xf32, #tpu.memory_space<vmem>>, vector<1x1024x128xf32>
    %get3A_146 = vector.shape_cast %get3A_145 : vector<1x1024x128xf32> to vector<1024x128xf32>
    %convert_element_type3A_147 = arith.truncf %get3A_146 : vector<1024x128xf32> to vector<1024x128xbf16>
    %get3A_148 = arith.constant 10 : index
    %get3A_149 = arith.constant 0 : index
    %get3A_150 = arith.constant 0 : index
    %get3A_151 = vector.load %arg2[%get3A_148, %get3A_149, %get3A_150] : memref<16x128x256xbf16, #tpu.memory_space<vmem>>, vector<1x128x256xbf16>
    %get3A_152 = vector.shape_cast %get3A_151 : vector<1x128x256xbf16> to vector<128x256xbf16>
    %dot_general3A_153 = arith.constant dense<0.000000e+00> : vector<1024x256xf32>
    %dot_general3A_154 = tpu.matmul %convert_element_type3A_147, %get3A_152, %dot_general3A_153 {dimension_numbers = #tpu.dot_dimension_numbers<[1], [0], [0], [1], [0, 0, 1, 1], [], []>, transpose_lhs_hint = false} : vector<1024x128xbf16>, vector<128x256xbf16>, vector<1024x256xf32> -> vector<1024x256xf32>
    %add3A_155 = arith.addf %add3A_141, %dot_general3A_154 : vector<1024x256xf32>
    %get3A_156 = arith.constant 11 : index
    %get3A_157 = arith.constant 0 : index
    %get3A_158 = arith.constant 0 : index
    %get3A_159 = vector.load %arg1[%get3A_156, %get3A_157, %get3A_158] : memref<16x1024x128xf32, #tpu.memory_space<vmem>>, vector<1x1024x128xf32>
    %get3A_160 = vector.shape_cast %get3A_159 : vector<1x1024x128xf32> to vector<1024x128xf32>
    %convert_element_type3A_161 = arith.truncf %get3A_160 : vector<1024x128xf32> to vector<1024x128xbf16>
    %get3A_162 = arith.constant 11 : index
    %get3A_163 = arith.constant 0 : index
    %get3A_164 = arith.constant 0 : index
    %get3A_165 = vector.load %arg2[%get3A_162, %get3A_163, %get3A_164] : memref<16x128x256xbf16, #tpu.memory_space<vmem>>, vector<1x128x256xbf16>
    %get3A_166 = vector.shape_cast %get3A_165 : vector<1x128x256xbf16> to vector<128x256xbf16>
    %dot_general3A_167 = arith.constant dense<0.000000e+00> : vector<1024x256xf32>
    %dot_general3A_168 = tpu.matmul %convert_element_type3A_161, %get3A_166, %dot_general3A_167 {dimension_numbers = #tpu.dot_dimension_numbers<[1], [0], [0], [1], [0, 0, 1, 1], [], []>, transpose_lhs_hint = false} : vector<1024x128xbf16>, vector<128x256xbf16>, vector<1024x256xf32> -> vector<1024x256xf32>
    %add3A_169 = arith.addf %add3A_155, %dot_general3A_168 : vector<1024x256xf32>
    %get3A_170 = arith.constant 12 : index
    %get3A_171 = arith.constant 0 : index
    %get3A_172 = arith.constant 0 : index
    %get3A_173 = vector.load %arg1[%get3A_170, %get3A_171, %get3A_172] : memref<16x1024x128xf32, #tpu.memory_space<vmem>>, vector<1x1024x128xf32>
    %get3A_174 = vector.shape_cast %get3A_173 : vector<1x1024x128xf32> to vector<1024x128xf32>
    %convert_element_type3A_175 = arith.truncf %get3A_174 : vector<1024x128xf32> to vector<1024x128xbf16>
    %get3A_176 = arith.constant 12 : index
    %get3A_177 = arith.constant 0 : index
    %get3A_178 = arith.constant 0 : index
    %get3A_179 = vector.load %arg2[%get3A_176, %get3A_177, %get3A_178] : memref<16x128x256xbf16, #tpu.memory_space<vmem>>, vector<1x128x256xbf16>
    %get3A_180 = vector.shape_cast %get3A_179 : vector<1x128x256xbf16> to vector<128x256xbf16>
    %dot_general3A_181 = arith.constant dense<0.000000e+00> : vector<1024x256xf32>
    %dot_general3A_182 = tpu.matmul %convert_element_type3A_175, %get3A_180, %dot_general3A_181 {dimension_numbers = #tpu.dot_dimension_numbers<[1], [0], [0], [1], [0, 0, 1, 1], [], []>, transpose_lhs_hint = false} : vector<1024x128xbf16>, vector<128x256xbf16>, vector<1024x256xf32> -> vector<1024x256xf32>
    %add3A_183 = arith.addf %add3A_169, %dot_general3A_182 : vector<1024x256xf32>
    %get3A_184 = arith.constant 13 : index
    %get3A_185 = arith.constant 0 : index
    %get3A_186 = arith.constant 0 : index
    %get3A_187 = vector.load %arg1[%get3A_184, %get3A_185, %get3A_186] : memref<16x1024x128xf32, #tpu.memory_space<vmem>>, vector<1x1024x128xf32>
    %get3A_188 = vector.shape_cast %get3A_187 : vector<1x1024x128xf32> to vector<1024x128xf32>
    %convert_element_type3A_189 = arith.truncf %get3A_188 : vector<1024x128xf32> to vector<1024x128xbf16>
    %get3A_190 = arith.constant 13 : index
    %get3A_191 = arith.constant 0 : index
    %get3A_192 = arith.constant 0 : index
    %get3A_193 = vector.load %arg2[%get3A_190, %get3A_191, %get3A_192] : memref<16x128x256xbf16, #tpu.memory_space<vmem>>, vector<1x128x256xbf16>
    %get3A_194 = vector.shape_cast %get3A_193 : vector<1x128x256xbf16> to vector<128x256xbf16>
    %dot_general3A_195 = arith.constant dense<0.000000e+00> : vector<1024x256xf32>
    %dot_general3A_196 = tpu.matmul %convert_element_type3A_189, %get3A_194, %dot_general3A_195 {dimension_numbers = #tpu.dot_dimension_numbers<[1], [0], [0], [1], [0, 0, 1, 1], [], []>, transpose_lhs_hint = false} : vector<1024x128xbf16>, vector<128x256xbf16>, vector<1024x256xf32> -> vector<1024x256xf32>
    %add3A_197 = arith.addf %add3A_183, %dot_general3A_196 : vector<1024x256xf32>
    %get3A_198 = arith.constant 14 : index
    %get3A_199 = arith.constant 0 : index
    %get3A_200 = arith.constant 0 : index
    %get3A_201 = vector.load %arg1[%get3A_198, %get3A_199, %get3A_200] : memref<16x1024x128xf32, #tpu.memory_space<vmem>>, vector<1x1024x128xf32>
    %get3A_202 = vector.shape_cast %get3A_201 : vector<1x1024x128xf32> to vector<1024x128xf32>
    %convert_element_type3A_203 = arith.truncf %get3A_202 : vector<1024x128xf32> to vector<1024x128xbf16>
    %get3A_204 = arith.constant 14 : index
    %get3A_205 = arith.constant 0 : index
    %get3A_206 = arith.constant 0 : index
    %get3A_207 = vector.load %arg2[%get3A_204, %get3A_205, %get3A_206] : memref<16x128x256xbf16, #tpu.memory_space<vmem>>, vector<1x128x256xbf16>
    %get3A_208 = vector.shape_cast %get3A_207 : vector<1x128x256xbf16> to vector<128x256xbf16>
    %dot_general3A_209 = arith.constant dense<0.000000e+00> : vector<1024x256xf32>
    %dot_general3A_210 = tpu.matmul %convert_element_type3A_203, %get3A_208, %dot_general3A_209 {dimension_numbers = #tpu.dot_dimension_numbers<[1], [0], [0], [1], [0, 0, 1, 1], [], []>, transpose_lhs_hint = false} : vector<1024x128xbf16>, vector<128x256xbf16>, vector<1024x256xf32> -> vector<1024x256xf32>
    %add3A_211 = arith.addf %add3A_197, %dot_general3A_210 : vector<1024x256xf32>
    %get3A_212 = arith.constant 15 : index
    %get3A_213 = arith.constant 0 : index
    %get3A_214 = arith.constant 0 : index
    %get3A_215 = vector.load %arg1[%get3A_212, %get3A_213, %get3A_214] : memref<16x1024x128xf32, #tpu.memory_space<vmem>>, vector<1x1024x128xf32>
    %get3A_216 = vector.shape_cast %get3A_215 : vector<1x1024x128xf32> to vector<1024x128xf32>
    %convert_element_type3A_217 = arith.truncf %get3A_216 : vector<1024x128xf32> to vector<1024x128xbf16>
    %get3A_218 = arith.constant 15 : index
    %get3A_219 = arith.constant 0 : index
    %get3A_220 = arith.constant 0 : index
    %get3A_221 = vector.load %arg2[%get3A_218, %get3A_219, %get3A_220] : memref<16x128x256xbf16, #tpu.memory_space<vmem>>, vector<1x128x256xbf16>
    %get3A_222 = vector.shape_cast %get3A_221 : vector<1x128x256xbf16> to vector<128x256xbf16>
    %dot_general3A_223 = arith.constant dense<0.000000e+00> : vector<1024x256xf32>
    %dot_general3A_224 = tpu.matmul %convert_element_type3A_217, %get3A_222, %dot_general3A_223 {dimension_numbers = #tpu.dot_dimension_numbers<[1], [0], [0], [1], [0, 0, 1, 1], [], []>, transpose_lhs_hint = false} : vector<1024x128xbf16>, vector<128x256xbf16>, vector<1024x256xf32> -> vector<1024x256xf32>
    %add3A_225 = arith.addf %add3A_211, %dot_general3A_224 : vector<1024x256xf32>
    %gt3A = arith.constant 0.000000e+00 : f32
    %gt3A_226 = vector.broadcast %gt3A : f32 to vector<1024x256xf32>
    %gt3A_227 = arith.cmpf ogt, %add3A_225, %gt3A_226 : vector<1024x256xf32>
    %min3A = arith.constant 0.000000e+00 : f32
    %min3A_228 = vector.broadcast %min3A : f32 to vector<1024x256xf32>
    %min3A_229 = arith.minimumf %add3A_225, %min3A_228 : vector<1024x256xf32>
    %exp3A = math.exp %min3A_229 : vector<1024x256xf32>
    %sub3A = arith.constant 1.000000e+00 : f32
    %sub3A_230 = vector.broadcast %sub3A : f32 to vector<1024x256xf32>
    %sub3A_231 = arith.subf %exp3A, %sub3A_230 : vector<1024x256xf32>
    %select_n3A = arith.select %gt3A_227, %add3A_225, %sub3A_231 : vector<1024x256xi1>, vector<1024x256xf32>
    %convert_element_type3A_232 = arith.truncf %select_n3A : vector<1024x256xf32> to vector<1024x256xbf16>
    %convert_element_type3A_233 = arith.extf %convert_element_type3A_232 : vector<1024x256xbf16> to vector<1024x256xf32>
    %bitcast3A = tpu.bitcast %convert_element_type3A_233 : vector<1024x256xf32> -> vector<1024x256xi32>
    %slice3A = vector.extract_strided_slice %bitcast3A {offsets = [0, 0], sizes = [1024, 128], strides = [1, 1]} : vector<1024x256xi32> to vector<1024x128xi32>
    %shift_right_logical3A = arith.constant 16 : i32
    %shift_right_logical3A_234 = vector.broadcast %shift_right_logical3A : i32 to vector<1024x128xi32>
    %shift_right_logical3A_235 = arith.shrui %slice3A, %shift_right_logical3A_234 : vector<1024x128xi32>
    %slice3A_236 = vector.extract_strided_slice %bitcast3A {offsets = [0, 128], sizes = [1024, 128], strides = [1, 1]} : vector<1024x256xi32> to vector<1024x128xi32>
    %shift_right_logical3A_237 = arith.constant 16 : i32
    %shift_right_logical3A_238 = vector.broadcast %shift_right_logical3A_237 : i32 to vector<1024x128xi32>
    %shift_right_logical3A_239 = arith.shrui %slice3A_236, %shift_right_logical3A_238 : vector<1024x128xi32>
    %shift_left3A = arith.constant 16 : i32
    %shift_left3A_240 = vector.broadcast %shift_left3A : i32 to vector<1024x128xi32>
    %shift_left3A_241 = arith.shli %shift_right_logical3A_239, %shift_left3A_240 : vector<1024x128xi32>
    %or3A = arith.ori %shift_right_logical3A_235, %shift_left3A_241 : vector<1024x128xi32>
    %swap3A = arith.constant 0 : index
    %swap3A_242 = arith.constant 0 : index
    %swap3A_243 = vector.load %arg4[%swap3A, %swap3A_242] : memref<1024x128xi32, #tpu.memory_space<vmem>>, vector<1024x128xi32>
    tpu.vector_store %arg4[%swap3A, %swap3A_242], %or3A {strides = array<i32>} : memref<1024x128xi32, #tpu.memory_space<vmem>>, vector<1024x128xi32>,
    return
  }
  func.func @transform_0(%arg0: i32) -> (i32, i32, i32) {
    %c0_i32 = arith.constant 0 : i32
    %c0_i32_0 = arith.constant 0 : i32
    %c0_i32_1 = arith.constant 0 : i32
    return %c0_i32, %arg0, %c0_i32_0 : i32, i32, i32
  }
  func.func @transform_1(%arg0: i32) -> (i32, i32, i32) {
    %c0_i32 = arith.constant 0 : i32
    %c0_i32_0 = arith.constant 0 : i32
    %c0_i32_1 = arith.constant 0 : i32
    %c0_i32_2 = arith.constant 0 : i32
    return %c0_i32, %c0_i32_0, %c0_i32_1 : i32, i32, i32
  }
  func.func @transform_2(%arg0: i32) -> (i32, i32) {
    %c0_i32 = arith.constant 0 : i32
    %c0_i32_0 = arith.constant 0 : i32
    %c0_i32_1 = arith.constant 0 : i32
    return %c0_i32, %c0_i32_0 : i32, i32
  }
  func.func @transform_3(%arg0: i32) -> (i32, i32) {
    %c0_i32 = arith.constant 0 : i32
    %c0_i32_0 = arith.constant 0 : i32
    return %arg0, %c0_i32 : i32, i32
  }
}

module attributes {stable_mosaic.version = 14 : i64} {
  func.func @body(%arg0: i32, %arg1: memref<16x1024x128xi32, #tpu.memory_space<vmem>>, %arg2: memref<16x128x256xbf16, #tpu.memory_space<vmem>>, %arg3: memref<16x128x256xbf16, #tpu.memory_space<vmem>>, %arg4: memref<1x256xf32, #tpu.memory_space<vmem>>, %arg5: memref<1024x128xi32, #tpu.memory_space<vmem>>) attributes {dimension_semantics = [#tpu.dimension_semantics<arbitrary>], iteration_bounds = array<i64: 5>, scalar_prefetch = 0 : i64, scratch_operands = 0 : i64, tpu.core_type = #tpu.core_type<tc>, window_params = [{transform_indices = @transform_0, window_bounds = array<i64: 16, 1024, 128>}, {pipeline_mode = #tpu.pipeline_mode<synchronous>, transform_indices = @transform_1, window_bounds = array<i64: 16, 128, 256>}, {pipeline_mode = #tpu.pipeline_mode<synchronous>, transform_indices = @transform_2, window_bounds = array<i64: 16, 128, 256>}, {pipeline_mode = #tpu.pipeline_mode<synchronous>, transform_indices = @transform_3, window_bounds = array<i64: 1, 256>}, {transform_indices = @transform_4, window_bounds = array<i64: 1024, 128>}]} {
    %get3A = arith.constant 0 : index
    %get3A_0 = arith.constant 0 : index
    %get3A_1 = vector.load %arg4[%get3A, %get3A_0] : memref<1x256xf32, #tpu.memory_space<vmem>>, vector<1x256xf32>
    %broadcast_in_dim3A = arith.constant 1.000000e+00 : f32
    %broadcast_in_dim3A_2 = vector.broadcast %broadcast_in_dim3A : f32 to vector<1024x1xf32>
    %mul3A = vector.broadcast %get3A_1 : vector<1x256xf32> to vector<1024x256xf32>
    %mul3A_3 = vector.broadcast %broadcast_in_dim3A_2 : vector<1024x1xf32> to vector<1024x256xf32>
    %mul3A_4 = arith.mulf %mul3A, %mul3A_3 : vector<1024x256xf32>
    %get3A_5 = arith.constant 0 : index
    %get3A_6 = arith.constant 0 : index
    %get3A_7 = arith.constant 0 : index
    %get3A_8 = vector.load %arg1[%get3A_5, %get3A_6, %get3A_7] : memref<16x1024x128xi32, #tpu.memory_space<vmem>>, vector<1x1024x128xi32>
    %get3A_9 = vector.shape_cast %get3A_8 : vector<1x1024x128xi32> to vector<1024x128xi32>
    %shift_left3A = arith.constant 16 : i32
    %shift_left3A_10 = vector.broadcast %shift_left3A : i32 to vector<1024x128xi32>
    %shift_left3A_11 = arith.shli %get3A_9, %shift_left3A_10 : vector<1024x128xi32>
    %bitcast3A = tpu.bitcast %shift_left3A_11 : vector<1024x128xi32> -> vector<1024x128xf32>
    %convert_element_type3A = arith.truncf %bitcast3A : vector<1024x128xf32> to vector<1024x128xbf16>
    %and3A = arith.constant -65536 : i32
    %and3A_12 = vector.broadcast %and3A : i32 to vector<1024x128xi32>
    %and3A_13 = arith.andi %get3A_9, %and3A_12 : vector<1024x128xi32>
    %bitcast3A_14 = tpu.bitcast %and3A_13 : vector<1024x128xi32> -> vector<1024x128xf32>
    %convert_element_type3A_15 = arith.truncf %bitcast3A_14 : vector<1024x128xf32> to vector<1024x128xbf16>
    %get3A_16 = arith.constant 0 : index
    %get3A_17 = arith.constant 0 : index
    %get3A_18 = arith.constant 0 : index
    %get3A_19 = vector.load %arg2[%get3A_16, %get3A_17, %get3A_18] : memref<16x128x256xbf16, #tpu.memory_space<vmem>>, vector<1x128x256xbf16>
    %get3A_20 = vector.shape_cast %get3A_19 : vector<1x128x256xbf16> to vector<128x256xbf16>
    %dot_general3A = arith.constant dense<0.000000e+00> : vector<1024x256xf32>
    %dot_general3A_21 = tpu.matmul %convert_element_type3A, %get3A_20, %dot_general3A {dimension_numbers = #tpu.dot_dimension_numbers<[1], [0], [0], [1], [0, 0, 1, 1], [], []>, transpose_lhs_hint = false} : vector<1024x128xbf16>, vector<128x256xbf16>, vector<1024x256xf32> -> vector<1024x256xf32>
    %add3A = arith.addf %mul3A_4, %dot_general3A_21 : vector<1024x256xf32>
    %get3A_22 = arith.constant 0 : index
    %get3A_23 = arith.constant 0 : index
    %get3A_24 = arith.constant 0 : index
    %get3A_25 = vector.load %arg3[%get3A_22, %get3A_23, %get3A_24] : memref<16x128x256xbf16, #tpu.memory_space<vmem>>, vector<1x128x256xbf16>
    %get3A_26 = vector.shape_cast %get3A_25 : vector<1x128x256xbf16> to vector<128x256xbf16>
    %dot_general3A_27 = arith.constant dense<0.000000e+00> : vector<1024x256xf32>
    %dot_general3A_28 = tpu.matmul %convert_element_type3A_15, %get3A_26, %dot_general3A_27 {dimension_numbers = #tpu.dot_dimension_numbers<[1], [0], [0], [1], [0, 0, 1, 1], [], []>, transpose_lhs_hint = false} : vector<1024x128xbf16>, vector<128x256xbf16>, vector<1024x256xf32> -> vector<1024x256xf32>
    %add3A_29 = arith.addf %add3A, %dot_general3A_28 : vector<1024x256xf32>
    %get3A_30 = arith.constant 1 : index
    %get3A_31 = arith.constant 0 : index
    %get3A_32 = arith.constant 0 : index
    %get3A_33 = vector.load %arg1[%get3A_30, %get3A_31, %get3A_32] : memref<16x1024x128xi32, #tpu.memory_space<vmem>>, vector<1x1024x128xi32>
    %get3A_34 = vector.shape_cast %get3A_33 : vector<1x1024x128xi32> to vector<1024x128xi32>
    %shift_left3A_35 = arith.constant 16 : i32
    %shift_left3A_36 = vector.broadcast %shift_left3A_35 : i32 to vector<1024x128xi32>
    %shift_left3A_37 = arith.shli %get3A_34, %shift_left3A_36 : vector<1024x128xi32>
    %bitcast3A_38 = tpu.bitcast %shift_left3A_37 : vector<1024x128xi32> -> vector<1024x128xf32>
    %convert_element_type3A_39 = arith.truncf %bitcast3A_38 : vector<1024x128xf32> to vector<1024x128xbf16>
    %and3A_40 = arith.constant -65536 : i32
    %and3A_41 = vector.broadcast %and3A_40 : i32 to vector<1024x128xi32>
    %and3A_42 = arith.andi %get3A_34, %and3A_41 : vector<1024x128xi32>
    %bitcast3A_43 = tpu.bitcast %and3A_42 : vector<1024x128xi32> -> vector<1024x128xf32>
    %convert_element_type3A_44 = arith.truncf %bitcast3A_43 : vector<1024x128xf32> to vector<1024x128xbf16>
    %get3A_45 = arith.constant 1 : index
    %get3A_46 = arith.constant 0 : index
    %get3A_47 = arith.constant 0 : index
    %get3A_48 = vector.load %arg2[%get3A_45, %get3A_46, %get3A_47] : memref<16x128x256xbf16, #tpu.memory_space<vmem>>, vector<1x128x256xbf16>
    %get3A_49 = vector.shape_cast %get3A_48 : vector<1x128x256xbf16> to vector<128x256xbf16>
    %dot_general3A_50 = arith.constant dense<0.000000e+00> : vector<1024x256xf32>
    %dot_general3A_51 = tpu.matmul %convert_element_type3A_39, %get3A_49, %dot_general3A_50 {dimension_numbers = #tpu.dot_dimension_numbers<[1], [0], [0], [1], [0, 0, 1, 1], [], []>, transpose_lhs_hint = false} : vector<1024x128xbf16>, vector<128x256xbf16>, vector<1024x256xf32> -> vector<1024x256xf32>
    %add3A_52 = arith.addf %add3A_29, %dot_general3A_51 : vector<1024x256xf32>
    %get3A_53 = arith.constant 1 : index
    %get3A_54 = arith.constant 0 : index
    %get3A_55 = arith.constant 0 : index
    %get3A_56 = vector.load %arg3[%get3A_53, %get3A_54, %get3A_55] : memref<16x128x256xbf16, #tpu.memory_space<vmem>>, vector<1x128x256xbf16>
    %get3A_57 = vector.shape_cast %get3A_56 : vector<1x128x256xbf16> to vector<128x256xbf16>
    %dot_general3A_58 = arith.constant dense<0.000000e+00> : vector<1024x256xf32>
    %dot_general3A_59 = tpu.matmul %convert_element_type3A_44, %get3A_57, %dot_general3A_58 {dimension_numbers = #tpu.dot_dimension_numbers<[1], [0], [0], [1], [0, 0, 1, 1], [], []>, transpose_lhs_hint = false} : vector<1024x128xbf16>, vector<128x256xbf16>, vector<1024x256xf32> -> vector<1024x256xf32>
    %add3A_60 = arith.addf %add3A_52, %dot_general3A_59 : vector<1024x256xf32>
    %get3A_61 = arith.constant 2 : index
    %get3A_62 = arith.constant 0 : index
    %get3A_63 = arith.constant 0 : index
    %get3A_64 = vector.load %arg1[%get3A_61, %get3A_62, %get3A_63] : memref<16x1024x128xi32, #tpu.memory_space<vmem>>, vector<1x1024x128xi32>
    %get3A_65 = vector.shape_cast %get3A_64 : vector<1x1024x128xi32> to vector<1024x128xi32>
    %shift_left3A_66 = arith.constant 16 : i32
    %shift_left3A_67 = vector.broadcast %shift_left3A_66 : i32 to vector<1024x128xi32>
    %shift_left3A_68 = arith.shli %get3A_65, %shift_left3A_67 : vector<1024x128xi32>
    %bitcast3A_69 = tpu.bitcast %shift_left3A_68 : vector<1024x128xi32> -> vector<1024x128xf32>
    %convert_element_type3A_70 = arith.truncf %bitcast3A_69 : vector<1024x128xf32> to vector<1024x128xbf16>
    %and3A_71 = arith.constant -65536 : i32
    %and3A_72 = vector.broadcast %and3A_71 : i32 to vector<1024x128xi32>
    %and3A_73 = arith.andi %get3A_65, %and3A_72 : vector<1024x128xi32>
    %bitcast3A_74 = tpu.bitcast %and3A_73 : vector<1024x128xi32> -> vector<1024x128xf32>
    %convert_element_type3A_75 = arith.truncf %bitcast3A_74 : vector<1024x128xf32> to vector<1024x128xbf16>
    %get3A_76 = arith.constant 2 : index
    %get3A_77 = arith.constant 0 : index
    %get3A_78 = arith.constant 0 : index
    %get3A_79 = vector.load %arg2[%get3A_76, %get3A_77, %get3A_78] : memref<16x128x256xbf16, #tpu.memory_space<vmem>>, vector<1x128x256xbf16>
    %get3A_80 = vector.shape_cast %get3A_79 : vector<1x128x256xbf16> to vector<128x256xbf16>
    %dot_general3A_81 = arith.constant dense<0.000000e+00> : vector<1024x256xf32>
    %dot_general3A_82 = tpu.matmul %convert_element_type3A_70, %get3A_80, %dot_general3A_81 {dimension_numbers = #tpu.dot_dimension_numbers<[1], [0], [0], [1], [0, 0, 1, 1], [], []>, transpose_lhs_hint = false} : vector<1024x128xbf16>, vector<128x256xbf16>, vector<1024x256xf32> -> vector<1024x256xf32>
    %add3A_83 = arith.addf %add3A_60, %dot_general3A_82 : vector<1024x256xf32>
    %get3A_84 = arith.constant 2 : index
    %get3A_85 = arith.constant 0 : index
    %get3A_86 = arith.constant 0 : index
    %get3A_87 = vector.load %arg3[%get3A_84, %get3A_85, %get3A_86] : memref<16x128x256xbf16, #tpu.memory_space<vmem>>, vector<1x128x256xbf16>
    %get3A_88 = vector.shape_cast %get3A_87 : vector<1x128x256xbf16> to vector<128x256xbf16>
    %dot_general3A_89 = arith.constant dense<0.000000e+00> : vector<1024x256xf32>
    %dot_general3A_90 = tpu.matmul %convert_element_type3A_75, %get3A_88, %dot_general3A_89 {dimension_numbers = #tpu.dot_dimension_numbers<[1], [0], [0], [1], [0, 0, 1, 1], [], []>, transpose_lhs_hint = false} : vector<1024x128xbf16>, vector<128x256xbf16>, vector<1024x256xf32> -> vector<1024x256xf32>
    %add3A_91 = arith.addf %add3A_83, %dot_general3A_90 : vector<1024x256xf32>
    %get3A_92 = arith.constant 3 : index
    %get3A_93 = arith.constant 0 : index
    %get3A_94 = arith.constant 0 : index
    %get3A_95 = vector.load %arg1[%get3A_92, %get3A_93, %get3A_94] : memref<16x1024x128xi32, #tpu.memory_space<vmem>>, vector<1x1024x128xi32>
    %get3A_96 = vector.shape_cast %get3A_95 : vector<1x1024x128xi32> to vector<1024x128xi32>
    %shift_left3A_97 = arith.constant 16 : i32
    %shift_left3A_98 = vector.broadcast %shift_left3A_97 : i32 to vector<1024x128xi32>
    %shift_left3A_99 = arith.shli %get3A_96, %shift_left3A_98 : vector<1024x128xi32>
    %bitcast3A_100 = tpu.bitcast %shift_left3A_99 : vector<1024x128xi32> -> vector<1024x128xf32>
    %convert_element_type3A_101 = arith.truncf %bitcast3A_100 : vector<1024x128xf32> to vector<1024x128xbf16>
    %and3A_102 = arith.constant -65536 : i32
    %and3A_103 = vector.broadcast %and3A_102 : i32 to vector<1024x128xi32>
    %and3A_104 = arith.andi %get3A_96, %and3A_103 : vector<1024x128xi32>
    %bitcast3A_105 = tpu.bitcast %and3A_104 : vector<1024x128xi32> -> vector<1024x128xf32>
    %convert_element_type3A_106 = arith.truncf %bitcast3A_105 : vector<1024x128xf32> to vector<1024x128xbf16>
    %get3A_107 = arith.constant 3 : index
    %get3A_108 = arith.constant 0 : index
    %get3A_109 = arith.constant 0 : index
    %get3A_110 = vector.load %arg2[%get3A_107, %get3A_108, %get3A_109] : memref<16x128x256xbf16, #tpu.memory_space<vmem>>, vector<1x128x256xbf16>
    %get3A_111 = vector.shape_cast %get3A_110 : vector<1x128x256xbf16> to vector<128x256xbf16>
    %dot_general3A_112 = arith.constant dense<0.000000e+00> : vector<1024x256xf32>
    %dot_general3A_113 = tpu.matmul %convert_element_type3A_101, %get3A_111, %dot_general3A_112 {dimension_numbers = #tpu.dot_dimension_numbers<[1], [0], [0], [1], [0, 0, 1, 1], [], []>, transpose_lhs_hint = false} : vector<1024x128xbf16>, vector<128x256xbf16>, vector<1024x256xf32> -> vector<1024x256xf32>
    %add3A_114 = arith.addf %add3A_91, %dot_general3A_113 : vector<1024x256xf32>
    %get3A_115 = arith.constant 3 : index
    %get3A_116 = arith.constant 0 : index
    %get3A_117 = arith.constant 0 : index
    %get3A_118 = vector.load %arg3[%get3A_115, %get3A_116, %get3A_117] : memref<16x128x256xbf16, #tpu.memory_space<vmem>>, vector<1x128x256xbf16>
    %get3A_119 = vector.shape_cast %get3A_118 : vector<1x128x256xbf16> to vector<128x256xbf16>
    %dot_general3A_120 = arith.constant dense<0.000000e+00> : vector<1024x256xf32>
    %dot_general3A_121 = tpu.matmul %convert_element_type3A_106, %get3A_119, %dot_general3A_120 {dimension_numbers = #tpu.dot_dimension_numbers<[1], [0], [0], [1], [0, 0, 1, 1], [], []>, transpose_lhs_hint = false} : vector<1024x128xbf16>, vector<128x256xbf16>, vector<1024x256xf32> -> vector<1024x256xf32>
    %add3A_122 = arith.addf %add3A_114, %dot_general3A_121 : vector<1024x256xf32>
    %get3A_123 = arith.constant 4 : index
    %get3A_124 = arith.constant 0 : index
    %get3A_125 = arith.constant 0 : index
    %get3A_126 = vector.load %arg1[%get3A_123, %get3A_124, %get3A_125] : memref<16x1024x128xi32, #tpu.memory_space<vmem>>, vector<1x1024x128xi32>
    %get3A_127 = vector.shape_cast %get3A_126 : vector<1x1024x128xi32> to vector<1024x128xi32>
    %shift_left3A_128 = arith.constant 16 : i32
    %shift_left3A_129 = vector.broadcast %shift_left3A_128 : i32 to vector<1024x128xi32>
    %shift_left3A_130 = arith.shli %get3A_127, %shift_left3A_129 : vector<1024x128xi32>
    %bitcast3A_131 = tpu.bitcast %shift_left3A_130 : vector<1024x128xi32> -> vector<1024x128xf32>
    %convert_element_type3A_132 = arith.truncf %bitcast3A_131 : vector<1024x128xf32> to vector<1024x128xbf16>
    %and3A_133 = arith.constant -65536 : i32
    %and3A_134 = vector.broadcast %and3A_133 : i32 to vector<1024x128xi32>
    %and3A_135 = arith.andi %get3A_127, %and3A_134 : vector<1024x128xi32>
    %bitcast3A_136 = tpu.bitcast %and3A_135 : vector<1024x128xi32> -> vector<1024x128xf32>
    %convert_element_type3A_137 = arith.truncf %bitcast3A_136 : vector<1024x128xf32> to vector<1024x128xbf16>
    %get3A_138 = arith.constant 4 : index
    %get3A_139 = arith.constant 0 : index
    %get3A_140 = arith.constant 0 : index
    %get3A_141 = vector.load %arg2[%get3A_138, %get3A_139, %get3A_140] : memref<16x128x256xbf16, #tpu.memory_space<vmem>>, vector<1x128x256xbf16>
    %get3A_142 = vector.shape_cast %get3A_141 : vector<1x128x256xbf16> to vector<128x256xbf16>
    %dot_general3A_143 = arith.constant dense<0.000000e+00> : vector<1024x256xf32>
    %dot_general3A_144 = tpu.matmul %convert_element_type3A_132, %get3A_142, %dot_general3A_143 {dimension_numbers = #tpu.dot_dimension_numbers<[1], [0], [0], [1], [0, 0, 1, 1], [], []>, transpose_lhs_hint = false} : vector<1024x128xbf16>, vector<128x256xbf16>, vector<1024x256xf32> -> vector<1024x256xf32>
    %add3A_145 = arith.addf %add3A_122, %dot_general3A_144 : vector<1024x256xf32>
    %get3A_146 = arith.constant 4 : index
    %get3A_147 = arith.constant 0 : index
    %get3A_148 = arith.constant 0 : index
    %get3A_149 = vector.load %arg3[%get3A_146, %get3A_147, %get3A_148] : memref<16x128x256xbf16, #tpu.memory_space<vmem>>, vector<1x128x256xbf16>
    %get3A_150 = vector.shape_cast %get3A_149 : vector<1x128x256xbf16> to vector<128x256xbf16>
    %dot_general3A_151 = arith.constant dense<0.000000e+00> : vector<1024x256xf32>
    %dot_general3A_152 = tpu.matmul %convert_element_type3A_137, %get3A_150, %dot_general3A_151 {dimension_numbers = #tpu.dot_dimension_numbers<[1], [0], [0], [1], [0, 0, 1, 1], [], []>, transpose_lhs_hint = false} : vector<1024x128xbf16>, vector<128x256xbf16>, vector<1024x256xf32> -> vector<1024x256xf32>
    %add3A_153 = arith.addf %add3A_145, %dot_general3A_152 : vector<1024x256xf32>
    %get3A_154 = arith.constant 5 : index
    %get3A_155 = arith.constant 0 : index
    %get3A_156 = arith.constant 0 : index
    %get3A_157 = vector.load %arg1[%get3A_154, %get3A_155, %get3A_156] : memref<16x1024x128xi32, #tpu.memory_space<vmem>>, vector<1x1024x128xi32>
    %get3A_158 = vector.shape_cast %get3A_157 : vector<1x1024x128xi32> to vector<1024x128xi32>
    %shift_left3A_159 = arith.constant 16 : i32
    %shift_left3A_160 = vector.broadcast %shift_left3A_159 : i32 to vector<1024x128xi32>
    %shift_left3A_161 = arith.shli %get3A_158, %shift_left3A_160 : vector<1024x128xi32>
    %bitcast3A_162 = tpu.bitcast %shift_left3A_161 : vector<1024x128xi32> -> vector<1024x128xf32>
    %convert_element_type3A_163 = arith.truncf %bitcast3A_162 : vector<1024x128xf32> to vector<1024x128xbf16>
    %and3A_164 = arith.constant -65536 : i32
    %and3A_165 = vector.broadcast %and3A_164 : i32 to vector<1024x128xi32>
    %and3A_166 = arith.andi %get3A_158, %and3A_165 : vector<1024x128xi32>
    %bitcast3A_167 = tpu.bitcast %and3A_166 : vector<1024x128xi32> -> vector<1024x128xf32>
    %convert_element_type3A_168 = arith.truncf %bitcast3A_167 : vector<1024x128xf32> to vector<1024x128xbf16>
    %get3A_169 = arith.constant 5 : index
    %get3A_170 = arith.constant 0 : index
    %get3A_171 = arith.constant 0 : index
    %get3A_172 = vector.load %arg2[%get3A_169, %get3A_170, %get3A_171] : memref<16x128x256xbf16, #tpu.memory_space<vmem>>, vector<1x128x256xbf16>
    %get3A_173 = vector.shape_cast %get3A_172 : vector<1x128x256xbf16> to vector<128x256xbf16>
    %dot_general3A_174 = arith.constant dense<0.000000e+00> : vector<1024x256xf32>
    %dot_general3A_175 = tpu.matmul %convert_element_type3A_163, %get3A_173, %dot_general3A_174 {dimension_numbers = #tpu.dot_dimension_numbers<[1], [0], [0], [1], [0, 0, 1, 1], [], []>, transpose_lhs_hint = false} : vector<1024x128xbf16>, vector<128x256xbf16>, vector<1024x256xf32> -> vector<1024x256xf32>
    %add3A_176 = arith.addf %add3A_153, %dot_general3A_175 : vector<1024x256xf32>
    %get3A_177 = arith.constant 5 : index
    %get3A_178 = arith.constant 0 : index
    %get3A_179 = arith.constant 0 : index
    %get3A_180 = vector.load %arg3[%get3A_177, %get3A_178, %get3A_179] : memref<16x128x256xbf16, #tpu.memory_space<vmem>>, vector<1x128x256xbf16>
    %get3A_181 = vector.shape_cast %get3A_180 : vector<1x128x256xbf16> to vector<128x256xbf16>
    %dot_general3A_182 = arith.constant dense<0.000000e+00> : vector<1024x256xf32>
    %dot_general3A_183 = tpu.matmul %convert_element_type3A_168, %get3A_181, %dot_general3A_182 {dimension_numbers = #tpu.dot_dimension_numbers<[1], [0], [0], [1], [0, 0, 1, 1], [], []>, transpose_lhs_hint = false} : vector<1024x128xbf16>, vector<128x256xbf16>, vector<1024x256xf32> -> vector<1024x256xf32>
    %add3A_184 = arith.addf %add3A_176, %dot_general3A_183 : vector<1024x256xf32>
    %get3A_185 = arith.constant 6 : index
    %get3A_186 = arith.constant 0 : index
    %get3A_187 = arith.constant 0 : index
    %get3A_188 = vector.load %arg1[%get3A_185, %get3A_186, %get3A_187] : memref<16x1024x128xi32, #tpu.memory_space<vmem>>, vector<1x1024x128xi32>
    %get3A_189 = vector.shape_cast %get3A_188 : vector<1x1024x128xi32> to vector<1024x128xi32>
    %shift_left3A_190 = arith.constant 16 : i32
    %shift_left3A_191 = vector.broadcast %shift_left3A_190 : i32 to vector<1024x128xi32>
    %shift_left3A_192 = arith.shli %get3A_189, %shift_left3A_191 : vector<1024x128xi32>
    %bitcast3A_193 = tpu.bitcast %shift_left3A_192 : vector<1024x128xi32> -> vector<1024x128xf32>
    %convert_element_type3A_194 = arith.truncf %bitcast3A_193 : vector<1024x128xf32> to vector<1024x128xbf16>
    %and3A_195 = arith.constant -65536 : i32
    %and3A_196 = vector.broadcast %and3A_195 : i32 to vector<1024x128xi32>
    %and3A_197 = arith.andi %get3A_189, %and3A_196 : vector<1024x128xi32>
    %bitcast3A_198 = tpu.bitcast %and3A_197 : vector<1024x128xi32> -> vector<1024x128xf32>
    %convert_element_type3A_199 = arith.truncf %bitcast3A_198 : vector<1024x128xf32> to vector<1024x128xbf16>
    %get3A_200 = arith.constant 6 : index
    %get3A_201 = arith.constant 0 : index
    %get3A_202 = arith.constant 0 : index
    %get3A_203 = vector.load %arg2[%get3A_200, %get3A_201, %get3A_202] : memref<16x128x256xbf16, #tpu.memory_space<vmem>>, vector<1x128x256xbf16>
    %get3A_204 = vector.shape_cast %get3A_203 : vector<1x128x256xbf16> to vector<128x256xbf16>
    %dot_general3A_205 = arith.constant dense<0.000000e+00> : vector<1024x256xf32>
    %dot_general3A_206 = tpu.matmul %convert_element_type3A_194, %get3A_204, %dot_general3A_205 {dimension_numbers = #tpu.dot_dimension_numbers<[1], [0], [0], [1], [0, 0, 1, 1], [], []>, transpose_lhs_hint = false} : vector<1024x128xbf16>, vector<128x256xbf16>, vector<1024x256xf32> -> vector<1024x256xf32>
    %add3A_207 = arith.addf %add3A_184, %dot_general3A_206 : vector<1024x256xf32>
    %get3A_208 = arith.constant 6 : index
    %get3A_209 = arith.constant 0 : index
    %get3A_210 = arith.constant 0 : index
    %get3A_211 = vector.load %arg3[%get3A_208, %get3A_209, %get3A_210] : memref<16x128x256xbf16, #tpu.memory_space<vmem>>, vector<1x128x256xbf16>
    %get3A_212 = vector.shape_cast %get3A_211 : vector<1x128x256xbf16> to vector<128x256xbf16>
    %dot_general3A_213 = arith.constant dense<0.000000e+00> : vector<1024x256xf32>
    %dot_general3A_214 = tpu.matmul %convert_element_type3A_199, %get3A_212, %dot_general3A_213 {dimension_numbers = #tpu.dot_dimension_numbers<[1], [0], [0], [1], [0, 0, 1, 1], [], []>, transpose_lhs_hint = false} : vector<1024x128xbf16>, vector<128x256xbf16>, vector<1024x256xf32> -> vector<1024x256xf32>
    %add3A_215 = arith.addf %add3A_207, %dot_general3A_214 : vector<1024x256xf32>
    %get3A_216 = arith.constant 7 : index
    %get3A_217 = arith.constant 0 : index
    %get3A_218 = arith.constant 0 : index
    %get3A_219 = vector.load %arg1[%get3A_216, %get3A_217, %get3A_218] : memref<16x1024x128xi32, #tpu.memory_space<vmem>>, vector<1x1024x128xi32>
    %get3A_220 = vector.shape_cast %get3A_219 : vector<1x1024x128xi32> to vector<1024x128xi32>
    %shift_left3A_221 = arith.constant 16 : i32
    %shift_left3A_222 = vector.broadcast %shift_left3A_221 : i32 to vector<1024x128xi32>
    %shift_left3A_223 = arith.shli %get3A_220, %shift_left3A_222 : vector<1024x128xi32>
    %bitcast3A_224 = tpu.bitcast %shift_left3A_223 : vector<1024x128xi32> -> vector<1024x128xf32>
    %convert_element_type3A_225 = arith.truncf %bitcast3A_224 : vector<1024x128xf32> to vector<1024x128xbf16>
    %and3A_226 = arith.constant -65536 : i32
    %and3A_227 = vector.broadcast %and3A_226 : i32 to vector<1024x128xi32>
    %and3A_228 = arith.andi %get3A_220, %and3A_227 : vector<1024x128xi32>
    %bitcast3A_229 = tpu.bitcast %and3A_228 : vector<1024x128xi32> -> vector<1024x128xf32>
    %convert_element_type3A_230 = arith.truncf %bitcast3A_229 : vector<1024x128xf32> to vector<1024x128xbf16>
    %get3A_231 = arith.constant 7 : index
    %get3A_232 = arith.constant 0 : index
    %get3A_233 = arith.constant 0 : index
    %get3A_234 = vector.load %arg2[%get3A_231, %get3A_232, %get3A_233] : memref<16x128x256xbf16, #tpu.memory_space<vmem>>, vector<1x128x256xbf16>
    %get3A_235 = vector.shape_cast %get3A_234 : vector<1x128x256xbf16> to vector<128x256xbf16>
    %dot_general3A_236 = arith.constant dense<0.000000e+00> : vector<1024x256xf32>
    %dot_general3A_237 = tpu.matmul %convert_element_type3A_225, %get3A_235, %dot_general3A_236 {dimension_numbers = #tpu.dot_dimension_numbers<[1], [0], [0], [1], [0, 0, 1, 1], [], []>, transpose_lhs_hint = false} : vector<1024x128xbf16>, vector<128x256xbf16>, vector<1024x256xf32> -> vector<1024x256xf32>
    %add3A_238 = arith.addf %add3A_215, %dot_general3A_237 : vector<1024x256xf32>
    %get3A_239 = arith.constant 7 : index
    %get3A_240 = arith.constant 0 : index
    %get3A_241 = arith.constant 0 : index
    %get3A_242 = vector.load %arg3[%get3A_239, %get3A_240, %get3A_241] : memref<16x128x256xbf16, #tpu.memory_space<vmem>>, vector<1x128x256xbf16>
    %get3A_243 = vector.shape_cast %get3A_242 : vector<1x128x256xbf16> to vector<128x256xbf16>
    %dot_general3A_244 = arith.constant dense<0.000000e+00> : vector<1024x256xf32>
    %dot_general3A_245 = tpu.matmul %convert_element_type3A_230, %get3A_243, %dot_general3A_244 {dimension_numbers = #tpu.dot_dimension_numbers<[1], [0], [0], [1], [0, 0, 1, 1], [], []>, transpose_lhs_hint = false} : vector<1024x128xbf16>, vector<128x256xbf16>, vector<1024x256xf32> -> vector<1024x256xf32>
    %add3A_246 = arith.addf %add3A_238, %dot_general3A_245 : vector<1024x256xf32>
    %get3A_247 = arith.constant 8 : index
    %get3A_248 = arith.constant 0 : index
    %get3A_249 = arith.constant 0 : index
    %get3A_250 = vector.load %arg1[%get3A_247, %get3A_248, %get3A_249] : memref<16x1024x128xi32, #tpu.memory_space<vmem>>, vector<1x1024x128xi32>
    %get3A_251 = vector.shape_cast %get3A_250 : vector<1x1024x128xi32> to vector<1024x128xi32>
    %shift_left3A_252 = arith.constant 16 : i32
    %shift_left3A_253 = vector.broadcast %shift_left3A_252 : i32 to vector<1024x128xi32>
    %shift_left3A_254 = arith.shli %get3A_251, %shift_left3A_253 : vector<1024x128xi32>
    %bitcast3A_255 = tpu.bitcast %shift_left3A_254 : vector<1024x128xi32> -> vector<1024x128xf32>
    %convert_element_type3A_256 = arith.truncf %bitcast3A_255 : vector<1024x128xf32> to vector<1024x128xbf16>
    %and3A_257 = arith.constant -65536 : i32
    %and3A_258 = vector.broadcast %and3A_257 : i32 to vector<1024x128xi32>
    %and3A_259 = arith.andi %get3A_251, %and3A_258 : vector<1024x128xi32>
    %bitcast3A_260 = tpu.bitcast %and3A_259 : vector<1024x128xi32> -> vector<1024x128xf32>
    %convert_element_type3A_261 = arith.truncf %bitcast3A_260 : vector<1024x128xf32> to vector<1024x128xbf16>
    %get3A_262 = arith.constant 8 : index
    %get3A_263 = arith.constant 0 : index
    %get3A_264 = arith.constant 0 : index
    %get3A_265 = vector.load %arg2[%get3A_262, %get3A_263, %get3A_264] : memref<16x128x256xbf16, #tpu.memory_space<vmem>>, vector<1x128x256xbf16>
    %get3A_266 = vector.shape_cast %get3A_265 : vector<1x128x256xbf16> to vector<128x256xbf16>
    %dot_general3A_267 = arith.constant dense<0.000000e+00> : vector<1024x256xf32>
    %dot_general3A_268 = tpu.matmul %convert_element_type3A_256, %get3A_266, %dot_general3A_267 {dimension_numbers = #tpu.dot_dimension_numbers<[1], [0], [0], [1], [0, 0, 1, 1], [], []>, transpose_lhs_hint = false} : vector<1024x128xbf16>, vector<128x256xbf16>, vector<1024x256xf32> -> vector<1024x256xf32>
    %add3A_269 = arith.addf %add3A_246, %dot_general3A_268 : vector<1024x256xf32>
    %get3A_270 = arith.constant 8 : index
    %get3A_271 = arith.constant 0 : index
    %get3A_272 = arith.constant 0 : index
    %get3A_273 = vector.load %arg3[%get3A_270, %get3A_271, %get3A_272] : memref<16x128x256xbf16, #tpu.memory_space<vmem>>, vector<1x128x256xbf16>
    %get3A_274 = vector.shape_cast %get3A_273 : vector<1x128x256xbf16> to vector<128x256xbf16>
    %dot_general3A_275 = arith.constant dense<0.000000e+00> : vector<1024x256xf32>
    %dot_general3A_276 = tpu.matmul %convert_element_type3A_261, %get3A_274, %dot_general3A_275 {dimension_numbers = #tpu.dot_dimension_numbers<[1], [0], [0], [1], [0, 0, 1, 1], [], []>, transpose_lhs_hint = false} : vector<1024x128xbf16>, vector<128x256xbf16>, vector<1024x256xf32> -> vector<1024x256xf32>
    %add3A_277 = arith.addf %add3A_269, %dot_general3A_276 : vector<1024x256xf32>
    %get3A_278 = arith.constant 9 : index
    %get3A_279 = arith.constant 0 : index
    %get3A_280 = arith.constant 0 : index
    %get3A_281 = vector.load %arg1[%get3A_278, %get3A_279, %get3A_280] : memref<16x1024x128xi32, #tpu.memory_space<vmem>>, vector<1x1024x128xi32>
    %get3A_282 = vector.shape_cast %get3A_281 : vector<1x1024x128xi32> to vector<1024x128xi32>
    %shift_left3A_283 = arith.constant 16 : i32
    %shift_left3A_284 = vector.broadcast %shift_left3A_283 : i32 to vector<1024x128xi32>
    %shift_left3A_285 = arith.shli %get3A_282, %shift_left3A_284 : vector<1024x128xi32>
    %bitcast3A_286 = tpu.bitcast %shift_left3A_285 : vector<1024x128xi32> -> vector<1024x128xf32>
    %convert_element_type3A_287 = arith.truncf %bitcast3A_286 : vector<1024x128xf32> to vector<1024x128xbf16>
    %and3A_288 = arith.constant -65536 : i32
    %and3A_289 = vector.broadcast %and3A_288 : i32 to vector<1024x128xi32>
    %and3A_290 = arith.andi %get3A_282, %and3A_289 : vector<1024x128xi32>
    %bitcast3A_291 = tpu.bitcast %and3A_290 : vector<1024x128xi32> -> vector<1024x128xf32>
    %convert_element_type3A_292 = arith.truncf %bitcast3A_291 : vector<1024x128xf32> to vector<1024x128xbf16>
    %get3A_293 = arith.constant 9 : index
    %get3A_294 = arith.constant 0 : index
    %get3A_295 = arith.constant 0 : index
    %get3A_296 = vector.load %arg2[%get3A_293, %get3A_294, %get3A_295] : memref<16x128x256xbf16, #tpu.memory_space<vmem>>, vector<1x128x256xbf16>
    %get3A_297 = vector.shape_cast %get3A_296 : vector<1x128x256xbf16> to vector<128x256xbf16>
    %dot_general3A_298 = arith.constant dense<0.000000e+00> : vector<1024x256xf32>
    %dot_general3A_299 = tpu.matmul %convert_element_type3A_287, %get3A_297, %dot_general3A_298 {dimension_numbers = #tpu.dot_dimension_numbers<[1], [0], [0], [1], [0, 0, 1, 1], [], []>, transpose_lhs_hint = false} : vector<1024x128xbf16>, vector<128x256xbf16>, vector<1024x256xf32> -> vector<1024x256xf32>
    %add3A_300 = arith.addf %add3A_277, %dot_general3A_299 : vector<1024x256xf32>
    %get3A_301 = arith.constant 9 : index
    %get3A_302 = arith.constant 0 : index
    %get3A_303 = arith.constant 0 : index
    %get3A_304 = vector.load %arg3[%get3A_301, %get3A_302, %get3A_303] : memref<16x128x256xbf16, #tpu.memory_space<vmem>>, vector<1x128x256xbf16>
    %get3A_305 = vector.shape_cast %get3A_304 : vector<1x128x256xbf16> to vector<128x256xbf16>
    %dot_general3A_306 = arith.constant dense<0.000000e+00> : vector<1024x256xf32>
    %dot_general3A_307 = tpu.matmul %convert_element_type3A_292, %get3A_305, %dot_general3A_306 {dimension_numbers = #tpu.dot_dimension_numbers<[1], [0], [0], [1], [0, 0, 1, 1], [], []>, transpose_lhs_hint = false} : vector<1024x128xbf16>, vector<128x256xbf16>, vector<1024x256xf32> -> vector<1024x256xf32>
    %add3A_308 = arith.addf %add3A_300, %dot_general3A_307 : vector<1024x256xf32>
    %get3A_309 = arith.constant 10 : index
    %get3A_310 = arith.constant 0 : index
    %get3A_311 = arith.constant 0 : index
    %get3A_312 = vector.load %arg1[%get3A_309, %get3A_310, %get3A_311] : memref<16x1024x128xi32, #tpu.memory_space<vmem>>, vector<1x1024x128xi32>
    %get3A_313 = vector.shape_cast %get3A_312 : vector<1x1024x128xi32> to vector<1024x128xi32>
    %shift_left3A_314 = arith.constant 16 : i32
    %shift_left3A_315 = vector.broadcast %shift_left3A_314 : i32 to vector<1024x128xi32>
    %shift_left3A_316 = arith.shli %get3A_313, %shift_left3A_315 : vector<1024x128xi32>
    %bitcast3A_317 = tpu.bitcast %shift_left3A_316 : vector<1024x128xi32> -> vector<1024x128xf32>
    %convert_element_type3A_318 = arith.truncf %bitcast3A_317 : vector<1024x128xf32> to vector<1024x128xbf16>
    %and3A_319 = arith.constant -65536 : i32
    %and3A_320 = vector.broadcast %and3A_319 : i32 to vector<1024x128xi32>
    %and3A_321 = arith.andi %get3A_313, %and3A_320 : vector<1024x128xi32>
    %bitcast3A_322 = tpu.bitcast %and3A_321 : vector<1024x128xi32> -> vector<1024x128xf32>
    %convert_element_type3A_323 = arith.truncf %bitcast3A_322 : vector<1024x128xf32> to vector<1024x128xbf16>
    %get3A_324 = arith.constant 10 : index
    %get3A_325 = arith.constant 0 : index
    %get3A_326 = arith.constant 0 : index
    %get3A_327 = vector.load %arg2[%get3A_324, %get3A_325, %get3A_326] : memref<16x128x256xbf16, #tpu.memory_space<vmem>>, vector<1x128x256xbf16>
    %get3A_328 = vector.shape_cast %get3A_327 : vector<1x128x256xbf16> to vector<128x256xbf16>
    %dot_general3A_329 = arith.constant dense<0.000000e+00> : vector<1024x256xf32>
    %dot_general3A_330 = tpu.matmul %convert_element_type3A_318, %get3A_328, %dot_general3A_329 {dimension_numbers = #tpu.dot_dimension_numbers<[1], [0], [0], [1], [0, 0, 1, 1], [], []>, transpose_lhs_hint = false} : vector<1024x128xbf16>, vector<128x256xbf16>, vector<1024x256xf32> -> vector<1024x256xf32>
    %add3A_331 = arith.addf %add3A_308, %dot_general3A_330 : vector<1024x256xf32>
    %get3A_332 = arith.constant 10 : index
    %get3A_333 = arith.constant 0 : index
    %get3A_334 = arith.constant 0 : index
    %get3A_335 = vector.load %arg3[%get3A_332, %get3A_333, %get3A_334] : memref<16x128x256xbf16, #tpu.memory_space<vmem>>, vector<1x128x256xbf16>
    %get3A_336 = vector.shape_cast %get3A_335 : vector<1x128x256xbf16> to vector<128x256xbf16>
    %dot_general3A_337 = arith.constant dense<0.000000e+00> : vector<1024x256xf32>
    %dot_general3A_338 = tpu.matmul %convert_element_type3A_323, %get3A_336, %dot_general3A_337 {dimension_numbers = #tpu.dot_dimension_numbers<[1], [0], [0], [1], [0, 0, 1, 1], [], []>, transpose_lhs_hint = false} : vector<1024x128xbf16>, vector<128x256xbf16>, vector<1024x256xf32> -> vector<1024x256xf32>
    %add3A_339 = arith.addf %add3A_331, %dot_general3A_338 : vector<1024x256xf32>
    %get3A_340 = arith.constant 11 : index
    %get3A_341 = arith.constant 0 : index
    %get3A_342 = arith.constant 0 : index
    %get3A_343 = vector.load %arg1[%get3A_340, %get3A_341, %get3A_342] : memref<16x1024x128xi32, #tpu.memory_space<vmem>>, vector<1x1024x128xi32>
    %get3A_344 = vector.shape_cast %get3A_343 : vector<1x1024x128xi32> to vector<1024x128xi32>
    %shift_left3A_345 = arith.constant 16 : i32
    %shift_left3A_346 = vector.broadcast %shift_left3A_345 : i32 to vector<1024x128xi32>
    %shift_left3A_347 = arith.shli %get3A_344, %shift_left3A_346 : vector<1024x128xi32>
    %bitcast3A_348 = tpu.bitcast %shift_left3A_347 : vector<1024x128xi32> -> vector<1024x128xf32>
    %convert_element_type3A_349 = arith.truncf %bitcast3A_348 : vector<1024x128xf32> to vector<1024x128xbf16>
    %and3A_350 = arith.constant -65536 : i32
    %and3A_351 = vector.broadcast %and3A_350 : i32 to vector<1024x128xi32>
    %and3A_352 = arith.andi %get3A_344, %and3A_351 : vector<1024x128xi32>
    %bitcast3A_353 = tpu.bitcast %and3A_352 : vector<1024x128xi32> -> vector<1024x128xf32>
    %convert_element_type3A_354 = arith.truncf %bitcast3A_353 : vector<1024x128xf32> to vector<1024x128xbf16>
    %get3A_355 = arith.constant 11 : index
    %get3A_356 = arith.constant 0 : index
    %get3A_357 = arith.constant 0 : index
    %get3A_358 = vector.load %arg2[%get3A_355, %get3A_356, %get3A_357] : memref<16x128x256xbf16, #tpu.memory_space<vmem>>, vector<1x128x256xbf16>
    %get3A_359 = vector.shape_cast %get3A_358 : vector<1x128x256xbf16> to vector<128x256xbf16>
    %dot_general3A_360 = arith.constant dense<0.000000e+00> : vector<1024x256xf32>
    %dot_general3A_361 = tpu.matmul %convert_element_type3A_349, %get3A_359, %dot_general3A_360 {dimension_numbers = #tpu.dot_dimension_numbers<[1], [0], [0], [1], [0, 0, 1, 1], [], []>, transpose_lhs_hint = false} : vector<1024x128xbf16>, vector<128x256xbf16>, vector<1024x256xf32> -> vector<1024x256xf32>
    %add3A_362 = arith.addf %add3A_339, %dot_general3A_361 : vector<1024x256xf32>
    %get3A_363 = arith.constant 11 : index
    %get3A_364 = arith.constant 0 : index
    %get3A_365 = arith.constant 0 : index
    %get3A_366 = vector.load %arg3[%get3A_363, %get3A_364, %get3A_365] : memref<16x128x256xbf16, #tpu.memory_space<vmem>>, vector<1x128x256xbf16>
    %get3A_367 = vector.shape_cast %get3A_366 : vector<1x128x256xbf16> to vector<128x256xbf16>
    %dot_general3A_368 = arith.constant dense<0.000000e+00> : vector<1024x256xf32>
    %dot_general3A_369 = tpu.matmul %convert_element_type3A_354, %get3A_367, %dot_general3A_368 {dimension_numbers = #tpu.dot_dimension_numbers<[1], [0], [0], [1], [0, 0, 1, 1], [], []>, transpose_lhs_hint = false} : vector<1024x128xbf16>, vector<128x256xbf16>, vector<1024x256xf32> -> vector<1024x256xf32>
    %add3A_370 = arith.addf %add3A_362, %dot_general3A_369 : vector<1024x256xf32>
    %get3A_371 = arith.constant 12 : index
    %get3A_372 = arith.constant 0 : index
    %get3A_373 = arith.constant 0 : index
    %get3A_374 = vector.load %arg1[%get3A_371, %get3A_372, %get3A_373] : memref<16x1024x128xi32, #tpu.memory_space<vmem>>, vector<1x1024x128xi32>
    %get3A_375 = vector.shape_cast %get3A_374 : vector<1x1024x128xi32> to vector<1024x128xi32>
    %shift_left3A_376 = arith.constant 16 : i32
    %shift_left3A_377 = vector.broadcast %shift_left3A_376 : i32 to vector<1024x128xi32>
    %shift_left3A_378 = arith.shli %get3A_375, %shift_left3A_377 : vector<1024x128xi32>
    %bitcast3A_379 = tpu.bitcast %shift_left3A_378 : vector<1024x128xi32> -> vector<1024x128xf32>
    %convert_element_type3A_380 = arith.truncf %bitcast3A_379 : vector<1024x128xf32> to vector<1024x128xbf16>
    %and3A_381 = arith.constant -65536 : i32
    %and3A_382 = vector.broadcast %and3A_381 : i32 to vector<1024x128xi32>
    %and3A_383 = arith.andi %get3A_375, %and3A_382 : vector<1024x128xi32>
    %bitcast3A_384 = tpu.bitcast %and3A_383 : vector<1024x128xi32> -> vector<1024x128xf32>
    %convert_element_type3A_385 = arith.truncf %bitcast3A_384 : vector<1024x128xf32> to vector<1024x128xbf16>
    %get3A_386 = arith.constant 12 : index
    %get3A_387 = arith.constant 0 : index
    %get3A_388 = arith.constant 0 : index
    %get3A_389 = vector.load %arg2[%get3A_386, %get3A_387, %get3A_388] : memref<16x128x256xbf16, #tpu.memory_space<vmem>>, vector<1x128x256xbf16>
    %get3A_390 = vector.shape_cast %get3A_389 : vector<1x128x256xbf16> to vector<128x256xbf16>
    %dot_general3A_391 = arith.constant dense<0.000000e+00> : vector<1024x256xf32>
    %dot_general3A_392 = tpu.matmul %convert_element_type3A_380, %get3A_390, %dot_general3A_391 {dimension_numbers = #tpu.dot_dimension_numbers<[1], [0], [0], [1], [0, 0, 1, 1], [], []>, transpose_lhs_hint = false} : vector<1024x128xbf16>, vector<128x256xbf16>, vector<1024x256xf32> -> vector<1024x256xf32>
    %add3A_393 = arith.addf %add3A_370, %dot_general3A_392 : vector<1024x256xf32>
    %get3A_394 = arith.constant 12 : index
    %get3A_395 = arith.constant 0 : index
    %get3A_396 = arith.constant 0 : index
    %get3A_397 = vector.load %arg3[%get3A_394, %get3A_395, %get3A_396] : memref<16x128x256xbf16, #tpu.memory_space<vmem>>, vector<1x128x256xbf16>
    %get3A_398 = vector.shape_cast %get3A_397 : vector<1x128x256xbf16> to vector<128x256xbf16>
    %dot_general3A_399 = arith.constant dense<0.000000e+00> : vector<1024x256xf32>
    %dot_general3A_400 = tpu.matmul %convert_element_type3A_385, %get3A_398, %dot_general3A_399 {dimension_numbers = #tpu.dot_dimension_numbers<[1], [0], [0], [1], [0, 0, 1, 1], [], []>, transpose_lhs_hint = false} : vector<1024x128xbf16>, vector<128x256xbf16>, vector<1024x256xf32> -> vector<1024x256xf32>
    %add3A_401 = arith.addf %add3A_393, %dot_general3A_400 : vector<1024x256xf32>
    %get3A_402 = arith.constant 13 : index
    %get3A_403 = arith.constant 0 : index
    %get3A_404 = arith.constant 0 : index
    %get3A_405 = vector.load %arg1[%get3A_402, %get3A_403, %get3A_404] : memref<16x1024x128xi32, #tpu.memory_space<vmem>>, vector<1x1024x128xi32>
    %get3A_406 = vector.shape_cast %get3A_405 : vector<1x1024x128xi32> to vector<1024x128xi32>
    %shift_left3A_407 = arith.constant 16 : i32
    %shift_left3A_408 = vector.broadcast %shift_left3A_407 : i32 to vector<1024x128xi32>
    %shift_left3A_409 = arith.shli %get3A_406, %shift_left3A_408 : vector<1024x128xi32>
    %bitcast3A_410 = tpu.bitcast %shift_left3A_409 : vector<1024x128xi32> -> vector<1024x128xf32>
    %convert_element_type3A_411 = arith.truncf %bitcast3A_410 : vector<1024x128xf32> to vector<1024x128xbf16>
    %and3A_412 = arith.constant -65536 : i32
    %and3A_413 = vector.broadcast %and3A_412 : i32 to vector<1024x128xi32>
    %and3A_414 = arith.andi %get3A_406, %and3A_413 : vector<1024x128xi32>
    %bitcast3A_415 = tpu.bitcast %and3A_414 : vector<1024x128xi32> -> vector<1024x128xf32>
    %convert_element_type3A_416 = arith.truncf %bitcast3A_415 : vector<1024x128xf32> to vector<1024x128xbf16>
    %get3A_417 = arith.constant 13 : index
    %get3A_418 = arith.constant 0 : index
    %get3A_419 = arith.constant 0 : index
    %get3A_420 = vector.load %arg2[%get3A_417, %get3A_418, %get3A_419] : memref<16x128x256xbf16, #tpu.memory_space<vmem>>, vector<1x128x256xbf16>
    %get3A_421 = vector.shape_cast %get3A_420 : vector<1x128x256xbf16> to vector<128x256xbf16>
    %dot_general3A_422 = arith.constant dense<0.000000e+00> : vector<1024x256xf32>
    %dot_general3A_423 = tpu.matmul %convert_element_type3A_411, %get3A_421, %dot_general3A_422 {dimension_numbers = #tpu.dot_dimension_numbers<[1], [0], [0], [1], [0, 0, 1, 1], [], []>, transpose_lhs_hint = false} : vector<1024x128xbf16>, vector<128x256xbf16>, vector<1024x256xf32> -> vector<1024x256xf32>
    %add3A_424 = arith.addf %add3A_401, %dot_general3A_423 : vector<1024x256xf32>
    %get3A_425 = arith.constant 13 : index
    %get3A_426 = arith.constant 0 : index
    %get3A_427 = arith.constant 0 : index
    %get3A_428 = vector.load %arg3[%get3A_425, %get3A_426, %get3A_427] : memref<16x128x256xbf16, #tpu.memory_space<vmem>>, vector<1x128x256xbf16>
    %get3A_429 = vector.shape_cast %get3A_428 : vector<1x128x256xbf16> to vector<128x256xbf16>
    %dot_general3A_430 = arith.constant dense<0.000000e+00> : vector<1024x256xf32>
    %dot_general3A_431 = tpu.matmul %convert_element_type3A_416, %get3A_429, %dot_general3A_430 {dimension_numbers = #tpu.dot_dimension_numbers<[1], [0], [0], [1], [0, 0, 1, 1], [], []>, transpose_lhs_hint = false} : vector<1024x128xbf16>, vector<128x256xbf16>, vector<1024x256xf32> -> vector<1024x256xf32>
    %add3A_432 = arith.addf %add3A_424, %dot_general3A_431 : vector<1024x256xf32>
    %get3A_433 = arith.constant 14 : index
    %get3A_434 = arith.constant 0 : index
    %get3A_435 = arith.constant 0 : index
    %get3A_436 = vector.load %arg1[%get3A_433, %get3A_434, %get3A_435] : memref<16x1024x128xi32, #tpu.memory_space<vmem>>, vector<1x1024x128xi32>
    %get3A_437 = vector.shape_cast %get3A_436 : vector<1x1024x128xi32> to vector<1024x128xi32>
    %shift_left3A_438 = arith.constant 16 : i32
    %shift_left3A_439 = vector.broadcast %shift_left3A_438 : i32 to vector<1024x128xi32>
    %shift_left3A_440 = arith.shli %get3A_437, %shift_left3A_439 : vector<1024x128xi32>
    %bitcast3A_441 = tpu.bitcast %shift_left3A_440 : vector<1024x128xi32> -> vector<1024x128xf32>
    %convert_element_type3A_442 = arith.truncf %bitcast3A_441 : vector<1024x128xf32> to vector<1024x128xbf16>
    %and3A_443 = arith.constant -65536 : i32
    %and3A_444 = vector.broadcast %and3A_443 : i32 to vector<1024x128xi32>
    %and3A_445 = arith.andi %get3A_437, %and3A_444 : vector<1024x128xi32>
    %bitcast3A_446 = tpu.bitcast %and3A_445 : vector<1024x128xi32> -> vector<1024x128xf32>
    %convert_element_type3A_447 = arith.truncf %bitcast3A_446 : vector<1024x128xf32> to vector<1024x128xbf16>
    %get3A_448 = arith.constant 14 : index
    %get3A_449 = arith.constant 0 : index
    %get3A_450 = arith.constant 0 : index
    %get3A_451 = vector.load %arg2[%get3A_448, %get3A_449, %get3A_450] : memref<16x128x256xbf16, #tpu.memory_space<vmem>>, vector<1x128x256xbf16>
    %get3A_452 = vector.shape_cast %get3A_451 : vector<1x128x256xbf16> to vector<128x256xbf16>
    %dot_general3A_453 = arith.constant dense<0.000000e+00> : vector<1024x256xf32>
    %dot_general3A_454 = tpu.matmul %convert_element_type3A_442, %get3A_452, %dot_general3A_453 {dimension_numbers = #tpu.dot_dimension_numbers<[1], [0], [0], [1], [0, 0, 1, 1], [], []>, transpose_lhs_hint = false} : vector<1024x128xbf16>, vector<128x256xbf16>, vector<1024x256xf32> -> vector<1024x256xf32>
    %add3A_455 = arith.addf %add3A_432, %dot_general3A_454 : vector<1024x256xf32>
    %get3A_456 = arith.constant 14 : index
    %get3A_457 = arith.constant 0 : index
    %get3A_458 = arith.constant 0 : index
    %get3A_459 = vector.load %arg3[%get3A_456, %get3A_457, %get3A_458] : memref<16x128x256xbf16, #tpu.memory_space<vmem>>, vector<1x128x256xbf16>
    %get3A_460 = vector.shape_cast %get3A_459 : vector<1x128x256xbf16> to vector<128x256xbf16>
    %dot_general3A_461 = arith.constant dense<0.000000e+00> : vector<1024x256xf32>
    %dot_general3A_462 = tpu.matmul %convert_element_type3A_447, %get3A_460, %dot_general3A_461 {dimension_numbers = #tpu.dot_dimension_numbers<[1], [0], [0], [1], [0, 0, 1, 1], [], []>, transpose_lhs_hint = false} : vector<1024x128xbf16>, vector<128x256xbf16>, vector<1024x256xf32> -> vector<1024x256xf32>
    %add3A_463 = arith.addf %add3A_455, %dot_general3A_462 : vector<1024x256xf32>
    %get3A_464 = arith.constant 15 : index
    %get3A_465 = arith.constant 0 : index
    %get3A_466 = arith.constant 0 : index
    %get3A_467 = vector.load %arg1[%get3A_464, %get3A_465, %get3A_466] : memref<16x1024x128xi32, #tpu.memory_space<vmem>>, vector<1x1024x128xi32>
    %get3A_468 = vector.shape_cast %get3A_467 : vector<1x1024x128xi32> to vector<1024x128xi32>
    %shift_left3A_469 = arith.constant 16 : i32
    %shift_left3A_470 = vector.broadcast %shift_left3A_469 : i32 to vector<1024x128xi32>
    %shift_left3A_471 = arith.shli %get3A_468, %shift_left3A_470 : vector<1024x128xi32>
    %bitcast3A_472 = tpu.bitcast %shift_left3A_471 : vector<1024x128xi32> -> vector<1024x128xf32>
    %convert_element_type3A_473 = arith.truncf %bitcast3A_472 : vector<1024x128xf32> to vector<1024x128xbf16>
    %and3A_474 = arith.constant -65536 : i32
    %and3A_475 = vector.broadcast %and3A_474 : i32 to vector<1024x128xi32>
    %and3A_476 = arith.andi %get3A_468, %and3A_475 : vector<1024x128xi32>
    %bitcast3A_477 = tpu.bitcast %and3A_476 : vector<1024x128xi32> -> vector<1024x128xf32>
    %convert_element_type3A_478 = arith.truncf %bitcast3A_477 : vector<1024x128xf32> to vector<1024x128xbf16>
    %get3A_479 = arith.constant 15 : index
    %get3A_480 = arith.constant 0 : index
    %get3A_481 = arith.constant 0 : index
    %get3A_482 = vector.load %arg2[%get3A_479, %get3A_480, %get3A_481] : memref<16x128x256xbf16, #tpu.memory_space<vmem>>, vector<1x128x256xbf16>
    %get3A_483 = vector.shape_cast %get3A_482 : vector<1x128x256xbf16> to vector<128x256xbf16>
    %dot_general3A_484 = arith.constant dense<0.000000e+00> : vector<1024x256xf32>
    %dot_general3A_485 = tpu.matmul %convert_element_type3A_473, %get3A_483, %dot_general3A_484 {dimension_numbers = #tpu.dot_dimension_numbers<[1], [0], [0], [1], [0, 0, 1, 1], [], []>, transpose_lhs_hint = false} : vector<1024x128xbf16>, vector<128x256xbf16>, vector<1024x256xf32> -> vector<1024x256xf32>
    %add3A_486 = arith.addf %add3A_463, %dot_general3A_485 : vector<1024x256xf32>
    %get3A_487 = arith.constant 15 : index
    %get3A_488 = arith.constant 0 : index
    %get3A_489 = arith.constant 0 : index
    %get3A_490 = vector.load %arg3[%get3A_487, %get3A_488, %get3A_489] : memref<16x128x256xbf16, #tpu.memory_space<vmem>>, vector<1x128x256xbf16>
    %get3A_491 = vector.shape_cast %get3A_490 : vector<1x128x256xbf16> to vector<128x256xbf16>
    %dot_general3A_492 = arith.constant dense<0.000000e+00> : vector<1024x256xf32>
    %dot_general3A_493 = tpu.matmul %convert_element_type3A_478, %get3A_491, %dot_general3A_492 {dimension_numbers = #tpu.dot_dimension_numbers<[1], [0], [0], [1], [0, 0, 1, 1], [], []>, transpose_lhs_hint = false} : vector<1024x128xbf16>, vector<128x256xbf16>, vector<1024x256xf32> -> vector<1024x256xf32>
    %add3A_494 = arith.addf %add3A_486, %dot_general3A_493 : vector<1024x256xf32>
    %gt3A = arith.constant 0.000000e+00 : f32
    %gt3A_495 = vector.broadcast %gt3A : f32 to vector<1024x256xf32>
    %gt3A_496 = arith.cmpf ogt, %add3A_494, %gt3A_495 : vector<1024x256xf32>
    %min3A = arith.constant 0.000000e+00 : f32
    %min3A_497 = vector.broadcast %min3A : f32 to vector<1024x256xf32>
    %min3A_498 = arith.minimumf %add3A_494, %min3A_497 : vector<1024x256xf32>
    %exp3A = math.exp %min3A_498 : vector<1024x256xf32>
    %sub3A = arith.constant 1.000000e+00 : f32
    %sub3A_499 = vector.broadcast %sub3A : f32 to vector<1024x256xf32>
    %sub3A_500 = arith.subf %exp3A, %sub3A_499 : vector<1024x256xf32>
    %select_n3A = arith.select %gt3A_496, %add3A_494, %sub3A_500 : vector<1024x256xi1>, vector<1024x256xf32>
    %convert_element_type3A_501 = arith.truncf %select_n3A : vector<1024x256xf32> to vector<1024x256xbf16>
    %convert_element_type3A_502 = arith.extf %convert_element_type3A_501 : vector<1024x256xbf16> to vector<1024x256xf32>
    %bitcast3A_503 = tpu.bitcast %convert_element_type3A_502 : vector<1024x256xf32> -> vector<1024x256xi32>
    %slice3A = vector.extract_strided_slice %bitcast3A_503 {offsets = [0, 0], sizes = [1024, 128], strides = [1, 1]} : vector<1024x256xi32> to vector<1024x128xi32>
    %shift_right_logical3A = arith.constant 16 : i32
    %shift_right_logical3A_504 = vector.broadcast %shift_right_logical3A : i32 to vector<1024x128xi32>
    %shift_right_logical3A_505 = arith.shrui %slice3A, %shift_right_logical3A_504 : vector<1024x128xi32>
    %slice3A_506 = vector.extract_strided_slice %bitcast3A_503 {offsets = [0, 128], sizes = [1024, 128], strides = [1, 1]} : vector<1024x256xi32> to vector<1024x128xi32>
    %shift_right_logical3A_507 = arith.constant 16 : i32
    %shift_right_logical3A_508 = vector.broadcast %shift_right_logical3A_507 : i32 to vector<1024x128xi32>
    %shift_right_logical3A_509 = arith.shrui %slice3A_506, %shift_right_logical3A_508 : vector<1024x128xi32>
    %shift_left3A_510 = arith.constant 16 : i32
    %shift_left3A_511 = vector.broadcast %shift_left3A_510 : i32 to vector<1024x128xi32>
    %shift_left3A_512 = arith.shli %shift_right_logical3A_509, %shift_left3A_511 : vector<1024x128xi32>
    %or3A = arith.ori %shift_right_logical3A_505, %shift_left3A_512 : vector<1024x128xi32>
    %swap3A = arith.constant 0 : index
    %swap3A_513 = arith.constant 0 : index
    %swap3A_514 = vector.load %arg5[%swap3A, %swap3A_513] : memref<1024x128xi32, #tpu.memory_space<vmem>>, vector<1024x128xi32>
    tpu.vector_store %arg5[%swap3A, %swap3A_513], %or3A {strides = array<i32>} : memref<1024x128xi32, #tpu.memory_space<vmem>>, vector<1024x128xi32>,
    return
  }
  func.func @transform_0(%arg0: i32) -> (i32, i32, i32) {
    %c0_i32 = arith.constant 0 : i32
    %c0_i32_0 = arith.constant 0 : i32
    %c0_i32_1 = arith.constant 0 : i32
    return %c0_i32, %arg0, %c0_i32_0 : i32, i32, i32
  }
  func.func @transform_1(%arg0: i32) -> (i32, i32, i32) {
    %c0_i32 = arith.constant 0 : i32
    %c0_i32_0 = arith.constant 0 : i32
    %c0_i32_1 = arith.constant 0 : i32
    %c0_i32_2 = arith.constant 0 : i32
    return %c0_i32, %c0_i32_0, %c0_i32_1 : i32, i32, i32
  }
  func.func @transform_2(%arg0: i32) -> (i32, i32, i32) {
    %c0_i32 = arith.constant 0 : i32
    %c0_i32_0 = arith.constant 0 : i32
    %c0_i32_1 = arith.constant 0 : i32
    %c0_i32_2 = arith.constant 0 : i32
    return %c0_i32, %c0_i32_0, %c0_i32_1 : i32, i32, i32
  }
  func.func @transform_3(%arg0: i32) -> (i32, i32) {
    %c0_i32 = arith.constant 0 : i32
    %c0_i32_0 = arith.constant 0 : i32
    %c0_i32_1 = arith.constant 0 : i32
    return %c0_i32, %c0_i32_0 : i32, i32
  }
  func.func @transform_4(%arg0: i32) -> (i32, i32) {
    %c0_i32 = arith.constant 0 : i32
    %c0_i32_0 = arith.constant 0 : i32
    return %arg0, %c0_i32 : i32, i32
  }
}

module attributes {stable_mosaic.version = 14 : i64} {
  func.func @body(%arg0: i32, %arg1: memref<1024x128xi32, #tpu.memory_space<vmem>>, %arg2: memref<1x1024xf32, #tpu.memory_space<vmem>>, %arg3: memref<128x256xbf16, #tpu.memory_space<vmem>>, %arg4: memref<128x256xbf16, #tpu.memory_space<vmem>>, %arg5: memref<1x256xf32, #tpu.memory_space<vmem>>, %arg6: memref<256x40xf32, #tpu.memory_space<vmem>>, %arg7: memref<1x40xf32, #tpu.memory_space<vmem>>, %arg8: memref<1x40xf32, #tpu.memory_space<vmem>>, %arg9: memref<1x256xf32, #tpu.memory_space<vmem>>, %arg10: memref<1x1xf32, #tpu.memory_space<vmem>>) attributes {dimension_semantics = [#tpu.dimension_semantics<arbitrary>], iteration_bounds = array<i64: 10>, scalar_prefetch = 0 : i64, scratch_operands = 2 : i64, tpu.core_type = #tpu.core_type<tc>, window_params = [{transform_indices = @transform_0, window_bounds = array<i64: 1024, 128>}, {transform_indices = @transform_1, window_bounds = array<i64: 1, 1024>}, {pipeline_mode = #tpu.pipeline_mode<synchronous>, transform_indices = @transform_2, window_bounds = array<i64: 128, 256>}, {pipeline_mode = #tpu.pipeline_mode<synchronous>, transform_indices = @transform_3, window_bounds = array<i64: 128, 256>}, {pipeline_mode = #tpu.pipeline_mode<synchronous>, transform_indices = @transform_4, window_bounds = array<i64: 1, 256>}, {pipeline_mode = #tpu.pipeline_mode<synchronous>, transform_indices = @transform_5, window_bounds = array<i64: 256, 40>}, {pipeline_mode = #tpu.pipeline_mode<synchronous>, transform_indices = @transform_6, window_bounds = array<i64: 1, 40>}, {pipeline_mode = #tpu.pipeline_mode<synchronous>, transform_indices = @transform_7, window_bounds = array<i64: 1, 40>}]} {
    %eq3A = arith.constant 0 : i32
    %eq3A_0 = arith.cmpi eq, %arg0, %eq3A : i32
    %convert_element_type3A = arith.extui %eq3A_0 : i1 to i32
    %cond3A = arith.constant 0 : i32
    %cond3A_1 = arith.cmpi ne, %convert_element_type3A, %cond3A : i32
    scf.if %cond3A_1 {
      %broadcast_in_dim3A = arith.constant 0.000000e+00 : f32
      %broadcast_in_dim3A_62 = vector.broadcast %broadcast_in_dim3A : f32 to vector<1x256xf32>
      %swap3A_63 = arith.constant 0 : index
      %swap3A_64 = arith.constant 0 : index
      %swap3A_65 = vector.load %arg9[%swap3A_63, %swap3A_64] : memref<1x256xf32, #tpu.memory_space<vmem>>, vector<1x256xf32>
      tpu.vector_store %arg9[%swap3A_63, %swap3A_64], %broadcast_in_dim3A_62 {strides = array<i32>} : memref<1x256xf32, #tpu.memory_space<vmem>>, vector<1x256xf32>,
      %broadcast_in_dim3A_66 = arith.constant 0.000000e+00 : f32
      %broadcast_in_dim3A_67 = vector.broadcast %broadcast_in_dim3A_66 : f32 to vector<1x1xf32>
      %swap3A_68 = arith.constant 0 : index
      %swap3A_69 = arith.constant 0 : index
      %swap3A_70 = vector.load %arg10[%swap3A_68, %swap3A_69] : memref<1x1xf32, #tpu.memory_space<vmem>>, vector<1x1xf32>
      tpu.vector_store %arg10[%swap3A_68, %swap3A_69], %broadcast_in_dim3A_67 {strides = array<i32>} : memref<1x1xf32, #tpu.memory_space<vmem>>, vector<1x1xf32>,
    } else {
    }
    %get3A = arith.constant 0 : index
    %get3A_2 = arith.constant 0 : index
    %get3A_3 = vector.load %arg1[%get3A, %get3A_2] : memref<1024x128xi32, #tpu.memory_space<vmem>>, vector<1024x128xi32>
    %shift_left3A = arith.constant 16 : i32
    %shift_left3A_4 = vector.broadcast %shift_left3A : i32 to vector<1024x128xi32>
    %shift_left3A_5 = arith.shli %get3A_3, %shift_left3A_4 : vector<1024x128xi32>
    %bitcast3A = tpu.bitcast %shift_left3A_5 : vector<1024x128xi32> -> vector<1024x128xf32>
    %convert_element_type3A_6 = arith.truncf %bitcast3A : vector<1024x128xf32> to vector<1024x128xbf16>
    %and3A = arith.constant -65536 : i32
    %and3A_7 = vector.broadcast %and3A : i32 to vector<1024x128xi32>
    %and3A_8 = arith.andi %get3A_3, %and3A_7 : vector<1024x128xi32>
    %bitcast3A_9 = tpu.bitcast %and3A_8 : vector<1024x128xi32> -> vector<1024x128xf32>
    %convert_element_type3A_10 = arith.truncf %bitcast3A_9 : vector<1024x128xf32> to vector<1024x128xbf16>
    %get3A_11 = arith.constant 0 : index
    %get3A_12 = arith.constant 0 : index
    %get3A_13 = vector.load %arg3[%get3A_11, %get3A_12] : memref<128x256xbf16, #tpu.memory_space<vmem>>, vector<128x256xbf16>
    %dot_general3A = arith.constant dense<0.000000e+00> : vector<1024x256xf32>
    %dot_general3A_14 = tpu.matmul %convert_element_type3A_6, %get3A_13, %dot_general3A {dimension_numbers = #tpu.dot_dimension_numbers<[1], [0], [0], [1], [0, 0, 1, 1], [], []>, transpose_lhs_hint = false} : vector<1024x128xbf16>, vector<128x256xbf16>, vector<1024x256xf32> -> vector<1024x256xf32>
    %get3A_15 = arith.constant 0 : index
    %get3A_16 = arith.constant 0 : index
    %get3A_17 = vector.load %arg4[%get3A_15, %get3A_16] : memref<128x256xbf16, #tpu.memory_space<vmem>>, vector<128x256xbf16>
    %dot_general3A_18 = arith.constant dense<0.000000e+00> : vector<1024x256xf32>
    %dot_general3A_19 = tpu.matmul %convert_element_type3A_10, %get3A_17, %dot_general3A_18 {dimension_numbers = #tpu.dot_dimension_numbers<[1], [0], [0], [1], [0, 0, 1, 1], [], []>, transpose_lhs_hint = false} : vector<1024x128xbf16>, vector<128x256xbf16>, vector<1024x256xf32> -> vector<1024x256xf32>
    %add3A = arith.addf %dot_general3A_14, %dot_general3A_19 : vector<1024x256xf32>
    %get3A_20 = arith.constant 0 : index
    %get3A_21 = arith.constant 0 : index
    %get3A_22 = vector.load %arg5[%get3A_20, %get3A_21] : memref<1x256xf32, #tpu.memory_space<vmem>>, vector<1x256xf32>
    %add3A_23 = vector.broadcast %get3A_22 : vector<1x256xf32> to vector<1024x256xf32>
    %add3A_24 = arith.addf %add3A, %add3A_23 : vector<1024x256xf32>
    %gt3A = arith.constant 0.000000e+00 : f32
    %gt3A_25 = vector.broadcast %gt3A : f32 to vector<1024x256xf32>
    %gt3A_26 = arith.cmpf ogt, %add3A_24, %gt3A_25 : vector<1024x256xf32>
    %min3A = arith.constant 0.000000e+00 : f32
    %min3A_27 = vector.broadcast %min3A : f32 to vector<1024x256xf32>
    %min3A_28 = arith.minimumf %add3A_24, %min3A_27 : vector<1024x256xf32>
    %exp3A = math.exp %min3A_28 : vector<1024x256xf32>
    %sub3A = arith.constant 1.000000e+00 : f32
    %sub3A_29 = vector.broadcast %sub3A : f32 to vector<1024x256xf32>
    %sub3A_30 = arith.subf %exp3A, %sub3A_29 : vector<1024x256xf32>
    %select_n3A = arith.select %gt3A_26, %add3A_24, %sub3A_30 : vector<1024x256xi1>, vector<1024x256xf32>
    %get3A_31 = arith.constant 0 : index
    %get3A_32 = arith.constant 0 : index
    %get3A_33 = vector.load %arg9[%get3A_31, %get3A_32] : memref<1x256xf32, #tpu.memory_space<vmem>>, vector<1x256xf32>
    %get3A_34 = arith.constant 0 : index
    %get3A_35 = arith.constant 0 : index
    %get3A_36 = vector.load %arg2[%get3A_34, %get3A_35] : memref<1x1024xf32, #tpu.memory_space<vmem>>, vector<1x1024xf32>
    %dot_general3A_37 = arith.constant dense<0.000000e+00> : vector<1x256xf32>
    %dot_general3A_38 = tpu.matmul %get3A_36, %select_n3A, %dot_general3A_37 {dimension_numbers = #tpu.dot_dimension_numbers<[1], [0], [0], [1], [0, 0, 1, 1], [], []>, transpose_lhs_hint = false} : vector<1x1024xf32>, vector<1024x256xf32>, vector<1x256xf32> -> vector<1x256xf32>
    %add3A_39 = arith.addf %get3A_33, %dot_general3A_38 : vector<1x256xf32>
    %swap3A = arith.constant 0 : index
    %swap3A_40 = arith.constant 0 : index
    %swap3A_41 = vector.load %arg9[%swap3A, %swap3A_40] : memref<1x256xf32, #tpu.memory_space<vmem>>, vector<1x256xf32>
    tpu.vector_store %arg9[%swap3A, %swap3A_40], %add3A_39 {strides = array<i32>} : memref<1x256xf32, #tpu.memory_space<vmem>>, vector<1x256xf32>,
    %get3A_42 = arith.constant 0 : index
    %get3A_43 = arith.constant 0 : index
    %get3A_44 = vector.load %arg10[%get3A_42, %get3A_43] : memref<1x1xf32, #tpu.memory_space<vmem>>, vector<1x1xf32>
    %get3A_45 = arith.constant 0 : index
    %get3A_46 = arith.constant 0 : index
    %get3A_47 = vector.load %arg2[%get3A_45, %get3A_46] : memref<1x1024xf32, #tpu.memory_space<vmem>>, vector<1x1024xf32>
    %reduce_sum3A = vector.shape_cast %get3A_47 : vector<1x1024xf32> to vector<1x1x1024xf32>
    %reduce_sum3A_48 = arith.constant dense<0.000000e+00> : vector<1xf32>
    %reduce_sum3A_49 = vector.multi_reduction <add>, %reduce_sum3A, %reduce_sum3A_48 [1, 2] : vector<1x1x1024xf32> to vector<1xf32>
    %reduce_sum3A_50 = vector.shape_cast %reduce_sum3A_49 : vector<1xf32> to vector<1x1x1xf32>
    %reduce_sum3A_51 = vector.extract %reduce_sum3A_50[0, 0, 0] : f32 from vector<1x1x1xf32>
    %add3A_52 = vector.broadcast %reduce_sum3A_51 : f32 to vector<1x1xf32>
    %add3A_53 = arith.addf %get3A_44, %add3A_52 : vector<1x1xf32>
    %swap3A_54 = arith.constant 0 : index
    %swap3A_55 = arith.constant 0 : index
    %swap3A_56 = vector.load %arg10[%swap3A_54, %swap3A_55] : memref<1x1xf32, #tpu.memory_space<vmem>>, vector<1x1xf32>
    tpu.vector_store %arg10[%swap3A_54, %swap3A_55], %add3A_53 {strides = array<i32>} : memref<1x1xf32, #tpu.memory_space<vmem>>, vector<1x1xf32>,
    %eq3A_57 = arith.constant 9 : i32
    %eq3A_58 = arith.cmpi eq, %arg0, %eq3A_57 : i32
    %convert_element_type3A_59 = arith.extui %eq3A_58 : i1 to i32
    %cond3A_60 = arith.constant 0 : i32
    %cond3A_61 = arith.cmpi ne, %convert_element_type3A_59, %cond3A_60 : i32
    scf.if %cond3A_61 {
      %get3A_62 = arith.constant 0 : index
      %get3A_63 = arith.constant 0 : index
      %get3A_64 = vector.load %arg9[%get3A_62, %get3A_63] : memref<1x256xf32, #tpu.memory_space<vmem>>, vector<1x256xf32>
      %get3A_65 = arith.constant 0 : index
      %get3A_66 = arith.constant 0 : index
      %get3A_67 = vector.load %arg6[%get3A_65, %get3A_66] : memref<256x40xf32, #tpu.memory_space<vmem>>, vector<256x40xf32>
      %dot_general3A_68 = arith.constant dense<0.000000e+00> : vector<1x40xf32>
      %dot_general3A_69 = tpu.matmul %get3A_64, %get3A_67, %dot_general3A_68 {dimension_numbers = #tpu.dot_dimension_numbers<[1], [0], [0], [1], [0, 0, 1, 1], [], []>, transpose_lhs_hint = false} : vector<1x256xf32>, vector<256x40xf32>, vector<1x40xf32> -> vector<1x40xf32>
      %get3A_70 = arith.constant 0 : index
      %get3A_71 = arith.constant 0 : index
      %get3A_72 = vector.load %arg10[%get3A_70, %get3A_71] : memref<1x1xf32, #tpu.memory_space<vmem>>, vector<1x1xf32>
      %div3A = vector.broadcast %get3A_72 : vector<1x1xf32> to vector<1x40xf32>
      %div3A_73 = arith.divf %dot_general3A_69, %div3A : vector<1x40xf32>
      %get3A_74 = arith.constant 0 : index
      %get3A_75 = arith.constant 0 : index
      %get3A_76 = vector.load %arg7[%get3A_74, %get3A_75] : memref<1x40xf32, #tpu.memory_space<vmem>>, vector<1x40xf32>
      %add3A_77 = arith.addf %div3A_73, %get3A_76 : vector<1x40xf32>
      %reduce_max3A = arith.constant dense<0xFF800000> : vector<1xf32>
      %reduce_max3A_78 = vector.multi_reduction <maximumf>, %add3A_77, %reduce_max3A [1] : vector<1x40xf32> to vector<1xf32>
      %broadcast_in_dim3A = vector.shape_cast %reduce_max3A_78 : vector<1xf32> to vector<1x1xf32>
      %sub3A_79 = vector.broadcast %broadcast_in_dim3A : vector<1x1xf32> to vector<1x40xf32>
      %sub3A_80 = arith.subf %add3A_77, %sub3A_79 : vector<1x40xf32>
      %exp3A_81 = math.exp %sub3A_80 : vector<1x40xf32>
      %reduce_sum3A_82 = arith.constant dense<0.000000e+00> : vector<1xf32>
      %reduce_sum3A_83 = vector.multi_reduction <add>, %exp3A_81, %reduce_sum3A_82 [1] : vector<1x40xf32> to vector<1xf32>
      %broadcast_in_dim3A_84 = vector.shape_cast %reduce_sum3A_83 : vector<1xf32> to vector<1x1xf32>
      %log3A = math.log %broadcast_in_dim3A_84 : vector<1x1xf32>
      %sub3A_85 = vector.broadcast %log3A : vector<1x1xf32> to vector<1x40xf32>
      %sub3A_86 = arith.subf %sub3A_80, %sub3A_85 : vector<1x40xf32>
      %swap3A_87 = arith.constant 0 : index
      %swap3A_88 = arith.constant 0 : index
      %swap3A_89 = vector.load %arg8[%swap3A_87, %swap3A_88] : memref<1x40xf32, #tpu.memory_space<vmem>>, vector<1x40xf32>
      tpu.vector_store %arg8[%swap3A_87, %swap3A_88], %sub3A_86 {strides = array<i32>} : memref<1x40xf32, #tpu.memory_space<vmem>>, vector<1x40xf32>,
    } else {
    }
    return
  }
  func.func @transform_0(%arg0: i32) -> (i32, i32) {
    %c0_i32 = arith.constant 0 : i32
    %c0_i32_0 = arith.constant 0 : i32
    return %arg0, %c0_i32 : i32, i32
  }
  func.func @transform_1(%arg0: i32) -> (i32, i32) {
    %c0_i32 = arith.constant 0 : i32
    %c0_i32_0 = arith.constant 0 : i32
    return %c0_i32, %arg0 : i32, i32
  }
  func.func @transform_2(%arg0: i32) -> (i32, i32) {
    %c0_i32 = arith.constant 0 : i32
    %c0_i32_0 = arith.constant 0 : i32
    %c0_i32_1 = arith.constant 0 : i32
    return %c0_i32, %c0_i32_0 : i32, i32
  }
  func.func @transform_3(%arg0: i32) -> (i32, i32) {
    %c0_i32 = arith.constant 0 : i32
    %c0_i32_0 = arith.constant 0 : i32
    %c0_i32_1 = arith.constant 0 : i32
    return %c0_i32, %c0_i32_0 : i32, i32
  }
  func.func @transform_4(%arg0: i32) -> (i32, i32) {
    %c0_i32 = arith.constant 0 : i32
    %c0_i32_0 = arith.constant 0 : i32
    %c0_i32_1 = arith.constant 0 : i32
    return %c0_i32, %c0_i32_0 : i32, i32
  }
  func.func @transform_5(%arg0: i32) -> (i32, i32) {
    %c0_i32 = arith.constant 0 : i32
    %c0_i32_0 = arith.constant 0 : i32
    %c0_i32_1 = arith.constant 0 : i32
    return %c0_i32, %c0_i32_0 : i32, i32
  }
  func.func @transform_6(%arg0: i32) -> (i32, i32) {
    %c0_i32 = arith.constant 0 : i32
    %c0_i32_0 = arith.constant 0 : i32
    %c0_i32_1 = arith.constant 0 : i32
    return %c0_i32, %c0_i32_0 : i32, i32
  }
  func.func @transform_7(%arg0: i32) -> (i32, i32) {
    %c0_i32 = arith.constant 0 : i32
    %c0_i32_0 = arith.constant 0 : i32
    %c0_i32_1 = arith.constant 0 : i32
    return %c0_i32, %c0_i32_0 : i32, i32
  }
}

</mosaic_0001>

<sc_bundles>
// kernel: kernel.16.cloned.1.call-start
scs
__scs_entry_jumppad:
0x0: {  	(pc) =	sbr.rel $0x88, $3  }
0x1: {  	(tag) =	ssettag $0x0;
	lr =	simm.s32 $0x1  }
0x2: {  	[smem:$0x3F92] =	sst lr;
	_ =	strace $0xD0000000  }
0x3: {  	_ = 	snop  }
0x4: {  	_ = 	snop  }
0x5: {  	_ = 	snop  }
0x6: {  	_ = 	snop  }
0x7: {  	_ = 	snop  }
__scs_overlays_trampoline_lowered:
0x8: {  	[smem:$0x3FA1] =	sst s0  }
0x9: {  	[smem:$0x3FA2] =	sst s1  }
0xa: {  	[smem:$0x3FA3] =	sst s2  }
0xb: {  	[smem:$0x3FA4] =	sst s3  }
0xc: {  	[smem:$0x3FA5] =	sst s4  }
0xd: {  	[smem:$0x3FA6] =	sst s5  }
0xe: {  	[smem:$0x3FA7] =	sst s6  }
0xf: {  	[smem:$0x3FA8] =	sst s7  }
0x10: {  	[smem:$0x3FA9] =	sst s8  }
0x11: {  	[smem:$0x3FAA] =	sst s9;
	s0 =	simm.s32 @!p0 $0x0  }
0x12: {  	s1 =	sld [smem:$0x3F90];
	s0 =	simm.s32 @p0 $0x1  }
0x13: {  	[smem:$0x3FAB] =	sst s0;
	s0 =	simm.s32 @!p1 $0x0  }
0x14: {  	s2 =	sld [smem:$0x3F8F];
	s0 =	simm.s32 @p1 $0x1  }
0x15: {  	[smem:$0x3FAC] =	sst s0;
	s0 =	simm.s32 @!p2 $0x0  }
0x16: {  	s3 =	sld [smem:$0x3FDB];
	s0 =	simm.s32 @p2 $0x1  }
0x17: {  	s4 =	simm.s32 $0x1BF5;
	[smem:$0x3FAE] =	sst s0  }
0x18: {  	s0 =	sld [smem:$0x3F91];
	_ =	swait.ge [sflag:s4], $0x0  }
0x19: {  	s7 =	sld [smem:$0x3F92]  }
0x1a: {  	s8 =	sadd.s32 $0xFFFFE003, lr  }
0x1b: {  	s9 =	sadd.s32 $0xFFFFFEF7, lr;
	s5 =	simm.s32 $0xFFFFFFFF;
	p2 =	slt.u32 s8, $0xFFFFF086  }
0x1c: {  	p1 =	slt.u32 s9, $0xF7A;
	s5 =	simm.s32 @!p2 $0x0  }
0x1d: {  	s5 =	simm.s32 @p1 $0x1;
	p0 =	seq.s32 s7, s2  }
0x1e: {  	s7 =	smul.u32 @!p0 $0xF7A, s2;
	p2 =	seq.s32 @!p0 s5, $0x0  }
0x1f: {  	s9 =	smul.u32 $0xF7A, s1;
	s8 =	simm.s32 @!p0 $0x1BF5;
	p2 =	por !p2, p0  }
0x20: {  	[sflag:s8] =	ssyncset.s32 @!p0 $0xFFFFF086;
	s6 =	sadd.s32 @!p0 s3, s7;
	s7 =	simm.s32 @!p0 $0x108  }
0x21: {  	s3 =	sadd.s32 s3, s9;
	s6 =	sadd.s32 @!p0 $0x88, s6;
	s7 =	simm.s32 @p2 $0x1082  }
0x22: {  	[simem:s7], [sflag:s8] =	dma.local @!p0 [hbm:s6], $0xF7A  }
0x23: {  	s9 =	sor.u32 $0xD0000000, s2;
	s6 =	simm.s32 $0x108;
	_ =	swait.ge @!p0 [sflag:s8], $0x0  }
0x24: {  	s3 =	sadd.s32 $0x88, s3;
	s6 =	simm.s32 @!p1 $0x1082;
	[sflag:s4] =	ssyncset.s32 $0xFFFFF086  }
0x25: {  	[simem:s6], [sflag:s4] =	dma.local [hbm:s3], $0xF7A  }
0x26: {  	[smem:$0x3F92] =	sst s1;
	(tag) =	ssettag s2;
	_ =	strace s9  }
0x27: {  	s1 =	sld [smem:$0x3FA2]  }
0x28: {  	s2 =	sld [smem:$0x3FA3]  }
0x29: {  	s4 =	sld [smem:$0x3FA5]  }
0x2a: {  	p0 =	seq.s32 s5, $0x0;
	s5 =	sld [smem:$0x3FA6]  }
0x2b: {  	s6 =	sld [smem:$0x3FA7]  }
0x2c: {  	s7 =	sld [smem:$0x3FA8]  }
0x2d: {  	s3 =	simm.s32 $0x108;
	s8 =	sld [smem:$0x3FA9]  }
0x2e: {  	s3 =	simm.s32 @!p0 $0x1082;
	s9 =	sld [smem:$0x3FAA]  }
0x2f: {  	lr =	sadd.s32 s0, s3;
	s0 =	sld [smem:$0x3FA1]  }
0x30: {  	s3 =	sld [smem:$0x3FA4]  }
0x31: {  	[smem:$0x3FAD] =	sst s10  }
0x32: {  	s10 =	sld [smem:$0x3FAB];
	_ =	sdelay $0x3  }
0x33: {  	p0 =	seq.s32 s10, $0x1;
	s10 =	sld [smem:$0x3FAD];
	_ =	sdelay $0x3  }
0x34: {  	[smem:$0x3FAD] =	sst s10  }
0x35: {  	s10 =	sld [smem:$0x3FAC];
	_ =	sdelay $0x3  }
0x36: {  	p1 =	seq.s32 s10, $0x1;
	s10 =	sld [smem:$0x3FAD];
	_ =	sdelay $0x3  }
0x37: {  	[smem:$0x3FAD] =	sst s10  }
0x38: {  	s10 =	sld [smem:$0x3FAE]  }
0x39: {  	_ = 	snop;
	(pc) =	sbr.ind lr, $3  }
0x3a: {  	_ = 	snop  }
0x3b: {  	_ = 	snop  }
0x3c: {  	p2 =	seq.s32 s10, $0x1;
	s10 =	sld [smem:$0x3FAD]  }
0x3d: {  	_ =	shalt  }
0x3e: {  	_ =	shalt  }
0x3f: {  	_ =	shalt  }
0x40: {  	_ =	shalt  }
0x41: {  	_ =	shalt  }
0x42: {  	_ =	shalt  }
0x43: {  	_ =	shalt  }
0x44: {  	_ =	shalt  }
0x45: {  	_ =	shalt  }
0x46: {  	_ =	shalt  }
0x47: {  	_ =	shalt  }
0x48: {  	_ =	shalt  }
0x49: {  	_ =	shalt  }
0x4a: {  	_ =	shalt  }
0x4b: {  	_ =	shalt  }
0x4c: {  	_ =	shalt  }
0x4d: {  	_ =	shalt  }
0x4e: {  	_ =	shalt  }
0x4f: {  	_ =	shalt  }
0x50: {  	_ =	shalt  }
0x51: {  	_ =	shalt  }
0x52: {  	_ =	shalt  }
0x53: {  	_ =	shalt  }
0x54: {  	_ =	shalt  }
0x55: {  	_ =	shalt  }
0x56: {  	_ =	shalt  }
0x57: {  	_ =	shalt  }
0x58: {  	_ =	shalt  }
0x59: {  	_ =	shalt  }
0x5a: {  	_ =	shalt  }
0x5b: {  	_ =	shalt  }
0x5c: {  	_ =	shalt  }
0x5d: {  	_ =	shalt  }
0x5e: {  	_ =	shalt  }
0x5f: {  	_ =	shalt  }
0x60: {  	_ =	shalt  }
0x61: {  	_ =	shalt  }
0x62: {  	_ =	shalt  }
0x63: {  	_ =	shalt  }
0x64: {  	_ =	shalt  }
0x65: {  	_ =	shalt  }
0x66: {  	_ =	shalt  }
0x67: {  	_ =	shalt  }
0x68: {  	_ =	shalt  }
0x69: {  	_ =	shalt  }
0x6a: {  	_ =	shalt  }
0x6b: {  	_ =	shalt  }
0x6c: {  	_ =	shalt  }
0x6d: {  	_ =	shalt  }
0x6e: {  	_ =	shalt  }
0x6f: {  	_ =	shalt  }
0x70: {  	_ =	shalt  }
0x71: {  	_ =	shalt  }
0x72: {  	_ =	shalt  }
0x73: {  	_ =	shalt  }
0x74: {  	_ =	shalt  }
0x75: {  	_ =	shalt  }
0x76: {  	_ =	shalt  }
0x77: {  	_ =	shalt  }
0x78: {  	_ =	shalt  }
0x79: {  	_ =	shalt  }
0x7a: {  	_ =	shalt  }
0x7b: {  	_ =	shalt  }
0x7c: {  	_ =	shalt  }
0x7d: {  	_ =	shalt  }
0x7e: {  	_ =	shalt  }
0x7f: {  	_ =	shalt  }
0x80: {  	_ =	shalt  }
0x81: {  	_ =	shalt  }
0x82: {  	_ =	shalt  }
0x83: {  	_ =	shalt  }
0x84: {  	_ =	shalt  }
0x85: {  	_ =	shalt  }
0x86: {  	_ =	shalt  }
0x87: {  	_ =	shalt  }
.Lfunc_end0:
.L_simem_size_0:
called_computation_lowered:
.L_overlay_start_0:
0x88: {  	s2 =	sld [smem:$0x3FD9]  }
0x89: {  	s3 =	sld [smem:$0x3FFE];
	_ =	sdelay $0x1  }
0x8a: {  	s1 =	srdreg.scid  }
0x8b: {  	s0 =	sand.u32 $0x1, s1  }
0x8c: {  	s16 =	sshll.u32 s0, $0xA;
	s2 =	sadd.s32 s3, s2  }
0x8d: {  	s2 =	sadd.s32 s2, s16  }
0x8e: {  	[smem:$0x3FB9] =	sst s2  }
0x8f: {  	_ = 	snop  }
0x90: {  	(tm) =	ssettm $0x1  }
0x91: {  	s17 =	sld [smem:$0x3FFB];
	_ =	sdelay $0x3  }
0x92: {  	_ =	strace s17  }
0x93: {  	s2 =	sld [smem:$0x3FFC];
	_ =	sdelay $0x3  }
0x94: {  	_ =	strace s2  }
0x95: {  	s2 =	sld [smem:$0x3FFD];
	_ =	sdelay $0x3  }
0x96: {  	_ =	strace s2  }
0x97: {  	_ =	strace $0x8FFFFFFF  }
0x98: {  	s18 =	sld [smem:$0x3FDB];
	_ =	sdelay $0x1  }
0x99: {  	s19 =	simm.s32 $_scs_section_size  }
0x9a: {  	s4 =	simm.s32 $_size__tile_overlayer_lowered;
	s5 =	simm.s32 $_tile_overlayer_lowered  }
0x9b: {  	s22 =	simm.s32 $0x1BFF;
	s21 =	sshll.u32 s5, $0x1;
	s2 =	sadd.s32 s19, s18  }
0x9c: {  	s6 =	simm.s32 $0x0;
	s20 =	sshll.u32 s4, $0x1;
	s4 =	sadd.s32 s21, s2  }
0x9d: {  	[timem:s6], [sflag:s22] =	dma.local [hbm:s4], s20  }
0x9e: {  	_ =	swait.ge [sflag:s22], s20  }
0x9f: {  	s3 =	ssub.s32 $0x0, s20;
	[sflag:s22] =	ssyncset.done $0x0  }
0xa0: {  	[sflag:s22] =	ssyncadd.s32 s3;
	_ =	sdelay $0x1  }
0xa1: {  	s23 =	simm.s32 $0x1B8B  }
0xa2: {  	_ =	swait.ge [sflag:s23], $0x1  }
0xa3: {  	[sflag:s23] =	ssyncset.done $0x0  }
0xa4: {  	s25 =	simm.s32 $0x1B8E;
	s24 =	sld [smem:$0x3FFE];
	[sflag:s23] =	ssyncadd.s32 $0xFFFFFFFF  }
0xa5: {  	s26 =	simm.s32 $execute0_lowered;
	[smem:$0x3FD2] =	sst s25  }
0xa6: {  	s4 =	sshll.u32 s26, $0x1;
	_ =	strace $0x80000046;
	[dreg:$0x1] =	wrdreg $0xFFFFFFFF  }
0xa7: {  	s28 =	simm.s32 $_size_execute0_lowered;
	s2 =	sadd.s32 s2, s4;
	[dreg:$0x0] =	wrdreg $0x0  }
0xa8: {  	s4 =	sshll.u32 s28, $0x1;
	[dreg:$0x2] =	wrdreg s2  }
0xa9: {  	[dreg:$0x3] =	wrdreg s4  }
0xaa: {  	[dreg:$0x4] =	wrdreg $0xC0  }
0xab: {  	_ =	task [dreg:s6], $0x5FFFF  }
0xac: {  	[dreg:$0x1] =	wrdreg $0xFFFFFFFF  }
0xad: {  	[dreg:$0x0] =	wrdreg $0x60  }
0xae: {  	[dreg:$0x2] =	wrdreg s24  }
0xaf: {  	[dreg:$0x3] =	wrdreg $0x9  }
0xb0: {  	_ =	task.clear_ibuf [dreg:s6], $0x4FFFF;
	_ =	strace $0x90000046  }
0xb1: {  	s29 =	simm.s32 $0x9;
	_ =	strace $0x80000048  }
0xb2: {  	_ =	swait.ge [sflag:s29], $0x1  }
0xb3: {  	[sflag:s29] =	ssyncadd.s32 $0xFFFFFFFF  }
0xb4: {  	_ =	strace $0x90000048  }
0xb5: {  	_ =	sfence  }
0xb6: {  	s30 =	sld [smem:$0x0];
	_ =	sdelay $0x2  }
0xb7: {  	s31 =	sshll.u32 s1, $0xD;
	s1 =	sshrl.u32 s1, $0x2  }
0xb8: {  	s3 =	sand.u32 $0x4000, s31;
	s1 =	sadd.s32 s1, s30  }
0xb9: {  	s0 =	sor.u32 s3, s0;
	s1 =	sshll.u32 s1, $0x11  }
0xba: {  	s0 =	sor.u32 s1, s0  }
0xbb: {  	s0 =	sadd.s32 $0x8F2B, s0  }
0xbc: {  	[sflag:s0] =	ssyncadd.remote.s32 $0x1  }
0xbd: {  	_ =	sfence.sel $0xFFFF  }
0xbe: {  	[dreg:$0x0] =	wrdreg $0xFFFFFFFF;
	(pc) =	sbr.abs _section_cstart, $3  }
0xbf: {  	[dreg:$0x1] =	wrdreg $0xFFFFFFFF  }
0xc0: {  	_ =	task.clear_ibuf [dreg:s6], $0x2FFFF;
	_ =	strace $0x9FFFFFFF  }
0xc1: {  	(tm) =	ssettm $0x7FFFFFFF  }
tec
execute0_lowered:
.L_overlay_start_1:
0x0: {  	(tag) =	ssettag $0x1  }
0x1: {  	s0 =	srdreg.scid  }
0x2: {  	s8 =	stileid.u32;
	s4 =	rddreg [dreg:$0x0]  }
0x3: {  	s2 =	simm.s32 $0x0;
	s12 =	simm.s32 $0xB;
	s13 =	simm.s32 $0x80  }
0x4: {  	s14 =	simm.s32 $0xA00;
	s15 =	simm.s32 $0x4A00;
	s17 =	simm.s32 $0x8A00  }
0x5: {  	s19 =	simm.s32 $0xCA00;
	s21 =	simm.s32 $0x10A00;
	s22 =	simm.s32 $0x1  }
0x6: {  	s28 =	simm.s32 $0x4;
	s29 =	simm.s32 $0x8;
	s3 =	smul.u32 $0x2800, s8  }
0x7: {  	s30 =	simm.s32 $0x5;
	s31 =	simm.s32 $0x9;
	s6 =	smul.u32 $0x1400, s8  }
0x8: {  	s0 =	sand.u32 $0x1, s0;
	[smem:$0x7FF] =	sst s2;
	s8 =	smul.u32 $0x14000, s8  }
0x9: {  	s7 =	sadd.s32 $0x2FE00, s4;
	s1 =	smul.u32 $0xA00, s0;
	s23 =	ssub.s32 $0x2, s0  }
0xa: {  	_ =	strace $0x80000047;
	s0 =	smul.u32 $0xA000, s0;
	s24 =	sshrl.u32 s23, $0x1  }
0xb: {  	s26 =	sadd.s32 s8, s7;
	s3 =	sadd.s32 s1, s3;
	s1 =	sadd.s32 s1, s6  }
0xc: {  	s10 =	ssub.s32 s23, s24;
	s0 =	sadd.s32 s0, s26;
	s23 =	simm.s32 $0x2  }
0xd: {  	s24 =	simm.s32 $0x6;
	s26 =	simm.s32 $0x7;
	s5 =	sshrl.u32 s3, $0x3  }
0xe: {  	s3 =	sadd.s32 $0x8C00, s4;
	s1 =	sshll.u32 s1, $0x4;
	s10 =	smax.u32 s10, $0x1  }
0xf: {  	s11 =	sadd.s32 $0x1800, s0;
	s0 =	simm.s32 $0x0;
	s5 =	sadd.s32 s5, s4  }
0x10: {  	s4 =	sadd.s32 s7, s1;
	s1 =	simm.s32 $0xA;
	s25 =	sadd.s32 $0x3C00, s5  }
0x11: {  	s6 =	sadd.s32 $0x800, s4;
	s7 =	sadd.s32 $0x8800, s4;
	s8 =	sadd.s32 $0x9000, s4  }
0x12: {  	s9 =	sadd.s32 $0x9800, s4;
	[dreg:$0x2] =	wrdreg s25;
	s25 =	simm.s32 $0x3  }
.LBB2_1:
0x13: {  	s5 =	rddreg [dreg:$0x2]  }
0x14: {  	[tilespmem:s2], [sflag:$0xB] =	stream.linear.gather [hbm4b:s5+s2], $0xA00, $0x38;
	[tilespmem:$0x14A00] =	vst v63  }
0x15: {  	_ =	swait.ge [sflag:s12], $0xA00  }
0x16: {  	[sflag:s12] =	ssyncset.done $0x0  }
0x17: {  	[sflag:s12] =	ssyncadd.s32 $0xFFFFF600  }
0x18: {  	[tilespmem:s14], [sflag:$0x1] =	stream.indirect.gather [hbm4b:s3+s13], $0x80, s2, s13, $0xb8;
	[tilespmem:$0x14A00] =	vst v63  }
0x19: {  	_ = 	snop  }
0x1a: {  	[tilespmem:s15], [sflag:$0x2] =	stream.indirect.gather [hbm4b:s3+s13], $0x80, s13, s13, $0xb8;
	[tilespmem:$0x14A00] =	vst v63  }
0x1b: {  	s20 =	simm.s32 $0x100  }
0x1c: {  	[tilespmem:s17], [sflag:$0x3] =	stream.indirect.gather [hbm4b:s3+s13], $0x80, s20, s13, $0xb8;
	[tilespmem:$0x14A00] =	vst v63  }
0x1d: {  	s16 =	simm.s32 $0x180  }
0x1e: {  	[tilespmem:s19], [sflag:$0x4] =	stream.indirect.gather [hbm4b:s3+s13], $0x80, s16, s13, $0xb8;
	[tilespmem:$0x14A00] =	vst v63  }
0x1f: {  	s18 =	simm.s32 $0x200  }
0x20: {  	[tilespmem:s21], [sflag:$0x5] =	stream.indirect.gather [hbm4b:s3+s13], $0x80, s18, s13, $0xb8;
	[tilespmem:$0x14A00] =	vst v63  }
0x21: {  	_ =	swait.ge [sflag:s22], $0x4000  }
0x22: {  	[sflag:s22] =	ssyncset.done $0x0  }
0x23: {  	[sflag:s22] =	ssyncadd.s32 $0xFFFFC000  }
0x24: {  	[hbm4b:s4+s2] =	stream.linear.scatter [tilespmem:s14], [sflag:$0x6], $0x4000, $0x38;
	[tilespmem:$0x14A00] =	vst v63  }
0x25: {  	_ =	swait.ge [sflag:s23], $0x4000  }
0x26: {  	[sflag:s23] =	ssyncset.done $0x0  }
0x27: {  	[sflag:s23] =	ssyncadd.s32 $0xFFFFC000  }
0x28: {  	[hbm4b:s6+s2] =	stream.linear.scatter [tilespmem:s15], [sflag:$0x7], $0x4000, $0x38;
	[tilespmem:$0x14A00] =	vst v63  }
0x29: {  	_ =	swait.ge [sflag:s24], $0x4000  }
0x2a: {  	[sflag:s24] =	ssyncset.done $0x0  }
0x2b: {  	s16 =	simm.s32 $0x280;
	[sflag:s24] =	ssyncadd.s32 $0xFFFFC000  }
0x2c: {  	[tilespmem:s14], [sflag:$0x1] =	stream.indirect.gather [hbm4b:s3+s13], $0x80, s16, s13, $0xb8;
	[tilespmem:$0x14A00] =	vst v63  }
0x2d: {  	_ =	swait.ge [sflag:s25], $0x4000  }
0x2e: {  	[sflag:s25] =	ssyncset.done $0x0  }
0x2f: {  	s20 =	sadd.s32 $0xFFFFF800, s11;
	[sflag:s25] =	ssyncadd.s32 $0xFFFFC000  }
0x30: {  	[hbm4b:s20+s2] =	stream.linear.scatter [tilespmem:s17], [sflag:$0x8], $0x4000, $0x38;
	[tilespmem:$0x14A00] =	vst v63  }
0x31: {  	_ =	swait.ge [sflag:s26], $0x4000  }
0x32: {  	[sflag:s26] =	ssyncset.done $0x0  }
0x33: {  	s5 =	simm.s32 $0x300;
	[sflag:s26] =	ssyncadd.s32 $0xFFFFC000  }
0x34: {  	[tilespmem:s15], [sflag:$0x2] =	stream.indirect.gather [hbm4b:s3+s13], $0x80, s5, s13, $0xb8;
	[tilespmem:$0x14A00] =	vst v63  }
0x35: {  	_ =	swait.ge [sflag:s28], $0x4000  }
0x36: {  	[sflag:s28] =	ssyncset.done $0x0  }
0x37: {  	[sflag:s28] =	ssyncadd.s32 $0xFFFFC000  }
0x38: {  	[hbm4b:s11+s2] =	stream.linear.scatter [tilespmem:s19], [sflag:$0x9], $0x4000, $0x38;
	[tilespmem:$0x14A00] =	vst v63  }
0x39: {  	_ =	swait.ge [sflag:s29], $0x4000  }
0x3a: {  	[sflag:s29] =	ssyncset.done $0x0  }
0x3b: {  	s18 =	simm.s32 $0x380;
	[sflag:s29] =	ssyncadd.s32 $0xFFFFC000  }
0x3c: {  	[tilespmem:s17], [sflag:$0x3] =	stream.indirect.gather [hbm4b:s3+s13], $0x80, s18, s13, $0xb8;
	[tilespmem:$0x14A00] =	vst v63  }
0x3d: {  	_ =	swait.ge [sflag:s30], $0x4000  }
0x3e: {  	[sflag:s30] =	ssyncset.done $0x0  }
0x3f: {  	s20 =	sadd.s32 $0x800, s11;
	[sflag:s30] =	ssyncadd.s32 $0xFFFFC000  }
0x40: {  	[hbm4b:s20+s2] =	stream.linear.scatter [tilespmem:s21], [sflag:$0xA], $0x4000, $0x38;
	[tilespmem:$0x14A00] =	vst v63  }
0x41: {  	_ =	swait.ge [sflag:s31], $0x4000  }
0x42: {  	[sflag:s31] =	ssyncset.done $0x0  }
0x43: {  	s5 =	simm.s32 $0x400;
	[sflag:s31] =	ssyncadd.s32 $0xFFFFC000  }
0x44: {  	[tilespmem:s19], [sflag:$0x4] =	stream.indirect.gather [hbm4b:s3+s13], $0x80, s5, s13, $0xb8;
	[tilespmem:$0x14A00] =	vst v63  }
0x45: {  	_ =	swait.ge [sflag:s22], $0x4000  }
0x46: {  	[sflag:s22] =	ssyncset.done $0x0  }
0x47: {  	s18 =	sadd.s32 $0x1000, s11;
	[sflag:s22] =	ssyncadd.s32 $0xFFFFC000  }
0x48: {  	[hbm4b:s18+s2] =	stream.linear.scatter [tilespmem:s14], [sflag:$0x6], $0x4000, $0x38;
	[tilespmem:$0x14A00] =	vst v63  }
0x49: {  	_ =	swait.ge [sflag:s1], $0x4000  }
0x4a: {  	[sflag:s1] =	ssyncset.done $0x0  }
0x4b: {  	s20 =	simm.s32 $0x480;
	[sflag:s1] =	ssyncadd.s32 $0xFFFFC000  }
0x4c: {  	[tilespmem:s21], [sflag:$0x5] =	stream.indirect.gather [hbm4b:s3+s13], $0x80, s20, s13, $0xb8;
	[tilespmem:$0x14A00] =	vst v63  }
0x4d: {  	_ =	swait.ge [sflag:s23], $0x4000  }
0x4e: {  	s16 =	simm.s32 $0xA00;
	[sflag:s23] =	ssyncset.done $0x0  }
0x4f: {  	s18 =	sadd.s32 $0x2800, s11;
	s20 =	sadd.s32 $0x1800, s11;
	[sflag:s23] =	ssyncadd.s32 $0xFFFFC000  }
.LBB2_2:
0x50: {  	[hbm4b:s20+s2] =	stream.linear.scatter [tilespmem:s15], [sflag:$0x7], $0x4000, $0x38;
	[tilespmem:$0x14A00] =	vst v63  }
0x51: {  	s20 =	smov.u32 s16  }
0x52: {  	p0 =	sne.s32 s16, $0x1400;
	s16 =	sadd.s32 $0xA00, s16;
	_ =	swait.ge [sflag:s24], $0x4000  }
0x53: {  	s20 =	sshra.s32 s20, $0x2;
	[sflag:s24] =	ssyncset.done $0x0  }
0x54: {  	s5 =	sadd.s32 $0x280, s20;
	[sflag:s24] =	ssyncadd.s32 $0xFFFFC000  }
0x55: {  	[tilespmem:s14], [sflag:$0x1] =	stream.indirect.gather [hbm4b:s3+s13], $0x80, s5, s13, $0xb8;
	[tilespmem:$0x14A00] =	vst v63  }
0x56: {  	_ =	swait.ge [sflag:s25], $0x4000  }
0x57: {  	[sflag:s25] =	ssyncset.done $0x0  }
0x58: {  	s5 =	sadd.s32 $0xFFFFF800, s18;
	[sflag:s25] =	ssyncadd.s32 $0xFFFFC000  }
0x59: {  	[hbm4b:s5+s2] =	stream.linear.scatter [tilespmem:s17], [sflag:$0x8], $0x4000, $0x38;
	[tilespmem:$0x14A00] =	vst v63  }
0x5a: {  	_ =	swait.ge [sflag:s26], $0x4000  }
0x5b: {  	[sflag:s26] =	ssyncset.done $0x0  }
0x5c: {  	s5 =	sadd.s32 $0x300, s20;
	[sflag:s26] =	ssyncadd.s32 $0xFFFFC000  }
0x5d: {  	[tilespmem:s15], [sflag:$0x2] =	stream.indirect.gather [hbm4b:s3+s13], $0x80, s5, s13, $0xb8;
	[tilespmem:$0x14A00] =	vst v63  }
0x5e: {  	_ =	swait.ge [sflag:s28], $0x4000  }
0x5f: {  	[sflag:s28] =	ssyncset.done $0x0  }
0x60: {  	[sflag:s28] =	ssyncadd.s32 $0xFFFFC000  }
0x61: {  	[hbm4b:s18+s2] =	stream.linear.scatter [tilespmem:s19], [sflag:$0x9], $0x4000, $0x38;
	[tilespmem:$0x14A00] =	vst v63  }
0x62: {  	_ =	swait.ge [sflag:s29], $0x4000  }
0x63: {  	[sflag:s29] =	ssyncset.done $0x0  }
0x64: {  	s5 =	sadd.s32 $0x380, s20;
	[sflag:s29] =	ssyncadd.s32 $0xFFFFC000  }
0x65: {  	[tilespmem:s17], [sflag:$0x3] =	stream.indirect.gather [hbm4b:s3+s13], $0x80, s5, s13, $0xb8;
	[tilespmem:$0x14A00] =	vst v63  }
0x66: {  	_ =	swait.ge [sflag:s30], $0x4000  }
0x67: {  	[sflag:s30] =	ssyncset.done $0x0  }
0x68: {  	s5 =	sadd.s32 $0x800, s18;
	[sflag:s30] =	ssyncadd.s32 $0xFFFFC000  }
0x69: {  	[hbm4b:s5+s2] =	stream.linear.scatter [tilespmem:s21], [sflag:$0xA], $0x4000, $0x38;
	[tilespmem:$0x14A00] =	vst v63  }
0x6a: {  	_ =	swait.ge [sflag:s31], $0x4000  }
0x6b: {  	[sflag:s31] =	ssyncset.done $0x0  }
0x6c: {  	s5 =	sadd.s32 $0x400, s20;
	[sflag:s31] =	ssyncadd.s32 $0xFFFFC000  }
0x6d: {  	[tilespmem:s19], [sflag:$0x4] =	stream.indirect.gather [hbm4b:s3+s13], $0x80, s5, s13, $0xb8;
	[tilespmem:$0x14A00] =	vst v63  }
0x6e: {  	_ =	swait.ge [sflag:s22], $0x4000  }
0x6f: {  	[sflag:s22] =	ssyncset.done $0x0  }
0x70: {  	s5 =	sadd.s32 $0x1000, s18;
	[sflag:s22] =	ssyncadd.s32 $0xFFFFC000  }
0x71: {  	[hbm4b:s5+s2] =	stream.linear.scatter [tilespmem:s14], [sflag:$0x6], $0x4000, $0x38;
	[tilespmem:$0x14A00] =	vst v63  }
0x72: {  	_ =	swait.ge [sflag:s1], $0x4000  }
0x73: {  	[sflag:s1] =	ssyncset.done $0x0  }
.Ltmp0:
0x74: {  	s5 =	sadd.s32 $0x480, s20;
	[sflag:s1] =	ssyncadd.s32 $0xFFFFC000;
	(pc) =	sbr.rel @p0 .LBB2_2-.Ltmp0, $4  }
0x75: {  	[tilespmem:s21], [sflag:$0x5] =	stream.indirect.gather [hbm4b:s3+s13], $0x80, s5, s13, $0xb8;
	[tilespmem:$0x14A00] =	vst v63  }
0x76: {  	_ =	swait.ge [sflag:s23], $0x4000  }
0x77: {  	[sflag:s23] =	ssyncset.done $0x0  }
0x78: {  	s20 =	sadd.s32 $0x1800, s18;
	s18 =	sadd.s32 $0x2800, s18;
	[sflag:s23] =	ssyncadd.s32 $0xFFFFC000  }
0x79: {  	[hbm4b:s20+s2] =	stream.linear.scatter [tilespmem:s15], [sflag:$0x7], $0x4000, $0x38;
	[tilespmem:$0x14A00] =	vst v63  }
0x7a: {  	_ =	swait.ge [sflag:s25], $0x4000  }
0x7b: {  	[sflag:s25] =	ssyncset.done $0x0  }
0x7c: {  	[sflag:s25] =	ssyncadd.s32 $0xFFFFC000  }
0x7d: {  	[hbm4b:s7+s2] =	stream.linear.scatter [tilespmem:s17], [sflag:$0x8], $0x4000, $0x38;
	[tilespmem:$0x14A00] =	vst v63  }
0x7e: {  	_ =	swait.ge [sflag:s28], $0x4000  }
0x7f: {  	[sflag:s28] =	ssyncset.done $0x0  }
0x80: {  	[sflag:s28] =	ssyncadd.s32 $0xFFFFC000  }
0x81: {  	[hbm4b:s8+s2] =	stream.linear.scatter [tilespmem:s19], [sflag:$0x9], $0x4000, $0x38;
	[tilespmem:$0x14A00] =	vst v63  }
0x82: {  	_ =	swait.ge [sflag:s30], $0x4000  }
0x83: {  	[sflag:s30] =	ssyncset.done $0x0  }
0x84: {  	[sflag:s30] =	ssyncadd.s32 $0xFFFFC000  }
0x85: {  	[hbm4b:s9+s2] =	stream.linear.scatter [tilespmem:s21], [sflag:$0xA], $0x4000, $0x38;
	[tilespmem:$0x14A00] =	vst v63  }
0x86: {  	_ =	swait.ge [sflag:s24], $0x4000  }
0x87: {  	[sflag:s24] =	ssyncset.done $0x0  }
0x88: {  	[sflag:s24] =	ssyncadd.s32 $0xFFFFC000  }
0x89: {  	_ =	swait.ge [sflag:s26], $0x4000  }
0x8a: {  	[sflag:s26] =	ssyncset.done $0x0  }
0x8b: {  	[sflag:s26] =	ssyncadd.s32 $0xFFFFC000  }
0x8c: {  	_ =	swait.ge [sflag:s29], $0x4000  }
0x8d: {  	[sflag:s29] =	ssyncset.done $0x0  }
0x8e: {  	s0 =	sadd.s32 $0x1, s0;
	[sflag:s29] =	ssyncadd.s32 $0xFFFFC000  }
0x8f: {  	p0 =	sne.s32 s0, s10;
	_ =	swait.ge [sflag:s31], $0x4000  }
.Ltmp1:
0x90: {  	[sflag:s31] =	ssyncset.done $0x0;
	(pc) =	sbr.rel @p0 .LBB2_1-.Ltmp1, $4  }
0x91: {  	[sflag:s31] =	ssyncadd.s32 $0xFFFFC000  }
0x92: {  	_ =	swait.ge [sflag:s1], $0x4000  }
0x93: {  	[sflag:s1] =	ssyncset.done $0x0  }
0x94: {  	[sflag:s1] =	ssyncadd.s32 $0xFFFFC000  }
0x95: {  	_ =	sfence.sel $0x180000  }
0x96: {  	[bflag:$0x0] =	sbarrier.arrive $0xFFFF  }
0x97: {  	_ =	strace $0x90000047  }
0x98: {  	s0 =	stileid.u32;
	[bflag:$0x2] =	sbarrier.arrive $0xFFFF  }
0x99: {  	p0 =	sne.s32 s0, $0x0;
	s0 =	rddreg [dreg:$0x1]  }
0x9a: {  	s0 =	sadd.s32 @!p0 $0x100000, s0  }
0x9b: {  	[sflag:s0] =	ssyncadd.tile.s32 @!p0 $0x1;
	_ =	shalt  }
.Lfunc_end2:
_tile_overlayer_lowered:
.L_overlay_start_2:
0x9c: {  	(tag) =	ssettag $0x2  }
0x9d: {  	s0 =	rddreg [dreg:$0x0];
	s2 =	stileid.u32  }
0x9e: {  	s1 =	rddreg [dreg:$0x1];
	p0 =	sne.s32 s2, $0x0  }
0x9f: {  	s3 =	rddreg [dreg:$0x2];
	[bflag:$0x3] =	sbarrier.arrive $0xFFFF;
	s2 =	simm.s32 @!p0 $0x1C0B  }
0xa0: {  	[timem:s3], [sflag:s2] =	dma.local @!p0 [hbm:s0], s1  }
0xa1: {  	s0 =	simm.s32 @!p0 $0xB  }
0xa2: {  	_ =	swait.ge @!p0 [sflag:s0], s1  }
0xa3: {  	s1 =	ssub.s32 @!p0 $0x0, s1;
	[sflag:s0] =	ssyncset.done @!p0 $0x0  }
0xa4: {  	[sflag:s0] =	ssyncadd.s32 @!p0 s1  }
0xa5: {  	[bflag:$0x3] =	sbarrier.arrive $0xFFFF  }
0xa6: {  	_ =	shalt  }

// kernel: kernel.19.cloned.1.call-start
scs
__scs_entry_jumppad:
0x0: {  	(pc) =	sbr.rel $0x88, $3  }
0x1: {  	(tag) =	ssettag $0x0;
	lr =	simm.s32 $0x1  }
0x2: {  	[smem:$0x3F92] =	sst lr;
	_ =	strace $0xD0000000  }
0x3: {  	_ = 	snop  }
0x4: {  	_ = 	snop  }
0x5: {  	_ = 	snop  }
0x6: {  	_ = 	snop  }
0x7: {  	_ = 	snop  }
__scs_overlays_trampoline_lowered:
0x8: {  	[smem:$0x3FA1] =	sst s0  }
0x9: {  	[smem:$0x3FA2] =	sst s1  }
0xa: {  	[smem:$0x3FA3] =	sst s2  }
0xb: {  	[smem:$0x3FA4] =	sst s3  }
0xc: {  	[smem:$0x3FA5] =	sst s4  }
0xd: {  	[smem:$0x3FA6] =	sst s5  }
0xe: {  	[smem:$0x3FA7] =	sst s6  }
0xf: {  	[smem:$0x3FA8] =	sst s7  }
0x10: {  	[smem:$0x3FA9] =	sst s8  }
0x11: {  	[smem:$0x3FAA] =	sst s9;
	s0 =	simm.s32 @!p0 $0x0  }
0x12: {  	s1 =	sld [smem:$0x3F90];
	s0 =	simm.s32 @p0 $0x1  }
0x13: {  	[smem:$0x3FAB] =	sst s0;
	s0 =	simm.s32 @!p1 $0x0  }
0x14: {  	s2 =	sld [smem:$0x3F8F];
	s0 =	simm.s32 @p1 $0x1  }
0x15: {  	[smem:$0x3FAC] =	sst s0;
	s0 =	simm.s32 @!p2 $0x0  }
0x16: {  	s3 =	sld [smem:$0x3FDB];
	s0 =	simm.s32 @p2 $0x1  }
0x17: {  	s4 =	simm.s32 $0x1BF5;
	[smem:$0x3FAE] =	sst s0  }
0x18: {  	s0 =	sld [smem:$0x3F91];
	_ =	swait.ge [sflag:s4], $0x0  }
0x19: {  	s7 =	sld [smem:$0x3F92]  }
0x1a: {  	s8 =	sadd.s32 $0xFFFFE003, lr  }
0x1b: {  	s9 =	sadd.s32 $0xFFFFFEF7, lr;
	s5 =	simm.s32 $0xFFFFFFFF;
	p2 =	slt.u32 s8, $0xFFFFF086  }
0x1c: {  	p1 =	slt.u32 s9, $0xF7A;
	s5 =	simm.s32 @!p2 $0x0  }
0x1d: {  	s5 =	simm.s32 @p1 $0x1;
	p0 =	seq.s32 s7, s2  }
0x1e: {  	s7 =	smul.u32 @!p0 $0xF7A, s2;
	p2 =	seq.s32 @!p0 s5, $0x0  }
0x1f: {  	s9 =	smul.u32 $0xF7A, s1;
	s8 =	simm.s32 @!p0 $0x1BF5;
	p2 =	por !p2, p0  }
0x20: {  	[sflag:s8] =	ssyncset.s32 @!p0 $0xFFFFF086;
	s6 =	sadd.s32 @!p0 s3, s7;
	s7 =	simm.s32 @!p0 $0x108  }
0x21: {  	s3 =	sadd.s32 s3, s9;
	s6 =	sadd.s32 @!p0 $0x88, s6;
	s7 =	simm.s32 @p2 $0x1082  }
0x22: {  	[simem:s7], [sflag:s8] =	dma.local @!p0 [hbm:s6], $0xF7A  }
0x23: {  	s9 =	sor.u32 $0xD0000000, s2;
	s6 =	simm.s32 $0x108;
	_ =	swait.ge @!p0 [sflag:s8], $0x0  }
0x24: {  	s3 =	sadd.s32 $0x88, s3;
	s6 =	simm.s32 @!p1 $0x1082;
	[sflag:s4] =	ssyncset.s32 $0xFFFFF086  }
0x25: {  	[simem:s6], [sflag:s4] =	dma.local [hbm:s3], $0xF7A  }
0x26: {  	[smem:$0x3F92] =	sst s1;
	(tag) =	ssettag s2;
	_ =	strace s9  }
0x27: {  	s1 =	sld [smem:$0x3FA2]  }
0x28: {  	s2 =	sld [smem:$0x3FA3]  }
0x29: {  	s4 =	sld [smem:$0x3FA5]  }
0x2a: {  	p0 =	seq.s32 s5, $0x0;
	s5 =	sld [smem:$0x3FA6]  }
0x2b: {  	s6 =	sld [smem:$0x3FA7]  }
0x2c: {  	s7 =	sld [smem:$0x3FA8]  }
0x2d: {  	s3 =	simm.s32 $0x108;
	s8 =	sld [smem:$0x3FA9]  }
0x2e: {  	s3 =	simm.s32 @!p0 $0x1082;
	s9 =	sld [smem:$0x3FAA]  }
0x2f: {  	lr =	sadd.s32 s0, s3;
	s0 =	sld [smem:$0x3FA1]  }
0x30: {  	s3 =	sld [smem:$0x3FA4]  }
0x31: {  	[smem:$0x3FAD] =	sst s10  }
0x32: {  	s10 =	sld [smem:$0x3FAB];
	_ =	sdelay $0x3  }
0x33: {  	p0 =	seq.s32 s10, $0x1;
	s10 =	sld [smem:$0x3FAD];
	_ =	sdelay $0x3  }
0x34: {  	[smem:$0x3FAD] =	sst s10  }
0x35: {  	s10 =	sld [smem:$0x3FAC];
	_ =	sdelay $0x3  }
0x36: {  	p1 =	seq.s32 s10, $0x1;
	s10 =	sld [smem:$0x3FAD];
	_ =	sdelay $0x3  }
0x37: {  	[smem:$0x3FAD] =	sst s10  }
0x38: {  	s10 =	sld [smem:$0x3FAE]  }
0x39: {  	_ = 	snop;
	(pc) =	sbr.ind lr, $3  }
0x3a: {  	_ = 	snop  }
0x3b: {  	_ = 	snop  }
0x3c: {  	p2 =	seq.s32 s10, $0x1;
	s10 =	sld [smem:$0x3FAD]  }
0x3d: {  	_ =	shalt  }
0x3e: {  	_ =	shalt  }
0x3f: {  	_ =	shalt  }
0x40: {  	_ =	shalt  }
0x41: {  	_ =	shalt  }
0x42: {  	_ =	shalt  }
0x43: {  	_ =	shalt  }
0x44: {  	_ =	shalt  }
0x45: {  	_ =	shalt  }
0x46: {  	_ =	shalt  }
0x47: {  	_ =	shalt  }
0x48: {  	_ =	shalt  }
0x49: {  	_ =	shalt  }
0x4a: {  	_ =	shalt  }
0x4b: {  	_ =	shalt  }
0x4c: {  	_ =	shalt  }
0x4d: {  	_ =	shalt  }
0x4e: {  	_ =	shalt  }
0x4f: {  	_ =	shalt  }
0x50: {  	_ =	shalt  }
0x51: {  	_ =	shalt  }
0x52: {  	_ =	shalt  }
0x53: {  	_ =	shalt  }
0x54: {  	_ =	shalt  }
0x55: {  	_ =	shalt  }
0x56: {  	_ =	shalt  }
0x57: {  	_ =	shalt  }
0x58: {  	_ =	shalt  }
0x59: {  	_ =	shalt  }
0x5a: {  	_ =	shalt  }
0x5b: {  	_ =	shalt  }
0x5c: {  	_ =	shalt  }
0x5d: {  	_ =	shalt  }
0x5e: {  	_ =	shalt  }
0x5f: {  	_ =	shalt  }
0x60: {  	_ =	shalt  }
0x61: {  	_ =	shalt  }
0x62: {  	_ =	shalt  }
0x63: {  	_ =	shalt  }
0x64: {  	_ =	shalt  }
0x65: {  	_ =	shalt  }
0x66: {  	_ =	shalt  }
0x67: {  	_ =	shalt  }
0x68: {  	_ =	shalt  }
0x69: {  	_ =	shalt  }
0x6a: {  	_ =	shalt  }
0x6b: {  	_ =	shalt  }
0x6c: {  	_ =	shalt  }
0x6d: {  	_ =	shalt  }
0x6e: {  	_ =	shalt  }
0x6f: {  	_ =	shalt  }
0x70: {  	_ =	shalt  }
0x71: {  	_ =	shalt  }
0x72: {  	_ =	shalt  }
0x73: {  	_ =	shalt  }
0x74: {  	_ =	shalt  }
0x75: {  	_ =	shalt  }
0x76: {  	_ =	shalt  }
0x77: {  	_ =	shalt  }
0x78: {  	_ =	shalt  }
0x79: {  	_ =	shalt  }
0x7a: {  	_ =	shalt  }
0x7b: {  	_ =	shalt  }
0x7c: {  	_ =	shalt  }
0x7d: {  	_ =	shalt  }
0x7e: {  	_ =	shalt  }
0x7f: {  	_ =	shalt  }
0x80: {  	_ =	shalt  }
0x81: {  	_ =	shalt  }
0x82: {  	_ =	shalt  }
0x83: {  	_ =	shalt  }
0x84: {  	_ =	shalt  }
0x85: {  	_ =	shalt  }
0x86: {  	_ =	shalt  }
0x87: {  	_ =	shalt  }
.Lfunc_end0:
.L_simem_size_0:
called_computation.1_lowered:
.L_overlay_start_0:
0x88: {  	s2 =	sld [smem:$0x3FD9]  }
0x89: {  	s3 =	sld [smem:$0x3FFE];
	_ =	sdelay $0x1  }
0x8a: {  	s1 =	srdreg.scid  }
0x8b: {  	s0 =	sand.u32 $0x1, s1  }
0x8c: {  	s17 =	sshll.u32 s0, $0xA;
	s2 =	sadd.s32 s3, s2  }
0x8d: {  	s2 =	sadd.s32 s2, s17  }
0x8e: {  	[smem:$0x3FB9] =	sst s2  }
0x8f: {  	_ = 	snop  }
0x90: {  	(tm) =	ssettm $0x1  }
0x91: {  	s18 =	sld [smem:$0x3FFB];
	_ =	sdelay $0x3  }
0x92: {  	_ =	strace s18  }
0x93: {  	s2 =	sld [smem:$0x3FFC];
	_ =	sdelay $0x3  }
0x94: {  	_ =	strace s2  }
0x95: {  	s2 =	sld [smem:$0x3FFD];
	_ =	sdelay $0x3  }
0x96: {  	_ =	strace s2  }
0x97: {  	_ =	strace $0x8FFFFFFF  }
0x98: {  	s19 =	sld [smem:$0x3FDB];
	_ =	sdelay $0x1  }
0x99: {  	s20 =	simm.s32 $_scs_section_size  }
0x9a: {  	s4 =	simm.s32 $_size__tile_overlayer_lowered;
	s5 =	simm.s32 $_tile_overlayer_lowered  }
0x9b: {  	s6 =	simm.s32 $0x1BFF;
	s21 =	sshll.u32 s5, $0x1;
	s3 =	sadd.s32 s20, s19  }
0x9c: {  	s22 =	simm.s32 $0x0;
	s4 =	sshll.u32 s4, $0x1;
	s5 =	sadd.s32 s21, s3  }
0x9d: {  	[timem:s22], [sflag:s6] =	dma.local [hbm:s5], s4  }
0x9e: {  	_ =	swait.ge [sflag:s6], s4  }
0x9f: {  	s4 =	ssub.s32 $0x0, s4;
	[sflag:s6] =	ssyncset.done $0x0  }
0xa0: {  	[sflag:s6] =	ssyncadd.s32 s4;
	_ =	sdelay $0x1  }
0xa1: {  	s23 =	simm.s32 $0x1B8B  }
0xa2: {  	_ =	swait.ge [sflag:s23], $0x1  }
0xa3: {  	[sflag:s23] =	ssyncset.done $0x0  }
0xa4: {  	[sflag:s23] =	ssyncadd.s32 $0xFFFFFFFF  }
0xa5: {  	s4 =	sld [smem:$0x0]  }
0xa6: {  	s5 =	sand.u32 $0xFFFFFFFE, s1  }
0xa7: {  	p0 =	sne.s32 s1, s5  }
0xa8: {  	s5 =	sshll.u32 @p0 s5, $0xE  }
0xa9: {  	s5 =	sadd.s32 @p0 $0x11B8D, s5;
	s6 =	sshll.u32 @p0 s4, $0x11  }
0xaa: {  	s5 =	sor.u32 @p0 s6, s5  }
0xab: {  	[sflag:s5] =	ssyncadd.remote.s32 @p0 $0x1;
	_ =	sdelay $0x1  }
0xac: {  	s5 =	simm.s32 @p0 $0x1B8D  }
0xad: {  	_ =	swait.eq @p0 [sflag:s5], $0x1  }
0xae: {  	[sflag:s5] =	ssyncadd.s32 @p0 $0xFFFFFFFF  }
0xaf: {  	s6 =	sshll.u32 @!p0 s1, $0xE  }
0xb0: {  	s6 =	sor.u32 @!p0 $0x4000, s6;
	s5 =	simm.s32 @!p0 $0x1B8D  }
0xb1: {  	s4 =	sshll.u32 @!p0 s4, $0x11;
	s6 =	sadd.s32 @!p0 $0x11B8D, s6;
	_ =	swait.eq @!p0 [sflag:s5], $0x1  }
0xb2: {  	s4 =	sor.u32 @!p0 s4, s6;
	[sflag:s5] =	ssyncadd.s32 @!p0 $0xFFFFFFFF  }
0xb3: {  	s25 =	simm.s32 $0x1B8E;
	s24 =	sld [smem:$0x3FFE];
	[sflag:s4] =	ssyncadd.remote.s32 @!p0 $0x1  }
0xb4: {  	s26 =	simm.s32 $execute0_lowered;
	[smem:$0x3FD2] =	sst s25  }
0xb5: {  	s5 =	sshll.u32 s26, $0x1;
	_ =	strace $0x80000049;
	[dreg:$0x1] =	wrdreg $0xFFFFFFFF  }
0xb6: {  	s28 =	simm.s32 $_size_execute0_lowered;
	s3 =	sadd.s32 s3, s5;
	[dreg:$0x0] =	wrdreg $0x0  }
0xb7: {  	s5 =	sshll.u32 s28, $0x1;
	[dreg:$0x2] =	wrdreg s3  }
0xb8: {  	[dreg:$0x3] =	wrdreg s5  }
0xb9: {  	[dreg:$0x4] =	wrdreg $0xC0  }
0xba: {  	_ =	task [dreg:s22], $0x5FFFF  }
0xbb: {  	[dreg:$0x1] =	wrdreg $0xFFFFFFFF  }
0xbc: {  	[dreg:$0x0] =	wrdreg $0x60  }
0xbd: {  	[dreg:$0x2] =	wrdreg s24  }
0xbe: {  	[dreg:$0x3] =	wrdreg $0xA  }
0xbf: {  	_ =	task.clear_ibuf [dreg:s22], $0x4FFFF;
	_ =	strace $0x90000049  }
0xc0: {  	s29 =	simm.s32 $0xA;
	_ =	strace $0x8000004B  }
0xc1: {  	_ =	swait.ge [sflag:s29], $0x1  }
0xc2: {  	[sflag:s29] =	ssyncadd.s32 $0xFFFFFFFF  }
0xc3: {  	_ =	strace $0x9000004B  }
0xc4: {  	_ =	sfence  }
0xc5: {  	s30 =	sld [smem:$0x0];
	_ =	sdelay $0x2  }
0xc6: {  	s31 =	sshll.u32 s1, $0xD;
	s1 =	sshrl.u32 s1, $0x2  }
0xc7: {  	s4 =	sand.u32 $0x4000, s31;
	s1 =	sadd.s32 s1, s30  }
0xc8: {  	s0 =	sor.u32 s4, s0;
	s1 =	sshll.u32 s1, $0x11  }
0xc9: {  	s0 =	sor.u32 s1, s0  }
0xca: {  	s0 =	sadd.s32 $0x8F2B, s0  }
0xcb: {  	[sflag:s0] =	ssyncadd.remote.s32 $0x1  }
0xcc: {  	_ =	sfence.sel $0xFFFF  }
0xcd: {  	[dreg:$0x0] =	wrdreg $0xFFFFFFFF;
	(pc) =	sbr.abs _section_cstart, $3  }
0xce: {  	[dreg:$0x1] =	wrdreg $0xFFFFFFFF  }
0xcf: {  	_ =	task.clear_ibuf [dreg:s22], $0x2FFFF;
	_ =	strace $0x9FFFFFFF  }
0xd0: {  	(tm) =	ssettm $0x7FFFFFFF  }
0xd1: {  	_ =	shalt  }
tec
execute0_lowered:
.L_overlay_start_1:
0x0: {  	(tag) =	ssettag $0x1  }
0x1: {  	s0 =	rddreg [dreg:$0x0];
	s1 =	srdreg.scid;
	s2 =	simm.s32 $0x0  }
0x2: {  	s11 =	stileid.u32;
	s12 =	simm.s32 $0xB;
	s13 =	simm.s32 $0x80  }
0x3: {  	s14 =	simm.s32 $0xA00;
	s15 =	simm.s32 $0x4A00;
	s17 =	simm.s32 $0x8A00  }
0x4: {  	s19 =	simm.s32 $0xCA00;
	s21 =	simm.s32 $0x10A00;
	s22 =	simm.s32 $0x1  }
0x5: {  	s23 =	simm.s32 $0x2;
	s24 =	simm.s32 $0x6;
	s28 =	simm.s32 $0x4  }
0x6: {  	s29 =	simm.s32 $0x8;
	s30 =	simm.s32 $0x5;
	s5 =	smul.u32 $0x1400, s11  }
0x7: {  	s31 =	simm.s32 $0x9;
	s1 =	sand.u32 $0x1, s1;
	s7 =	smul.u32 $0x2800, s11  }
0x8: {  	[smem:$0x7FF] =	sst s2;
	s3 =	sadd.s32 $0x8C00, s0;
	s25 =	smul.u32 $0x14000, s11  }
0x9: {  	s8 =	sadd.s32 $0x16FE00, s0;
	s4 =	smul.u32 $0xA00, s1;
	s6 =	ssub.s32 $0x2, s1  }
0xa: {  	_ =	strace $0x8000004A;
	s1 =	smul.u32 $0xA000, s1;
	s9 =	sshrl.u32 s6, $0x1  }
0xb: {  	s26 =	sadd.s32 s25, s8;
	s5 =	sadd.s32 s4, s5;
	s4 =	sadd.s32 s4, s7  }
0xc: {  	s25 =	simm.s32 $0x3;
	s4 =	sshrl.u32 s4, $0x3;
	s5 =	sshll.u32 s5, $0x4  }
0xd: {  	s10 =	ssub.s32 s6, s9;
	s0 =	sadd.s32 s0, s4;
	s4 =	sadd.s32 s8, s5  }
0xe: {  	s10 =	smax.u32 s10, $0x1;
	s0 =	sadd.s32 $0x3E80, s0;
	s6 =	sadd.s32 $0x800, s4  }
0xf: {  	s7 =	sadd.s32 $0x8800, s4;
	s8 =	sadd.s32 $0x9000, s4;
	s9 =	sadd.s32 $0x9800, s4  }
0x10: {  	[dreg:$0x2] =	wrdreg s0;
	s0 =	sadd.s32 s1, s26;
	s26 =	simm.s32 $0x7  }
0x11: {  	s1 =	simm.s32 $0x0;
	s11 =	sadd.s32 $0x1800, s0;
	s0 =	simm.s32 $0xA  }
.LBB2_1:
0x12: {  	s5 =	rddreg [dreg:$0x2]  }
0x13: {  	[tilespmem:s2], [sflag:$0xB] =	stream.linear.gather [hbm4b:s5+s2], $0xA00, $0x38;
	[tilespmem:$0x14A00] =	vst v63  }
0x14: {  	_ =	swait.ge [sflag:s12], $0xA00  }
0x15: {  	[sflag:s12] =	ssyncset.done $0x0  }
0x16: {  	[sflag:s12] =	ssyncadd.s32 $0xFFFFF600  }
0x17: {  	[tilespmem:s14], [sflag:$0x1] =	stream.indirect.gather [hbm4b:s3+s13], $0x80, s2, s13, $0xb8;
	[tilespmem:$0x14A00] =	vst v63  }
0x18: {  	_ = 	snop  }
0x19: {  	[tilespmem:s15], [sflag:$0x2] =	stream.indirect.gather [hbm4b:s3+s13], $0x80, s13, s13, $0xb8;
	[tilespmem:$0x14A00] =	vst v63  }
0x1a: {  	s20 =	simm.s32 $0x100  }
0x1b: {  	[tilespmem:s17], [sflag:$0x3] =	stream.indirect.gather [hbm4b:s3+s13], $0x80, s20, s13, $0xb8;
	[tilespmem:$0x14A00] =	vst v63  }
0x1c: {  	s16 =	simm.s32 $0x180  }
0x1d: {  	[tilespmem:s19], [sflag:$0x4] =	stream.indirect.gather [hbm4b:s3+s13], $0x80, s16, s13, $0xb8;
	[tilespmem:$0x14A00] =	vst v63  }
0x1e: {  	s18 =	simm.s32 $0x200  }
0x1f: {  	[tilespmem:s21], [sflag:$0x5] =	stream.indirect.gather [hbm4b:s3+s13], $0x80, s18, s13, $0xb8;
	[tilespmem:$0x14A00] =	vst v63  }
0x20: {  	_ =	swait.ge [sflag:s22], $0x4000  }
0x21: {  	[sflag:s22] =	ssyncset.done $0x0  }
0x22: {  	[sflag:s22] =	ssyncadd.s32 $0xFFFFC000  }
0x23: {  	[hbm4b:s4+s2] =	stream.linear.scatter [tilespmem:s14], [sflag:$0x6], $0x4000, $0x38;
	[tilespmem:$0x14A00] =	vst v63  }
0x24: {  	_ =	swait.ge [sflag:s23], $0x4000  }
0x25: {  	[sflag:s23] =	ssyncset.done $0x0  }
0x26: {  	[sflag:s23] =	ssyncadd.s32 $0xFFFFC000  }
0x27: {  	[hbm4b:s6+s2] =	stream.linear.scatter [tilespmem:s15], [sflag:$0x7], $0x4000, $0x38;
	[tilespmem:$0x14A00] =	vst v63  }
0x28: {  	_ =	swait.ge [sflag:s24], $0x4000  }
0x29: {  	[sflag:s24] =	ssyncset.done $0x0  }
0x2a: {  	s16 =	simm.s32 $0x280;
	[sflag:s24] =	ssyncadd.s32 $0xFFFFC000  }
0x2b: {  	[tilespmem:s14], [sflag:$0x1] =	stream.indirect.gather [hbm4b:s3+s13], $0x80, s16, s13, $0xb8;
	[tilespmem:$0x14A00] =	vst v63  }
0x2c: {  	_ =	swait.ge [sflag:s25], $0x4000  }
0x2d: {  	[sflag:s25] =	ssyncset.done $0x0  }
0x2e: {  	s20 =	sadd.s32 $0xFFFFF800, s11;
	[sflag:s25] =	ssyncadd.s32 $0xFFFFC000  }
0x2f: {  	[hbm4b:s20+s2] =	stream.linear.scatter [tilespmem:s17], [sflag:$0x8], $0x4000, $0x38;
	[tilespmem:$0x14A00] =	vst v63  }
0x30: {  	_ =	swait.ge [sflag:s26], $0x4000  }
0x31: {  	[sflag:s26] =	ssyncset.done $0x0  }
0x32: {  	s5 =	simm.s32 $0x300;
	[sflag:s26] =	ssyncadd.s32 $0xFFFFC000  }
0x33: {  	[tilespmem:s15], [sflag:$0x2] =	stream.indirect.gather [hbm4b:s3+s13], $0x80, s5, s13, $0xb8;
	[tilespmem:$0x14A00] =	vst v63  }
0x34: {  	_ =	swait.ge [sflag:s28], $0x4000  }
0x35: {  	[sflag:s28] =	ssyncset.done $0x0  }
0x36: {  	[sflag:s28] =	ssyncadd.s32 $0xFFFFC000  }
0x37: {  	[hbm4b:s11+s2] =	stream.linear.scatter [tilespmem:s19], [sflag:$0x9], $0x4000, $0x38;
	[tilespmem:$0x14A00] =	vst v63  }
0x38: {  	_ =	swait.ge [sflag:s29], $0x4000  }
0x39: {  	[sflag:s29] =	ssyncset.done $0x0  }
0x3a: {  	s18 =	simm.s32 $0x380;
	[sflag:s29] =	ssyncadd.s32 $0xFFFFC000  }
0x3b: {  	[tilespmem:s17], [sflag:$0x3] =	stream.indirect.gather [hbm4b:s3+s13], $0x80, s18, s13, $0xb8;
	[tilespmem:$0x14A00] =	vst v63  }
0x3c: {  	_ =	swait.ge [sflag:s30], $0x4000  }
0x3d: {  	[sflag:s30] =	ssyncset.done $0x0  }
0x3e: {  	s20 =	sadd.s32 $0x800, s11;
	[sflag:s30] =	ssyncadd.s32 $0xFFFFC000  }
0x3f: {  	[hbm4b:s20+s2] =	stream.linear.scatter [tilespmem:s21], [sflag:$0xA], $0x4000, $0x38;
	[tilespmem:$0x14A00] =	vst v63  }
0x40: {  	_ =	swait.ge [sflag:s31], $0x4000  }
0x41: {  	[sflag:s31] =	ssyncset.done $0x0  }
0x42: {  	s5 =	simm.s32 $0x400;
	[sflag:s31] =	ssyncadd.s32 $0xFFFFC000  }
0x43: {  	[tilespmem:s19], [sflag:$0x4] =	stream.indirect.gather [hbm4b:s3+s13], $0x80, s5, s13, $0xb8;
	[tilespmem:$0x14A00] =	vst v63  }
0x44: {  	_ =	swait.ge [sflag:s22], $0x4000  }
0x45: {  	[sflag:s22] =	ssyncset.done $0x0  }
0x46: {  	s18 =	sadd.s32 $0x1000, s11;
	[sflag:s22] =	ssyncadd.s32 $0xFFFFC000  }
0x47: {  	[hbm4b:s18+s2] =	stream.linear.scatter [tilespmem:s14], [sflag:$0x6], $0x4000, $0x38;
	[tilespmem:$0x14A00] =	vst v63  }
0x48: {  	_ =	swait.ge [sflag:s0], $0x4000  }
0x49: {  	[sflag:s0] =	ssyncset.done $0x0  }
0x4a: {  	s20 =	simm.s32 $0x480;
	[sflag:s0] =	ssyncadd.s32 $0xFFFFC000  }
0x4b: {  	[tilespmem:s21], [sflag:$0x5] =	stream.indirect.gather [hbm4b:s3+s13], $0x80, s20, s13, $0xb8;
	[tilespmem:$0x14A00] =	vst v63  }
0x4c: {  	_ =	swait.ge [sflag:s23], $0x4000  }
0x4d: {  	s16 =	simm.s32 $0xA00;
	[sflag:s23] =	ssyncset.done $0x0  }
0x4e: {  	s18 =	sadd.s32 $0x2800, s11;
	s20 =	sadd.s32 $0x1800, s11;
	[sflag:s23] =	ssyncadd.s32 $0xFFFFC000  }
.LBB2_2:
0x4f: {  	[hbm4b:s20+s2] =	stream.linear.scatter [tilespmem:s15], [sflag:$0x7], $0x4000, $0x38;
	[tilespmem:$0x14A00] =	vst v63  }
0x50: {  	s20 =	smov.u32 s16  }
0x51: {  	p0 =	sne.s32 s16, $0x1400;
	s16 =	sadd.s32 $0xA00, s16;
	_ =	swait.ge [sflag:s24], $0x4000  }
0x52: {  	s20 =	sshra.s32 s20, $0x2;
	[sflag:s24] =	ssyncset.done $0x0  }
0x53: {  	s5 =	sadd.s32 $0x280, s20;
	[sflag:s24] =	ssyncadd.s32 $0xFFFFC000  }
0x54: {  	[tilespmem:s14], [sflag:$0x1] =	stream.indirect.gather [hbm4b:s3+s13], $0x80, s5, s13, $0xb8;
	[tilespmem:$0x14A00] =	vst v63  }
0x55: {  	_ =	swait.ge [sflag:s25], $0x4000  }
0x56: {  	[sflag:s25] =	ssyncset.done $0x0  }
0x57: {  	s5 =	sadd.s32 $0xFFFFF800, s18;
	[sflag:s25] =	ssyncadd.s32 $0xFFFFC000  }
0x58: {  	[hbm4b:s5+s2] =	stream.linear.scatter [tilespmem:s17], [sflag:$0x8], $0x4000, $0x38;
	[tilespmem:$0x14A00] =	vst v63  }
0x59: {  	_ =	swait.ge [sflag:s26], $0x4000  }
0x5a: {  	[sflag:s26] =	ssyncset.done $0x0  }
0x5b: {  	s5 =	sadd.s32 $0x300, s20;
	[sflag:s26] =	ssyncadd.s32 $0xFFFFC000  }
0x5c: {  	[tilespmem:s15], [sflag:$0x2] =	stream.indirect.gather [hbm4b:s3+s13], $0x80, s5, s13, $0xb8;
	[tilespmem:$0x14A00] =	vst v63  }
0x5d: {  	_ =	swait.ge [sflag:s28], $0x4000  }
0x5e: {  	[sflag:s28] =	ssyncset.done $0x0  }
0x5f: {  	[sflag:s28] =	ssyncadd.s32 $0xFFFFC000  }
0x60: {  	[hbm4b:s18+s2] =	stream.linear.scatter [tilespmem:s19], [sflag:$0x9], $0x4000, $0x38;
	[tilespmem:$0x14A00] =	vst v63  }
0x61: {  	_ =	swait.ge [sflag:s29], $0x4000  }
0x62: {  	[sflag:s29] =	ssyncset.done $0x0  }
0x63: {  	s5 =	sadd.s32 $0x380, s20;
	[sflag:s29] =	ssyncadd.s32 $0xFFFFC000  }
0x64: {  	[tilespmem:s17], [sflag:$0x3] =	stream.indirect.gather [hbm4b:s3+s13], $0x80, s5, s13, $0xb8;
	[tilespmem:$0x14A00] =	vst v63  }
0x65: {  	_ =	swait.ge [sflag:s30], $0x4000  }
0x66: {  	[sflag:s30] =	ssyncset.done $0x0  }
0x67: {  	s5 =	sadd.s32 $0x800, s18;
	[sflag:s30] =	ssyncadd.s32 $0xFFFFC000  }
0x68: {  	[hbm4b:s5+s2] =	stream.linear.scatter [tilespmem:s21], [sflag:$0xA], $0x4000, $0x38;
	[tilespmem:$0x14A00] =	vst v63  }
0x69: {  	_ =	swait.ge [sflag:s31], $0x4000  }
0x6a: {  	[sflag:s31] =	ssyncset.done $0x0  }
0x6b: {  	s5 =	sadd.s32 $0x400, s20;
	[sflag:s31] =	ssyncadd.s32 $0xFFFFC000  }
0x6c: {  	[tilespmem:s19], [sflag:$0x4] =	stream.indirect.gather [hbm4b:s3+s13], $0x80, s5, s13, $0xb8;
	[tilespmem:$0x14A00] =	vst v63  }
0x6d: {  	_ =	swait.ge [sflag:s22], $0x4000  }
0x6e: {  	[sflag:s22] =	ssyncset.done $0x0  }
0x6f: {  	s5 =	sadd.s32 $0x1000, s18;
	[sflag:s22] =	ssyncadd.s32 $0xFFFFC000  }
0x70: {  	[hbm4b:s5+s2] =	stream.linear.scatter [tilespmem:s14], [sflag:$0x6], $0x4000, $0x38;
	[tilespmem:$0x14A00] =	vst v63  }
0x71: {  	_ =	swait.ge [sflag:s0], $0x4000  }
0x72: {  	[sflag:s0] =	ssyncset.done $0x0  }
.Ltmp0:
0x73: {  	s5 =	sadd.s32 $0x480, s20;
	[sflag:s0] =	ssyncadd.s32 $0xFFFFC000;
	(pc) =	sbr.rel @p0 .LBB2_2-.Ltmp0, $4  }
0x74: {  	[tilespmem:s21], [sflag:$0x5] =	stream.indirect.gather [hbm4b:s3+s13], $0x80, s5, s13, $0xb8;
	[tilespmem:$0x14A00] =	vst v63  }
0x75: {  	_ =	swait.ge [sflag:s23], $0x4000  }
0x76: {  	[sflag:s23] =	ssyncset.done $0x0  }
0x77: {  	s20 =	sadd.s32 $0x1800, s18;
	s18 =	sadd.s32 $0x2800, s18;
	[sflag:s23] =	ssyncadd.s32 $0xFFFFC000  }
0x78: {  	[hbm4b:s20+s2] =	stream.linear.scatter [tilespmem:s15], [sflag:$0x7], $0x4000, $0x38;
	[tilespmem:$0x14A00] =	vst v63  }
0x79: {  	_ =	swait.ge [sflag:s25], $0x4000  }
0x7a: {  	[sflag:s25] =	ssyncset.done $0x0  }
0x7b: {  	[sflag:s25] =	ssyncadd.s32 $0xFFFFC000  }
0x7c: {  	[hbm4b:s7+s2] =	stream.linear.scatter [tilespmem:s17], [sflag:$0x8], $0x4000, $0x38;
	[tilespmem:$0x14A00] =	vst v63  }
0x7d: {  	_ =	swait.ge [sflag:s28], $0x4000  }
0x7e: {  	[sflag:s28] =	ssyncset.done $0x0  }
0x7f: {  	[sflag:s28] =	ssyncadd.s32 $0xFFFFC000  }
0x80: {  	[hbm4b:s8+s2] =	stream.linear.scatter [tilespmem:s19], [sflag:$0x9], $0x4000, $0x38;
	[tilespmem:$0x14A00] =	vst v63  }
0x81: {  	_ =	swait.ge [sflag:s30], $0x4000  }
0x82: {  	[sflag:s30] =	ssyncset.done $0x0  }
0x83: {  	[sflag:s30] =	ssyncadd.s32 $0xFFFFC000  }
0x84: {  	[hbm4b:s9+s2] =	stream.linear.scatter [tilespmem:s21], [sflag:$0xA], $0x4000, $0x38;
	[tilespmem:$0x14A00] =	vst v63  }
0x85: {  	_ =	swait.ge [sflag:s24], $0x4000  }
0x86: {  	[sflag:s24] =	ssyncset.done $0x0  }
0x87: {  	[sflag:s24] =	ssyncadd.s32 $0xFFFFC000  }
0x88: {  	_ =	swait.ge [sflag:s26], $0x4000  }
0x89: {  	[sflag:s26] =	ssyncset.done $0x0  }
0x8a: {  	[sflag:s26] =	ssyncadd.s32 $0xFFFFC000  }
0x8b: {  	_ =	swait.ge [sflag:s29], $0x4000  }
0x8c: {  	[sflag:s29] =	ssyncset.done $0x0  }
0x8d: {  	s1 =	sadd.s32 $0x1, s1;
	[sflag:s29] =	ssyncadd.s32 $0xFFFFC000  }
0x8e: {  	p0 =	sne.s32 s1, s10;
	_ =	swait.ge [sflag:s31], $0x4000  }
.Ltmp1:
0x8f: {  	[sflag:s31] =	ssyncset.done $0x0;
	(pc) =	sbr.rel @p0 .LBB2_1-.Ltmp1, $4  }
0x90: {  	[sflag:s31] =	ssyncadd.s32 $0xFFFFC000  }
0x91: {  	_ =	swait.ge [sflag:s0], $0x4000  }
0x92: {  	[sflag:s0] =	ssyncset.done $0x0  }
0x93: {  	[sflag:s0] =	ssyncadd.s32 $0xFFFFC000  }
0x94: {  	_ =	sfence.sel $0x180000  }
0x95: {  	[bflag:$0x0] =	sbarrier.arrive $0xFFFF  }
0x96: {  	_ =	strace $0x9000004A  }
0x97: {  	s0 =	stileid.u32;
	[bflag:$0x2] =	sbarrier.arrive $0xFFFF  }
0x98: {  	p0 =	sne.s32 s0, $0x0;
	s0 =	rddreg [dreg:$0x1]  }
0x99: {  	s0 =	sadd.s32 @!p0 $0x100000, s0  }
0x9a: {  	[sflag:s0] =	ssyncadd.tile.s32 @!p0 $0x1;
	_ =	shalt  }
.Lfunc_end2:
_tile_overlayer_lowered:
.L_overlay_start_2:
0x9b: {  	(tag) =	ssettag $0x2  }
0x9c: {  	s0 =	rddreg [dreg:$0x0];
	s2 =	stileid.u32  }
0x9d: {  	s1 =	rddreg [dreg:$0x1];
	p0 =	sne.s32 s2, $0x0  }
0x9e: {  	s3 =	rddreg [dreg:$0x2];
	[bflag:$0x3] =	sbarrier.arrive $0xFFFF;
	s2 =	simm.s32 @!p0 $0x1C0B  }
0x9f: {  	[timem:s3], [sflag:s2] =	dma.local @!p0 [hbm:s0], s1  }
0xa0: {  	s0 =	simm.s32 @!p0 $0xB  }
0xa1: {  	_ =	swait.ge @!p0 [sflag:s0], s1  }
0xa2: {  	s1 =	ssub.s32 @!p0 $0x0, s1;
	[sflag:s0] =	ssyncset.done @!p0 $0x0  }
0xa3: {  	[sflag:s0] =	ssyncadd.s32 @!p0 s1  }
0xa4: {  	[bflag:$0x3] =	sbarrier.arrive $0xFFFF  }
0xa5: {  	_ =	shalt  }

// kernel: kernel.22.cloned.1.call-start
scs
__scs_entry_jumppad:
0x0: {  	(pc) =	sbr.rel $0x88, $3  }
0x1: {  	(tag) =	ssettag $0x0;
	lr =	simm.s32 $0x1  }
0x2: {  	[smem:$0x3F92] =	sst lr;
	_ =	strace $0xD0000000  }
0x3: {  	_ = 	snop  }
0x4: {  	_ = 	snop  }
0x5: {  	_ = 	snop  }
0x6: {  	_ = 	snop  }
0x7: {  	_ = 	snop  }
__scs_overlays_trampoline_lowered:
0x8: {  	[smem:$0x3FA1] =	sst s0  }
0x9: {  	[smem:$0x3FA2] =	sst s1  }
0xa: {  	[smem:$0x3FA3] =	sst s2  }
0xb: {  	[smem:$0x3FA4] =	sst s3  }
0xc: {  	[smem:$0x3FA5] =	sst s4  }
0xd: {  	[smem:$0x3FA6] =	sst s5  }
0xe: {  	[smem:$0x3FA7] =	sst s6  }
0xf: {  	[smem:$0x3FA8] =	sst s7  }
0x10: {  	[smem:$0x3FA9] =	sst s8  }
0x11: {  	[smem:$0x3FAA] =	sst s9;
	s0 =	simm.s32 @!p0 $0x0  }
0x12: {  	s1 =	sld [smem:$0x3F90];
	s0 =	simm.s32 @p0 $0x1  }
0x13: {  	[smem:$0x3FAB] =	sst s0;
	s0 =	simm.s32 @!p1 $0x0  }
0x14: {  	s2 =	sld [smem:$0x3F8F];
	s0 =	simm.s32 @p1 $0x1  }
0x15: {  	[smem:$0x3FAC] =	sst s0;
	s0 =	simm.s32 @!p2 $0x0  }
0x16: {  	s3 =	sld [smem:$0x3FDB];
	s0 =	simm.s32 @p2 $0x1  }
0x17: {  	s4 =	simm.s32 $0x1BF5;
	[smem:$0x3FAE] =	sst s0  }
0x18: {  	s0 =	sld [smem:$0x3F91];
	_ =	swait.ge [sflag:s4], $0x0  }
0x19: {  	s7 =	sld [smem:$0x3F92]  }
0x1a: {  	s8 =	sadd.s32 $0xFFFFE003, lr  }
0x1b: {  	s9 =	sadd.s32 $0xFFFFFEF7, lr;
	s5 =	simm.s32 $0xFFFFFFFF;
	p2 =	slt.u32 s8, $0xFFFFF086  }
0x1c: {  	p1 =	slt.u32 s9, $0xF7A;
	s5 =	simm.s32 @!p2 $0x0  }
0x1d: {  	s5 =	simm.s32 @p1 $0x1;
	p0 =	seq.s32 s7, s2  }
0x1e: {  	s7 =	smul.u32 @!p0 $0xF7A, s2;
	p2 =	seq.s32 @!p0 s5, $0x0  }
0x1f: {  	s9 =	smul.u32 $0xF7A, s1;
	s8 =	simm.s32 @!p0 $0x1BF5;
	p2 =	por !p2, p0  }
0x20: {  	[sflag:s8] =	ssyncset.s32 @!p0 $0xFFFFF086;
	s6 =	sadd.s32 @!p0 s3, s7;
	s7 =	simm.s32 @!p0 $0x108  }
0x21: {  	s3 =	sadd.s32 s3, s9;
	s6 =	sadd.s32 @!p0 $0x88, s6;
	s7 =	simm.s32 @p2 $0x1082  }
0x22: {  	[simem:s7], [sflag:s8] =	dma.local @!p0 [hbm:s6], $0xF7A  }
0x23: {  	s9 =	sor.u32 $0xD0000000, s2;
	s6 =	simm.s32 $0x108;
	_ =	swait.ge @!p0 [sflag:s8], $0x0  }
0x24: {  	s3 =	sadd.s32 $0x88, s3;
	s6 =	simm.s32 @!p1 $0x1082;
	[sflag:s4] =	ssyncset.s32 $0xFFFFF086  }
0x25: {  	[simem:s6], [sflag:s4] =	dma.local [hbm:s3], $0xF7A  }
0x26: {  	[smem:$0x3F92] =	sst s1;
	(tag) =	ssettag s2;
	_ =	strace s9  }
0x27: {  	s1 =	sld [smem:$0x3FA2]  }
0x28: {  	s2 =	sld [smem:$0x3FA3]  }
0x29: {  	s4 =	sld [smem:$0x3FA5]  }
0x2a: {  	p0 =	seq.s32 s5, $0x0;
	s5 =	sld [smem:$0x3FA6]  }
0x2b: {  	s6 =	sld [smem:$0x3FA7]  }
0x2c: {  	s7 =	sld [smem:$0x3FA8]  }
0x2d: {  	s3 =	simm.s32 $0x108;
	s8 =	sld [smem:$0x3FA9]  }
0x2e: {  	s3 =	simm.s32 @!p0 $0x1082;
	s9 =	sld [smem:$0x3FAA]  }
0x2f: {  	lr =	sadd.s32 s0, s3;
	s0 =	sld [smem:$0x3FA1]  }
0x30: {  	s3 =	sld [smem:$0x3FA4]  }
0x31: {  	[smem:$0x3FAD] =	sst s10  }
0x32: {  	s10 =	sld [smem:$0x3FAB];
	_ =	sdelay $0x3  }
0x33: {  	p0 =	seq.s32 s10, $0x1;
	s10 =	sld [smem:$0x3FAD];
	_ =	sdelay $0x3  }
0x34: {  	[smem:$0x3FAD] =	sst s10  }
0x35: {  	s10 =	sld [smem:$0x3FAC];
	_ =	sdelay $0x3  }
0x36: {  	p1 =	seq.s32 s10, $0x1;
	s10 =	sld [smem:$0x3FAD];
	_ =	sdelay $0x3  }
0x37: {  	[smem:$0x3FAD] =	sst s10  }
0x38: {  	s10 =	sld [smem:$0x3FAE]  }
0x39: {  	_ = 	snop;
	(pc) =	sbr.ind lr, $3  }
0x3a: {  	_ = 	snop  }
0x3b: {  	_ = 	snop  }
0x3c: {  	p2 =	seq.s32 s10, $0x1;
	s10 =	sld [smem:$0x3FAD]  }
0x3d: {  	_ =	shalt  }
0x3e: {  	_ =	shalt  }
0x3f: {  	_ =	shalt  }
0x40: {  	_ =	shalt  }
0x41: {  	_ =	shalt  }
0x42: {  	_ =	shalt  }
0x43: {  	_ =	shalt  }
0x44: {  	_ =	shalt  }
0x45: {  	_ =	shalt  }
0x46: {  	_ =	shalt  }
0x47: {  	_ =	shalt  }
0x48: {  	_ =	shalt  }
0x49: {  	_ =	shalt  }
0x4a: {  	_ =	shalt  }
0x4b: {  	_ =	shalt  }
0x4c: {  	_ =	shalt  }
0x4d: {  	_ =	shalt  }
0x4e: {  	_ =	shalt  }
0x4f: {  	_ =	shalt  }
0x50: {  	_ =	shalt  }
0x51: {  	_ =	shalt  }
0x52: {  	_ =	shalt  }
0x53: {  	_ =	shalt  }
0x54: {  	_ =	shalt  }
0x55: {  	_ =	shalt  }
0x56: {  	_ =	shalt  }
0x57: {  	_ =	shalt  }
0x58: {  	_ =	shalt  }
0x59: {  	_ =	shalt  }
0x5a: {  	_ =	shalt  }
0x5b: {  	_ =	shalt  }
0x5c: {  	_ =	shalt  }
0x5d: {  	_ =	shalt  }
0x5e: {  	_ =	shalt  }
0x5f: {  	_ =	shalt  }
0x60: {  	_ =	shalt  }
0x61: {  	_ =	shalt  }
0x62: {  	_ =	shalt  }
0x63: {  	_ =	shalt  }
0x64: {  	_ =	shalt  }
0x65: {  	_ =	shalt  }
0x66: {  	_ =	shalt  }
0x67: {  	_ =	shalt  }
0x68: {  	_ =	shalt  }
0x69: {  	_ =	shalt  }
0x6a: {  	_ =	shalt  }
0x6b: {  	_ =	shalt  }
0x6c: {  	_ =	shalt  }
0x6d: {  	_ =	shalt  }
0x6e: {  	_ =	shalt  }
0x6f: {  	_ =	shalt  }
0x70: {  	_ =	shalt  }
0x71: {  	_ =	shalt  }
0x72: {  	_ =	shalt  }
0x73: {  	_ =	shalt  }
0x74: {  	_ =	shalt  }
0x75: {  	_ =	shalt  }
0x76: {  	_ =	shalt  }
0x77: {  	_ =	shalt  }
0x78: {  	_ =	shalt  }
0x79: {  	_ =	shalt  }
0x7a: {  	_ =	shalt  }
0x7b: {  	_ =	shalt  }
0x7c: {  	_ =	shalt  }
0x7d: {  	_ =	shalt  }
0x7e: {  	_ =	shalt  }
0x7f: {  	_ =	shalt  }
0x80: {  	_ =	shalt  }
0x81: {  	_ =	shalt  }
0x82: {  	_ =	shalt  }
0x83: {  	_ =	shalt  }
0x84: {  	_ =	shalt  }
0x85: {  	_ =	shalt  }
0x86: {  	_ =	shalt  }
0x87: {  	_ =	shalt  }
.Lfunc_end0:
.L_simem_size_0:
called_computation.2_lowered:
.L_overlay_start_0:
0x88: {  	s2 =	sld [smem:$0x3FD9]  }
0x89: {  	s3 =	sld [smem:$0x3FFE];
	_ =	sdelay $0x1  }
0x8a: {  	s1 =	srdreg.scid  }
0x8b: {  	s0 =	sand.u32 $0x1, s1  }
0x8c: {  	s16 =	sshll.u32 s0, $0xA;
	s2 =	sadd.s32 s3, s2  }
0x8d: {  	s2 =	sadd.s32 s2, s16  }
0x8e: {  	[smem:$0x3FB9] =	sst s2  }
0x8f: {  	_ = 	snop  }
0x90: {  	(tm) =	ssettm $0x1  }
0x91: {  	s17 =	sld [smem:$0x3FFB];
	_ =	sdelay $0x3  }
0x92: {  	_ =	strace s17  }
0x93: {  	s2 =	sld [smem:$0x3FFC];
	_ =	sdelay $0x3  }
0x94: {  	_ =	strace s2  }
0x95: {  	s2 =	sld [smem:$0x3FFD];
	_ =	sdelay $0x3  }
0x96: {  	_ =	strace s2  }
0x97: {  	_ =	strace $0x8FFFFFFF  }
0x98: {  	s18 =	sld [smem:$0x3FDB];
	_ =	sdelay $0x1  }
0x99: {  	s19 =	simm.s32 $_scs_section_size  }
0x9a: {  	s4 =	simm.s32 $_size__tile_overlayer_lowered;
	s5 =	simm.s32 $_tile_overlayer_lowered  }
0x9b: {  	s22 =	simm.s32 $0x1BFF;
	s21 =	sshll.u32 s5, $0x1;
	s2 =	sadd.s32 s19, s18  }
0x9c: {  	s6 =	simm.s32 $0x0;
	s20 =	sshll.u32 s4, $0x1;
	s4 =	sadd.s32 s21, s2  }
0x9d: {  	[timem:s6], [sflag:s22] =	dma.local [hbm:s4], s20  }
0x9e: {  	_ =	swait.ge [sflag:s22], s20  }
0x9f: {  	s3 =	ssub.s32 $0x0, s20;
	[sflag:s22] =	ssyncset.done $0x0  }
0xa0: {  	[sflag:s22] =	ssyncadd.s32 s3;
	_ =	sdelay $0x1  }
0xa1: {  	s23 =	simm.s32 $0x1B8B  }
0xa2: {  	_ =	swait.ge [sflag:s23], $0x1  }
0xa3: {  	[sflag:s23] =	ssyncset.done $0x0  }
0xa4: {  	s25 =	simm.s32 $0x1B8E;
	s24 =	sld [smem:$0x3FFE];
	[sflag:s23] =	ssyncadd.s32 $0xFFFFFFFF  }
0xa5: {  	s26 =	simm.s32 $execute0_lowered;
	[smem:$0x3FD2] =	sst s25  }
0xa6: {  	s4 =	sshll.u32 s26, $0x1;
	_ =	strace $0x8000004C;
	[dreg:$0x1] =	wrdreg $0xFFFFFFFF  }
0xa7: {  	s28 =	simm.s32 $_size_execute0_lowered;
	s2 =	sadd.s32 s2, s4;
	[dreg:$0x0] =	wrdreg $0x0  }
0xa8: {  	s4 =	sshll.u32 s28, $0x1;
	[dreg:$0x2] =	wrdreg s2  }
0xa9: {  	[dreg:$0x3] =	wrdreg s4  }
0xaa: {  	[dreg:$0x4] =	wrdreg $0xC0  }
0xab: {  	_ =	task [dreg:s6], $0x5FFFF  }
0xac: {  	[dreg:$0x1] =	wrdreg $0xFFFFFFFF  }
0xad: {  	[dreg:$0x0] =	wrdreg $0x60  }
0xae: {  	[dreg:$0x2] =	wrdreg s24  }
0xaf: {  	[dreg:$0x3] =	wrdreg $0x9  }
0xb0: {  	_ =	task.clear_ibuf [dreg:s6], $0x4FFFF;
	_ =	strace $0x9000004C  }
0xb1: {  	s29 =	simm.s32 $0x9;
	_ =	strace $0x8000004E  }
0xb2: {  	_ =	swait.ge [sflag:s29], $0x1  }
0xb3: {  	[sflag:s29] =	ssyncadd.s32 $0xFFFFFFFF  }
0xb4: {  	_ =	strace $0x9000004E  }
0xb5: {  	_ =	sfence  }
0xb6: {  	s30 =	sld [smem:$0x0];
	_ =	sdelay $0x2  }
0xb7: {  	s31 =	sshll.u32 s1, $0xD;
	s1 =	sshrl.u32 s1, $0x2  }
0xb8: {  	s3 =	sand.u32 $0x4000, s31;
	s1 =	sadd.s32 s1, s30  }
0xb9: {  	s0 =	sor.u32 s3, s0;
	s1 =	sshll.u32 s1, $0x11  }
0xba: {  	s0 =	sor.u32 s1, s0  }
0xbb: {  	s0 =	sadd.s32 $0x8F2B, s0  }
0xbc: {  	[sflag:s0] =	ssyncadd.remote.s32 $0x1  }
0xbd: {  	_ =	sfence.sel $0xFFFF  }
0xbe: {  	[dreg:$0x0] =	wrdreg $0xFFFFFFFF;
	(pc) =	sbr.abs _section_cstart, $3  }
0xbf: {  	[dreg:$0x1] =	wrdreg $0xFFFFFFFF  }
0xc0: {  	_ =	task.clear_ibuf [dreg:s6], $0x2FFFF;
	_ =	strace $0x9FFFFFFF  }
0xc1: {  	(tm) =	ssettm $0x7FFFFFFF  }
tec
execute0_lowered:
.L_overlay_start_1:
0x0: {  	(tag) =	ssettag $0x1  }
0x1: {  	s0 =	srdreg.scid  }
0x2: {  	s8 =	stileid.u32;
	s4 =	rddreg [dreg:$0x0]  }
0x3: {  	s2 =	simm.s32 $0x0;
	s12 =	simm.s32 $0xB;
	s13 =	simm.s32 $0x80  }
0x4: {  	s14 =	simm.s32 $0xA00;
	s15 =	simm.s32 $0x4A00;
	s17 =	simm.s32 $0x8A00  }
0x5: {  	s19 =	simm.s32 $0xCA00;
	s21 =	simm.s32 $0x10A00;
	s22 =	simm.s32 $0x1  }
0x6: {  	s28 =	simm.s32 $0x4;
	s29 =	simm.s32 $0x8;
	s3 =	smul.u32 $0x2800, s8  }
0x7: {  	s30 =	simm.s32 $0x5;
	s31 =	simm.s32 $0x9;
	s6 =	smul.u32 $0x1400, s8  }
0x8: {  	s0 =	sand.u32 $0x1, s0;
	[smem:$0x7FF] =	sst s2;
	s8 =	smul.u32 $0x14000, s8  }
0x9: {  	s7 =	sadd.s32 $0x30C00, s4;
	s1 =	smul.u32 $0xA00, s0;
	s23 =	ssub.s32 $0x2, s0  }
0xa: {  	_ =	strace $0x8000004D;
	s0 =	smul.u32 $0xA000, s0;
	s24 =	sshrl.u32 s23, $0x1  }
0xb: {  	s26 =	sadd.s32 s8, s7;
	s3 =	sadd.s32 s1, s3;
	s1 =	sadd.s32 s1, s6  }
0xc: {  	s10 =	ssub.s32 s23, s24;
	s0 =	sadd.s32 s0, s26;
	s23 =	simm.s32 $0x2  }
0xd: {  	s24 =	simm.s32 $0x6;
	s26 =	simm.s32 $0x7;
	s5 =	sshrl.u32 s3, $0x3  }
0xe: {  	s3 =	sadd.s32 $0x8C00, s4;
	s1 =	sshll.u32 s1, $0x4;
	s10 =	smax.u32 s10, $0x1  }
0xf: {  	s11 =	sadd.s32 $0x1800, s0;
	s0 =	simm.s32 $0x0;
	s5 =	sadd.s32 s5, s4  }
0x10: {  	s4 =	sadd.s32 s7, s1;
	s1 =	simm.s32 $0xA;
	s25 =	sadd.s32 $0x3C00, s5  }
0x11: {  	s6 =	sadd.s32 $0x800, s4;
	s7 =	sadd.s32 $0x8800, s4;
	s8 =	sadd.s32 $0x9000, s4  }
0x12: {  	s9 =	sadd.s32 $0x9800, s4;
	[dreg:$0x2] =	wrdreg s25;
	s25 =	simm.s32 $0x3  }
.LBB2_1:
0x13: {  	s5 =	rddreg [dreg:$0x2]  }
0x14: {  	[tilespmem:s2], [sflag:$0xB] =	stream.linear.gather [hbm4b:s5+s2], $0xA00, $0x38;
	[tilespmem:$0x14A00] =	vst v63  }
0x15: {  	_ =	swait.ge [sflag:s12], $0xA00  }
0x16: {  	[sflag:s12] =	ssyncset.done $0x0  }
0x17: {  	[sflag:s12] =	ssyncadd.s32 $0xFFFFF600  }
0x18: {  	[tilespmem:s14], [sflag:$0x1] =	stream.indirect.gather [hbm4b:s3+s13], $0x80, s2, s13, $0xb8;
	[tilespmem:$0x14A00] =	vst v63  }
0x19: {  	_ = 	snop  }
0x1a: {  	[tilespmem:s15], [sflag:$0x2] =	stream.indirect.gather [hbm4b:s3+s13], $0x80, s13, s13, $0xb8;
	[tilespmem:$0x14A00] =	vst v63  }
0x1b: {  	s20 =	simm.s32 $0x100  }
0x1c: {  	[tilespmem:s17], [sflag:$0x3] =	stream.indirect.gather [hbm4b:s3+s13], $0x80, s20, s13, $0xb8;
	[tilespmem:$0x14A00] =	vst v63  }
0x1d: {  	s16 =	simm.s32 $0x180  }
0x1e: {  	[tilespmem:s19], [sflag:$0x4] =	stream.indirect.gather [hbm4b:s3+s13], $0x80, s16, s13, $0xb8;
	[tilespmem:$0x14A00] =	vst v63  }
0x1f: {  	s18 =	simm.s32 $0x200  }
0x20: {  	[tilespmem:s21], [sflag:$0x5] =	stream.indirect.gather [hbm4b:s3+s13], $0x80, s18, s13, $0xb8;
	[tilespmem:$0x14A00] =	vst v63  }
0x21: {  	_ =	swait.ge [sflag:s22], $0x4000  }
0x22: {  	[sflag:s22] =	ssyncset.done $0x0  }
0x23: {  	[sflag:s22] =	ssyncadd.s32 $0xFFFFC000  }
0x24: {  	[hbm4b:s4+s2] =	stream.linear.scatter [tilespmem:s14], [sflag:$0x6], $0x4000, $0x38;
	[tilespmem:$0x14A00] =	vst v63  }
0x25: {  	_ =	swait.ge [sflag:s23], $0x4000  }
0x26: {  	[sflag:s23] =	ssyncset.done $0x0  }
0x27: {  	[sflag:s23] =	ssyncadd.s32 $0xFFFFC000  }
0x28: {  	[hbm4b:s6+s2] =	stream.linear.scatter [tilespmem:s15], [sflag:$0x7], $0x4000, $0x38;
	[tilespmem:$0x14A00] =	vst v63  }
0x29: {  	_ =	swait.ge [sflag:s24], $0x4000  }
0x2a: {  	[sflag:s24] =	ssyncset.done $0x0  }
0x2b: {  	s16 =	simm.s32 $0x280;
	[sflag:s24] =	ssyncadd.s32 $0xFFFFC000  }
0x2c: {  	[tilespmem:s14], [sflag:$0x1] =	stream.indirect.gather [hbm4b:s3+s13], $0x80, s16, s13, $0xb8;
	[tilespmem:$0x14A00] =	vst v63  }
0x2d: {  	_ =	swait.ge [sflag:s25], $0x4000  }
0x2e: {  	[sflag:s25] =	ssyncset.done $0x0  }
0x2f: {  	s20 =	sadd.s32 $0xFFFFF800, s11;
	[sflag:s25] =	ssyncadd.s32 $0xFFFFC000  }
0x30: {  	[hbm4b:s20+s2] =	stream.linear.scatter [tilespmem:s17], [sflag:$0x8], $0x4000, $0x38;
	[tilespmem:$0x14A00] =	vst v63  }
0x31: {  	_ =	swait.ge [sflag:s26], $0x4000  }
0x32: {  	[sflag:s26] =	ssyncset.done $0x0  }
0x33: {  	s5 =	simm.s32 $0x300;
	[sflag:s26] =	ssyncadd.s32 $0xFFFFC000  }
0x34: {  	[tilespmem:s15], [sflag:$0x2] =	stream.indirect.gather [hbm4b:s3+s13], $0x80, s5, s13, $0xb8;
	[tilespmem:$0x14A00] =	vst v63  }
0x35: {  	_ =	swait.ge [sflag:s28], $0x4000  }
0x36: {  	[sflag:s28] =	ssyncset.done $0x0  }
0x37: {  	[sflag:s28] =	ssyncadd.s32 $0xFFFFC000  }
0x38: {  	[hbm4b:s11+s2] =	stream.linear.scatter [tilespmem:s19], [sflag:$0x9], $0x4000, $0x38;
	[tilespmem:$0x14A00] =	vst v63  }
0x39: {  	_ =	swait.ge [sflag:s29], $0x4000  }
0x3a: {  	[sflag:s29] =	ssyncset.done $0x0  }
0x3b: {  	s18 =	simm.s32 $0x380;
	[sflag:s29] =	ssyncadd.s32 $0xFFFFC000  }
0x3c: {  	[tilespmem:s17], [sflag:$0x3] =	stream.indirect.gather [hbm4b:s3+s13], $0x80, s18, s13, $0xb8;
	[tilespmem:$0x14A00] =	vst v63  }
0x3d: {  	_ =	swait.ge [sflag:s30], $0x4000  }
0x3e: {  	[sflag:s30] =	ssyncset.done $0x0  }
0x3f: {  	s20 =	sadd.s32 $0x800, s11;
	[sflag:s30] =	ssyncadd.s32 $0xFFFFC000  }
0x40: {  	[hbm4b:s20+s2] =	stream.linear.scatter [tilespmem:s21], [sflag:$0xA], $0x4000, $0x38;
	[tilespmem:$0x14A00] =	vst v63  }
0x41: {  	_ =	swait.ge [sflag:s31], $0x4000  }
0x42: {  	[sflag:s31] =	ssyncset.done $0x0  }
0x43: {  	s5 =	simm.s32 $0x400;
	[sflag:s31] =	ssyncadd.s32 $0xFFFFC000  }
0x44: {  	[tilespmem:s19], [sflag:$0x4] =	stream.indirect.gather [hbm4b:s3+s13], $0x80, s5, s13, $0xb8;
	[tilespmem:$0x14A00] =	vst v63  }
0x45: {  	_ =	swait.ge [sflag:s22], $0x4000  }
0x46: {  	[sflag:s22] =	ssyncset.done $0x0  }
0x47: {  	s18 =	sadd.s32 $0x1000, s11;
	[sflag:s22] =	ssyncadd.s32 $0xFFFFC000  }
0x48: {  	[hbm4b:s18+s2] =	stream.linear.scatter [tilespmem:s14], [sflag:$0x6], $0x4000, $0x38;
	[tilespmem:$0x14A00] =	vst v63  }
0x49: {  	_ =	swait.ge [sflag:s1], $0x4000  }
0x4a: {  	[sflag:s1] =	ssyncset.done $0x0  }
0x4b: {  	s20 =	simm.s32 $0x480;
	[sflag:s1] =	ssyncadd.s32 $0xFFFFC000  }
0x4c: {  	[tilespmem:s21], [sflag:$0x5] =	stream.indirect.gather [hbm4b:s3+s13], $0x80, s20, s13, $0xb8;
	[tilespmem:$0x14A00] =	vst v63  }
0x4d: {  	_ =	swait.ge [sflag:s23], $0x4000  }
0x4e: {  	s16 =	simm.s32 $0xA00;
	[sflag:s23] =	ssyncset.done $0x0  }
0x4f: {  	s18 =	sadd.s32 $0x2800, s11;
	s20 =	sadd.s32 $0x1800, s11;
	[sflag:s23] =	ssyncadd.s32 $0xFFFFC000  }
.LBB2_2:
0x50: {  	[hbm4b:s20+s2] =	stream.linear.scatter [tilespmem:s15], [sflag:$0x7], $0x4000, $0x38;
	[tilespmem:$0x14A00] =	vst v63  }
0x51: {  	s20 =	smov.u32 s16  }
0x52: {  	p0 =	sne.s32 s16, $0x1400;
	s16 =	sadd.s32 $0xA00, s16;
	_ =	swait.ge [sflag:s24], $0x4000  }
0x53: {  	s20 =	sshra.s32 s20, $0x2;
	[sflag:s24] =	ssyncset.done $0x0  }
0x54: {  	s5 =	sadd.s32 $0x280, s20;
	[sflag:s24] =	ssyncadd.s32 $0xFFFFC000  }
0x55: {  	[tilespmem:s14], [sflag:$0x1] =	stream.indirect.gather [hbm4b:s3+s13], $0x80, s5, s13, $0xb8;
	[tilespmem:$0x14A00] =	vst v63  }
0x56: {  	_ =	swait.ge [sflag:s25], $0x4000  }
0x57: {  	[sflag:s25] =	ssyncset.done $0x0  }
0x58: {  	s5 =	sadd.s32 $0xFFFFF800, s18;
	[sflag:s25] =	ssyncadd.s32 $0xFFFFC000  }
0x59: {  	[hbm4b:s5+s2] =	stream.linear.scatter [tilespmem:s17], [sflag:$0x8], $0x4000, $0x38;
	[tilespmem:$0x14A00] =	vst v63  }
0x5a: {  	_ =	swait.ge [sflag:s26], $0x4000  }
0x5b: {  	[sflag:s26] =	ssyncset.done $0x0  }
0x5c: {  	s5 =	sadd.s32 $0x300, s20;
	[sflag:s26] =	ssyncadd.s32 $0xFFFFC000  }
0x5d: {  	[tilespmem:s15], [sflag:$0x2] =	stream.indirect.gather [hbm4b:s3+s13], $0x80, s5, s13, $0xb8;
	[tilespmem:$0x14A00] =	vst v63  }
0x5e: {  	_ =	swait.ge [sflag:s28], $0x4000  }
0x5f: {  	[sflag:s28] =	ssyncset.done $0x0  }
0x60: {  	[sflag:s28] =	ssyncadd.s32 $0xFFFFC000  }
0x61: {  	[hbm4b:s18+s2] =	stream.linear.scatter [tilespmem:s19], [sflag:$0x9], $0x4000, $0x38;
	[tilespmem:$0x14A00] =	vst v63  }
0x62: {  	_ =	swait.ge [sflag:s29], $0x4000  }
0x63: {  	[sflag:s29] =	ssyncset.done $0x0  }
0x64: {  	s5 =	sadd.s32 $0x380, s20;
	[sflag:s29] =	ssyncadd.s32 $0xFFFFC000  }
0x65: {  	[tilespmem:s17], [sflag:$0x3] =	stream.indirect.gather [hbm4b:s3+s13], $0x80, s5, s13, $0xb8;
	[tilespmem:$0x14A00] =	vst v63  }
0x66: {  	_ =	swait.ge [sflag:s30], $0x4000  }
0x67: {  	[sflag:s30] =	ssyncset.done $0x0  }
0x68: {  	s5 =	sadd.s32 $0x800, s18;
	[sflag:s30] =	ssyncadd.s32 $0xFFFFC000  }
0x69: {  	[hbm4b:s5+s2] =	stream.linear.scatter [tilespmem:s21], [sflag:$0xA], $0x4000, $0x38;
	[tilespmem:$0x14A00] =	vst v63  }
0x6a: {  	_ =	swait.ge [sflag:s31], $0x4000  }
0x6b: {  	[sflag:s31] =	ssyncset.done $0x0  }
0x6c: {  	s5 =	sadd.s32 $0x400, s20;
	[sflag:s31] =	ssyncadd.s32 $0xFFFFC000  }
0x6d: {  	[tilespmem:s19], [sflag:$0x4] =	stream.indirect.gather [hbm4b:s3+s13], $0x80, s5, s13, $0xb8;
	[tilespmem:$0x14A00] =	vst v63  }
0x6e: {  	_ =	swait.ge [sflag:s22], $0x4000  }
0x6f: {  	[sflag:s22] =	ssyncset.done $0x0  }
0x70: {  	s5 =	sadd.s32 $0x1000, s18;
	[sflag:s22] =	ssyncadd.s32 $0xFFFFC000  }
0x71: {  	[hbm4b:s5+s2] =	stream.linear.scatter [tilespmem:s14], [sflag:$0x6], $0x4000, $0x38;
	[tilespmem:$0x14A00] =	vst v63  }
0x72: {  	_ =	swait.ge [sflag:s1], $0x4000  }
0x73: {  	[sflag:s1] =	ssyncset.done $0x0  }
.Ltmp0:
0x74: {  	s5 =	sadd.s32 $0x480, s20;
	[sflag:s1] =	ssyncadd.s32 $0xFFFFC000;
	(pc) =	sbr.rel @p0 .LBB2_2-.Ltmp0, $4  }
0x75: {  	[tilespmem:s21], [sflag:$0x5] =	stream.indirect.gather [hbm4b:s3+s13], $0x80, s5, s13, $0xb8;
	[tilespmem:$0x14A00] =	vst v63  }
0x76: {  	_ =	swait.ge [sflag:s23], $0x4000  }
0x77: {  	[sflag:s23] =	ssyncset.done $0x0  }
0x78: {  	s20 =	sadd.s32 $0x1800, s18;
	s18 =	sadd.s32 $0x2800, s18;
	[sflag:s23] =	ssyncadd.s32 $0xFFFFC000  }
0x79: {  	[hbm4b:s20+s2] =	stream.linear.scatter [tilespmem:s15], [sflag:$0x7], $0x4000, $0x38;
	[tilespmem:$0x14A00] =	vst v63  }
0x7a: {  	_ =	swait.ge [sflag:s25], $0x4000  }
0x7b: {  	[sflag:s25] =	ssyncset.done $0x0  }
0x7c: {  	[sflag:s25] =	ssyncadd.s32 $0xFFFFC000  }
0x7d: {  	[hbm4b:s7+s2] =	stream.linear.scatter [tilespmem:s17], [sflag:$0x8], $0x4000, $0x38;
	[tilespmem:$0x14A00] =	vst v63  }
0x7e: {  	_ =	swait.ge [sflag:s28], $0x4000  }
0x7f: {  	[sflag:s28] =	ssyncset.done $0x0  }
0x80: {  	[sflag:s28] =	ssyncadd.s32 $0xFFFFC000  }
0x81: {  	[hbm4b:s8+s2] =	stream.linear.scatter [tilespmem:s19], [sflag:$0x9], $0x4000, $0x38;
	[tilespmem:$0x14A00] =	vst v63  }
0x82: {  	_ =	swait.ge [sflag:s30], $0x4000  }
0x83: {  	[sflag:s30] =	ssyncset.done $0x0  }
0x84: {  	[sflag:s30] =	ssyncadd.s32 $0xFFFFC000  }
0x85: {  	[hbm4b:s9+s2] =	stream.linear.scatter [tilespmem:s21], [sflag:$0xA], $0x4000, $0x38;
	[tilespmem:$0x14A00] =	vst v63  }
0x86: {  	_ =	swait.ge [sflag:s24], $0x4000  }
0x87: {  	[sflag:s24] =	ssyncset.done $0x0  }
0x88: {  	[sflag:s24] =	ssyncadd.s32 $0xFFFFC000  }
0x89: {  	_ =	swait.ge [sflag:s26], $0x4000  }
0x8a: {  	[sflag:s26] =	ssyncset.done $0x0  }
0x8b: {  	[sflag:s26] =	ssyncadd.s32 $0xFFFFC000  }
0x8c: {  	_ =	swait.ge [sflag:s29], $0x4000  }
0x8d: {  	[sflag:s29] =	ssyncset.done $0x0  }
0x8e: {  	s0 =	sadd.s32 $0x1, s0;
	[sflag:s29] =	ssyncadd.s32 $0xFFFFC000  }
0x8f: {  	p0 =	sne.s32 s0, s10;
	_ =	swait.ge [sflag:s31], $0x4000  }
.Ltmp1:
0x90: {  	[sflag:s31] =	ssyncset.done $0x0;
	(pc) =	sbr.rel @p0 .LBB2_1-.Ltmp1, $4  }
0x91: {  	[sflag:s31] =	ssyncadd.s32 $0xFFFFC000  }
0x92: {  	_ =	swait.ge [sflag:s1], $0x4000  }
0x93: {  	[sflag:s1] =	ssyncset.done $0x0  }
0x94: {  	[sflag:s1] =	ssyncadd.s32 $0xFFFFC000  }
0x95: {  	_ =	sfence.sel $0x180000  }
0x96: {  	[bflag:$0x0] =	sbarrier.arrive $0xFFFF  }
0x97: {  	_ =	strace $0x9000004D  }
0x98: {  	s0 =	stileid.u32;
	[bflag:$0x2] =	sbarrier.arrive $0xFFFF  }
0x99: {  	p0 =	sne.s32 s0, $0x0;
	s0 =	rddreg [dreg:$0x1]  }
0x9a: {  	s0 =	sadd.s32 @!p0 $0x100000, s0  }
0x9b: {  	[sflag:s0] =	ssyncadd.tile.s32 @!p0 $0x1;
	_ =	shalt  }
.Lfunc_end2:
_tile_overlayer_lowered:
.L_overlay_start_2:
0x9c: {  	(tag) =	ssettag $0x2  }
0x9d: {  	s0 =	rddreg [dreg:$0x0];
	s2 =	stileid.u32  }
0x9e: {  	s1 =	rddreg [dreg:$0x1];
	p0 =	sne.s32 s2, $0x0  }
0x9f: {  	s3 =	rddreg [dreg:$0x2];
	[bflag:$0x3] =	sbarrier.arrive $0xFFFF;
	s2 =	simm.s32 @!p0 $0x1C0B  }
0xa0: {  	[timem:s3], [sflag:s2] =	dma.local @!p0 [hbm:s0], s1  }
0xa1: {  	s0 =	simm.s32 @!p0 $0xB  }
0xa2: {  	_ =	swait.ge @!p0 [sflag:s0], s1  }
0xa3: {  	s1 =	ssub.s32 @!p0 $0x0, s1;
	[sflag:s0] =	ssyncset.done @!p0 $0x0  }
0xa4: {  	[sflag:s0] =	ssyncadd.s32 @!p0 s1  }
0xa5: {  	[bflag:$0x3] =	sbarrier.arrive $0xFFFF  }
0xa6: {  	_ =	shalt  }

// kernel: kernel.25.cloned.1.call-start
scs
__scs_entry_jumppad:
0x0: {  	(pc) =	sbr.rel $0x88, $3  }
0x1: {  	(tag) =	ssettag $0x0;
	lr =	simm.s32 $0x1  }
0x2: {  	[smem:$0x3F92] =	sst lr;
	_ =	strace $0xD0000000  }
0x3: {  	_ = 	snop  }
0x4: {  	_ = 	snop  }
0x5: {  	_ = 	snop  }
0x6: {  	_ = 	snop  }
0x7: {  	_ = 	snop  }
__scs_overlays_trampoline_lowered:
0x8: {  	[smem:$0x3FA1] =	sst s0  }
0x9: {  	[smem:$0x3FA2] =	sst s1  }
0xa: {  	[smem:$0x3FA3] =	sst s2  }
0xb: {  	[smem:$0x3FA4] =	sst s3  }
0xc: {  	[smem:$0x3FA5] =	sst s4  }
0xd: {  	[smem:$0x3FA6] =	sst s5  }
0xe: {  	[smem:$0x3FA7] =	sst s6  }
0xf: {  	[smem:$0x3FA8] =	sst s7  }
0x10: {  	[smem:$0x3FA9] =	sst s8  }
0x11: {  	[smem:$0x3FAA] =	sst s9;
	s0 =	simm.s32 @!p0 $0x0  }
0x12: {  	s1 =	sld [smem:$0x3F90];
	s0 =	simm.s32 @p0 $0x1  }
0x13: {  	[smem:$0x3FAB] =	sst s0;
	s0 =	simm.s32 @!p1 $0x0  }
0x14: {  	s2 =	sld [smem:$0x3F8F];
	s0 =	simm.s32 @p1 $0x1  }
0x15: {  	[smem:$0x3FAC] =	sst s0;
	s0 =	simm.s32 @!p2 $0x0  }
0x16: {  	s3 =	sld [smem:$0x3FDB];
	s0 =	simm.s32 @p2 $0x1  }
0x17: {  	s4 =	simm.s32 $0x1BF5;
	[smem:$0x3FAE] =	sst s0  }
0x18: {  	s0 =	sld [smem:$0x3F91];
	_ =	swait.ge [sflag:s4], $0x0  }
0x19: {  	s7 =	sld [smem:$0x3F92]  }
0x1a: {  	s8 =	sadd.s32 $0xFFFFE003, lr  }
0x1b: {  	s9 =	sadd.s32 $0xFFFFFEF7, lr;
	s5 =	simm.s32 $0xFFFFFFFF;
	p2 =	slt.u32 s8, $0xFFFFF086  }
0x1c: {  	p1 =	slt.u32 s9, $0xF7A;
	s5 =	simm.s32 @!p2 $0x0  }
0x1d: {  	s5 =	simm.s32 @p1 $0x1;
	p0 =	seq.s32 s7, s2  }
0x1e: {  	s7 =	smul.u32 @!p0 $0xF7A, s2;
	p2 =	seq.s32 @!p0 s5, $0x0  }
0x1f: {  	s9 =	smul.u32 $0xF7A, s1;
	s8 =	simm.s32 @!p0 $0x1BF5;
	p2 =	por !p2, p0  }
0x20: {  	[sflag:s8] =	ssyncset.s32 @!p0 $0xFFFFF086;
	s6 =	sadd.s32 @!p0 s3, s7;
	s7 =	simm.s32 @!p0 $0x108  }
0x21: {  	s3 =	sadd.s32 s3, s9;
	s6 =	sadd.s32 @!p0 $0x88, s6;
	s7 =	simm.s32 @p2 $0x1082  }
0x22: {  	[simem:s7], [sflag:s8] =	dma.local @!p0 [hbm:s6], $0xF7A  }
0x23: {  	s9 =	sor.u32 $0xD0000000, s2;
	s6 =	simm.s32 $0x108;
	_ =	swait.ge @!p0 [sflag:s8], $0x0  }
0x24: {  	s3 =	sadd.s32 $0x88, s3;
	s6 =	simm.s32 @!p1 $0x1082;
	[sflag:s4] =	ssyncset.s32 $0xFFFFF086  }
0x25: {  	[simem:s6], [sflag:s4] =	dma.local [hbm:s3], $0xF7A  }
0x26: {  	[smem:$0x3F92] =	sst s1;
	(tag) =	ssettag s2;
	_ =	strace s9  }
0x27: {  	s1 =	sld [smem:$0x3FA2]  }
0x28: {  	s2 =	sld [smem:$0x3FA3]  }
0x29: {  	s4 =	sld [smem:$0x3FA5]  }
0x2a: {  	p0 =	seq.s32 s5, $0x0;
	s5 =	sld [smem:$0x3FA6]  }
0x2b: {  	s6 =	sld [smem:$0x3FA7]  }
0x2c: {  	s7 =	sld [smem:$0x3FA8]  }
0x2d: {  	s3 =	simm.s32 $0x108;
	s8 =	sld [smem:$0x3FA9]  }
0x2e: {  	s3 =	simm.s32 @!p0 $0x1082;
	s9 =	sld [smem:$0x3FAA]  }
0x2f: {  	lr =	sadd.s32 s0, s3;
	s0 =	sld [smem:$0x3FA1]  }
0x30: {  	s3 =	sld [smem:$0x3FA4]  }
0x31: {  	[smem:$0x3FAD] =	sst s10  }
0x32: {  	s10 =	sld [smem:$0x3FAB];
	_ =	sdelay $0x3  }
0x33: {  	p0 =	seq.s32 s10, $0x1;
	s10 =	sld [smem:$0x3FAD];
	_ =	sdelay $0x3  }
0x34: {  	[smem:$0x3FAD] =	sst s10  }
0x35: {  	s10 =	sld [smem:$0x3FAC];
	_ =	sdelay $0x3  }
0x36: {  	p1 =	seq.s32 s10, $0x1;
	s10 =	sld [smem:$0x3FAD];
	_ =	sdelay $0x3  }
0x37: {  	[smem:$0x3FAD] =	sst s10  }
0x38: {  	s10 =	sld [smem:$0x3FAE]  }
0x39: {  	_ = 	snop;
	(pc) =	sbr.ind lr, $3  }
0x3a: {  	_ = 	snop  }
0x3b: {  	_ = 	snop  }
0x3c: {  	p2 =	seq.s32 s10, $0x1;
	s10 =	sld [smem:$0x3FAD]  }
0x3d: {  	_ =	shalt  }
0x3e: {  	_ =	shalt  }
0x3f: {  	_ =	shalt  }
0x40: {  	_ =	shalt  }
0x41: {  	_ =	shalt  }
0x42: {  	_ =	shalt  }
0x43: {  	_ =	shalt  }
0x44: {  	_ =	shalt  }
0x45: {  	_ =	shalt  }
0x46: {  	_ =	shalt  }
0x47: {  	_ =	shalt  }
0x48: {  	_ =	shalt  }
0x49: {  	_ =	shalt  }
0x4a: {  	_ =	shalt  }
0x4b: {  	_ =	shalt  }
0x4c: {  	_ =	shalt  }
0x4d: {  	_ =	shalt  }
0x4e: {  	_ =	shalt  }
0x4f: {  	_ =	shalt  }
0x50: {  	_ =	shalt  }
0x51: {  	_ =	shalt  }
0x52: {  	_ =	shalt  }
0x53: {  	_ =	shalt  }
0x54: {  	_ =	shalt  }
0x55: {  	_ =	shalt  }
0x56: {  	_ =	shalt  }
0x57: {  	_ =	shalt  }
0x58: {  	_ =	shalt  }
0x59: {  	_ =	shalt  }
0x5a: {  	_ =	shalt  }
0x5b: {  	_ =	shalt  }
0x5c: {  	_ =	shalt  }
0x5d: {  	_ =	shalt  }
0x5e: {  	_ =	shalt  }
0x5f: {  	_ =	shalt  }
0x60: {  	_ =	shalt  }
0x61: {  	_ =	shalt  }
0x62: {  	_ =	shalt  }
0x63: {  	_ =	shalt  }
0x64: {  	_ =	shalt  }
0x65: {  	_ =	shalt  }
0x66: {  	_ =	shalt  }
0x67: {  	_ =	shalt  }
0x68: {  	_ =	shalt  }
0x69: {  	_ =	shalt  }
0x6a: {  	_ =	shalt  }
0x6b: {  	_ =	shalt  }
0x6c: {  	_ =	shalt  }
0x6d: {  	_ =	shalt  }
0x6e: {  	_ =	shalt  }
0x6f: {  	_ =	shalt  }
0x70: {  	_ =	shalt  }
0x71: {  	_ =	shalt  }
0x72: {  	_ =	shalt  }
0x73: {  	_ =	shalt  }
0x74: {  	_ =	shalt  }
0x75: {  	_ =	shalt  }
0x76: {  	_ =	shalt  }
0x77: {  	_ =	shalt  }
0x78: {  	_ =	shalt  }
0x79: {  	_ =	shalt  }
0x7a: {  	_ =	shalt  }
0x7b: {  	_ =	shalt  }
0x7c: {  	_ =	shalt  }
0x7d: {  	_ =	shalt  }
0x7e: {  	_ =	shalt  }
0x7f: {  	_ =	shalt  }
0x80: {  	_ =	shalt  }
0x81: {  	_ =	shalt  }
0x82: {  	_ =	shalt  }
0x83: {  	_ =	shalt  }
0x84: {  	_ =	shalt  }
0x85: {  	_ =	shalt  }
0x86: {  	_ =	shalt  }
0x87: {  	_ =	shalt  }
.Lfunc_end0:
.L_simem_size_0:
called_computation.3_lowered:
.L_overlay_start_0:
0x88: {  	s2 =	sld [smem:$0x3FD9]  }
0x89: {  	s3 =	sld [smem:$0x3FFE];
	_ =	sdelay $0x1  }
0x8a: {  	s1 =	srdreg.scid  }
0x8b: {  	s0 =	sand.u32 $0x1, s1  }
0x8c: {  	s17 =	sshll.u32 s0, $0xA;
	s2 =	sadd.s32 s3, s2  }
0x8d: {  	s2 =	sadd.s32 s2, s17  }
0x8e: {  	[smem:$0x3FB9] =	sst s2  }
0x8f: {  	_ = 	snop  }
0x90: {  	(tm) =	ssettm $0x1  }
0x91: {  	s18 =	sld [smem:$0x3FFB];
	_ =	sdelay $0x3  }
0x92: {  	_ =	strace s18  }
0x93: {  	s2 =	sld [smem:$0x3FFC];
	_ =	sdelay $0x3  }
0x94: {  	_ =	strace s2  }
0x95: {  	s2 =	sld [smem:$0x3FFD];
	_ =	sdelay $0x3  }
0x96: {  	_ =	strace s2  }
0x97: {  	_ =	strace $0x8FFFFFFF  }
0x98: {  	s19 =	sld [smem:$0x3FDB];
	_ =	sdelay $0x1  }
0x99: {  	s20 =	simm.s32 $_scs_section_size  }
0x9a: {  	s4 =	simm.s32 $_size__tile_overlayer_lowered;
	s5 =	simm.s32 $_tile_overlayer_lowered  }
0x9b: {  	s6 =	simm.s32 $0x1BFF;
	s21 =	sshll.u32 s5, $0x1;
	s3 =	sadd.s32 s20, s19  }
0x9c: {  	s22 =	simm.s32 $0x0;
	s4 =	sshll.u32 s4, $0x1;
	s5 =	sadd.s32 s21, s3  }
0x9d: {  	[timem:s22], [sflag:s6] =	dma.local [hbm:s5], s4  }
0x9e: {  	_ =	swait.ge [sflag:s6], s4  }
0x9f: {  	s4 =	ssub.s32 $0x0, s4;
	[sflag:s6] =	ssyncset.done $0x0  }
0xa0: {  	[sflag:s6] =	ssyncadd.s32 s4;
	_ =	sdelay $0x1  }
0xa1: {  	s23 =	simm.s32 $0x1B8B  }
0xa2: {  	_ =	swait.ge [sflag:s23], $0x1  }
0xa3: {  	[sflag:s23] =	ssyncset.done $0x0  }
0xa4: {  	[sflag:s23] =	ssyncadd.s32 $0xFFFFFFFF  }
0xa5: {  	s4 =	sld [smem:$0x0]  }
0xa6: {  	s5 =	sand.u32 $0xFFFFFFFE, s1  }
0xa7: {  	p0 =	sne.s32 s1, s5  }
0xa8: {  	s5 =	sshll.u32 @p0 s5, $0xE  }
0xa9: {  	s5 =	sadd.s32 @p0 $0x11B8D, s5;
	s6 =	sshll.u32 @p0 s4, $0x11  }
0xaa: {  	s5 =	sor.u32 @p0 s6, s5  }
0xab: {  	[sflag:s5] =	ssyncadd.remote.s32 @p0 $0x1;
	_ =	sdelay $0x1  }
0xac: {  	s5 =	simm.s32 @p0 $0x1B8D  }
0xad: {  	_ =	swait.eq @p0 [sflag:s5], $0x1  }
0xae: {  	[sflag:s5] =	ssyncadd.s32 @p0 $0xFFFFFFFF  }
0xaf: {  	s6 =	sshll.u32 @!p0 s1, $0xE  }
0xb0: {  	s6 =	sor.u32 @!p0 $0x4000, s6;
	s5 =	simm.s32 @!p0 $0x1B8D  }
0xb1: {  	s4 =	sshll.u32 @!p0 s4, $0x11;
	s6 =	sadd.s32 @!p0 $0x11B8D, s6;
	_ =	swait.eq @!p0 [sflag:s5], $0x1  }
0xb2: {  	s4 =	sor.u32 @!p0 s4, s6;
	[sflag:s5] =	ssyncadd.s32 @!p0 $0xFFFFFFFF  }
0xb3: {  	s25 =	simm.s32 $0x1B8E;
	s24 =	sld [smem:$0x3FFE];
	[sflag:s4] =	ssyncadd.remote.s32 @!p0 $0x1  }
0xb4: {  	s26 =	simm.s32 $execute0_lowered;
	[smem:$0x3FD2] =	sst s25  }
0xb5: {  	s5 =	sshll.u32 s26, $0x1;
	_ =	strace $0x8000004F;
	[dreg:$0x1] =	wrdreg $0xFFFFFFFF  }
0xb6: {  	s28 =	simm.s32 $_size_execute0_lowered;
	s3 =	sadd.s32 s3, s5;
	[dreg:$0x0] =	wrdreg $0x0  }
0xb7: {  	s5 =	sshll.u32 s28, $0x1;
	[dreg:$0x2] =	wrdreg s3  }
0xb8: {  	[dreg:$0x3] =	wrdreg s5  }
0xb9: {  	[dreg:$0x4] =	wrdreg $0xC0  }
0xba: {  	_ =	task [dreg:s22], $0x5FFFF  }
0xbb: {  	[dreg:$0x1] =	wrdreg $0xFFFFFFFF  }
0xbc: {  	[dreg:$0x0] =	wrdreg $0x60  }
0xbd: {  	[dreg:$0x2] =	wrdreg s24  }
0xbe: {  	[dreg:$0x3] =	wrdreg $0xA  }
0xbf: {  	_ =	task.clear_ibuf [dreg:s22], $0x4FFFF;
	_ =	strace $0x9000004F  }
0xc0: {  	s29 =	simm.s32 $0xA;
	_ =	strace $0x80000051  }
0xc1: {  	_ =	swait.ge [sflag:s29], $0x1  }
0xc2: {  	[sflag:s29] =	ssyncadd.s32 $0xFFFFFFFF  }
0xc3: {  	_ =	strace $0x90000051  }
0xc4: {  	_ =	sfence  }
0xc5: {  	s30 =	sld [smem:$0x0];
	_ =	sdelay $0x2  }
0xc6: {  	s31 =	sshll.u32 s1, $0xD;
	s1 =	sshrl.u32 s1, $0x2  }
0xc7: {  	s4 =	sand.u32 $0x4000, s31;
	s1 =	sadd.s32 s1, s30  }
0xc8: {  	s0 =	sor.u32 s4, s0;
	s1 =	sshll.u32 s1, $0x11  }
0xc9: {  	s0 =	sor.u32 s1, s0  }
0xca: {  	s0 =	sadd.s32 $0x8F2B, s0  }
0xcb: {  	[sflag:s0] =	ssyncadd.remote.s32 $0x1  }
0xcc: {  	_ =	sfence.sel $0xFFFF  }
0xcd: {  	[dreg:$0x0] =	wrdreg $0xFFFFFFFF;
	(pc) =	sbr.abs _section_cstart, $3  }
0xce: {  	[dreg:$0x1] =	wrdreg $0xFFFFFFFF  }
0xcf: {  	_ =	task.clear_ibuf [dreg:s22], $0x2FFFF;
	_ =	strace $0x9FFFFFFF  }
0xd0: {  	(tm) =	ssettm $0x7FFFFFFF  }
0xd1: {  	_ =	shalt  }
tec
execute0_lowered:
.L_overlay_start_1:
0x0: {  	(tag) =	ssettag $0x1  }
0x1: {  	s0 =	rddreg [dreg:$0x0];
	s1 =	srdreg.scid;
	s2 =	simm.s32 $0x0  }
0x2: {  	s11 =	stileid.u32;
	s12 =	simm.s32 $0xB;
	s13 =	simm.s32 $0x80  }
0x3: {  	s14 =	simm.s32 $0xA00;
	s15 =	simm.s32 $0x4A00;
	s17 =	simm.s32 $0x8A00  }
0x4: {  	s19 =	simm.s32 $0xCA00;
	s21 =	simm.s32 $0x10A00;
	s22 =	simm.s32 $0x1  }
0x5: {  	s23 =	simm.s32 $0x2;
	s24 =	simm.s32 $0x6;
	s28 =	simm.s32 $0x4  }
0x6: {  	s29 =	simm.s32 $0x8;
	s30 =	simm.s32 $0x5;
	s5 =	smul.u32 $0x1400, s11  }
0x7: {  	s31 =	simm.s32 $0x9;
	s1 =	sand.u32 $0x1, s1;
	s7 =	smul.u32 $0x2800, s11  }
0x8: {  	[smem:$0x7FF] =	sst s2;
	s3 =	sadd.s32 $0x8C00, s0;
	s25 =	smul.u32 $0x14000, s11  }
0x9: {  	s8 =	sadd.s32 $0x170C00, s0;
	s4 =	smul.u32 $0xA00, s1;
	s6 =	ssub.s32 $0x2, s1  }
0xa: {  	_ =	strace $0x80000050;
	s1 =	smul.u32 $0xA000, s1;
	s9 =	sshrl.u32 s6, $0x1  }
0xb: {  	s26 =	sadd.s32 s25, s8;
	s5 =	sadd.s32 s4, s5;
	s4 =	sadd.s32 s4, s7  }
0xc: {  	s25 =	simm.s32 $0x3;
	s4 =	sshrl.u32 s4, $0x3;
	s5 =	sshll.u32 s5, $0x4  }
0xd: {  	s10 =	ssub.s32 s6, s9;
	s0 =	sadd.s32 s0, s4;
	s4 =	sadd.s32 s8, s5  }
0xe: {  	s10 =	smax.u32 s10, $0x1;
	s0 =	sadd.s32 $0x3E80, s0;
	s6 =	sadd.s32 $0x800, s4  }
0xf: {  	s7 =	sadd.s32 $0x8800, s4;
	s8 =	sadd.s32 $0x9000, s4;
	s9 =	sadd.s32 $0x9800, s4  }
0x10: {  	[dreg:$0x2] =	wrdreg s0;
	s0 =	sadd.s32 s1, s26;
	s26 =	simm.s32 $0x7  }
0x11: {  	s1 =	simm.s32 $0x0;
	s11 =	sadd.s32 $0x1800, s0;
	s0 =	simm.s32 $0xA  }
.LBB2_1:
0x12: {  	s5 =	rddreg [dreg:$0x2]  }
0x13: {  	[tilespmem:s2], [sflag:$0xB] =	stream.linear.gather [hbm4b:s5+s2], $0xA00, $0x38;
	[tilespmem:$0x14A00] =	vst v63  }
0x14: {  	_ =	swait.ge [sflag:s12], $0xA00  }
0x15: {  	[sflag:s12] =	ssyncset.done $0x0  }
0x16: {  	[sflag:s12] =	ssyncadd.s32 $0xFFFFF600  }
0x17: {  	[tilespmem:s14], [sflag:$0x1] =	stream.indirect.gather [hbm4b:s3+s13], $0x80, s2, s13, $0xb8;
	[tilespmem:$0x14A00] =	vst v63  }
0x18: {  	_ = 	snop  }
0x19: {  	[tilespmem:s15], [sflag:$0x2] =	stream.indirect.gather [hbm4b:s3+s13], $0x80, s13, s13, $0xb8;
	[tilespmem:$0x14A00] =	vst v63  }
0x1a: {  	s20 =	simm.s32 $0x100  }
0x1b: {  	[tilespmem:s17], [sflag:$0x3] =	stream.indirect.gather [hbm4b:s3+s13], $0x80, s20, s13, $0xb8;
	[tilespmem:$0x14A00] =	vst v63  }
0x1c: {  	s16 =	simm.s32 $0x180  }
0x1d: {  	[tilespmem:s19], [sflag:$0x4] =	stream.indirect.gather [hbm4b:s3+s13], $0x80, s16, s13, $0xb8;
	[tilespmem:$0x14A00] =	vst v63  }
0x1e: {  	s18 =	simm.s32 $0x200  }
0x1f: {  	[tilespmem:s21], [sflag:$0x5] =	stream.indirect.gather [hbm4b:s3+s13], $0x80, s18, s13, $0xb8;
	[tilespmem:$0x14A00] =	vst v63  }
0x20: {  	_ =	swait.ge [sflag:s22], $0x4000  }
0x21: {  	[sflag:s22] =	ssyncset.done $0x0  }
0x22: {  	[sflag:s22] =	ssyncadd.s32 $0xFFFFC000  }
0x23: {  	[hbm4b:s4+s2] =	stream.linear.scatter [tilespmem:s14], [sflag:$0x6], $0x4000, $0x38;
	[tilespmem:$0x14A00] =	vst v63  }
0x24: {  	_ =	swait.ge [sflag:s23], $0x4000  }
0x25: {  	[sflag:s23] =	ssyncset.done $0x0  }
0x26: {  	[sflag:s23] =	ssyncadd.s32 $0xFFFFC000  }
0x27: {  	[hbm4b:s6+s2] =	stream.linear.scatter [tilespmem:s15], [sflag:$0x7], $0x4000, $0x38;
	[tilespmem:$0x14A00] =	vst v63  }
0x28: {  	_ =	swait.ge [sflag:s24], $0x4000  }
0x29: {  	[sflag:s24] =	ssyncset.done $0x0  }
0x2a: {  	s16 =	simm.s32 $0x280;
	[sflag:s24] =	ssyncadd.s32 $0xFFFFC000  }
0x2b: {  	[tilespmem:s14], [sflag:$0x1] =	stream.indirect.gather [hbm4b:s3+s13], $0x80, s16, s13, $0xb8;
	[tilespmem:$0x14A00] =	vst v63  }
0x2c: {  	_ =	swait.ge [sflag:s25], $0x4000  }
0x2d: {  	[sflag:s25] =	ssyncset.done $0x0  }
0x2e: {  	s20 =	sadd.s32 $0xFFFFF800, s11;
	[sflag:s25] =	ssyncadd.s32 $0xFFFFC000  }
0x2f: {  	[hbm4b:s20+s2] =	stream.linear.scatter [tilespmem:s17], [sflag:$0x8], $0x4000, $0x38;
	[tilespmem:$0x14A00] =	vst v63  }
0x30: {  	_ =	swait.ge [sflag:s26], $0x4000  }
0x31: {  	[sflag:s26] =	ssyncset.done $0x0  }
0x32: {  	s5 =	simm.s32 $0x300;
	[sflag:s26] =	ssyncadd.s32 $0xFFFFC000  }
0x33: {  	[tilespmem:s15], [sflag:$0x2] =	stream.indirect.gather [hbm4b:s3+s13], $0x80, s5, s13, $0xb8;
	[tilespmem:$0x14A00] =	vst v63  }
0x34: {  	_ =	swait.ge [sflag:s28], $0x4000  }
0x35: {  	[sflag:s28] =	ssyncset.done $0x0  }
0x36: {  	[sflag:s28] =	ssyncadd.s32 $0xFFFFC000  }
0x37: {  	[hbm4b:s11+s2] =	stream.linear.scatter [tilespmem:s19], [sflag:$0x9], $0x4000, $0x38;
	[tilespmem:$0x14A00] =	vst v63  }
0x38: {  	_ =	swait.ge [sflag:s29], $0x4000  }
0x39: {  	[sflag:s29] =	ssyncset.done $0x0  }
0x3a: {  	s18 =	simm.s32 $0x380;
	[sflag:s29] =	ssyncadd.s32 $0xFFFFC000  }
0x3b: {  	[tilespmem:s17], [sflag:$0x3] =	stream.indirect.gather [hbm4b:s3+s13], $0x80, s18, s13, $0xb8;
	[tilespmem:$0x14A00] =	vst v63  }
0x3c: {  	_ =	swait.ge [sflag:s30], $0x4000  }
0x3d: {  	[sflag:s30] =	ssyncset.done $0x0  }
0x3e: {  	s20 =	sadd.s32 $0x800, s11;
	[sflag:s30] =	ssyncadd.s32 $0xFFFFC000  }
0x3f: {  	[hbm4b:s20+s2] =	stream.linear.scatter [tilespmem:s21], [sflag:$0xA], $0x4000, $0x38;
	[tilespmem:$0x14A00] =	vst v63  }
0x40: {  	_ =	swait.ge [sflag:s31], $0x4000  }
0x41: {  	[sflag:s31] =	ssyncset.done $0x0  }
0x42: {  	s5 =	simm.s32 $0x400;
	[sflag:s31] =	ssyncadd.s32 $0xFFFFC000  }
0x43: {  	[tilespmem:s19], [sflag:$0x4] =	stream.indirect.gather [hbm4b:s3+s13], $0x80, s5, s13, $0xb8;
	[tilespmem:$0x14A00] =	vst v63  }
0x44: {  	_ =	swait.ge [sflag:s22], $0x4000  }
0x45: {  	[sflag:s22] =	ssyncset.done $0x0  }
0x46: {  	s18 =	sadd.s32 $0x1000, s11;
	[sflag:s22] =	ssyncadd.s32 $0xFFFFC000  }
0x47: {  	[hbm4b:s18+s2] =	stream.linear.scatter [tilespmem:s14], [sflag:$0x6], $0x4000, $0x38;
	[tilespmem:$0x14A00] =	vst v63  }
0x48: {  	_ =	swait.ge [sflag:s0], $0x4000  }
0x49: {  	[sflag:s0] =	ssyncset.done $0x0  }
0x4a: {  	s20 =	simm.s32 $0x480;
	[sflag:s0] =	ssyncadd.s32 $0xFFFFC000  }
0x4b: {  	[tilespmem:s21], [sflag:$0x5] =	stream.indirect.gather [hbm4b:s3+s13], $0x80, s20, s13, $0xb8;
	[tilespmem:$0x14A00] =	vst v63  }
0x4c: {  	_ =	swait.ge [sflag:s23], $0x4000  }
0x4d: {  	s16 =	simm.s32 $0xA00;
	[sflag:s23] =	ssyncset.done $0x0  }
0x4e: {  	s18 =	sadd.s32 $0x2800, s11;
	s20 =	sadd.s32 $0x1800, s11;
	[sflag:s23] =	ssyncadd.s32 $0xFFFFC000  }
.LBB2_2:
0x4f: {  	[hbm4b:s20+s2] =	stream.linear.scatter [tilespmem:s15], [sflag:$0x7], $0x4000, $0x38;
	[tilespmem:$0x14A00] =	vst v63  }
0x50: {  	s20 =	smov.u32 s16  }
0x51: {  	p0 =	sne.s32 s16, $0x1400;
	s16 =	sadd.s32 $0xA00, s16;
	_ =	swait.ge [sflag:s24], $0x4000  }
0x52: {  	s20 =	sshra.s32 s20, $0x2;
	[sflag:s24] =	ssyncset.done $0x0  }
0x53: {  	s5 =	sadd.s32 $0x280, s20;
	[sflag:s24] =	ssyncadd.s32 $0xFFFFC000  }
0x54: {  	[tilespmem:s14], [sflag:$0x1] =	stream.indirect.gather [hbm4b:s3+s13], $0x80, s5, s13, $0xb8;
	[tilespmem:$0x14A00] =	vst v63  }
0x55: {  	_ =	swait.ge [sflag:s25], $0x4000  }
0x56: {  	[sflag:s25] =	ssyncset.done $0x0  }
0x57: {  	s5 =	sadd.s32 $0xFFFFF800, s18;
	[sflag:s25] =	ssyncadd.s32 $0xFFFFC000  }
0x58: {  	[hbm4b:s5+s2] =	stream.linear.scatter [tilespmem:s17], [sflag:$0x8], $0x4000, $0x38;
	[tilespmem:$0x14A00] =	vst v63  }
0x59: {  	_ =	swait.ge [sflag:s26], $0x4000  }
0x5a: {  	[sflag:s26] =	ssyncset.done $0x0  }
0x5b: {  	s5 =	sadd.s32 $0x300, s20;
	[sflag:s26] =	ssyncadd.s32 $0xFFFFC000  }
0x5c: {  	[tilespmem:s15], [sflag:$0x2] =	stream.indirect.gather [hbm4b:s3+s13], $0x80, s5, s13, $0xb8;
	[tilespmem:$0x14A00] =	vst v63  }
0x5d: {  	_ =	swait.ge [sflag:s28], $0x4000  }
0x5e: {  	[sflag:s28] =	ssyncset.done $0x0  }
0x5f: {  	[sflag:s28] =	ssyncadd.s32 $0xFFFFC000  }
0x60: {  	[hbm4b:s18+s2] =	stream.linear.scatter [tilespmem:s19], [sflag:$0x9], $0x4000, $0x38;
	[tilespmem:$0x14A00] =	vst v63  }
0x61: {  	_ =	swait.ge [sflag:s29], $0x4000  }
0x62: {  	[sflag:s29] =	ssyncset.done $0x0  }
0x63: {  	s5 =	sadd.s32 $0x380, s20;
	[sflag:s29] =	ssyncadd.s32 $0xFFFFC000  }
0x64: {  	[tilespmem:s17], [sflag:$0x3] =	stream.indirect.gather [hbm4b:s3+s13], $0x80, s5, s13, $0xb8;
	[tilespmem:$0x14A00] =	vst v63  }
0x65: {  	_ =	swait.ge [sflag:s30], $0x4000  }
0x66: {  	[sflag:s30] =	ssyncset.done $0x0  }
0x67: {  	s5 =	sadd.s32 $0x800, s18;
	[sflag:s30] =	ssyncadd.s32 $0xFFFFC000  }
0x68: {  	[hbm4b:s5+s2] =	stream.linear.scatter [tilespmem:s21], [sflag:$0xA], $0x4000, $0x38;
	[tilespmem:$0x14A00] =	vst v63  }
0x69: {  	_ =	swait.ge [sflag:s31], $0x4000  }
0x6a: {  	[sflag:s31] =	ssyncset.done $0x0  }
0x6b: {  	s5 =	sadd.s32 $0x400, s20;
	[sflag:s31] =	ssyncadd.s32 $0xFFFFC000  }
0x6c: {  	[tilespmem:s19], [sflag:$0x4] =	stream.indirect.gather [hbm4b:s3+s13], $0x80, s5, s13, $0xb8;
	[tilespmem:$0x14A00] =	vst v63  }
0x6d: {  	_ =	swait.ge [sflag:s22], $0x4000  }
0x6e: {  	[sflag:s22] =	ssyncset.done $0x0  }
0x6f: {  	s5 =	sadd.s32 $0x1000, s18;
	[sflag:s22] =	ssyncadd.s32 $0xFFFFC000  }
0x70: {  	[hbm4b:s5+s2] =	stream.linear.scatter [tilespmem:s14], [sflag:$0x6], $0x4000, $0x38;
	[tilespmem:$0x14A00] =	vst v63  }
0x71: {  	_ =	swait.ge [sflag:s0], $0x4000  }
0x72: {  	[sflag:s0] =	ssyncset.done $0x0  }
.Ltmp0:
0x73: {  	s5 =	sadd.s32 $0x480, s20;
	[sflag:s0] =	ssyncadd.s32 $0xFFFFC000;
	(pc) =	sbr.rel @p0 .LBB2_2-.Ltmp0, $4  }
0x74: {  	[tilespmem:s21], [sflag:$0x5] =	stream.indirect.gather [hbm4b:s3+s13], $0x80, s5, s13, $0xb8;
	[tilespmem:$0x14A00] =	vst v63  }
0x75: {  	_ =	swait.ge [sflag:s23], $0x4000  }
0x76: {  	[sflag:s23] =	ssyncset.done $0x0  }
0x77: {  	s20 =	sadd.s32 $0x1800, s18;
	s18 =	sadd.s32 $0x2800, s18;
	[sflag:s23] =	ssyncadd.s32 $0xFFFFC000  }
0x78: {  	[hbm4b:s20+s2] =	stream.linear.scatter [tilespmem:s15], [sflag:$0x7], $0x4000, $0x38;
	[tilespmem:$0x14A00] =	vst v63  }
0x79: {  	_ =	swait.ge [sflag:s25], $0x4000  }
0x7a: {  	[sflag:s25] =	ssyncset.done $0x0  }
0x7b: {  	[sflag:s25] =	ssyncadd.s32 $0xFFFFC000  }
0x7c: {  	[hbm4b:s7+s2] =	stream.linear.scatter [tilespmem:s17], [sflag:$0x8], $0x4000, $0x38;
	[tilespmem:$0x14A00] =	vst v63  }
0x7d: {  	_ =	swait.ge [sflag:s28], $0x4000  }
0x7e: {  	[sflag:s28] =	ssyncset.done $0x0  }
0x7f: {  	[sflag:s28] =	ssyncadd.s32 $0xFFFFC000  }
0x80: {  	[hbm4b:s8+s2] =	stream.linear.scatter [tilespmem:s19], [sflag:$0x9], $0x4000, $0x38;
	[tilespmem:$0x14A00] =	vst v63  }
0x81: {  	_ =	swait.ge [sflag:s30], $0x4000  }
0x82: {  	[sflag:s30] =	ssyncset.done $0x0  }
0x83: {  	[sflag:s30] =	ssyncadd.s32 $0xFFFFC000  }
0x84: {  	[hbm4b:s9+s2] =	stream.linear.scatter [tilespmem:s21], [sflag:$0xA], $0x4000, $0x38;
	[tilespmem:$0x14A00] =	vst v63  }
0x85: {  	_ =	swait.ge [sflag:s24], $0x4000  }
0x86: {  	[sflag:s24] =	ssyncset.done $0x0  }
0x87: {  	[sflag:s24] =	ssyncadd.s32 $0xFFFFC000  }
0x88: {  	_ =	swait.ge [sflag:s26], $0x4000  }
0x89: {  	[sflag:s26] =	ssyncset.done $0x0  }
0x8a: {  	[sflag:s26] =	ssyncadd.s32 $0xFFFFC000  }
0x8b: {  	_ =	swait.ge [sflag:s29], $0x4000  }
0x8c: {  	[sflag:s29] =	ssyncset.done $0x0  }
0x8d: {  	s1 =	sadd.s32 $0x1, s1;
	[sflag:s29] =	ssyncadd.s32 $0xFFFFC000  }
0x8e: {  	p0 =	sne.s32 s1, s10;
	_ =	swait.ge [sflag:s31], $0x4000  }
.Ltmp1:
0x8f: {  	[sflag:s31] =	ssyncset.done $0x0;
	(pc) =	sbr.rel @p0 .LBB2_1-.Ltmp1, $4  }
0x90: {  	[sflag:s31] =	ssyncadd.s32 $0xFFFFC000  }
0x91: {  	_ =	swait.ge [sflag:s0], $0x4000  }
0x92: {  	[sflag:s0] =	ssyncset.done $0x0  }
0x93: {  	[sflag:s0] =	ssyncadd.s32 $0xFFFFC000  }
0x94: {  	_ =	sfence.sel $0x180000  }
0x95: {  	[bflag:$0x0] =	sbarrier.arrive $0xFFFF  }
0x96: {  	_ =	strace $0x90000050  }
0x97: {  	s0 =	stileid.u32;
	[bflag:$0x2] =	sbarrier.arrive $0xFFFF  }
0x98: {  	p0 =	sne.s32 s0, $0x0;
	s0 =	rddreg [dreg:$0x1]  }
0x99: {  	s0 =	sadd.s32 @!p0 $0x100000, s0  }
0x9a: {  	[sflag:s0] =	ssyncadd.tile.s32 @!p0 $0x1;
	_ =	shalt  }
.Lfunc_end2:
_tile_overlayer_lowered:
.L_overlay_start_2:
0x9b: {  	(tag) =	ssettag $0x2  }
0x9c: {  	s0 =	rddreg [dreg:$0x0];
	s2 =	stileid.u32  }
0x9d: {  	s1 =	rddreg [dreg:$0x1];
	p0 =	sne.s32 s2, $0x0  }
0x9e: {  	s3 =	rddreg [dreg:$0x2];
	[bflag:$0x3] =	sbarrier.arrive $0xFFFF;
	s2 =	simm.s32 @!p0 $0x1C0B  }
0x9f: {  	[timem:s3], [sflag:s2] =	dma.local @!p0 [hbm:s0], s1  }
0xa0: {  	s0 =	simm.s32 @!p0 $0xB  }
0xa1: {  	_ =	swait.ge @!p0 [sflag:s0], s1  }
0xa2: {  	s1 =	ssub.s32 @!p0 $0x0, s1;
	[sflag:s0] =	ssyncset.done @!p0 $0x0  }
0xa3: {  	[sflag:s0] =	ssyncadd.s32 @!p0 s1  }
0xa4: {  	[bflag:$0x3] =	sbarrier.arrive $0xFFFF  }
0xa5: {  	_ =	shalt  }

// kernel: kernel.28.cloned.1.call-start
scs
__scs_entry_jumppad:
0x0: {  	(pc) =	sbr.rel $0x88, $3  }
0x1: {  	(tag) =	ssettag $0x0;
	lr =	simm.s32 $0x1  }
0x2: {  	[smem:$0x3F92] =	sst lr;
	_ =	strace $0xD0000000  }
0x3: {  	_ = 	snop  }
0x4: {  	_ = 	snop  }
0x5: {  	_ = 	snop  }
0x6: {  	_ = 	snop  }
0x7: {  	_ = 	snop  }
__scs_overlays_trampoline_lowered:
0x8: {  	[smem:$0x3FA1] =	sst s0  }
0x9: {  	[smem:$0x3FA2] =	sst s1  }
0xa: {  	[smem:$0x3FA3] =	sst s2  }
0xb: {  	[smem:$0x3FA4] =	sst s3  }
0xc: {  	[smem:$0x3FA5] =	sst s4  }
0xd: {  	[smem:$0x3FA6] =	sst s5  }
0xe: {  	[smem:$0x3FA7] =	sst s6  }
0xf: {  	[smem:$0x3FA8] =	sst s7  }
0x10: {  	[smem:$0x3FA9] =	sst s8  }
0x11: {  	[smem:$0x3FAA] =	sst s9;
	s0 =	simm.s32 @!p0 $0x0  }
0x12: {  	s1 =	sld [smem:$0x3F90];
	s0 =	simm.s32 @p0 $0x1  }
0x13: {  	[smem:$0x3FAB] =	sst s0;
	s0 =	simm.s32 @!p1 $0x0  }
0x14: {  	s2 =	sld [smem:$0x3F8F];
	s0 =	simm.s32 @p1 $0x1  }
0x15: {  	[smem:$0x3FAC] =	sst s0;
	s0 =	simm.s32 @!p2 $0x0  }
0x16: {  	s3 =	sld [smem:$0x3FDB];
	s0 =	simm.s32 @p2 $0x1  }
0x17: {  	s4 =	simm.s32 $0x1BF5;
	[smem:$0x3FAE] =	sst s0  }
0x18: {  	s0 =	sld [smem:$0x3F91];
	_ =	swait.ge [sflag:s4], $0x0  }
0x19: {  	s7 =	sld [smem:$0x3F92]  }
0x1a: {  	s8 =	sadd.s32 $0xFFFFE003, lr  }
0x1b: {  	s9 =	sadd.s32 $0xFFFFFEF7, lr;
	s5 =	simm.s32 $0xFFFFFFFF;
	p2 =	slt.u32 s8, $0xFFFFF086  }
0x1c: {  	p1 =	slt.u32 s9, $0xF7A;
	s5 =	simm.s32 @!p2 $0x0  }
0x1d: {  	s5 =	simm.s32 @p1 $0x1;
	p0 =	seq.s32 s7, s2  }
0x1e: {  	s7 =	smul.u32 @!p0 $0xF7A, s2;
	p2 =	seq.s32 @!p0 s5, $0x0  }
0x1f: {  	s9 =	smul.u32 $0xF7A, s1;
	s8 =	simm.s32 @!p0 $0x1BF5;
	p2 =	por !p2, p0  }
0x20: {  	[sflag:s8] =	ssyncset.s32 @!p0 $0xFFFFF086;
	s6 =	sadd.s32 @!p0 s3, s7;
	s7 =	simm.s32 @!p0 $0x108  }
0x21: {  	s3 =	sadd.s32 s3, s9;
	s6 =	sadd.s32 @!p0 $0x88, s6;
	s7 =	simm.s32 @p2 $0x1082  }
0x22: {  	[simem:s7], [sflag:s8] =	dma.local @!p0 [hbm:s6], $0xF7A  }
0x23: {  	s9 =	sor.u32 $0xD0000000, s2;
	s6 =	simm.s32 $0x108;
	_ =	swait.ge @!p0 [sflag:s8], $0x0  }
0x24: {  	s3 =	sadd.s32 $0x88, s3;
	s6 =	simm.s32 @!p1 $0x1082;
	[sflag:s4] =	ssyncset.s32 $0xFFFFF086  }
0x25: {  	[simem:s6], [sflag:s4] =	dma.local [hbm:s3], $0xF7A  }
0x26: {  	[smem:$0x3F92] =	sst s1;
	(tag) =	ssettag s2;
	_ =	strace s9  }
0x27: {  	s1 =	sld [smem:$0x3FA2]  }
0x28: {  	s2 =	sld [smem:$0x3FA3]  }
0x29: {  	s4 =	sld [smem:$0x3FA5]  }
0x2a: {  	p0 =	seq.s32 s5, $0x0;
	s5 =	sld [smem:$0x3FA6]  }
0x2b: {  	s6 =	sld [smem:$0x3FA7]  }
0x2c: {  	s7 =	sld [smem:$0x3FA8]  }
0x2d: {  	s3 =	simm.s32 $0x108;
	s8 =	sld [smem:$0x3FA9]  }
0x2e: {  	s3 =	simm.s32 @!p0 $0x1082;
	s9 =	sld [smem:$0x3FAA]  }
0x2f: {  	lr =	sadd.s32 s0, s3;
	s0 =	sld [smem:$0x3FA1]  }
0x30: {  	s3 =	sld [smem:$0x3FA4]  }
0x31: {  	[smem:$0x3FAD] =	sst s10  }
0x32: {  	s10 =	sld [smem:$0x3FAB];
	_ =	sdelay $0x3  }
0x33: {  	p0 =	seq.s32 s10, $0x1;
	s10 =	sld [smem:$0x3FAD];
	_ =	sdelay $0x3  }
0x34: {  	[smem:$0x3FAD] =	sst s10  }
0x35: {  	s10 =	sld [smem:$0x3FAC];
	_ =	sdelay $0x3  }
0x36: {  	p1 =	seq.s32 s10, $0x1;
	s10 =	sld [smem:$0x3FAD];
	_ =	sdelay $0x3  }
0x37: {  	[smem:$0x3FAD] =	sst s10  }
0x38: {  	s10 =	sld [smem:$0x3FAE]  }
0x39: {  	_ = 	snop;
	(pc) =	sbr.ind lr, $3  }
0x3a: {  	_ = 	snop  }
0x3b: {  	_ = 	snop  }
0x3c: {  	p2 =	seq.s32 s10, $0x1;
	s10 =	sld [smem:$0x3FAD]  }
0x3d: {  	_ =	shalt  }
0x3e: {  	_ =	shalt  }
0x3f: {  	_ =	shalt  }
0x40: {  	_ =	shalt  }
0x41: {  	_ =	shalt  }
0x42: {  	_ =	shalt  }
0x43: {  	_ =	shalt  }
0x44: {  	_ =	shalt  }
0x45: {  	_ =	shalt  }
0x46: {  	_ =	shalt  }
0x47: {  	_ =	shalt  }
0x48: {  	_ =	shalt  }
0x49: {  	_ =	shalt  }
0x4a: {  	_ =	shalt  }
0x4b: {  	_ =	shalt  }
0x4c: {  	_ =	shalt  }
0x4d: {  	_ =	shalt  }
0x4e: {  	_ =	shalt  }
0x4f: {  	_ =	shalt  }
0x50: {  	_ =	shalt  }
0x51: {  	_ =	shalt  }
0x52: {  	_ =	shalt  }
0x53: {  	_ =	shalt  }
0x54: {  	_ =	shalt  }
0x55: {  	_ =	shalt  }
0x56: {  	_ =	shalt  }
0x57: {  	_ =	shalt  }
0x58: {  	_ =	shalt  }
0x59: {  	_ =	shalt  }
0x5a: {  	_ =	shalt  }
0x5b: {  	_ =	shalt  }
0x5c: {  	_ =	shalt  }
0x5d: {  	_ =	shalt  }
0x5e: {  	_ =	shalt  }
0x5f: {  	_ =	shalt  }
0x60: {  	_ =	shalt  }
0x61: {  	_ =	shalt  }
0x62: {  	_ =	shalt  }
0x63: {  	_ =	shalt  }
0x64: {  	_ =	shalt  }
0x65: {  	_ =	shalt  }
0x66: {  	_ =	shalt  }
0x67: {  	_ =	shalt  }
0x68: {  	_ =	shalt  }
0x69: {  	_ =	shalt  }
0x6a: {  	_ =	shalt  }
0x6b: {  	_ =	shalt  }
0x6c: {  	_ =	shalt  }
0x6d: {  	_ =	shalt  }
0x6e: {  	_ =	shalt  }
0x6f: {  	_ =	shalt  }
0x70: {  	_ =	shalt  }
0x71: {  	_ =	shalt  }
0x72: {  	_ =	shalt  }
0x73: {  	_ =	shalt  }
0x74: {  	_ =	shalt  }
0x75: {  	_ =	shalt  }
0x76: {  	_ =	shalt  }
0x77: {  	_ =	shalt  }
0x78: {  	_ =	shalt  }
0x79: {  	_ =	shalt  }
0x7a: {  	_ =	shalt  }
0x7b: {  	_ =	shalt  }
0x7c: {  	_ =	shalt  }
0x7d: {  	_ =	shalt  }
0x7e: {  	_ =	shalt  }
0x7f: {  	_ =	shalt  }
0x80: {  	_ =	shalt  }
0x81: {  	_ =	shalt  }
0x82: {  	_ =	shalt  }
0x83: {  	_ =	shalt  }
0x84: {  	_ =	shalt  }
0x85: {  	_ =	shalt  }
0x86: {  	_ =	shalt  }
0x87: {  	_ =	shalt  }
.Lfunc_end0:
.L_simem_size_0:
called_computation.4_lowered:
.L_overlay_start_0:
0x88: {  	s2 =	sld [smem:$0x3FD9]  }
0x89: {  	s3 =	sld [smem:$0x3FFE];
	_ =	sdelay $0x1  }
0x8a: {  	s1 =	srdreg.scid  }
0x8b: {  	s0 =	sand.u32 $0x1, s1  }
0x8c: {  	s16 =	sshll.u32 s0, $0xA;
	s2 =	sadd.s32 s3, s2  }
0x8d: {  	s2 =	sadd.s32 s2, s16  }
0x8e: {  	[smem:$0x3FB9] =	sst s2  }
0x8f: {  	_ = 	snop  }
0x90: {  	(tm) =	ssettm $0x1  }
0x91: {  	s17 =	sld [smem:$0x3FFB];
	_ =	sdelay $0x3  }
0x92: {  	_ =	strace s17  }
0x93: {  	s2 =	sld [smem:$0x3FFC];
	_ =	sdelay $0x3  }
0x94: {  	_ =	strace s2  }
0x95: {  	s2 =	sld [smem:$0x3FFD];
	_ =	sdelay $0x3  }
0x96: {  	_ =	strace s2  }
0x97: {  	_ =	strace $0x8FFFFFFF  }
0x98: {  	s18 =	sld [smem:$0x3FDB];
	_ =	sdelay $0x1  }
0x99: {  	s19 =	simm.s32 $_scs_section_size  }
0x9a: {  	s4 =	simm.s32 $_size__tile_overlayer_lowered;
	s5 =	simm.s32 $_tile_overlayer_lowered  }
0x9b: {  	s22 =	simm.s32 $0x1BFF;
	s21 =	sshll.u32 s5, $0x1;
	s2 =	sadd.s32 s19, s18  }
0x9c: {  	s6 =	simm.s32 $0x0;
	s20 =	sshll.u32 s4, $0x1;
	s4 =	sadd.s32 s21, s2  }
0x9d: {  	[timem:s6], [sflag:s22] =	dma.local [hbm:s4], s20  }
0x9e: {  	_ =	swait.ge [sflag:s22], s20  }
0x9f: {  	s3 =	ssub.s32 $0x0, s20;
	[sflag:s22] =	ssyncset.done $0x0  }
0xa0: {  	[sflag:s22] =	ssyncadd.s32 s3;
	_ =	sdelay $0x1  }
0xa1: {  	s23 =	simm.s32 $0x1B8B  }
0xa2: {  	_ =	swait.ge [sflag:s23], $0x1  }
0xa3: {  	[sflag:s23] =	ssyncset.done $0x0  }
0xa4: {  	s25 =	simm.s32 $0x1B8E;
	s24 =	sld [smem:$0x3FFE];
	[sflag:s23] =	ssyncadd.s32 $0xFFFFFFFF  }
0xa5: {  	s26 =	simm.s32 $execute0_lowered;
	[smem:$0x3FD2] =	sst s25  }
0xa6: {  	s4 =	sshll.u32 s26, $0x1;
	_ =	strace $0x80000052;
	[dreg:$0x1] =	wrdreg $0xFFFFFFFF  }
0xa7: {  	s28 =	simm.s32 $_size_execute0_lowered;
	s2 =	sadd.s32 s2, s4;
	[dreg:$0x0] =	wrdreg $0x0  }
0xa8: {  	s4 =	sshll.u32 s28, $0x1;
	[dreg:$0x2] =	wrdreg s2  }
0xa9: {  	[dreg:$0x3] =	wrdreg s4  }
0xaa: {  	[dreg:$0x4] =	wrdreg $0xC0  }
0xab: {  	_ =	task [dreg:s6], $0x5FFFF  }
0xac: {  	[dreg:$0x1] =	wrdreg $0xFFFFFFFF  }
0xad: {  	[dreg:$0x0] =	wrdreg $0x60  }
0xae: {  	[dreg:$0x2] =	wrdreg s24  }
0xaf: {  	[dreg:$0x3] =	wrdreg $0x9  }
0xb0: {  	_ =	task.clear_ibuf [dreg:s6], $0x4FFFF;
	_ =	strace $0x90000052  }
0xb1: {  	s29 =	simm.s32 $0x9;
	_ =	strace $0x80000054  }
0xb2: {  	_ =	swait.ge [sflag:s29], $0x1  }
0xb3: {  	[sflag:s29] =	ssyncadd.s32 $0xFFFFFFFF  }
0xb4: {  	_ =	strace $0x90000054  }
0xb5: {  	_ =	sfence  }
0xb6: {  	s30 =	sld [smem:$0x0];
	_ =	sdelay $0x2  }
0xb7: {  	s31 =	sshll.u32 s1, $0xD;
	s1 =	sshrl.u32 s1, $0x2  }
0xb8: {  	s3 =	sand.u32 $0x4000, s31;
	s1 =	sadd.s32 s1, s30  }
0xb9: {  	s0 =	sor.u32 s3, s0;
	s1 =	sshll.u32 s1, $0x11  }
0xba: {  	s0 =	sor.u32 s1, s0  }
0xbb: {  	s0 =	sadd.s32 $0x8F2B, s0  }
0xbc: {  	[sflag:s0] =	ssyncadd.remote.s32 $0x1  }
0xbd: {  	_ =	sfence.sel $0xFFFF  }
0xbe: {  	[dreg:$0x0] =	wrdreg $0xFFFFFFFF;
	(pc) =	sbr.abs _section_cstart, $3  }
0xbf: {  	[dreg:$0x1] =	wrdreg $0xFFFFFFFF  }
0xc0: {  	_ =	task.clear_ibuf [dreg:s6], $0x2FFFF;
	_ =	strace $0x9FFFFFFF  }
0xc1: {  	(tm) =	ssettm $0x7FFFFFFF  }
tec
execute0_lowered:
.L_overlay_start_1:
0x0: {  	(tag) =	ssettag $0x1  }
0x1: {  	s0 =	srdreg.scid  }
0x2: {  	s8 =	stileid.u32;
	s4 =	rddreg [dreg:$0x0]  }
0x3: {  	s2 =	simm.s32 $0x0;
	s12 =	simm.s32 $0xB;
	s13 =	simm.s32 $0x80  }
0x4: {  	s14 =	simm.s32 $0xA00;
	s15 =	simm.s32 $0x4A00;
	s17 =	simm.s32 $0x8A00  }
0x5: {  	s19 =	simm.s32 $0xCA00;
	s21 =	simm.s32 $0x10A00;
	s22 =	simm.s32 $0x1  }
0x6: {  	s28 =	simm.s32 $0x4;
	s29 =	simm.s32 $0x8;
	s3 =	smul.u32 $0x2800, s8  }
0x7: {  	s30 =	simm.s32 $0x5;
	s31 =	simm.s32 $0x9;
	s6 =	smul.u32 $0x1400, s8  }
0x8: {  	s0 =	sand.u32 $0x1, s0;
	[smem:$0x7FF] =	sst s2;
	s8 =	smul.u32 $0x14000, s8  }
0x9: {  	s7 =	sadd.s32 $0x30C00, s4;
	s1 =	smul.u32 $0xA00, s0;
	s23 =	ssub.s32 $0x2, s0  }
0xa: {  	_ =	strace $0x80000053;
	s0 =	smul.u32 $0xA000, s0;
	s24 =	sshrl.u32 s23, $0x1  }
0xb: {  	s26 =	sadd.s32 s8, s7;
	s3 =	sadd.s32 s1, s3;
	s1 =	sadd.s32 s1, s6  }
0xc: {  	s10 =	ssub.s32 s23, s24;
	s0 =	sadd.s32 s0, s26;
	s23 =	simm.s32 $0x2  }
0xd: {  	s24 =	simm.s32 $0x6;
	s26 =	simm.s32 $0x7;
	s5 =	sshrl.u32 s3, $0x3  }
0xe: {  	s3 =	sadd.s32 $0x8C00, s4;
	s1 =	sshll.u32 s1, $0x4;
	s10 =	smax.u32 s10, $0x1  }
0xf: {  	s11 =	sadd.s32 $0x1800, s0;
	s0 =	simm.s32 $0x0;
	s5 =	sadd.s32 s5, s4  }
0x10: {  	s4 =	sadd.s32 s7, s1;
	s1 =	simm.s32 $0xA;
	s25 =	sadd.s32 $0x3C00, s5  }
0x11: {  	s6 =	sadd.s32 $0x800, s4;
	s7 =	sadd.s32 $0x8800, s4;
	s8 =	sadd.s32 $0x9000, s4  }
0x12: {  	s9 =	sadd.s32 $0x9800, s4;
	[dreg:$0x2] =	wrdreg s25;
	s25 =	simm.s32 $0x3  }
.LBB2_1:
0x13: {  	s5 =	rddreg [dreg:$0x2]  }
0x14: {  	[tilespmem:s2], [sflag:$0xB] =	stream.linear.gather [hbm4b:s5+s2], $0xA00, $0x38;
	[tilespmem:$0x14A00] =	vst v63  }
0x15: {  	_ =	swait.ge [sflag:s12], $0xA00  }
0x16: {  	[sflag:s12] =	ssyncset.done $0x0  }
0x17: {  	[sflag:s12] =	ssyncadd.s32 $0xFFFFF600  }
0x18: {  	[tilespmem:s14], [sflag:$0x1] =	stream.indirect.gather [hbm4b:s3+s13], $0x80, s2, s13, $0xb8;
	[tilespmem:$0x14A00] =	vst v63  }
0x19: {  	_ = 	snop  }
0x1a: {  	[tilespmem:s15], [sflag:$0x2] =	stream.indirect.gather [hbm4b:s3+s13], $0x80, s13, s13, $0xb8;
	[tilespmem:$0x14A00] =	vst v63  }
0x1b: {  	s20 =	simm.s32 $0x100  }
0x1c: {  	[tilespmem:s17], [sflag:$0x3] =	stream.indirect.gather [hbm4b:s3+s13], $0x80, s20, s13, $0xb8;
	[tilespmem:$0x14A00] =	vst v63  }
0x1d: {  	s16 =	simm.s32 $0x180  }
0x1e: {  	[tilespmem:s19], [sflag:$0x4] =	stream.indirect.gather [hbm4b:s3+s13], $0x80, s16, s13, $0xb8;
	[tilespmem:$0x14A00] =	vst v63  }
0x1f: {  	s18 =	simm.s32 $0x200  }
0x20: {  	[tilespmem:s21], [sflag:$0x5] =	stream.indirect.gather [hbm4b:s3+s13], $0x80, s18, s13, $0xb8;
	[tilespmem:$0x14A00] =	vst v63  }
0x21: {  	_ =	swait.ge [sflag:s22], $0x4000  }
0x22: {  	[sflag:s22] =	ssyncset.done $0x0  }
0x23: {  	[sflag:s22] =	ssyncadd.s32 $0xFFFFC000  }
0x24: {  	[hbm4b:s4+s2] =	stream.linear.scatter [tilespmem:s14], [sflag:$0x6], $0x4000, $0x38;
	[tilespmem:$0x14A00] =	vst v63  }
0x25: {  	_ =	swait.ge [sflag:s23], $0x4000  }
0x26: {  	[sflag:s23] =	ssyncset.done $0x0  }
0x27: {  	[sflag:s23] =	ssyncadd.s32 $0xFFFFC000  }
0x28: {  	[hbm4b:s6+s2] =	stream.linear.scatter [tilespmem:s15], [sflag:$0x7], $0x4000, $0x38;
	[tilespmem:$0x14A00] =	vst v63  }
0x29: {  	_ =	swait.ge [sflag:s24], $0x4000  }
0x2a: {  	[sflag:s24] =	ssyncset.done $0x0  }
0x2b: {  	s16 =	simm.s32 $0x280;
	[sflag:s24] =	ssyncadd.s32 $0xFFFFC000  }
0x2c: {  	[tilespmem:s14], [sflag:$0x1] =	stream.indirect.gather [hbm4b:s3+s13], $0x80, s16, s13, $0xb8;
	[tilespmem:$0x14A00] =	vst v63  }
0x2d: {  	_ =	swait.ge [sflag:s25], $0x4000  }
0x2e: {  	[sflag:s25] =	ssyncset.done $0x0  }
0x2f: {  	s20 =	sadd.s32 $0xFFFFF800, s11;
	[sflag:s25] =	ssyncadd.s32 $0xFFFFC000  }
0x30: {  	[hbm4b:s20+s2] =	stream.linear.scatter [tilespmem:s17], [sflag:$0x8], $0x4000, $0x38;
	[tilespmem:$0x14A00] =	vst v63  }
0x31: {  	_ =	swait.ge [sflag:s26], $0x4000  }
0x32: {  	[sflag:s26] =	ssyncset.done $0x0  }
0x33: {  	s5 =	simm.s32 $0x300;
	[sflag:s26] =	ssyncadd.s32 $0xFFFFC000  }
0x34: {  	[tilespmem:s15], [sflag:$0x2] =	stream.indirect.gather [hbm4b:s3+s13], $0x80, s5, s13, $0xb8;
	[tilespmem:$0x14A00] =	vst v63  }
0x35: {  	_ =	swait.ge [sflag:s28], $0x4000  }
0x36: {  	[sflag:s28] =	ssyncset.done $0x0  }
0x37: {  	[sflag:s28] =	ssyncadd.s32 $0xFFFFC000  }
0x38: {  	[hbm4b:s11+s2] =	stream.linear.scatter [tilespmem:s19], [sflag:$0x9], $0x4000, $0x38;
	[tilespmem:$0x14A00] =	vst v63  }
0x39: {  	_ =	swait.ge [sflag:s29], $0x4000  }
0x3a: {  	[sflag:s29] =	ssyncset.done $0x0  }
0x3b: {  	s18 =	simm.s32 $0x380;
	[sflag:s29] =	ssyncadd.s32 $0xFFFFC000  }
0x3c: {  	[tilespmem:s17], [sflag:$0x3] =	stream.indirect.gather [hbm4b:s3+s13], $0x80, s18, s13, $0xb8;
	[tilespmem:$0x14A00] =	vst v63  }
0x3d: {  	_ =	swait.ge [sflag:s30], $0x4000  }
0x3e: {  	[sflag:s30] =	ssyncset.done $0x0  }
0x3f: {  	s20 =	sadd.s32 $0x800, s11;
	[sflag:s30] =	ssyncadd.s32 $0xFFFFC000  }
0x40: {  	[hbm4b:s20+s2] =	stream.linear.scatter [tilespmem:s21], [sflag:$0xA], $0x4000, $0x38;
	[tilespmem:$0x14A00] =	vst v63  }
0x41: {  	_ =	swait.ge [sflag:s31], $0x4000  }
0x42: {  	[sflag:s31] =	ssyncset.done $0x0  }
0x43: {  	s5 =	simm.s32 $0x400;
	[sflag:s31] =	ssyncadd.s32 $0xFFFFC000  }
0x44: {  	[tilespmem:s19], [sflag:$0x4] =	stream.indirect.gather [hbm4b:s3+s13], $0x80, s5, s13, $0xb8;
	[tilespmem:$0x14A00] =	vst v63  }
0x45: {  	_ =	swait.ge [sflag:s22], $0x4000  }
0x46: {  	[sflag:s22] =	ssyncset.done $0x0  }
0x47: {  	s18 =	sadd.s32 $0x1000, s11;
	[sflag:s22] =	ssyncadd.s32 $0xFFFFC000  }
0x48: {  	[hbm4b:s18+s2] =	stream.linear.scatter [tilespmem:s14], [sflag:$0x6], $0x4000, $0x38;
	[tilespmem:$0x14A00] =	vst v63  }
0x49: {  	_ =	swait.ge [sflag:s1], $0x4000  }
0x4a: {  	[sflag:s1] =	ssyncset.done $0x0  }
0x4b: {  	s20 =	simm.s32 $0x480;
	[sflag:s1] =	ssyncadd.s32 $0xFFFFC000  }
0x4c: {  	[tilespmem:s21], [sflag:$0x5] =	stream.indirect.gather [hbm4b:s3+s13], $0x80, s20, s13, $0xb8;
	[tilespmem:$0x14A00] =	vst v63  }
0x4d: {  	_ =	swait.ge [sflag:s23], $0x4000  }
0x4e: {  	s16 =	simm.s32 $0xA00;
	[sflag:s23] =	ssyncset.done $0x0  }
0x4f: {  	s18 =	sadd.s32 $0x2800, s11;
	s20 =	sadd.s32 $0x1800, s11;
	[sflag:s23] =	ssyncadd.s32 $0xFFFFC000  }
.LBB2_2:
0x50: {  	[hbm4b:s20+s2] =	stream.linear.scatter [tilespmem:s15], [sflag:$0x7], $0x4000, $0x38;
	[tilespmem:$0x14A00] =	vst v63  }
0x51: {  	s20 =	smov.u32 s16  }
0x52: {  	p0 =	sne.s32 s16, $0x1400;
	s16 =	sadd.s32 $0xA00, s16;
	_ =	swait.ge [sflag:s24], $0x4000  }
0x53: {  	s20 =	sshra.s32 s20, $0x2;
	[sflag:s24] =	ssyncset.done $0x0  }
0x54: {  	s5 =	sadd.s32 $0x280, s20;
	[sflag:s24] =	ssyncadd.s32 $0xFFFFC000  }
0x55: {  	[tilespmem:s14], [sflag:$0x1] =	stream.indirect.gather [hbm4b:s3+s13], $0x80, s5, s13, $0xb8;
	[tilespmem:$0x14A00] =	vst v63  }
0x56: {  	_ =	swait.ge [sflag:s25], $0x4000  }
0x57: {  	[sflag:s25] =	ssyncset.done $0x0  }
0x58: {  	s5 =	sadd.s32 $0xFFFFF800, s18;
	[sflag:s25] =	ssyncadd.s32 $0xFFFFC000  }
0x59: {  	[hbm4b:s5+s2] =	stream.linear.scatter [tilespmem:s17], [sflag:$0x8], $0x4000, $0x38;
	[tilespmem:$0x14A00] =	vst v63  }
0x5a: {  	_ =	swait.ge [sflag:s26], $0x4000  }
0x5b: {  	[sflag:s26] =	ssyncset.done $0x0  }
0x5c: {  	s5 =	sadd.s32 $0x300, s20;
	[sflag:s26] =	ssyncadd.s32 $0xFFFFC000  }
0x5d: {  	[tilespmem:s15], [sflag:$0x2] =	stream.indirect.gather [hbm4b:s3+s13], $0x80, s5, s13, $0xb8;
	[tilespmem:$0x14A00] =	vst v63  }
0x5e: {  	_ =	swait.ge [sflag:s28], $0x4000  }
0x5f: {  	[sflag:s28] =	ssyncset.done $0x0  }
0x60: {  	[sflag:s28] =	ssyncadd.s32 $0xFFFFC000  }
0x61: {  	[hbm4b:s18+s2] =	stream.linear.scatter [tilespmem:s19], [sflag:$0x9], $0x4000, $0x38;
	[tilespmem:$0x14A00] =	vst v63  }
0x62: {  	_ =	swait.ge [sflag:s29], $0x4000  }
0x63: {  	[sflag:s29] =	ssyncset.done $0x0  }
0x64: {  	s5 =	sadd.s32 $0x380, s20;
	[sflag:s29] =	ssyncadd.s32 $0xFFFFC000  }
0x65: {  	[tilespmem:s17], [sflag:$0x3] =	stream.indirect.gather [hbm4b:s3+s13], $0x80, s5, s13, $0xb8;
	[tilespmem:$0x14A00] =	vst v63  }
0x66: {  	_ =	swait.ge [sflag:s30], $0x4000  }
0x67: {  	[sflag:s30] =	ssyncset.done $0x0  }
0x68: {  	s5 =	sadd.s32 $0x800, s18;
	[sflag:s30] =	ssyncadd.s32 $0xFFFFC000  }
0x69: {  	[hbm4b:s5+s2] =	stream.linear.scatter [tilespmem:s21], [sflag:$0xA], $0x4000, $0x38;
	[tilespmem:$0x14A00] =	vst v63  }
0x6a: {  	_ =	swait.ge [sflag:s31], $0x4000  }
0x6b: {  	[sflag:s31] =	ssyncset.done $0x0  }
0x6c: {  	s5 =	sadd.s32 $0x400, s20;
	[sflag:s31] =	ssyncadd.s32 $0xFFFFC000  }
0x6d: {  	[tilespmem:s19], [sflag:$0x4] =	stream.indirect.gather [hbm4b:s3+s13], $0x80, s5, s13, $0xb8;
	[tilespmem:$0x14A00] =	vst v63  }
0x6e: {  	_ =	swait.ge [sflag:s22], $0x4000  }
0x6f: {  	[sflag:s22] =	ssyncset.done $0x0  }
0x70: {  	s5 =	sadd.s32 $0x1000, s18;
	[sflag:s22] =	ssyncadd.s32 $0xFFFFC000  }
0x71: {  	[hbm4b:s5+s2] =	stream.linear.scatter [tilespmem:s14], [sflag:$0x6], $0x4000, $0x38;
	[tilespmem:$0x14A00] =	vst v63  }
0x72: {  	_ =	swait.ge [sflag:s1], $0x4000  }
0x73: {  	[sflag:s1] =	ssyncset.done $0x0  }
.Ltmp0:
0x74: {  	s5 =	sadd.s32 $0x480, s20;
	[sflag:s1] =	ssyncadd.s32 $0xFFFFC000;
	(pc) =	sbr.rel @p0 .LBB2_2-.Ltmp0, $4  }
0x75: {  	[tilespmem:s21], [sflag:$0x5] =	stream.indirect.gather [hbm4b:s3+s13], $0x80, s5, s13, $0xb8;
	[tilespmem:$0x14A00] =	vst v63  }
0x76: {  	_ =	swait.ge [sflag:s23], $0x4000  }
0x77: {  	[sflag:s23] =	ssyncset.done $0x0  }
0x78: {  	s20 =	sadd.s32 $0x1800, s18;
	s18 =	sadd.s32 $0x2800, s18;
	[sflag:s23] =	ssyncadd.s32 $0xFFFFC000  }
0x79: {  	[hbm4b:s20+s2] =	stream.linear.scatter [tilespmem:s15], [sflag:$0x7], $0x4000, $0x38;
	[tilespmem:$0x14A00] =	vst v63  }
0x7a: {  	_ =	swait.ge [sflag:s25], $0x4000  }
0x7b: {  	[sflag:s25] =	ssyncset.done $0x0  }
0x7c: {  	[sflag:s25] =	ssyncadd.s32 $0xFFFFC000  }
0x7d: {  	[hbm4b:s7+s2] =	stream.linear.scatter [tilespmem:s17], [sflag:$0x8], $0x4000, $0x38;
	[tilespmem:$0x14A00] =	vst v63  }
0x7e: {  	_ =	swait.ge [sflag:s28], $0x4000  }
0x7f: {  	[sflag:s28] =	ssyncset.done $0x0  }
0x80: {  	[sflag:s28] =	ssyncadd.s32 $0xFFFFC000  }
0x81: {  	[hbm4b:s8+s2] =	stream.linear.scatter [tilespmem:s19], [sflag:$0x9], $0x4000, $0x38;
	[tilespmem:$0x14A00] =	vst v63  }
0x82: {  	_ =	swait.ge [sflag:s30], $0x4000  }
0x83: {  	[sflag:s30] =	ssyncset.done $0x0  }
0x84: {  	[sflag:s30] =	ssyncadd.s32 $0xFFFFC000  }
0x85: {  	[hbm4b:s9+s2] =	stream.linear.scatter [tilespmem:s21], [sflag:$0xA], $0x4000, $0x38;
	[tilespmem:$0x14A00] =	vst v63  }
0x86: {  	_ =	swait.ge [sflag:s24], $0x4000  }
0x87: {  	[sflag:s24] =	ssyncset.done $0x0  }
0x88: {  	[sflag:s24] =	ssyncadd.s32 $0xFFFFC000  }
0x89: {  	_ =	swait.ge [sflag:s26], $0x4000  }
0x8a: {  	[sflag:s26] =	ssyncset.done $0x0  }
0x8b: {  	[sflag:s26] =	ssyncadd.s32 $0xFFFFC000  }
0x8c: {  	_ =	swait.ge [sflag:s29], $0x4000  }
0x8d: {  	[sflag:s29] =	ssyncset.done $0x0  }
0x8e: {  	s0 =	sadd.s32 $0x1, s0;
	[sflag:s29] =	ssyncadd.s32 $0xFFFFC000  }
0x8f: {  	p0 =	sne.s32 s0, s10;
	_ =	swait.ge [sflag:s31], $0x4000  }
.Ltmp1:
0x90: {  	[sflag:s31] =	ssyncset.done $0x0;
	(pc) =	sbr.rel @p0 .LBB2_1-.Ltmp1, $4  }
0x91: {  	[sflag:s31] =	ssyncadd.s32 $0xFFFFC000  }
0x92: {  	_ =	swait.ge [sflag:s1], $0x4000  }
0x93: {  	[sflag:s1] =	ssyncset.done $0x0  }
0x94: {  	[sflag:s1] =	ssyncadd.s32 $0xFFFFC000  }
0x95: {  	_ =	sfence.sel $0x180000  }
0x96: {  	[bflag:$0x0] =	sbarrier.arrive $0xFFFF  }
0x97: {  	_ =	strace $0x90000053  }
0x98: {  	s0 =	stileid.u32;
	[bflag:$0x2] =	sbarrier.arrive $0xFFFF  }
0x99: {  	p0 =	sne.s32 s0, $0x0;
	s0 =	rddreg [dreg:$0x1]  }
0x9a: {  	s0 =	sadd.s32 @!p0 $0x100000, s0  }
0x9b: {  	[sflag:s0] =	ssyncadd.tile.s32 @!p0 $0x1;
	_ =	shalt  }
.Lfunc_end2:
_tile_overlayer_lowered:
.L_overlay_start_2:
0x9c: {  	(tag) =	ssettag $0x2  }
0x9d: {  	s0 =	rddreg [dreg:$0x0];
	s2 =	stileid.u32  }
0x9e: {  	s1 =	rddreg [dreg:$0x1];
	p0 =	sne.s32 s2, $0x0  }
0x9f: {  	s3 =	rddreg [dreg:$0x2];
	[bflag:$0x3] =	sbarrier.arrive $0xFFFF;
	s2 =	simm.s32 @!p0 $0x1C0B  }
0xa0: {  	[timem:s3], [sflag:s2] =	dma.local @!p0 [hbm:s0], s1  }
0xa1: {  	s0 =	simm.s32 @!p0 $0xB  }
0xa2: {  	_ =	swait.ge @!p0 [sflag:s0], s1  }
0xa3: {  	s1 =	ssub.s32 @!p0 $0x0, s1;
	[sflag:s0] =	ssyncset.done @!p0 $0x0  }
0xa4: {  	[sflag:s0] =	ssyncadd.s32 @!p0 s1  }
0xa5: {  	[bflag:$0x3] =	sbarrier.arrive $0xFFFF  }
0xa6: {  	_ =	shalt  }

// kernel: kernel.31.cloned.1.call-start
scs
__scs_entry_jumppad:
0x0: {  	(pc) =	sbr.rel $0x88, $3  }
0x1: {  	(tag) =	ssettag $0x0;
	lr =	simm.s32 $0x1  }
0x2: {  	[smem:$0x3F92] =	sst lr;
	_ =	strace $0xD0000000  }
0x3: {  	_ = 	snop  }
0x4: {  	_ = 	snop  }
0x5: {  	_ = 	snop  }
0x6: {  	_ = 	snop  }
0x7: {  	_ = 	snop  }
__scs_overlays_trampoline_lowered:
0x8: {  	[smem:$0x3FA1] =	sst s0  }
0x9: {  	[smem:$0x3FA2] =	sst s1  }
0xa: {  	[smem:$0x3FA3] =	sst s2  }
0xb: {  	[smem:$0x3FA4] =	sst s3  }
0xc: {  	[smem:$0x3FA5] =	sst s4  }
0xd: {  	[smem:$0x3FA6] =	sst s5  }
0xe: {  	[smem:$0x3FA7] =	sst s6  }
0xf: {  	[smem:$0x3FA8] =	sst s7  }
0x10: {  	[smem:$0x3FA9] =	sst s8  }
0x11: {  	[smem:$0x3FAA] =	sst s9;
	s0 =	simm.s32 @!p0 $0x0  }
0x12: {  	s1 =	sld [smem:$0x3F90];
	s0 =	simm.s32 @p0 $0x1  }
0x13: {  	[smem:$0x3FAB] =	sst s0;
	s0 =	simm.s32 @!p1 $0x0  }
0x14: {  	s2 =	sld [smem:$0x3F8F];
	s0 =	simm.s32 @p1 $0x1  }
0x15: {  	[smem:$0x3FAC] =	sst s0;
	s0 =	simm.s32 @!p2 $0x0  }
0x16: {  	s3 =	sld [smem:$0x3FDB];
	s0 =	simm.s32 @p2 $0x1  }
0x17: {  	s4 =	simm.s32 $0x1BF5;
	[smem:$0x3FAE] =	sst s0  }
0x18: {  	s0 =	sld [smem:$0x3F91];
	_ =	swait.ge [sflag:s4], $0x0  }
0x19: {  	s7 =	sld [smem:$0x3F92]  }
0x1a: {  	s8 =	sadd.s32 $0xFFFFE003, lr  }
0x1b: {  	s9 =	sadd.s32 $0xFFFFFEF7, lr;
	s5 =	simm.s32 $0xFFFFFFFF;
	p2 =	slt.u32 s8, $0xFFFFF086  }
0x1c: {  	p1 =	slt.u32 s9, $0xF7A;
	s5 =	simm.s32 @!p2 $0x0  }
0x1d: {  	s5 =	simm.s32 @p1 $0x1;
	p0 =	seq.s32 s7, s2  }
0x1e: {  	s7 =	smul.u32 @!p0 $0xF7A, s2;
	p2 =	seq.s32 @!p0 s5, $0x0  }
0x1f: {  	s9 =	smul.u32 $0xF7A, s1;
	s8 =	simm.s32 @!p0 $0x1BF5;
	p2 =	por !p2, p0  }
0x20: {  	[sflag:s8] =	ssyncset.s32 @!p0 $0xFFFFF086;
	s6 =	sadd.s32 @!p0 s3, s7;
	s7 =	simm.s32 @!p0 $0x108  }
0x21: {  	s3 =	sadd.s32 s3, s9;
	s6 =	sadd.s32 @!p0 $0x88, s6;
	s7 =	simm.s32 @p2 $0x1082  }
0x22: {  	[simem:s7], [sflag:s8] =	dma.local @!p0 [hbm:s6], $0xF7A  }
0x23: {  	s9 =	sor.u32 $0xD0000000, s2;
	s6 =	simm.s32 $0x108;
	_ =	swait.ge @!p0 [sflag:s8], $0x0  }
0x24: {  	s3 =	sadd.s32 $0x88, s3;
	s6 =	simm.s32 @!p1 $0x1082;
	[sflag:s4] =	ssyncset.s32 $0xFFFFF086  }
0x25: {  	[simem:s6], [sflag:s4] =	dma.local [hbm:s3], $0xF7A  }
0x26: {  	[smem:$0x3F92] =	sst s1;
	(tag) =	ssettag s2;
	_ =	strace s9  }
0x27: {  	s1 =	sld [smem:$0x3FA2]  }
0x28: {  	s2 =	sld [smem:$0x3FA3]  }
0x29: {  	s4 =	sld [smem:$0x3FA5]  }
0x2a: {  	p0 =	seq.s32 s5, $0x0;
	s5 =	sld [smem:$0x3FA6]  }
0x2b: {  	s6 =	sld [smem:$0x3FA7]  }
0x2c: {  	s7 =	sld [smem:$0x3FA8]  }
0x2d: {  	s3 =	simm.s32 $0x108;
	s8 =	sld [smem:$0x3FA9]  }
0x2e: {  	s3 =	simm.s32 @!p0 $0x1082;
	s9 =	sld [smem:$0x3FAA]  }
0x2f: {  	lr =	sadd.s32 s0, s3;
	s0 =	sld [smem:$0x3FA1]  }
0x30: {  	s3 =	sld [smem:$0x3FA4]  }
0x31: {  	[smem:$0x3FAD] =	sst s10  }
0x32: {  	s10 =	sld [smem:$0x3FAB];
	_ =	sdelay $0x3  }
0x33: {  	p0 =	seq.s32 s10, $0x1;
	s10 =	sld [smem:$0x3FAD];
	_ =	sdelay $0x3  }
0x34: {  	[smem:$0x3FAD] =	sst s10  }
0x35: {  	s10 =	sld [smem:$0x3FAC];
	_ =	sdelay $0x3  }
0x36: {  	p1 =	seq.s32 s10, $0x1;
	s10 =	sld [smem:$0x3FAD];
	_ =	sdelay $0x3  }
0x37: {  	[smem:$0x3FAD] =	sst s10  }
0x38: {  	s10 =	sld [smem:$0x3FAE]  }
0x39: {  	_ = 	snop;
	(pc) =	sbr.ind lr, $3  }
0x3a: {  	_ = 	snop  }
0x3b: {  	_ = 	snop  }
0x3c: {  	p2 =	seq.s32 s10, $0x1;
	s10 =	sld [smem:$0x3FAD]  }
0x3d: {  	_ =	shalt  }
0x3e: {  	_ =	shalt  }
0x3f: {  	_ =	shalt  }
0x40: {  	_ =	shalt  }
0x41: {  	_ =	shalt  }
0x42: {  	_ =	shalt  }
0x43: {  	_ =	shalt  }
0x44: {  	_ =	shalt  }
0x45: {  	_ =	shalt  }
0x46: {  	_ =	shalt  }
0x47: {  	_ =	shalt  }
0x48: {  	_ =	shalt  }
0x49: {  	_ =	shalt  }
0x4a: {  	_ =	shalt  }
0x4b: {  	_ =	shalt  }
0x4c: {  	_ =	shalt  }
0x4d: {  	_ =	shalt  }
0x4e: {  	_ =	shalt  }
0x4f: {  	_ =	shalt  }
0x50: {  	_ =	shalt  }
0x51: {  	_ =	shalt  }
0x52: {  	_ =	shalt  }
0x53: {  	_ =	shalt  }
0x54: {  	_ =	shalt  }
0x55: {  	_ =	shalt  }
0x56: {  	_ =	shalt  }
0x57: {  	_ =	shalt  }
0x58: {  	_ =	shalt  }
0x59: {  	_ =	shalt  }
0x5a: {  	_ =	shalt  }
0x5b: {  	_ =	shalt  }
0x5c: {  	_ =	shalt  }
0x5d: {  	_ =	shalt  }
0x5e: {  	_ =	shalt  }
0x5f: {  	_ =	shalt  }
0x60: {  	_ =	shalt  }
0x61: {  	_ =	shalt  }
0x62: {  	_ =	shalt  }
0x63: {  	_ =	shalt  }
0x64: {  	_ =	shalt  }
0x65: {  	_ =	shalt  }
0x66: {  	_ =	shalt  }
0x67: {  	_ =	shalt  }
0x68: {  	_ =	shalt  }
0x69: {  	_ =	shalt  }
0x6a: {  	_ =	shalt  }
0x6b: {  	_ =	shalt  }
0x6c: {  	_ =	shalt  }
0x6d: {  	_ =	shalt  }
0x6e: {  	_ =	shalt  }
0x6f: {  	_ =	shalt  }
0x70: {  	_ =	shalt  }
0x71: {  	_ =	shalt  }
0x72: {  	_ =	shalt  }
0x73: {  	_ =	shalt  }
0x74: {  	_ =	shalt  }
0x75: {  	_ =	shalt  }
0x76: {  	_ =	shalt  }
0x77: {  	_ =	shalt  }
0x78: {  	_ =	shalt  }
0x79: {  	_ =	shalt  }
0x7a: {  	_ =	shalt  }
0x7b: {  	_ =	shalt  }
0x7c: {  	_ =	shalt  }
0x7d: {  	_ =	shalt  }
0x7e: {  	_ =	shalt  }
0x7f: {  	_ =	shalt  }
0x80: {  	_ =	shalt  }
0x81: {  	_ =	shalt  }
0x82: {  	_ =	shalt  }
0x83: {  	_ =	shalt  }
0x84: {  	_ =	shalt  }
0x85: {  	_ =	shalt  }
0x86: {  	_ =	shalt  }
0x87: {  	_ =	shalt  }
.Lfunc_end0:
.L_simem_size_0:
called_computation.5_lowered:
.L_overlay_start_0:
0x88: {  	s2 =	sld [smem:$0x3FD9]  }
0x89: {  	s3 =	sld [smem:$0x3FFE];
	_ =	sdelay $0x1  }
0x8a: {  	s1 =	srdreg.scid  }
0x8b: {  	s0 =	sand.u32 $0x1, s1  }
0x8c: {  	s17 =	sshll.u32 s0, $0xA;
	s2 =	sadd.s32 s3, s2  }
0x8d: {  	s2 =	sadd.s32 s2, s17  }
0x8e: {  	[smem:$0x3FB9] =	sst s2  }
0x8f: {  	_ = 	snop  }
0x90: {  	(tm) =	ssettm $0x1  }
0x91: {  	s18 =	sld [smem:$0x3FFB];
	_ =	sdelay $0x3  }
0x92: {  	_ =	strace s18  }
0x93: {  	s2 =	sld [smem:$0x3FFC];
	_ =	sdelay $0x3  }
0x94: {  	_ =	strace s2  }
0x95: {  	s2 =	sld [smem:$0x3FFD];
	_ =	sdelay $0x3  }
0x96: {  	_ =	strace s2  }
0x97: {  	_ =	strace $0x8FFFFFFF  }
0x98: {  	s19 =	sld [smem:$0x3FDB];
	_ =	sdelay $0x1  }
0x99: {  	s20 =	simm.s32 $_scs_section_size  }
0x9a: {  	s4 =	simm.s32 $_size__tile_overlayer_lowered;
	s5 =	simm.s32 $_tile_overlayer_lowered  }
0x9b: {  	s6 =	simm.s32 $0x1BFF;
	s21 =	sshll.u32 s5, $0x1;
	s3 =	sadd.s32 s20, s19  }
0x9c: {  	s22 =	simm.s32 $0x0;
	s4 =	sshll.u32 s4, $0x1;
	s5 =	sadd.s32 s21, s3  }
0x9d: {  	[timem:s22], [sflag:s6] =	dma.local [hbm:s5], s4  }
0x9e: {  	_ =	swait.ge [sflag:s6], s4  }
0x9f: {  	s4 =	ssub.s32 $0x0, s4;
	[sflag:s6] =	ssyncset.done $0x0  }
0xa0: {  	[sflag:s6] =	ssyncadd.s32 s4;
	_ =	sdelay $0x1  }
0xa1: {  	s23 =	simm.s32 $0x1B8B  }
0xa2: {  	_ =	swait.ge [sflag:s23], $0x1  }
0xa3: {  	[sflag:s23] =	ssyncset.done $0x0  }
0xa4: {  	[sflag:s23] =	ssyncadd.s32 $0xFFFFFFFF  }
0xa5: {  	s4 =	sld [smem:$0x0]  }
0xa6: {  	s5 =	sand.u32 $0xFFFFFFFE, s1  }
0xa7: {  	p0 =	sne.s32 s1, s5  }
0xa8: {  	s5 =	sshll.u32 @p0 s5, $0xE  }
0xa9: {  	s5 =	sadd.s32 @p0 $0x11B8D, s5;
	s6 =	sshll.u32 @p0 s4, $0x11  }
0xaa: {  	s5 =	sor.u32 @p0 s6, s5  }
0xab: {  	[sflag:s5] =	ssyncadd.remote.s32 @p0 $0x1;
	_ =	sdelay $0x1  }
0xac: {  	s5 =	simm.s32 @p0 $0x1B8D  }
0xad: {  	_ =	swait.eq @p0 [sflag:s5], $0x1  }
0xae: {  	[sflag:s5] =	ssyncadd.s32 @p0 $0xFFFFFFFF  }
0xaf: {  	s6 =	sshll.u32 @!p0 s1, $0xE  }
0xb0: {  	s6 =	sor.u32 @!p0 $0x4000, s6;
	s5 =	simm.s32 @!p0 $0x1B8D  }
0xb1: {  	s4 =	sshll.u32 @!p0 s4, $0x11;
	s6 =	sadd.s32 @!p0 $0x11B8D, s6;
	_ =	swait.eq @!p0 [sflag:s5], $0x1  }
0xb2: {  	s4 =	sor.u32 @!p0 s4, s6;
	[sflag:s5] =	ssyncadd.s32 @!p0 $0xFFFFFFFF  }
0xb3: {  	s25 =	simm.s32 $0x1B8E;
	s24 =	sld [smem:$0x3FFE];
	[sflag:s4] =	ssyncadd.remote.s32 @!p0 $0x1  }
0xb4: {  	s26 =	simm.s32 $execute0_lowered;
	[smem:$0x3FD2] =	sst s25  }
0xb5: {  	s5 =	sshll.u32 s26, $0x1;
	_ =	strace $0x80000055;
	[dreg:$0x1] =	wrdreg $0xFFFFFFFF  }
0xb6: {  	s28 =	simm.s32 $_size_execute0_lowered;
	s3 =	sadd.s32 s3, s5;
	[dreg:$0x0] =	wrdreg $0x0  }
0xb7: {  	s5 =	sshll.u32 s28, $0x1;
	[dreg:$0x2] =	wrdreg s3  }
0xb8: {  	[dreg:$0x3] =	wrdreg s5  }
0xb9: {  	[dreg:$0x4] =	wrdreg $0xC0  }
0xba: {  	_ =	task [dreg:s22], $0x5FFFF  }
0xbb: {  	[dreg:$0x1] =	wrdreg $0xFFFFFFFF  }
0xbc: {  	[dreg:$0x0] =	wrdreg $0x60  }
0xbd: {  	[dreg:$0x2] =	wrdreg s24  }
0xbe: {  	[dreg:$0x3] =	wrdreg $0xA  }
0xbf: {  	_ =	task.clear_ibuf [dreg:s22], $0x4FFFF;
	_ =	strace $0x90000055  }
0xc0: {  	s29 =	simm.s32 $0xA;
	_ =	strace $0x80000057  }
0xc1: {  	_ =	swait.ge [sflag:s29], $0x1  }
0xc2: {  	[sflag:s29] =	ssyncadd.s32 $0xFFFFFFFF  }
0xc3: {  	_ =	strace $0x90000057  }
0xc4: {  	_ =	sfence  }
0xc5: {  	s30 =	sld [smem:$0x0];
	_ =	sdelay $0x2  }
0xc6: {  	s31 =	sshll.u32 s1, $0xD;
	s1 =	sshrl.u32 s1, $0x2  }
0xc7: {  	s4 =	sand.u32 $0x4000, s31;
	s1 =	sadd.s32 s1, s30  }
0xc8: {  	s0 =	sor.u32 s4, s0;
	s1 =	sshll.u32 s1, $0x11  }
0xc9: {  	s0 =	sor.u32 s1, s0  }
0xca: {  	s0 =	sadd.s32 $0x8F2B, s0  }
0xcb: {  	[sflag:s0] =	ssyncadd.remote.s32 $0x1  }
0xcc: {  	_ =	sfence.sel $0xFFFF  }
0xcd: {  	[dreg:$0x0] =	wrdreg $0xFFFFFFFF;
	(pc) =	sbr.abs _section_cstart, $3  }
0xce: {  	[dreg:$0x1] =	wrdreg $0xFFFFFFFF  }
0xcf: {  	_ =	task.clear_ibuf [dreg:s22], $0x2FFFF;
	_ =	strace $0x9FFFFFFF  }
0xd0: {  	(tm) =	ssettm $0x7FFFFFFF  }
0xd1: {  	_ =	shalt  }
tec
execute0_lowered:
.L_overlay_start_1:
0x0: {  	(tag) =	ssettag $0x1  }
0x1: {  	s0 =	rddreg [dreg:$0x0];
	s1 =	srdreg.scid;
	s2 =	simm.s32 $0x0  }
0x2: {  	s11 =	stileid.u32;
	s12 =	simm.s32 $0xB;
	s13 =	simm.s32 $0x80  }
0x3: {  	s14 =	simm.s32 $0xA00;
	s15 =	simm.s32 $0x4A00;
	s17 =	simm.s32 $0x8A00  }
0x4: {  	s19 =	simm.s32 $0xCA00;
	s21 =	simm.s32 $0x10A00;
	s22 =	simm.s32 $0x1  }
0x5: {  	s23 =	simm.s32 $0x2;
	s24 =	simm.s32 $0x6;
	s28 =	simm.s32 $0x4  }
0x6: {  	s29 =	simm.s32 $0x8;
	s30 =	simm.s32 $0x5;
	s5 =	smul.u32 $0x1400, s11  }
0x7: {  	s31 =	simm.s32 $0x9;
	s1 =	sand.u32 $0x1, s1;
	s7 =	smul.u32 $0x2800, s11  }
0x8: {  	[smem:$0x7FF] =	sst s2;
	s3 =	sadd.s32 $0x8C00, s0;
	s25 =	smul.u32 $0x14000, s11  }
0x9: {  	s8 =	sadd.s32 $0x170C00, s0;
	s4 =	smul.u32 $0xA00, s1;
	s6 =	ssub.s32 $0x2, s1  }
0xa: {  	_ =	strace $0x80000056;
	s1 =	smul.u32 $0xA000, s1;
	s9 =	sshrl.u32 s6, $0x1  }
0xb: {  	s26 =	sadd.s32 s25, s8;
	s5 =	sadd.s32 s4, s5;
	s4 =	sadd.s32 s4, s7  }
0xc: {  	s25 =	simm.s32 $0x3;
	s4 =	sshrl.u32 s4, $0x3;
	s5 =	sshll.u32 s5, $0x4  }
0xd: {  	s10 =	ssub.s32 s6, s9;
	s0 =	sadd.s32 s0, s4;
	s4 =	sadd.s32 s8, s5  }
0xe: {  	s10 =	smax.u32 s10, $0x1;
	s0 =	sadd.s32 $0x3E80, s0;
	s6 =	sadd.s32 $0x800, s4  }
0xf: {  	s7 =	sadd.s32 $0x8800, s4;
	s8 =	sadd.s32 $0x9000, s4;
	s9 =	sadd.s32 $0x9800, s4  }
0x10: {  	[dreg:$0x2] =	wrdreg s0;
	s0 =	sadd.s32 s1, s26;
	s26 =	simm.s32 $0x7  }
0x11: {  	s1 =	simm.s32 $0x0;
	s11 =	sadd.s32 $0x1800, s0;
	s0 =	simm.s32 $0xA  }
.LBB2_1:
0x12: {  	s5 =	rddreg [dreg:$0x2]  }
0x13: {  	[tilespmem:s2], [sflag:$0xB] =	stream.linear.gather [hbm4b:s5+s2], $0xA00, $0x38;
	[tilespmem:$0x14A00] =	vst v63  }
0x14: {  	_ =	swait.ge [sflag:s12], $0xA00  }
0x15: {  	[sflag:s12] =	ssyncset.done $0x0  }
0x16: {  	[sflag:s12] =	ssyncadd.s32 $0xFFFFF600  }
0x17: {  	[tilespmem:s14], [sflag:$0x1] =	stream.indirect.gather [hbm4b:s3+s13], $0x80, s2, s13, $0xb8;
	[tilespmem:$0x14A00] =	vst v63  }
0x18: {  	_ = 	snop  }
0x19: {  	[tilespmem:s15], [sflag:$0x2] =	stream.indirect.gather [hbm4b:s3+s13], $0x80, s13, s13, $0xb8;
	[tilespmem:$0x14A00] =	vst v63  }
0x1a: {  	s20 =	simm.s32 $0x100  }
0x1b: {  	[tilespmem:s17], [sflag:$0x3] =	stream.indirect.gather [hbm4b:s3+s13], $0x80, s20, s13, $0xb8;
	[tilespmem:$0x14A00] =	vst v63  }
0x1c: {  	s16 =	simm.s32 $0x180  }
0x1d: {  	[tilespmem:s19], [sflag:$0x4] =	stream.indirect.gather [hbm4b:s3+s13], $0x80, s16, s13, $0xb8;
	[tilespmem:$0x14A00] =	vst v63  }
0x1e: {  	s18 =	simm.s32 $0x200  }
0x1f: {  	[tilespmem:s21], [sflag:$0x5] =	stream.indirect.gather [hbm4b:s3+s13], $0x80, s18, s13, $0xb8;
	[tilespmem:$0x14A00] =	vst v63  }
0x20: {  	_ =	swait.ge [sflag:s22], $0x4000  }
0x21: {  	[sflag:s22] =	ssyncset.done $0x0  }
0x22: {  	[sflag:s22] =	ssyncadd.s32 $0xFFFFC000  }
0x23: {  	[hbm4b:s4+s2] =	stream.linear.scatter [tilespmem:s14], [sflag:$0x6], $0x4000, $0x38;
	[tilespmem:$0x14A00] =	vst v63  }
0x24: {  	_ =	swait.ge [sflag:s23], $0x4000  }
0x25: {  	[sflag:s23] =	ssyncset.done $0x0  }
0x26: {  	[sflag:s23] =	ssyncadd.s32 $0xFFFFC000  }
0x27: {  	[hbm4b:s6+s2] =	stream.linear.scatter [tilespmem:s15], [sflag:$0x7], $0x4000, $0x38;
	[tilespmem:$0x14A00] =	vst v63  }
0x28: {  	_ =	swait.ge [sflag:s24], $0x4000  }
0x29: {  	[sflag:s24] =	ssyncset.done $0x0  }
0x2a: {  	s16 =	simm.s32 $0x280;
	[sflag:s24] =	ssyncadd.s32 $0xFFFFC000  }
0x2b: {  	[tilespmem:s14], [sflag:$0x1] =	stream.indirect.gather [hbm4b:s3+s13], $0x80, s16, s13, $0xb8;
	[tilespmem:$0x14A00] =	vst v63  }
0x2c: {  	_ =	swait.ge [sflag:s25], $0x4000  }
0x2d: {  	[sflag:s25] =	ssyncset.done $0x0  }
0x2e: {  	s20 =	sadd.s32 $0xFFFFF800, s11;
	[sflag:s25] =	ssyncadd.s32 $0xFFFFC000  }
0x2f: {  	[hbm4b:s20+s2] =	stream.linear.scatter [tilespmem:s17], [sflag:$0x8], $0x4000, $0x38;
	[tilespmem:$0x14A00] =	vst v63  }
0x30: {  	_ =	swait.ge [sflag:s26], $0x4000  }
0x31: {  	[sflag:s26] =	ssyncset.done $0x0  }
0x32: {  	s5 =	simm.s32 $0x300;
	[sflag:s26] =	ssyncadd.s32 $0xFFFFC000  }
0x33: {  	[tilespmem:s15], [sflag:$0x2] =	stream.indirect.gather [hbm4b:s3+s13], $0x80, s5, s13, $0xb8;
	[tilespmem:$0x14A00] =	vst v63  }
0x34: {  	_ =	swait.ge [sflag:s28], $0x4000  }
0x35: {  	[sflag:s28] =	ssyncset.done $0x0  }
0x36: {  	[sflag:s28] =	ssyncadd.s32 $0xFFFFC000  }
0x37: {  	[hbm4b:s11+s2] =	stream.linear.scatter [tilespmem:s19], [sflag:$0x9], $0x4000, $0x38;
	[tilespmem:$0x14A00] =	vst v63  }
0x38: {  	_ =	swait.ge [sflag:s29], $0x4000  }
0x39: {  	[sflag:s29] =	ssyncset.done $0x0  }
0x3a: {  	s18 =	simm.s32 $0x380;
	[sflag:s29] =	ssyncadd.s32 $0xFFFFC000  }
0x3b: {  	[tilespmem:s17], [sflag:$0x3] =	stream.indirect.gather [hbm4b:s3+s13], $0x80, s18, s13, $0xb8;
	[tilespmem:$0x14A00] =	vst v63  }
0x3c: {  	_ =	swait.ge [sflag:s30], $0x4000  }
0x3d: {  	[sflag:s30] =	ssyncset.done $0x0  }
0x3e: {  	s20 =	sadd.s32 $0x800, s11;
	[sflag:s30] =	ssyncadd.s32 $0xFFFFC000  }
0x3f: {  	[hbm4b:s20+s2] =	stream.linear.scatter [tilespmem:s21], [sflag:$0xA], $0x4000, $0x38;
	[tilespmem:$0x14A00] =	vst v63  }
0x40: {  	_ =	swait.ge [sflag:s31], $0x4000  }
0x41: {  	[sflag:s31] =	ssyncset.done $0x0  }
0x42: {  	s5 =	simm.s32 $0x400;
	[sflag:s31] =	ssyncadd.s32 $0xFFFFC000  }
0x43: {  	[tilespmem:s19], [sflag:$0x4] =	stream.indirect.gather [hbm4b:s3+s13], $0x80, s5, s13, $0xb8;
	[tilespmem:$0x14A00] =	vst v63  }
0x44: {  	_ =	swait.ge [sflag:s22], $0x4000  }
0x45: {  	[sflag:s22] =	ssyncset.done $0x0  }
0x46: {  	s18 =	sadd.s32 $0x1000, s11;
	[sflag:s22] =	ssyncadd.s32 $0xFFFFC000  }
0x47: {  	[hbm4b:s18+s2] =	stream.linear.scatter [tilespmem:s14], [sflag:$0x6], $0x4000, $0x38;
	[tilespmem:$0x14A00] =	vst v63  }
0x48: {  	_ =	swait.ge [sflag:s0], $0x4000  }
0x49: {  	[sflag:s0] =	ssyncset.done $0x0  }
0x4a: {  	s20 =	simm.s32 $0x480;
	[sflag:s0] =	ssyncadd.s32 $0xFFFFC000  }
0x4b: {  	[tilespmem:s21], [sflag:$0x5] =	stream.indirect.gather [hbm4b:s3+s13], $0x80, s20, s13, $0xb8;
	[tilespmem:$0x14A00] =	vst v63  }
0x4c: {  	_ =	swait.ge [sflag:s23], $0x4000  }
0x4d: {  	s16 =	simm.s32 $0xA00;
	[sflag:s23] =	ssyncset.done $0x0  }
0x4e: {  	s18 =	sadd.s32 $0x2800, s11;
	s20 =	sadd.s32 $0x1800, s11;
	[sflag:s23] =	ssyncadd.s32 $0xFFFFC000  }
.LBB2_2:
0x4f: {  	[hbm4b:s20+s2] =	stream.linear.scatter [tilespmem:s15], [sflag:$0x7], $0x4000, $0x38;
	[tilespmem:$0x14A00] =	vst v63  }
0x50: {  	s20 =	smov.u32 s16  }
0x51: {  	p0 =	sne.s32 s16, $0x1400;
	s16 =	sadd.s32 $0xA00, s16;
	_ =	swait.ge [sflag:s24], $0x4000  }
0x52: {  	s20 =	sshra.s32 s20, $0x2;
	[sflag:s24] =	ssyncset.done $0x0  }
0x53: {  	s5 =	sadd.s32 $0x280, s20;
	[sflag:s24] =	ssyncadd.s32 $0xFFFFC000  }
0x54: {  	[tilespmem:s14], [sflag:$0x1] =	stream.indirect.gather [hbm4b:s3+s13], $0x80, s5, s13, $0xb8;
	[tilespmem:$0x14A00] =	vst v63  }
0x55: {  	_ =	swait.ge [sflag:s25], $0x4000  }
0x56: {  	[sflag:s25] =	ssyncset.done $0x0  }
0x57: {  	s5 =	sadd.s32 $0xFFFFF800, s18;
	[sflag:s25] =	ssyncadd.s32 $0xFFFFC000  }
0x58: {  	[hbm4b:s5+s2] =	stream.linear.scatter [tilespmem:s17], [sflag:$0x8], $0x4000, $0x38;
	[tilespmem:$0x14A00] =	vst v63  }
0x59: {  	_ =	swait.ge [sflag:s26], $0x4000  }
0x5a: {  	[sflag:s26] =	ssyncset.done $0x0  }
0x5b: {  	s5 =	sadd.s32 $0x300, s20;
	[sflag:s26] =	ssyncadd.s32 $0xFFFFC000  }
0x5c: {  	[tilespmem:s15], [sflag:$0x2] =	stream.indirect.gather [hbm4b:s3+s13], $0x80, s5, s13, $0xb8;
	[tilespmem:$0x14A00] =	vst v63  }
0x5d: {  	_ =	swait.ge [sflag:s28], $0x4000  }
0x5e: {  	[sflag:s28] =	ssyncset.done $0x0  }
0x5f: {  	[sflag:s28] =	ssyncadd.s32 $0xFFFFC000  }
0x60: {  	[hbm4b:s18+s2] =	stream.linear.scatter [tilespmem:s19], [sflag:$0x9], $0x4000, $0x38;
	[tilespmem:$0x14A00] =	vst v63  }
0x61: {  	_ =	swait.ge [sflag:s29], $0x4000  }
0x62: {  	[sflag:s29] =	ssyncset.done $0x0  }
0x63: {  	s5 =	sadd.s32 $0x380, s20;
	[sflag:s29] =	ssyncadd.s32 $0xFFFFC000  }
0x64: {  	[tilespmem:s17], [sflag:$0x3] =	stream.indirect.gather [hbm4b:s3+s13], $0x80, s5, s13, $0xb8;
	[tilespmem:$0x14A00] =	vst v63  }
0x65: {  	_ =	swait.ge [sflag:s30], $0x4000  }
0x66: {  	[sflag:s30] =	ssyncset.done $0x0  }
0x67: {  	s5 =	sadd.s32 $0x800, s18;
	[sflag:s30] =	ssyncadd.s32 $0xFFFFC000  }
0x68: {  	[hbm4b:s5+s2] =	stream.linear.scatter [tilespmem:s21], [sflag:$0xA], $0x4000, $0x38;
	[tilespmem:$0x14A00] =	vst v63  }
0x69: {  	_ =	swait.ge [sflag:s31], $0x4000  }
0x6a: {  	[sflag:s31] =	ssyncset.done $0x0  }
0x6b: {  	s5 =	sadd.s32 $0x400, s20;
	[sflag:s31] =	ssyncadd.s32 $0xFFFFC000  }
0x6c: {  	[tilespmem:s19], [sflag:$0x4] =	stream.indirect.gather [hbm4b:s3+s13], $0x80, s5, s13, $0xb8;
	[tilespmem:$0x14A00] =	vst v63  }
0x6d: {  	_ =	swait.ge [sflag:s22], $0x4000  }
0x6e: {  	[sflag:s22] =	ssyncset.done $0x0  }
0x6f: {  	s5 =	sadd.s32 $0x1000, s18;
	[sflag:s22] =	ssyncadd.s32 $0xFFFFC000  }
0x70: {  	[hbm4b:s5+s2] =	stream.linear.scatter [tilespmem:s14], [sflag:$0x6], $0x4000, $0x38;
	[tilespmem:$0x14A00] =	vst v63  }
0x71: {  	_ =	swait.ge [sflag:s0], $0x4000  }
0x72: {  	[sflag:s0] =	ssyncset.done $0x0  }
.Ltmp0:
0x73: {  	s5 =	sadd.s32 $0x480, s20;
	[sflag:s0] =	ssyncadd.s32 $0xFFFFC000;
	(pc) =	sbr.rel @p0 .LBB2_2-.Ltmp0, $4  }
0x74: {  	[tilespmem:s21], [sflag:$0x5] =	stream.indirect.gather [hbm4b:s3+s13], $0x80, s5, s13, $0xb8;
	[tilespmem:$0x14A00] =	vst v63  }
0x75: {  	_ =	swait.ge [sflag:s23], $0x4000  }
0x76: {  	[sflag:s23] =	ssyncset.done $0x0  }
0x77: {  	s20 =	sadd.s32 $0x1800, s18;
	s18 =	sadd.s32 $0x2800, s18;
	[sflag:s23] =	ssyncadd.s32 $0xFFFFC000  }
0x78: {  	[hbm4b:s20+s2] =	stream.linear.scatter [tilespmem:s15], [sflag:$0x7], $0x4000, $0x38;
	[tilespmem:$0x14A00] =	vst v63  }
0x79: {  	_ =	swait.ge [sflag:s25], $0x4000  }
0x7a: {  	[sflag:s25] =	ssyncset.done $0x0  }
0x7b: {  	[sflag:s25] =	ssyncadd.s32 $0xFFFFC000  }
0x7c: {  	[hbm4b:s7+s2] =	stream.linear.scatter [tilespmem:s17], [sflag:$0x8], $0x4000, $0x38;
	[tilespmem:$0x14A00] =	vst v63  }
0x7d: {  	_ =	swait.ge [sflag:s28], $0x4000  }
0x7e: {  	[sflag:s28] =	ssyncset.done $0x0  }
0x7f: {  	[sflag:s28] =	ssyncadd.s32 $0xFFFFC000  }
0x80: {  	[hbm4b:s8+s2] =	stream.linear.scatter [tilespmem:s19], [sflag:$0x9], $0x4000, $0x38;
	[tilespmem:$0x14A00] =	vst v63  }
0x81: {  	_ =	swait.ge [sflag:s30], $0x4000  }
0x82: {  	[sflag:s30] =	ssyncset.done $0x0  }
0x83: {  	[sflag:s30] =	ssyncadd.s32 $0xFFFFC000  }
0x84: {  	[hbm4b:s9+s2] =	stream.linear.scatter [tilespmem:s21], [sflag:$0xA], $0x4000, $0x38;
	[tilespmem:$0x14A00] =	vst v63  }
0x85: {  	_ =	swait.ge [sflag:s24], $0x4000  }
0x86: {  	[sflag:s24] =	ssyncset.done $0x0  }
0x87: {  	[sflag:s24] =	ssyncadd.s32 $0xFFFFC000  }
0x88: {  	_ =	swait.ge [sflag:s26], $0x4000  }
0x89: {  	[sflag:s26] =	ssyncset.done $0x0  }
0x8a: {  	[sflag:s26] =	ssyncadd.s32 $0xFFFFC000  }
0x8b: {  	_ =	swait.ge [sflag:s29], $0x4000  }
0x8c: {  	[sflag:s29] =	ssyncset.done $0x0  }
0x8d: {  	s1 =	sadd.s32 $0x1, s1;
	[sflag:s29] =	ssyncadd.s32 $0xFFFFC000  }
0x8e: {  	p0 =	sne.s32 s1, s10;
	_ =	swait.ge [sflag:s31], $0x4000  }
.Ltmp1:
0x8f: {  	[sflag:s31] =	ssyncset.done $0x0;
	(pc) =	sbr.rel @p0 .LBB2_1-.Ltmp1, $4  }
0x90: {  	[sflag:s31] =	ssyncadd.s32 $0xFFFFC000  }
0x91: {  	_ =	swait.ge [sflag:s0], $0x4000  }
0x92: {  	[sflag:s0] =	ssyncset.done $0x0  }
0x93: {  	[sflag:s0] =	ssyncadd.s32 $0xFFFFC000  }
0x94: {  	_ =	sfence.sel $0x180000  }
0x95: {  	[bflag:$0x0] =	sbarrier.arrive $0xFFFF  }
0x96: {  	_ =	strace $0x90000056  }
0x97: {  	s0 =	stileid.u32;
	[bflag:$0x2] =	sbarrier.arrive $0xFFFF  }
0x98: {  	p0 =	sne.s32 s0, $0x0;
	s0 =	rddreg [dreg:$0x1]  }
0x99: {  	s0 =	sadd.s32 @!p0 $0x100000, s0  }
0x9a: {  	[sflag:s0] =	ssyncadd.tile.s32 @!p0 $0x1;
	_ =	shalt  }
.Lfunc_end2:
_tile_overlayer_lowered:
.L_overlay_start_2:
0x9b: {  	(tag) =	ssettag $0x2  }
0x9c: {  	s0 =	rddreg [dreg:$0x0];
	s2 =	stileid.u32  }
0x9d: {  	s1 =	rddreg [dreg:$0x1];
	p0 =	sne.s32 s2, $0x0  }
0x9e: {  	s3 =	rddreg [dreg:$0x2];
	[bflag:$0x3] =	sbarrier.arrive $0xFFFF;
	s2 =	simm.s32 @!p0 $0x1C0B  }
0x9f: {  	[timem:s3], [sflag:s2] =	dma.local @!p0 [hbm:s0], s1  }
0xa0: {  	s0 =	simm.s32 @!p0 $0xB  }
0xa1: {  	_ =	swait.ge @!p0 [sflag:s0], s1  }
0xa2: {  	s1 =	ssub.s32 @!p0 $0x0, s1;
	[sflag:s0] =	ssyncset.done @!p0 $0x0  }
0xa3: {  	[sflag:s0] =	ssyncadd.s32 @!p0 s1  }
0xa4: {  	[bflag:$0x3] =	sbarrier.arrive $0xFFFF  }
0xa5: {  	_ =	shalt  }

</sc_bundles>
